<compile_context>
chip_gen: v7x
topology: tpu7x:2x2x1
jax: 0.10.2.dev20260603
libtpu: 0.0.44.dev20260713+nightly
codegen_flags: <defaults>
</compile_context>

<pallas_src>
import dataclasses
import functools

import jax
import jax.numpy as jnp
from jax import lax
from jax.experimental import pallas as pl
from jax.experimental.pallas import tpu as pltpu
from jax.experimental.pallas import tpu_sc as plsc

N_NODES = 10000
N_EDGES = 320000
D = 128
HEADS = 8
ALPHA = 0.2

NPAD = 10240
ROWS_PER_SUB = NPAD // 16
NC, NS = 2, 16
NW = NC * NS
CHUNK = 10752
EPAD = NW * CHUNK
BB1 = 768
NBLK1 = CHUNK // BB1
BB2 = 48
NBLK2 = CHUNK // BB2
E_TOT = N_EDGES + N_NODES



def _pre_body(z_ref, W_ref, Ms_ref, Md_ref, h_ref, A_ref):
    z = z_ref[...]
    h = jnp.dot(z, W_ref[...], preferred_element_type=jnp.float32)
    h_ref[...] = h
    asrc = jnp.dot(h, Ms_ref[...], preferred_element_type=jnp.float32)
    adst = jnp.dot(h, Md_ref[...], preferred_element_type=jnp.float32)
    A_ref[...] = jnp.concatenate([asrc, adst], axis=1)


def _tc_pre(z, W, Ms, Md):
    return pl.pallas_call(
        _pre_body,
        out_shape=(
            jax.ShapeDtypeStruct((N_NODES, D), jnp.float32),
            jax.ShapeDtypeStruct((N_NODES, 2 * HEADS), jnp.float32),
        ),
    )(z, W, Ms, Md)


def _norm_body(x_ref, o_ref):
    x = x_ref[...]
    n = jnp.sqrt(jnp.sum(x * x, axis=1, keepdims=True))
    o_ref[...] = x / jnp.maximum(n, 1e-12)


def _tc_norm(x):
    return pl.pallas_call(
        _norm_body,
        out_shape=jax.ShapeDtypeStruct(x.shape, jnp.float32),
    )(x)


def _rinv_body(s_ref, r_ref):
    s = s_ref[0] + s_ref[1]
    r_ref[...] = 1.0 / (s + 1e-16)


def _tc_rinv(s_part):
    return pl.pallas_call(
        _rinv_body,
        out_shape=jax.ShapeDtypeStruct((NPAD, 2 * HEADS), jnp.float32),
    )(s_part)


def _post_body(p_ref, z_ref, o_ref, *, elu):
    o = p_ref[0] + p_ref[1] + z_ref[...]
    if elu:
        o = jnp.where(o > 0, o, jnp.exp(o) - 1.0)
    n = jnp.sqrt(jnp.sum(o * o, axis=1, keepdims=True))
    o_ref[...] = o / jnp.maximum(n, 1e-12)


def _tc_post(parts, z, elu):
    return pl.pallas_call(
        functools.partial(_post_body, elu=elu),
        out_shape=jax.ShapeDtypeStruct((N_NODES, D), jnp.float32),
    )(parts, z)



_MESH = plsc.VectorSubcoreMesh(core_axis_name="c", subcore_axis_name="s")

_SC_PARAMS = pltpu.CompilerParams()
for _f, _v in (("needs_layout_passes", False), ("use_tc_tiling_on_sc", False)):
    if _f in pltpu.CompilerParams.__dataclass_fields__:
        _SC_PARAMS = dataclasses.replace(_SC_PARAMS, **{_f: _v})


def _sc_attn_body(A_hbm, src3_hbm, dst3_hbm, z16_hbm,
                  ex_hbm, spart_hbm,
                  sidx_all, didx_all,
                  asrc0, asrc1, adst0, adst1, exs0, exs1, s_sh,
                  sA0, sA1, sB0, sB1, sE0, sE1, sS0, sS1):
    c = lax.axis_index("c")
    s = lax.axis_index("s")
    wid = c * NS + s
    base_w = wid * CHUNK

    asrc = (asrc0, asrc1)
    adst = (adst0, adst1)
    exs = (exs0, exs1)
    sA, sB, sE, sS = (sA0, sA1), (sB0, sB1), (sE0, sE1), (sS0, sS1)

    pltpu.sync_copy(z16_hbm.at[pl.ds(s * ROWS_PER_SUB, ROWS_PER_SUB)],
                    s_sh.at[pl.ds(s * ROWS_PER_SUB, ROWS_PER_SUB)])
    pltpu.sync_copy(src3_hbm.at[wid], sidx_all)
    pltpu.sync_copy(dst3_hbm.at[wid], didx_all)

    zero16 = jnp.zeros((16,), jnp.float32)

    @pl.loop(0, BB1)
    def _(i):
        exs0[i, :] = zero16
        exs1[i, :] = zero16

    plsc.subcore_barrier()

    iota = lax.iota(jnp.int32, 16)
    colp = iota & 7
    hi = iota >> 3

    def issue_in(b, k):
        pltpu.async_copy(A_hbm.at[sidx_all.at[b]], asrc[k], sA[k])
        pltpu.async_copy(A_hbm.at[didx_all.at[b]], adst[k], sB[k])

    def wait_in(b, k):
        pltpu.make_async_copy(A_hbm.at[sidx_all.at[b]], asrc[k], sA[k]).wait()
        pltpu.make_async_copy(A_hbm.at[didx_all.at[b]], adst[k], sB[k]).wait()

    def issue_out(b, k):
        pltpu.async_copy(exs[k], ex_hbm.at[pl.ds(base_w + b * BB1, BB1)],
                         sE[k])
        pltpu.async_copy(exs[k], s_sh.at[didx_all.at[b]], sS[k], add=True)

    def wait_out(b, k):
        pltpu.make_async_copy(exs[k], ex_hbm.at[pl.ds(base_w + b * BB1, BB1)],
                              sE[k]).wait()
        pltpu.make_async_copy(exs[k], s_sh.at[didx_all.at[b]], sS[k]).wait()

    def compute(k):
        ak, dk, xk = asrc[k], adst[k], exs[k]

        @pl.loop(0, BB1 // 2)
        def _(j):
            r = 2 * j + hi
            a1 = plsc.load_gather(ak, [r, colp])
            a2 = plsc.load_gather(dk, [r, colp + 8])
            e = a1 + a2
            e = jnp.where(e > 0, e, ALPHA * e)
            plsc.store_scatter(xk, [r, colp], jnp.exp(e))

    issue_in(0, 0)

    @pl.loop(0, NBLK1 // 2)
    def _(g):
        for kk in (0, 1):
            b = 2 * g + kk

            @pl.when(b + 1 < NBLK1)
            def _():
                issue_in(b + 1, kk ^ 1)

            wait_in(b, kk)

            @pl.when(b >= 2)
            def _():
                wait_out(b - 2, kk)

            compute(kk)
            issue_out(b, kk)

    wait_out(NBLK1 - 2, 0)
    wait_out(NBLK1 - 1, 1)
    plsc.subcore_barrier()
    pltpu.sync_copy(s_sh.at[pl.ds(s * ROWS_PER_SUB, ROWS_PER_SUB)],
                    spart_hbm.at[c, pl.ds(s * ROWS_PER_SUB, ROWS_PER_SUB)])


def _sc_attn(A_pad, src3, dst3, zeros16):
    k = pl.kernel(
        _sc_attn_body,
        out_type=(
            jax.ShapeDtypeStruct((EPAD, 16), jnp.float32),
            jax.ShapeDtypeStruct((NC, NPAD, 16), jnp.float32),
        ),
        mesh=_MESH,
        scratch_types=[
            pltpu.VMEM((NBLK1, BB1), jnp.int32),
            pltpu.VMEM((NBLK1, BB1), jnp.int32),
            pltpu.VMEM((BB1, 16), jnp.float32),
            pltpu.VMEM((BB1, 16), jnp.float32),
            pltpu.VMEM((BB1, 16), jnp.float32),
            pltpu.VMEM((BB1, 16), jnp.float32),
            pltpu.VMEM((BB1, 16), jnp.float32),
            pltpu.VMEM((BB1, 16), jnp.float32),
            pltpu.VMEM_SHARED((NPAD, 16), jnp.float32),
        ] + [pltpu.SemaphoreType.DMA] * 8,
        compiler_params=_SC_PARAMS,
    )
    return k(A_pad, src3, dst3, zeros16)


def _sc_aggr_body(h_hbm, rinv_hbm, ex_hbm, src3_hbm, dst3_hbm, z128_hbm,
                  opart_hbm,
                  sidx_all, didx_all,
                  hbuf0, hbuf1, mbuf0, mbuf1, exbuf0, exbuf1, rbuf0, rbuf1,
                  o_sh,
                  sH0, sH1, sR0, sR1, sX0, sX1, sW0, sW1):
    c = lax.axis_index("c")
    s = lax.axis_index("s")
    wid = c * NS + s
    base_w = wid * CHUNK

    hbuf = (hbuf0, hbuf1)
    mbuf = (mbuf0, mbuf1)
    exbuf = (exbuf0, exbuf1)
    rbuf = (rbuf0, rbuf1)
    sH, sR, sX, sW = (sH0, sH1), (sR0, sR1), (sX0, sX1), (sW0, sW1)

    pltpu.sync_copy(z128_hbm.at[pl.ds(s * ROWS_PER_SUB, ROWS_PER_SUB)],
                    o_sh.at[pl.ds(s * ROWS_PER_SUB, ROWS_PER_SUB)])
    pltpu.sync_copy(src3_hbm.at[wid], sidx_all)
    pltpu.sync_copy(dst3_hbm.at[wid], didx_all)
    plsc.subcore_barrier()

    iota = lax.iota(jnp.int32, 16)
    colp = iota & 7
    hi = iota >> 3

    def issue_in(b, k):
        pltpu.async_copy(h_hbm.at[sidx_all.at[b]], hbuf[k], sH[k])
        pltpu.async_copy(rinv_hbm.at[didx_all.at[b]], rbuf[k], sR[k])
        pltpu.async_copy(ex_hbm.at[pl.ds(base_w + b * BB2, BB2)], exbuf[k],
                         sX[k])

    def wait_in(b, k):
        pltpu.make_async_copy(h_hbm.at[sidx_all.at[b]], hbuf[k], sH[k]).wait()
        pltpu.make_async_copy(rinv_hbm.at[didx_all.at[b]], rbuf[k],
                              sR[k]).wait()
        pltpu.make_async_copy(ex_hbm.at[pl.ds(base_w + b * BB2, BB2)],
                              exbuf[k], sX[k]).wait()

    def issue_out(b, k):
        pltpu.async_copy(mbuf[k], o_sh.at[didx_all.at[b]], sW[k], add=True)

    def wait_out(b, k):
        pltpu.make_async_copy(mbuf[k], o_sh.at[didx_all.at[b]], sW[k]).wait()

    lane_consts = [jnp.full((16, 1), i, dtype=jnp.int32) for i in range(16)]
    _dnums = lax.GatherDimensionNumbers(
        offset_dims=(), collapsed_slice_dims=(0,), start_index_map=(0,))

    def _lane_splat(vec, i):
        return lax.gather(vec, lane_consts[i], _dnums, (1,),
                          mode=lax.GatherScatterMode.PROMISE_IN_BOUNDS)

    def compute(k):
        xk, rk, hk, mk = exbuf[k], rbuf[k], hbuf[k], mbuf[k]

        @pl.loop(0, BB2 // 2)
        def _(j):
            r = 2 * j + hi
            ex2 = plsc.load_gather(xk, [r, colp])
            rv2 = plsc.load_gather(rk, [r, colp])
            att2 = ex2 * rv2
            for half in (0, 1):
                e = 2 * j + half
                for jh in range(HEADS):
                    sp = _lane_splat(att2, half * 8 + jh)
                    mk[e, pl.ds(16 * jh, 16)] = hk[e, pl.ds(16 * jh, 16)] * sp

    issue_in(0, 0)

    @pl.loop(0, NBLK2 // 2)
    def _(g):
        for kk in (0, 1):
            b = 2 * g + kk

            @pl.when(b + 1 < NBLK2)
            def _():
                issue_in(b + 1, kk ^ 1)

            wait_in(b, kk)

            @pl.when(b >= 2)
            def _():
                wait_out(b - 2, kk)

            compute(kk)
            issue_out(b, kk)

    wait_out(NBLK2 - 2, 0)
    wait_out(NBLK2 - 1, 1)
    plsc.subcore_barrier()
    pltpu.sync_copy(o_sh.at[pl.ds(s * ROWS_PER_SUB, ROWS_PER_SUB)],
                    opart_hbm.at[c, pl.ds(s * ROWS_PER_SUB, ROWS_PER_SUB)])


def _sc_aggr(h_pad, rinv, ex, src3, dst3, zeros128):
    k = pl.kernel(
        _sc_aggr_body,
        out_type=jax.ShapeDtypeStruct((NC, NPAD, D), jnp.float32),
        mesh=_MESH,
        scratch_types=[
            pltpu.VMEM((NBLK2, BB2), jnp.int32),
            pltpu.VMEM((NBLK2, BB2), jnp.int32),
            pltpu.VMEM((BB2, D), jnp.float32),
            pltpu.VMEM((BB2, D), jnp.float32),
            pltpu.VMEM((BB2, D), jnp.float32),
            pltpu.VMEM((BB2, D), jnp.float32),
            pltpu.VMEM((BB2, 16), jnp.float32),
            pltpu.VMEM((BB2, 16), jnp.float32),
            pltpu.VMEM((BB2, 16), jnp.float32),
            pltpu.VMEM((BB2, 16), jnp.float32),
            pltpu.VMEM_SHARED((NPAD, D), jnp.float32),
        ] + [pltpu.SemaphoreType.DMA] * 8,
        compiler_params=_SC_PARAMS,
    )
    return k(h_pad, rinv, ex, src3, dst3, zeros128)



def _block_diag(a):
    return jnp.einsum('hf,hg->hfg', a,
                      jnp.eye(HEADS, dtype=a.dtype)).reshape(D, HEADS)


def _layer(z, W, a_src, a_dst, s1, d1, s2, d2, zeros16, zeros128, elu):
    h, A = _tc_pre(z, W, _block_diag(a_src), _block_diag(a_dst))
    A_pad = jnp.pad(A, ((0, NPAD - N_NODES), (0, 0)))
    h_pad = jnp.pad(h, ((0, NPAD - N_NODES), (0, 0)))
    ex, s_part = _sc_attn(A_pad, s1, d1, zeros16)
    rinv = _tc_rinv(s_part)
    o_part = _sc_aggr(h_pad, rinv, ex, s2, d2, zeros128)
    return _tc_post(o_part[:, :N_NODES], z, elu=elu)


def kernel(x, edge_index, W0, a_src0, a_dst0, W1, a_src1, a_dst1):
    loops = jnp.arange(N_NODES, dtype=edge_index.dtype)
    pad = N_NODES + (jnp.arange(EPAD - E_TOT, dtype=edge_index.dtype)
                     % (NPAD - N_NODES))
    srcp = jnp.concatenate([edge_index[0], loops, pad])
    dstp = jnp.concatenate([edge_index[1], loops, pad])
    s1 = srcp.reshape(NW, NBLK1, BB1)
    d1 = dstp.reshape(NW, NBLK1, BB1)
    s2 = srcp.reshape(NW, NBLK2, BB2)
    d2 = dstp.reshape(NW, NBLK2, BB2)
    zeros16 = jnp.zeros((NPAD, 16), jnp.float32)
    zeros128 = jnp.zeros((NPAD, D), jnp.float32)

    z0 = _tc_norm(x)
    z1 = _layer(z0, W0, a_src0, a_dst0, s1, d1, s2, d2,
                zeros16, zeros128, True)
    out = _layer(z1, W1, a_src1, a_dst1, s1, d1, s2, d2,
                 zeros16, zeros128, False)
    return out

# --- scband reference (transcript-rebuilt; emitter-appended) ---
"""Pipeline reference for scband-isnemodel-61392262529536 (READ-ONLY COPY).

The authoritative reference and input builder live on the scoring server;
editing this copy changes nothing except your own understanding.
"""

import jax, jax.numpy as jnp
import numpy as np

N_NODES = 10000
N_EDGES = 320000
D_IN = 128
D_HID = 128
D_OUT = 128
HEADS = 8
ALPHA = 0.2


def _l2norm(t, axis=1, eps=1e-12):
    n = jnp.linalg.norm(t, axis=axis, keepdims=True)
    return t / jnp.maximum(n, eps)


def _isne_layer(x, ei, W, a_src, a_dst, heads, activation, residual=True, normalize=True):
    # GAT-style ISNE layer: multi-head attention message passing with
    # residual connection and L2 feature normalization.
    N = x.shape[0]
    h = (x @ W).reshape(N, heads, -1)                      # [N, H, F']
    alpha_src = jnp.sum(h * a_src[None, :, :], axis=-1)    # [N, H]
    alpha_dst = jnp.sum(h * a_dst[None, :, :], axis=-1)    # [N, H]
    src, dst = ei[0], ei[1]
    e = jax.nn.leaky_relu(alpha_src[src] + alpha_dst[dst], ALPHA)  # [E, H]
    m = jax.ops.segment_max(e, dst, num_segments=N)        # softmax over incoming edges
    ex = jnp.exp(e - m[dst])
    s = jax.ops.segment_sum(ex, dst, num_segments=N)
    att = ex / (s[dst] + 1e-16)                            # [E, H]
    msg = h[src] * att[:, :, None]                         # [E, H, F']
    out = jax.ops.segment_sum(msg, dst, num_segments=N).reshape(N, -1)
    if residual and out.shape[1] == x.shape[1]:
        out = out + x
    if activation is not None:
        out = activation(out)
    if normalize:
        out = _l2norm(out)
    return out


def setup_inputs(seed: int = 0) -> dict:
    key = jax.random.key(seed)
    ks = jax.random.split(key, 10)
    x = jax.random.normal(ks[0], (N_NODES, D_IN), dtype=jnp.float32)
    edge_index = jax.random.randint(ks[1], (2, N_EDGES), 0, N_NODES, dtype=jnp.int32)
    fh = D_HID // HEADS
    fo = D_OUT // HEADS
    sc0 = 1.0 / np.sqrt(D_IN)
    sc1 = 1.0 / np.sqrt(D_HID)
    W0 = jax.random.normal(ks[2], (D_IN, HEADS * fh), dtype=jnp.float32) * sc0
    a_src0 = jax.random.normal(ks[3], (HEADS, fh), dtype=jnp.float32) * sc1
    a_dst0 = jax.random.normal(ks[4], (HEADS, fh), dtype=jnp.float32) * sc1
    W1 = jax.random.normal(ks[5], (D_HID, HEADS * fo), dtype=jnp.float32) * sc1
    a_src1 = jax.random.normal(ks[6], (HEADS, fo), dtype=jnp.float32) * sc1
    a_dst1 = jax.random.normal(ks[7], (HEADS, fo), dtype=jnp.float32) * sc1
    return {"x": x, "edge_index": edge_index, "W0": W0, "a_src0": a_src0,
            "a_dst0": a_dst0, "W1": W1, "a_src1": a_src1, "a_dst1": a_dst1}


def reference(x, edge_index, W0, a_src0, a_dst0, W1, a_src1, a_dst1):
    # normalize_features=True: L2-normalize inputs
    x = _l2norm(x)
    # add_self_loops=True
    N = x.shape[0]
    loops = jnp.arange(N, dtype=edge_index.dtype)
    ei = jnp.concatenate([edge_index, jnp.stack([loops, loops], axis=0)], axis=1)
    # layer 0: activation = elu
    h = _isne_layer(x, ei, W0, a_src0, a_dst0, HEADS, jax.nn.elu)
    # layer 1 (last): activation = None
    out = _isne_layer(h, ei, W1, a_src1, a_dst1, HEADS, None)
    return out

if __name__ == "__main__":
    import jax
    _d = setup_inputs()
    print(jax.jit(kernel)(*tuple(_d.values())))

</pallas_src>

<mosaic_0001>
#map = affine_map<(d0, d1) -> (0, 0)>
#map1 = affine_map<(d0, d1) -> (0, 0, 0)>
module attributes {stable_mosaic.version = 14 : i64} {
  func.func @_sc_attn_body(%arg0: i32, %arg1: i32, %arg2: memref<10240x16xf32, #tpu.memory_space<hbm>>, %arg3: memref<32x14x768xi32, #tpu.memory_space<hbm>>, %arg4: memref<32x14x768xi32, #tpu.memory_space<hbm>>, %arg5: memref<10240x16xf32, #tpu.memory_space<hbm>>, %arg6: memref<344064x16xf32, #tpu.memory_space<hbm>>, %arg7: memref<2x10240x16xf32, #tpu.memory_space<hbm>>, %arg8: memref<14x768xi32, #tpu.memory_space<vmem>>, %arg9: memref<14x768xi32, #tpu.memory_space<vmem>>, %arg10: memref<768x16xf32, #tpu.memory_space<vmem>>, %arg11: memref<768x16xf32, #tpu.memory_space<vmem>>, %arg12: memref<768x16xf32, #tpu.memory_space<vmem>>, %arg13: memref<768x16xf32, #tpu.memory_space<vmem>>, %arg14: memref<768x16xf32, #tpu.memory_space<vmem>>, %arg15: memref<768x16xf32, #tpu.memory_space<vmem>>, %arg16: memref<10240x16xf32, #tpu.memory_space<vmem_shared>>, %arg17: memref<!tpu.dma_semaphore, #tpu.memory_space<semaphore_mem>>, %arg18: memref<!tpu.dma_semaphore, #tpu.memory_space<semaphore_mem>>, %arg19: memref<!tpu.dma_semaphore, #tpu.memory_space<semaphore_mem>>, %arg20: memref<!tpu.dma_semaphore, #tpu.memory_space<semaphore_mem>>, %arg21: memref<!tpu.dma_semaphore, #tpu.memory_space<semaphore_mem>>, %arg22: memref<!tpu.dma_semaphore, #tpu.memory_space<semaphore_mem>>, %arg23: memref<!tpu.dma_semaphore, #tpu.memory_space<semaphore_mem>>, %arg24: memref<!tpu.dma_semaphore, #tpu.memory_space<semaphore_mem>>) attributes {dimension_semantics = [#tpu.dimension_semantics<core_parallel>, #tpu.dimension_semantics<subcore_parallel>], iteration_bounds = array<i64: 2, 16>, scalar_prefetch = 0 : i64, scratch_operands = 17 : i64, tpu.core_type = #tpu.core_type<sc_vector_subcore>, window_params = [{transform_indices = #map}, {transform_indices = #map1}, {transform_indices = #map1}, {transform_indices = #map}, {transform_indices = #map}, {transform_indices = #map1}]} {
    %mul3A = arith.constant 16 : i32
    %mul3A_0 = arith.muli %arg0, %mul3A : i32
    %add3A = arith.addi %mul3A_0, %arg1 : i32
    %mul3A_1 = arith.constant 10752 : i32
    %mul3A_2 = arith.muli %add3A, %mul3A_1 : i32
    %mul3A_3 = arith.constant 640 : i32
    %mul3A_4 = arith.muli %arg1, %mul3A_3 : i32
    %mul3A_5 = arith.constant 640 : i32
    %mul3A_6 = arith.muli %arg1, %mul3A_5 : i32
    "tpu.region"() ({
      %run_scoped3A = tpu.sem_alloc : memref<!tpu.dma_semaphore, #tpu.memory_space<semaphore_mem>>
      %dma_start3A_64 = arith.constant 0 : i32
      %dma_start3A_65 = tpu.memref_slice %arg16[%mul3A_6, %dma_start3A_64] : memref<10240x16xf32, #tpu.memory_space<vmem_shared>> -> memref<640x16xf32, #tpu.memory_space<vmem_shared>>
      %dma_start3A_66 = arith.constant 0 : i32
      %dma_start3A_67 = tpu.memref_slice %arg5[%mul3A_4, %dma_start3A_66] : memref<10240x16xf32, #tpu.memory_space<hbm>> -> memref<640x16xf32, #tpu.memory_space<hbm>>
      tpu.enqueue_dma source(%dma_start3A_67 : memref<640x16xf32, #tpu.memory_space<hbm>>) target(%dma_start3A_65 : memref<640x16xf32, #tpu.memory_space<vmem_shared>>) target_semaphore(%run_scoped3A : memref<!tpu.dma_semaphore, #tpu.memory_space<semaphore_mem>>)
      %dma_wait3A_68 = arith.constant 0 : i32
      %dma_wait3A_69 = tpu.memref_slice %arg16[%mul3A_6, %dma_wait3A_68] : memref<10240x16xf32, #tpu.memory_space<vmem_shared>> -> memref<640x16xf32, #tpu.memory_space<vmem_shared>>
      %dma_wait3A_70 = arith.constant 0 : i32
      %dma_wait3A_71 = tpu.memref_slice %arg5[%mul3A_4, %dma_wait3A_70] : memref<10240x16xf32, #tpu.memory_space<hbm>> -> memref<640x16xf32, #tpu.memory_space<hbm>>
      tpu.wait_dma2 semaphore(%run_scoped3A : memref<!tpu.dma_semaphore, #tpu.memory_space<semaphore_mem>>) src(%dma_wait3A_71 : memref<640x16xf32, #tpu.memory_space<hbm>>) dst(%dma_wait3A_69 : memref<640x16xf32, #tpu.memory_space<vmem_shared>>)
      tpu.yield
    }) : () -> ()
    "tpu.region"() ({
      %run_scoped3A = tpu.sem_alloc : memref<!tpu.dma_semaphore, #tpu.memory_space<semaphore_mem>>
      %dma_start3A_64 = arith.constant 0 : i32
      %dma_start3A_65 = arith.constant 0 : i32
      %dma_start3A_66 = tpu.memref_slice %arg3[%add3A, %dma_start3A_64, %dma_start3A_65] : memref<32x14x768xi32, #tpu.memory_space<hbm>> -> memref<1x14x768xi32, #tpu.memory_space<hbm>>
      %dma_start3A_67 = tpu.memref_squeeze %dma_start3A_66 : memref<1x14x768xi32, #tpu.memory_space<hbm>> -> memref<14x768xi32, #tpu.memory_space<hbm>>
      %dma_start3A_68 = arith.constant 0 : i32
      %dma_start3A_69 = arith.constant 0 : i32
      %dma_start3A_70 = tpu.memref_slice %arg3[%add3A, %dma_start3A_68, %dma_start3A_69] : memref<32x14x768xi32, #tpu.memory_space<hbm>> -> memref<1x14x768xi32, #tpu.memory_space<hbm>>
      %dma_start3A_71 = tpu.memref_squeeze %dma_start3A_70 : memref<1x14x768xi32, #tpu.memory_space<hbm>> -> memref<14x768xi32, #tpu.memory_space<hbm>>
      tpu.enqueue_dma source(%dma_start3A_71 : memref<14x768xi32, #tpu.memory_space<hbm>>) target(%arg8 : memref<14x768xi32, #tpu.memory_space<vmem>>) target_semaphore(%run_scoped3A : memref<!tpu.dma_semaphore, #tpu.memory_space<semaphore_mem>>)
      %dma_wait3A_72 = arith.constant 0 : i32
      %dma_wait3A_73 = arith.constant 0 : i32
      %dma_wait3A_74 = tpu.memref_slice %arg3[%add3A, %dma_wait3A_72, %dma_wait3A_73] : memref<32x14x768xi32, #tpu.memory_space<hbm>> -> memref<1x14x768xi32, #tpu.memory_space<hbm>>
      %dma_wait3A_75 = tpu.memref_squeeze %dma_wait3A_74 : memref<1x14x768xi32, #tpu.memory_space<hbm>> -> memref<14x768xi32, #tpu.memory_space<hbm>>
      %dma_wait3A_76 = arith.constant 0 : i32
      %dma_wait3A_77 = arith.constant 0 : i32
      %dma_wait3A_78 = tpu.memref_slice %arg3[%add3A, %dma_wait3A_76, %dma_wait3A_77] : memref<32x14x768xi32, #tpu.memory_space<hbm>> -> memref<1x14x768xi32, #tpu.memory_space<hbm>>
      %dma_wait3A_79 = tpu.memref_squeeze %dma_wait3A_78 : memref<1x14x768xi32, #tpu.memory_space<hbm>> -> memref<14x768xi32, #tpu.memory_space<hbm>>
      tpu.wait_dma2 semaphore(%run_scoped3A : memref<!tpu.dma_semaphore, #tpu.memory_space<semaphore_mem>>) src(%dma_wait3A_79 : memref<14x768xi32, #tpu.memory_space<hbm>>) dst(%arg8 : memref<14x768xi32, #tpu.memory_space<vmem>>)
      tpu.yield
    }) : () -> ()
    "tpu.region"() ({
      %run_scoped3A = tpu.sem_alloc : memref<!tpu.dma_semaphore, #tpu.memory_space<semaphore_mem>>
      %dma_start3A_64 = arith.constant 0 : i32
      %dma_start3A_65 = arith.constant 0 : i32
      %dma_start3A_66 = tpu.memref_slice %arg4[%add3A, %dma_start3A_64, %dma_start3A_65] : memref<32x14x768xi32, #tpu.memory_space<hbm>> -> memref<1x14x768xi32, #tpu.memory_space<hbm>>
      %dma_start3A_67 = tpu.memref_squeeze %dma_start3A_66 : memref<1x14x768xi32, #tpu.memory_space<hbm>> -> memref<14x768xi32, #tpu.memory_space<hbm>>
      %dma_start3A_68 = arith.constant 0 : i32
      %dma_start3A_69 = arith.constant 0 : i32
      %dma_start3A_70 = tpu.memref_slice %arg4[%add3A, %dma_start3A_68, %dma_start3A_69] : memref<32x14x768xi32, #tpu.memory_space<hbm>> -> memref<1x14x768xi32, #tpu.memory_space<hbm>>
      %dma_start3A_71 = tpu.memref_squeeze %dma_start3A_70 : memref<1x14x768xi32, #tpu.memory_space<hbm>> -> memref<14x768xi32, #tpu.memory_space<hbm>>
      tpu.enqueue_dma source(%dma_start3A_71 : memref<14x768xi32, #tpu.memory_space<hbm>>) target(%arg9 : memref<14x768xi32, #tpu.memory_space<vmem>>) target_semaphore(%run_scoped3A : memref<!tpu.dma_semaphore, #tpu.memory_space<semaphore_mem>>)
      %dma_wait3A_72 = arith.constant 0 : i32
      %dma_wait3A_73 = arith.constant 0 : i32
      %dma_wait3A_74 = tpu.memref_slice %arg4[%add3A, %dma_wait3A_72, %dma_wait3A_73] : memref<32x14x768xi32, #tpu.memory_space<hbm>> -> memref<1x14x768xi32, #tpu.memory_space<hbm>>
      %dma_wait3A_75 = tpu.memref_squeeze %dma_wait3A_74 : memref<1x14x768xi32, #tpu.memory_space<hbm>> -> memref<14x768xi32, #tpu.memory_space<hbm>>
      %dma_wait3A_76 = arith.constant 0 : i32
      %dma_wait3A_77 = arith.constant 0 : i32
      %dma_wait3A_78 = tpu.memref_slice %arg4[%add3A, %dma_wait3A_76, %dma_wait3A_77] : memref<32x14x768xi32, #tpu.memory_space<hbm>> -> memref<1x14x768xi32, #tpu.memory_space<hbm>>
      %dma_wait3A_79 = tpu.memref_squeeze %dma_wait3A_78 : memref<1x14x768xi32, #tpu.memory_space<hbm>> -> memref<14x768xi32, #tpu.memory_space<hbm>>
      tpu.wait_dma2 semaphore(%run_scoped3A : memref<!tpu.dma_semaphore, #tpu.memory_space<semaphore_mem>>) src(%dma_wait3A_79 : memref<14x768xi32, #tpu.memory_space<hbm>>) dst(%arg9 : memref<14x768xi32, #tpu.memory_space<vmem>>)
      tpu.yield
    }) : () -> ()
    %broadcast_in_dim3A = arith.constant 0.000000e+00 : f32
    %broadcast_in_dim3A_7 = vector.broadcast %broadcast_in_dim3A : f32 to vector<16xf32>
    %scan3A = arith.constant 0 : i32
    %scan3A_8 = arith.constant 768 : i32
    %scan3A_9 = arith.addi %scan3A, %scan3A_8 : i32
    %scan3A_10 = arith.constant 1 : i32
    scf.for %scan3A_64 = %scan3A to %scan3A_9 step %scan3A_10  : i32 {
      %mul3A_65 = arith.constant 1 : i32
      %mul3A_66 = arith.muli %scan3A_64, %mul3A_65 : i32
      %add3A_67 = arith.constant 0 : i32
      %add3A_68 = arith.addi %add3A_67, %mul3A_66 : i32
      %swap3A = arith.index_cast %add3A_68 : i32 to index
      %swap3A_69 = arith.constant 0 : index
      %swap3A_70 = tpu.vector_load %arg14[%swap3A, %swap3A_69] {strides = array<i32>} : memref<768x16xf32, #tpu.memory_space<vmem>>, vector<16xf32>,
      tpu.vector_store %arg14[%swap3A, %swap3A_69], %broadcast_in_dim3A_7 {strides = array<i32>} : memref<768x16xf32, #tpu.memory_space<vmem>>, vector<16xf32>,
      %swap3A_71 = arith.index_cast %add3A_68 : i32 to index
      %swap3A_72 = arith.constant 0 : index
      %swap3A_73 = tpu.vector_load %arg15[%swap3A_71, %swap3A_72] {strides = array<i32>} : memref<768x16xf32, #tpu.memory_space<vmem>>, vector<16xf32>,
      tpu.vector_store %arg15[%swap3A_71, %swap3A_72], %broadcast_in_dim3A_7 {strides = array<i32>} : memref<768x16xf32, #tpu.memory_space<vmem>>, vector<16xf32>,
    }
    %scan3A_11 = arith.constant 768 : i32
    %barrier3A = arith.constant 0 : index
    tpu.barrier barrier_id(%barrier3A)
    %iota3A = tpu.iota {dimensions = array<i32: 0>} : vector<16xi32>
    %and3A = arith.constant 7 : i32
    %and3A_12 = vector.broadcast %and3A : i32 to vector<16xi32>
    %and3A_13 = arith.andi %iota3A, %and3A_12 : vector<16xi32>
    %shift_right_arithmetic3A = arith.constant 3 : i32
    %shift_right_arithmetic3A_14 = vector.broadcast %shift_right_arithmetic3A : i32 to vector<16xi32>
    %shift_right_arithmetic3A_15 = arith.shrsi %iota3A, %shift_right_arithmetic3A_14 : vector<16xi32>
    %dma_start3A = arith.constant 0 : i32
    %dma_start3A_16 = arith.constant 0 : i32
    %dma_start3A_17 = tpu.memref_slice %arg8[%dma_start3A, %dma_start3A_16] : memref<14x768xi32, #tpu.memory_space<vmem>> -> memref<1x768xi32, #tpu.memory_space<vmem>>
    %dma_start3A_18 = tpu.memref_squeeze %dma_start3A_17 : memref<1x768xi32, #tpu.memory_space<vmem>> -> memref<768xi32, #tpu.memory_space<vmem>>
    %dma_start3A_19 = arith.constant 0 : i32
    %dma_start3A_20 = arith.constant 0 : i32
    %dma_start3A_21 = tpu.memref_slice %arg2[%dma_start3A_19, %dma_start3A_20] : memref<10240x16xf32, #tpu.memory_space<hbm>> -> memref<10240x16xf32, #tpu.memory_space<hbm>>
    tpu.enqueue_indirect_dma source(%dma_start3A_21 : memref<10240x16xf32, #tpu.memory_space<hbm>>) target(%arg10 : memref<768x16xf32, #tpu.memory_space<vmem>>) offsets(%dma_start3A_18 : memref<768xi32, #tpu.memory_space<vmem>>) semaphore(%arg17 : memref<!tpu.dma_semaphore, #tpu.memory_space<semaphore_mem>>)
    %dma_start3A_22 = arith.constant 0 : i32
    %dma_start3A_23 = arith.constant 0 : i32
    %dma_start3A_24 = tpu.memref_slice %arg9[%dma_start3A_22, %dma_start3A_23] : memref<14x768xi32, #tpu.memory_space<vmem>> -> memref<1x768xi32, #tpu.memory_space<vmem>>
    %dma_start3A_25 = tpu.memref_squeeze %dma_start3A_24 : memref<1x768xi32, #tpu.memory_space<vmem>> -> memref<768xi32, #tpu.memory_space<vmem>>
    %dma_start3A_26 = arith.constant 0 : i32
    %dma_start3A_27 = arith.constant 0 : i32
    %dma_start3A_28 = tpu.memref_slice %arg2[%dma_start3A_26, %dma_start3A_27] : memref<10240x16xf32, #tpu.memory_space<hbm>> -> memref<10240x16xf32, #tpu.memory_space<hbm>>
    tpu.enqueue_indirect_dma source(%dma_start3A_28 : memref<10240x16xf32, #tpu.memory_space<hbm>>) target(%arg12 : memref<768x16xf32, #tpu.memory_space<vmem>>) offsets(%dma_start3A_25 : memref<768xi32, #tpu.memory_space<vmem>>) semaphore(%arg19 : memref<!tpu.dma_semaphore, #tpu.memory_space<semaphore_mem>>)
    %scan3A_29 = arith.constant 0 : i32
    %scan3A_30 = arith.constant 7 : i32
    %scan3A_31 = arith.addi %scan3A_29, %scan3A_30 : i32
    %scan3A_32 = arith.constant 1 : i32
    scf.for %scan3A_64 = %scan3A_29 to %scan3A_31 step %scan3A_32  : i32 {
      %mul3A_65 = arith.constant 1 : i32
      %mul3A_66 = arith.muli %scan3A_64, %mul3A_65 : i32
      %add3A_67 = arith.constant 0 : i32
      %add3A_68 = arith.addi %add3A_67, %mul3A_66 : i32
      %mul3A_69 = arith.constant 2 : i32
      %mul3A_70 = arith.muli %mul3A_69, %add3A_68 : i32
      %add3A_71 = arith.constant 0 : i32
      %add3A_72 = arith.addi %mul3A_70, %add3A_71 : i32
      %add3A_73 = arith.constant 1 : i32
      %add3A_74 = arith.addi %add3A_72, %add3A_73 : i32
      %lt3A = arith.constant 14 : i32
      %lt3A_75 = arith.cmpi slt, %add3A_74, %lt3A : i32
      %convert_element_type3A = arith.extui %lt3A_75 : i1 to i32
      %cond3A = arith.constant 0 : i32
      %cond3A_76 = arith.cmpi ne, %convert_element_type3A, %cond3A : i32
      scf.if %cond3A_76 {
        %add3A_157 = arith.constant 1 : i32
        %add3A_158 = arith.addi %add3A_72, %add3A_157 : i32
        %dma_start3A_159 = arith.constant 0 : i32
        %dma_start3A_160 = tpu.memref_slice %arg8[%add3A_158, %dma_start3A_159] : memref<14x768xi32, #tpu.memory_space<vmem>> -> memref<1x768xi32, #tpu.memory_space<vmem>>
        %dma_start3A_161 = tpu.memref_squeeze %dma_start3A_160 : memref<1x768xi32, #tpu.memory_space<vmem>> -> memref<768xi32, #tpu.memory_space<vmem>>
        %dma_start3A_162 = arith.constant 0 : i32
        %dma_start3A_163 = arith.constant 0 : i32
        %dma_start3A_164 = tpu.memref_slice %arg2[%dma_start3A_162, %dma_start3A_163] : memref<10240x16xf32, #tpu.memory_space<hbm>> -> memref<10240x16xf32, #tpu.memory_space<hbm>>
        tpu.enqueue_indirect_dma source(%dma_start3A_164 : memref<10240x16xf32, #tpu.memory_space<hbm>>) target(%arg11 : memref<768x16xf32, #tpu.memory_space<vmem>>) offsets(%dma_start3A_161 : memref<768xi32, #tpu.memory_space<vmem>>) semaphore(%arg18 : memref<!tpu.dma_semaphore, #tpu.memory_space<semaphore_mem>>)
        %dma_start3A_165 = arith.constant 0 : i32
        %dma_start3A_166 = tpu.memref_slice %arg9[%add3A_158, %dma_start3A_165] : memref<14x768xi32, #tpu.memory_space<vmem>> -> memref<1x768xi32, #tpu.memory_space<vmem>>
        %dma_start3A_167 = tpu.memref_squeeze %dma_start3A_166 : memref<1x768xi32, #tpu.memory_space<vmem>> -> memref<768xi32, #tpu.memory_space<vmem>>
        %dma_start3A_168 = arith.constant 0 : i32
        %dma_start3A_169 = arith.constant 0 : i32
        %dma_start3A_170 = tpu.memref_slice %arg2[%dma_start3A_168, %dma_start3A_169] : memref<10240x16xf32, #tpu.memory_space<hbm>> -> memref<10240x16xf32, #tpu.memory_space<hbm>>
        tpu.enqueue_indirect_dma source(%dma_start3A_170 : memref<10240x16xf32, #tpu.memory_space<hbm>>) target(%arg13 : memref<768x16xf32, #tpu.memory_space<vmem>>) offsets(%dma_start3A_167 : memref<768xi32, #tpu.memory_space<vmem>>) semaphore(%arg20 : memref<!tpu.dma_semaphore, #tpu.memory_space<semaphore_mem>>)
      } else {
      }
      %dma_wait3A_77 = arith.constant 0 : i32
      %dma_wait3A_78 = tpu.memref_slice %arg8[%add3A_72, %dma_wait3A_77] : memref<14x768xi32, #tpu.memory_space<vmem>> -> memref<1x768xi32, #tpu.memory_space<vmem>>
      %dma_wait3A_79 = tpu.memref_squeeze %dma_wait3A_78 : memref<1x768xi32, #tpu.memory_space<vmem>> -> memref<768xi32, #tpu.memory_space<vmem>>
      %dma_wait3A_80 = arith.constant 0 : i32
      %dma_wait3A_81 = arith.constant 0 : i32
      %dma_wait3A_82 = tpu.memref_slice %arg2[%dma_wait3A_80, %dma_wait3A_81] : memref<10240x16xf32, #tpu.memory_space<hbm>> -> memref<10240x16xf32, #tpu.memory_space<hbm>>
      tpu.wait_indirect_dma semaphore(%arg17 : memref<!tpu.dma_semaphore, #tpu.memory_space<semaphore_mem>>) src(%dma_wait3A_82 : memref<10240x16xf32, #tpu.memory_space<hbm>>) dst(%arg10 : memref<768x16xf32, #tpu.memory_space<vmem>>)
      %dma_wait3A_83 = arith.constant 0 : i32
      %dma_wait3A_84 = tpu.memref_slice %arg9[%add3A_72, %dma_wait3A_83] : memref<14x768xi32, #tpu.memory_space<vmem>> -> memref<1x768xi32, #tpu.memory_space<vmem>>
      %dma_wait3A_85 = tpu.memref_squeeze %dma_wait3A_84 : memref<1x768xi32, #tpu.memory_space<vmem>> -> memref<768xi32, #tpu.memory_space<vmem>>
      %dma_wait3A_86 = arith.constant 0 : i32
      %dma_wait3A_87 = arith.constant 0 : i32
      %dma_wait3A_88 = tpu.memref_slice %arg2[%dma_wait3A_86, %dma_wait3A_87] : memref<10240x16xf32, #tpu.memory_space<hbm>> -> memref<10240x16xf32, #tpu.memory_space<hbm>>
      tpu.wait_indirect_dma semaphore(%arg19 : memref<!tpu.dma_semaphore, #tpu.memory_space<semaphore_mem>>) src(%dma_wait3A_88 : memref<10240x16xf32, #tpu.memory_space<hbm>>) dst(%arg12 : memref<768x16xf32, #tpu.memory_space<vmem>>)
      %ge3A = arith.constant 2 : i32
      %ge3A_89 = arith.cmpi sge, %add3A_72, %ge3A : i32
      %convert_element_type3A_90 = arith.extui %ge3A_89 : i1 to i32
      %cond3A_91 = arith.constant 0 : i32
      %cond3A_92 = arith.cmpi ne, %convert_element_type3A_90, %cond3A_91 : i32
      scf.if %cond3A_92 {
        %sub3A = arith.constant 2 : i32
        %sub3A_157 = arith.subi %add3A_72, %sub3A : i32
        %mul3A_158 = arith.constant 768 : i32
        %mul3A_159 = arith.muli %sub3A_157, %mul3A_158 : i32
        %add3A_160 = arith.addi %mul3A_2, %mul3A_159 : i32
        %dma_wait3A_161 = arith.constant 0 : i32
        %dma_wait3A_162 = tpu.memref_slice %arg6[%add3A_160, %dma_wait3A_161] : memref<344064x16xf32, #tpu.memory_space<hbm>> -> memref<768x16xf32, #tpu.memory_space<hbm>>
        %dma_wait3A_163 = arith.constant 0 : i32
        %dma_wait3A_164 = tpu.memref_slice %arg6[%add3A_160, %dma_wait3A_163] : memref<344064x16xf32, #tpu.memory_space<hbm>> -> memref<768x16xf32, #tpu.memory_space<hbm>>
        tpu.wait_dma2 semaphore(%arg21 : memref<!tpu.dma_semaphore, #tpu.memory_space<semaphore_mem>>) src(%arg14 : memref<768x16xf32, #tpu.memory_space<vmem>>) dst(%dma_wait3A_164 : memref<768x16xf32, #tpu.memory_space<hbm>>)
        %dma_wait3A_165 = arith.constant 0 : i32
        %dma_wait3A_166 = tpu.memref_slice %arg9[%sub3A_157, %dma_wait3A_165] : memref<14x768xi32, #tpu.memory_space<vmem>> -> memref<1x768xi32, #tpu.memory_space<vmem>>
        %dma_wait3A_167 = tpu.memref_squeeze %dma_wait3A_166 : memref<1x768xi32, #tpu.memory_space<vmem>> -> memref<768xi32, #tpu.memory_space<vmem>>
        %dma_wait3A_168 = arith.constant 0 : i32
        %dma_wait3A_169 = arith.constant 0 : i32
        %dma_wait3A_170 = tpu.memref_slice %arg16[%dma_wait3A_168, %dma_wait3A_169] : memref<10240x16xf32, #tpu.memory_space<vmem_shared>> -> memref<10240x16xf32, #tpu.memory_space<vmem_shared>>
        tpu.wait_indirect_dma semaphore(%arg23 : memref<!tpu.dma_semaphore, #tpu.memory_space<semaphore_mem>>) src(%arg14 : memref<768x16xf32, #tpu.memory_space<vmem>>) dst(%dma_wait3A_170 : memref<10240x16xf32, #tpu.memory_space<vmem_shared>>)
      } else {
      }
      %scan3A_93 = arith.constant 0 : i32
      %scan3A_94 = arith.constant 384 : i32
      %scan3A_95 = arith.addi %scan3A_93, %scan3A_94 : i32
      %scan3A_96 = arith.constant 1 : i32
      scf.for %scan3A_157 = %scan3A_93 to %scan3A_95 step %scan3A_96  : i32 {
        %mul3A_158 = arith.constant 1 : i32
        %mul3A_159 = arith.muli %scan3A_157, %mul3A_158 : i32
        %add3A_160 = arith.constant 0 : i32
        %add3A_161 = arith.addi %add3A_160, %mul3A_159 : i32
        %mul3A_162 = arith.constant 2 : i32
        %mul3A_163 = arith.muli %mul3A_162, %add3A_161 : i32
        %add3A_164 = vector.broadcast %mul3A_163 : i32 to vector<16xi32>
        %add3A_165 = arith.addi %add3A_164, %shift_right_arithmetic3A_15 : vector<16xi32>
        %gather3A = tpu.vector_load_idx %arg10[%add3A_165, %and3A_13] : memref<768x16xf32, #tpu.memory_space<vmem>>[vector<16xi32>, vector<16xi32>], vector<16xf32>,
        %add3A_166 = arith.constant 8 : i32
        %add3A_167 = vector.broadcast %add3A_166 : i32 to vector<16xi32>
        %add3A_168 = arith.addi %and3A_13, %add3A_167 : vector<16xi32>
        %gather3A_169 = tpu.vector_load_idx %arg12[%add3A_165, %add3A_168] : memref<768x16xf32, #tpu.memory_space<vmem>>[vector<16xi32>, vector<16xi32>], vector<16xf32>,
        %add3A_170 = arith.addf %gather3A, %gather3A_169 : vector<16xf32>
        %gt3A = arith.constant 0.000000e+00 : f32
        %gt3A_171 = vector.broadcast %gt3A : f32 to vector<16xf32>
        %gt3A_172 = arith.cmpf ogt, %add3A_170, %gt3A_171 : vector<16xf32>
        %mul3A_173 = arith.constant 2.000000e-01 : f32
        %mul3A_174 = vector.broadcast %mul3A_173 : f32 to vector<16xf32>
        %mul3A_175 = arith.mulf %mul3A_174, %add3A_170 : vector<16xf32>
        %select_n3A = arith.select %gt3A_172, %add3A_170, %mul3A_175 : vector<16xi1>, vector<16xf32>
        %exp3A = math.exp %select_n3A : vector<16xf32>
        tpu.vector_store_idx %arg14[%add3A_165, %and3A_13], %exp3A : memref<768x16xf32, #tpu.memory_space<vmem>>[vector<16xi32>, vector<16xi32>], vector<16xf32>,
      }
      %scan3A_97 = arith.constant 384 : i32
      %mul3A_98 = arith.constant 768 : i32
      %mul3A_99 = arith.muli %add3A_72, %mul3A_98 : i32
      %add3A_100 = arith.addi %mul3A_2, %mul3A_99 : i32
      %dma_start3A_101 = arith.constant 0 : i32
      %dma_start3A_102 = tpu.memref_slice %arg6[%add3A_100, %dma_start3A_101] : memref<344064x16xf32, #tpu.memory_space<hbm>> -> memref<768x16xf32, #tpu.memory_space<hbm>>
      %dma_start3A_103 = arith.constant 0 : i32
      %dma_start3A_104 = tpu.memref_slice %arg6[%add3A_100, %dma_start3A_103] : memref<344064x16xf32, #tpu.memory_space<hbm>> -> memref<768x16xf32, #tpu.memory_space<hbm>>
      tpu.enqueue_dma source(%arg14 : memref<768x16xf32, #tpu.memory_space<vmem>>) target(%dma_start3A_104 : memref<768x16xf32, #tpu.memory_space<hbm>>) target_semaphore(%arg21 : memref<!tpu.dma_semaphore, #tpu.memory_space<semaphore_mem>>)
      %dma_start3A_105 = arith.constant 0 : i32
      %dma_start3A_106 = tpu.memref_slice %arg9[%add3A_72, %dma_start3A_105] : memref<14x768xi32, #tpu.memory_space<vmem>> -> memref<1x768xi32, #tpu.memory_space<vmem>>
      %dma_start3A_107 = tpu.memref_squeeze %dma_start3A_106 : memref<1x768xi32, #tpu.memory_space<vmem>> -> memref<768xi32, #tpu.memory_space<vmem>>
      %dma_start3A_108 = arith.constant 0 : i32
      %dma_start3A_109 = arith.constant 0 : i32
      %dma_start3A_110 = tpu.memref_slice %arg16[%dma_start3A_108, %dma_start3A_109] : memref<10240x16xf32, #tpu.memory_space<vmem_shared>> -> memref<10240x16xf32, #tpu.memory_space<vmem_shared>>
      tpu.enqueue_indirect_dma source(%arg14 : memref<768x16xf32, #tpu.memory_space<vmem>>) target(%dma_start3A_110 : memref<10240x16xf32, #tpu.memory_space<vmem_shared>>) offsets(%dma_start3A_107 : memref<768xi32, #tpu.memory_space<vmem>>) semaphore(%arg23 : memref<!tpu.dma_semaphore, #tpu.memory_space<semaphore_mem>>) {add = true}
      %mul3A_111 = arith.constant 2 : i32
      %mul3A_112 = arith.muli %mul3A_111, %add3A_68 : i32
      %add3A_113 = arith.constant 1 : i32
      %add3A_114 = arith.addi %mul3A_112, %add3A_113 : i32
      %add3A_115 = arith.constant 1 : i32
      %add3A_116 = arith.addi %add3A_114, %add3A_115 : i32
      %lt3A_117 = arith.constant 14 : i32
      %lt3A_118 = arith.cmpi slt, %add3A_116, %lt3A_117 : i32
      %convert_element_type3A_119 = arith.extui %lt3A_118 : i1 to i32
      %cond3A_120 = arith.constant 0 : i32
      %cond3A_121 = arith.cmpi ne, %convert_element_type3A_119, %cond3A_120 : i32
      scf.if %cond3A_121 {
        %add3A_157 = arith.constant 1 : i32
        %add3A_158 = arith.addi %add3A_114, %add3A_157 : i32
        %dma_start3A_159 = arith.constant 0 : i32
        %dma_start3A_160 = tpu.memref_slice %arg8[%add3A_158, %dma_start3A_159] : memref<14x768xi32, #tpu.memory_space<vmem>> -> memref<1x768xi32, #tpu.memory_space<vmem>>
        %dma_start3A_161 = tpu.memref_squeeze %dma_start3A_160 : memref<1x768xi32, #tpu.memory_space<vmem>> -> memref<768xi32, #tpu.memory_space<vmem>>
        %dma_start3A_162 = arith.constant 0 : i32
        %dma_start3A_163 = arith.constant 0 : i32
        %dma_start3A_164 = tpu.memref_slice %arg2[%dma_start3A_162, %dma_start3A_163] : memref<10240x16xf32, #tpu.memory_space<hbm>> -> memref<10240x16xf32, #tpu.memory_space<hbm>>
        tpu.enqueue_indirect_dma source(%dma_start3A_164 : memref<10240x16xf32, #tpu.memory_space<hbm>>) target(%arg10 : memref<768x16xf32, #tpu.memory_space<vmem>>) offsets(%dma_start3A_161 : memref<768xi32, #tpu.memory_space<vmem>>) semaphore(%arg17 : memref<!tpu.dma_semaphore, #tpu.memory_space<semaphore_mem>>)
        %dma_start3A_165 = arith.constant 0 : i32
        %dma_start3A_166 = tpu.memref_slice %arg9[%add3A_158, %dma_start3A_165] : memref<14x768xi32, #tpu.memory_space<vmem>> -> memref<1x768xi32, #tpu.memory_space<vmem>>
        %dma_start3A_167 = tpu.memref_squeeze %dma_start3A_166 : memref<1x768xi32, #tpu.memory_space<vmem>> -> memref<768xi32, #tpu.memory_space<vmem>>
        %dma_start3A_168 = arith.constant 0 : i32
        %dma_start3A_169 = arith.constant 0 : i32
        %dma_start3A_170 = tpu.memref_slice %arg2[%dma_start3A_168, %dma_start3A_169] : memref<10240x16xf32, #tpu.memory_space<hbm>> -> memref<10240x16xf32, #tpu.memory_space<hbm>>
        tpu.enqueue_indirect_dma source(%dma_start3A_170 : memref<10240x16xf32, #tpu.memory_space<hbm>>) target(%arg12 : memref<768x16xf32, #tpu.memory_space<vmem>>) offsets(%dma_start3A_167 : memref<768xi32, #tpu.memory_space<vmem>>) semaphore(%arg19 : memref<!tpu.dma_semaphore, #tpu.memory_space<semaphore_mem>>)
      } else {
      }
      %dma_wait3A_122 = arith.constant 0 : i32
      %dma_wait3A_123 = tpu.memref_slice %arg8[%add3A_114, %dma_wait3A_122] : memref<14x768xi32, #tpu.memory_space<vmem>> -> memref<1x768xi32, #tpu.memory_space<vmem>>
      %dma_wait3A_124 = tpu.memref_squeeze %dma_wait3A_123 : memref<1x768xi32, #tpu.memory_space<vmem>> -> memref<768xi32, #tpu.memory_space<vmem>>
      %dma_wait3A_125 = arith.constant 0 : i32
      %dma_wait3A_126 = arith.constant 0 : i32
      %dma_wait3A_127 = tpu.memref_slice %arg2[%dma_wait3A_125, %dma_wait3A_126] : memref<10240x16xf32, #tpu.memory_space<hbm>> -> memref<10240x16xf32, #tpu.memory_space<hbm>>
      tpu.wait_indirect_dma semaphore(%arg18 : memref<!tpu.dma_semaphore, #tpu.memory_space<semaphore_mem>>) src(%dma_wait3A_127 : memref<10240x16xf32, #tpu.memory_space<hbm>>) dst(%arg11 : memref<768x16xf32, #tpu.memory_space<vmem>>)
      %dma_wait3A_128 = arith.constant 0 : i32
      %dma_wait3A_129 = tpu.memref_slice %arg9[%add3A_114, %dma_wait3A_128] : memref<14x768xi32, #tpu.memory_space<vmem>> -> memref<1x768xi32, #tpu.memory_space<vmem>>
      %dma_wait3A_130 = tpu.memref_squeeze %dma_wait3A_129 : memref<1x768xi32, #tpu.memory_space<vmem>> -> memref<768xi32, #tpu.memory_space<vmem>>
      %dma_wait3A_131 = arith.constant 0 : i32
      %dma_wait3A_132 = arith.constant 0 : i32
      %dma_wait3A_133 = tpu.memref_slice %arg2[%dma_wait3A_131, %dma_wait3A_132] : memref<10240x16xf32, #tpu.memory_space<hbm>> -> memref<10240x16xf32, #tpu.memory_space<hbm>>
      tpu.wait_indirect_dma semaphore(%arg20 : memref<!tpu.dma_semaphore, #tpu.memory_space<semaphore_mem>>) src(%dma_wait3A_133 : memref<10240x16xf32, #tpu.memory_space<hbm>>) dst(%arg13 : memref<768x16xf32, #tpu.memory_space<vmem>>)
      %ge3A_134 = arith.constant 2 : i32
      %ge3A_135 = arith.cmpi sge, %add3A_114, %ge3A_134 : i32
      %convert_element_type3A_136 = arith.extui %ge3A_135 : i1 to i32
      %cond3A_137 = arith.constant 0 : i32
      %cond3A_138 = arith.cmpi ne, %convert_element_type3A_136, %cond3A_137 : i32
      scf.if %cond3A_138 {
        %sub3A = arith.constant 2 : i32
        %sub3A_157 = arith.subi %add3A_114, %sub3A : i32
        %mul3A_158 = arith.constant 768 : i32
        %mul3A_159 = arith.muli %sub3A_157, %mul3A_158 : i32
        %add3A_160 = arith.addi %mul3A_2, %mul3A_159 : i32
        %dma_wait3A_161 = arith.constant 0 : i32
        %dma_wait3A_162 = tpu.memref_slice %arg6[%add3A_160, %dma_wait3A_161] : memref<344064x16xf32, #tpu.memory_space<hbm>> -> memref<768x16xf32, #tpu.memory_space<hbm>>
        %dma_wait3A_163 = arith.constant 0 : i32
        %dma_wait3A_164 = tpu.memref_slice %arg6[%add3A_160, %dma_wait3A_163] : memref<344064x16xf32, #tpu.memory_space<hbm>> -> memref<768x16xf32, #tpu.memory_space<hbm>>
        tpu.wait_dma2 semaphore(%arg22 : memref<!tpu.dma_semaphore, #tpu.memory_space<semaphore_mem>>) src(%arg15 : memref<768x16xf32, #tpu.memory_space<vmem>>) dst(%dma_wait3A_164 : memref<768x16xf32, #tpu.memory_space<hbm>>)
        %dma_wait3A_165 = arith.constant 0 : i32
        %dma_wait3A_166 = tpu.memref_slice %arg9[%sub3A_157, %dma_wait3A_165] : memref<14x768xi32, #tpu.memory_space<vmem>> -> memref<1x768xi32, #tpu.memory_space<vmem>>
        %dma_wait3A_167 = tpu.memref_squeeze %dma_wait3A_166 : memref<1x768xi32, #tpu.memory_space<vmem>> -> memref<768xi32, #tpu.memory_space<vmem>>
        %dma_wait3A_168 = arith.constant 0 : i32
        %dma_wait3A_169 = arith.constant 0 : i32
        %dma_wait3A_170 = tpu.memref_slice %arg16[%dma_wait3A_168, %dma_wait3A_169] : memref<10240x16xf32, #tpu.memory_space<vmem_shared>> -> memref<10240x16xf32, #tpu.memory_space<vmem_shared>>
        tpu.wait_indirect_dma semaphore(%arg24 : memref<!tpu.dma_semaphore, #tpu.memory_space<semaphore_mem>>) src(%arg15 : memref<768x16xf32, #tpu.memory_space<vmem>>) dst(%dma_wait3A_170 : memref<10240x16xf32, #tpu.memory_space<vmem_shared>>)
      } else {
      }
      %scan3A_139 = arith.constant 0 : i32
      %scan3A_140 = arith.constant 384 : i32
      %scan3A_141 = arith.addi %scan3A_139, %scan3A_140 : i32
      %scan3A_142 = arith.constant 1 : i32
      scf.for %scan3A_157 = %scan3A_139 to %scan3A_141 step %scan3A_142  : i32 {
        %mul3A_158 = arith.constant 1 : i32
        %mul3A_159 = arith.muli %scan3A_157, %mul3A_158 : i32
        %add3A_160 = arith.constant 0 : i32
        %add3A_161 = arith.addi %add3A_160, %mul3A_159 : i32
        %mul3A_162 = arith.constant 2 : i32
        %mul3A_163 = arith.muli %mul3A_162, %add3A_161 : i32
        %add3A_164 = vector.broadcast %mul3A_163 : i32 to vector<16xi32>
        %add3A_165 = arith.addi %add3A_164, %shift_right_arithmetic3A_15 : vector<16xi32>
        %gather3A = tpu.vector_load_idx %arg11[%add3A_165, %and3A_13] : memref<768x16xf32, #tpu.memory_space<vmem>>[vector<16xi32>, vector<16xi32>], vector<16xf32>,
        %add3A_166 = arith.constant 8 : i32
        %add3A_167 = vector.broadcast %add3A_166 : i32 to vector<16xi32>
        %add3A_168 = arith.addi %and3A_13, %add3A_167 : vector<16xi32>
        %gather3A_169 = tpu.vector_load_idx %arg13[%add3A_165, %add3A_168] : memref<768x16xf32, #tpu.memory_space<vmem>>[vector<16xi32>, vector<16xi32>], vector<16xf32>,
        %add3A_170 = arith.addf %gather3A, %gather3A_169 : vector<16xf32>
        %gt3A = arith.constant 0.000000e+00 : f32
        %gt3A_171 = vector.broadcast %gt3A : f32 to vector<16xf32>
        %gt3A_172 = arith.cmpf ogt, %add3A_170, %gt3A_171 : vector<16xf32>
        %mul3A_173 = arith.constant 2.000000e-01 : f32
        %mul3A_174 = vector.broadcast %mul3A_173 : f32 to vector<16xf32>
        %mul3A_175 = arith.mulf %mul3A_174, %add3A_170 : vector<16xf32>
        %select_n3A = arith.select %gt3A_172, %add3A_170, %mul3A_175 : vector<16xi1>, vector<16xf32>
        %exp3A = math.exp %select_n3A : vector<16xf32>
        tpu.vector_store_idx %arg15[%add3A_165, %and3A_13], %exp3A : memref<768x16xf32, #tpu.memory_space<vmem>>[vector<16xi32>, vector<16xi32>], vector<16xf32>,
      }
      %scan3A_143 = arith.constant 384 : i32
      %mul3A_144 = arith.constant 768 : i32
      %mul3A_145 = arith.muli %add3A_114, %mul3A_144 : i32
      %add3A_146 = arith.addi %mul3A_2, %mul3A_145 : i32
      %dma_start3A_147 = arith.constant 0 : i32
      %dma_start3A_148 = tpu.memref_slice %arg6[%add3A_146, %dma_start3A_147] : memref<344064x16xf32, #tpu.memory_space<hbm>> -> memref<768x16xf32, #tpu.memory_space<hbm>>
      %dma_start3A_149 = arith.constant 0 : i32
      %dma_start3A_150 = tpu.memref_slice %arg6[%add3A_146, %dma_start3A_149] : memref<344064x16xf32, #tpu.memory_space<hbm>> -> memref<768x16xf32, #tpu.memory_space<hbm>>
      tpu.enqueue_dma source(%arg15 : memref<768x16xf32, #tpu.memory_space<vmem>>) target(%dma_start3A_150 : memref<768x16xf32, #tpu.memory_space<hbm>>) target_semaphore(%arg22 : memref<!tpu.dma_semaphore, #tpu.memory_space<semaphore_mem>>)
      %dma_start3A_151 = arith.constant 0 : i32
      %dma_start3A_152 = tpu.memref_slice %arg9[%add3A_114, %dma_start3A_151] : memref<14x768xi32, #tpu.memory_space<vmem>> -> memref<1x768xi32, #tpu.memory_space<vmem>>
      %dma_start3A_153 = tpu.memref_squeeze %dma_start3A_152 : memref<1x768xi32, #tpu.memory_space<vmem>> -> memref<768xi32, #tpu.memory_space<vmem>>
      %dma_start3A_154 = arith.constant 0 : i32
      %dma_start3A_155 = arith.constant 0 : i32
      %dma_start3A_156 = tpu.memref_slice %arg16[%dma_start3A_154, %dma_start3A_155] : memref<10240x16xf32, #tpu.memory_space<vmem_shared>> -> memref<10240x16xf32, #tpu.memory_space<vmem_shared>>
      tpu.enqueue_indirect_dma source(%arg15 : memref<768x16xf32, #tpu.memory_space<vmem>>) target(%dma_start3A_156 : memref<10240x16xf32, #tpu.memory_space<vmem_shared>>) offsets(%dma_start3A_153 : memref<768xi32, #tpu.memory_space<vmem>>) semaphore(%arg24 : memref<!tpu.dma_semaphore, #tpu.memory_space<semaphore_mem>>) {add = true}
    }
    %scan3A_33 = arith.constant 7 : i32
    %add3A_34 = arith.constant 9216 : i32
    %add3A_35 = arith.addi %mul3A_2, %add3A_34 : i32
    %dma_wait3A = arith.constant 0 : i32
    %dma_wait3A_36 = tpu.memref_slice %arg6[%add3A_35, %dma_wait3A] : memref<344064x16xf32, #tpu.memory_space<hbm>> -> memref<768x16xf32, #tpu.memory_space<hbm>>
    %dma_wait3A_37 = arith.constant 0 : i32
    %dma_wait3A_38 = tpu.memref_slice %arg6[%add3A_35, %dma_wait3A_37] : memref<344064x16xf32, #tpu.memory_space<hbm>> -> memref<768x16xf32, #tpu.memory_space<hbm>>
    tpu.wait_dma2 semaphore(%arg21 : memref<!tpu.dma_semaphore, #tpu.memory_space<semaphore_mem>>) src(%arg14 : memref<768x16xf32, #tpu.memory_space<vmem>>) dst(%dma_wait3A_38 : memref<768x16xf32, #tpu.memory_space<hbm>>)
    %dma_wait3A_39 = arith.constant 12 : i32
    %dma_wait3A_40 = arith.constant 0 : i32
    %dma_wait3A_41 = tpu.memref_slice %arg9[%dma_wait3A_39, %dma_wait3A_40] : memref<14x768xi32, #tpu.memory_space<vmem>> -> memref<1x768xi32, #tpu.memory_space<vmem>>
    %dma_wait3A_42 = tpu.memref_squeeze %dma_wait3A_41 : memref<1x768xi32, #tpu.memory_space<vmem>> -> memref<768xi32, #tpu.memory_space<vmem>>
    %dma_wait3A_43 = arith.constant 0 : i32
    %dma_wait3A_44 = arith.constant 0 : i32
    %dma_wait3A_45 = tpu.memref_slice %arg16[%dma_wait3A_43, %dma_wait3A_44] : memref<10240x16xf32, #tpu.memory_space<vmem_shared>> -> memref<10240x16xf32, #tpu.memory_space<vmem_shared>>
    tpu.wait_indirect_dma semaphore(%arg23 : memref<!tpu.dma_semaphore, #tpu.memory_space<semaphore_mem>>) src(%arg14 : memref<768x16xf32, #tpu.memory_space<vmem>>) dst(%dma_wait3A_45 : memref<10240x16xf32, #tpu.memory_space<vmem_shared>>)
    %add3A_46 = arith.constant 9984 : i32
    %add3A_47 = arith.addi %mul3A_2, %add3A_46 : i32
    %dma_wait3A_48 = arith.constant 0 : i32
    %dma_wait3A_49 = tpu.memref_slice %arg6[%add3A_47, %dma_wait3A_48] : memref<344064x16xf32, #tpu.memory_space<hbm>> -> memref<768x16xf32, #tpu.memory_space<hbm>>
    %dma_wait3A_50 = arith.constant 0 : i32
    %dma_wait3A_51 = tpu.memref_slice %arg6[%add3A_47, %dma_wait3A_50] : memref<344064x16xf32, #tpu.memory_space<hbm>> -> memref<768x16xf32, #tpu.memory_space<hbm>>
    tpu.wait_dma2 semaphore(%arg22 : memref<!tpu.dma_semaphore, #tpu.memory_space<semaphore_mem>>) src(%arg15 : memref<768x16xf32, #tpu.memory_space<vmem>>) dst(%dma_wait3A_51 : memref<768x16xf32, #tpu.memory_space<hbm>>)
    %dma_wait3A_52 = arith.constant 13 : i32
    %dma_wait3A_53 = arith.constant 0 : i32
    %dma_wait3A_54 = tpu.memref_slice %arg9[%dma_wait3A_52, %dma_wait3A_53] : memref<14x768xi32, #tpu.memory_space<vmem>> -> memref<1x768xi32, #tpu.memory_space<vmem>>
    %dma_wait3A_55 = tpu.memref_squeeze %dma_wait3A_54 : memref<1x768xi32, #tpu.memory_space<vmem>> -> memref<768xi32, #tpu.memory_space<vmem>>
    %dma_wait3A_56 = arith.constant 0 : i32
    %dma_wait3A_57 = arith.constant 0 : i32
    %dma_wait3A_58 = tpu.memref_slice %arg16[%dma_wait3A_56, %dma_wait3A_57] : memref<10240x16xf32, #tpu.memory_space<vmem_shared>> -> memref<10240x16xf32, #tpu.memory_space<vmem_shared>>
    tpu.wait_indirect_dma semaphore(%arg24 : memref<!tpu.dma_semaphore, #tpu.memory_space<semaphore_mem>>) src(%arg15 : memref<768x16xf32, #tpu.memory_space<vmem>>) dst(%dma_wait3A_58 : memref<10240x16xf32, #tpu.memory_space<vmem_shared>>)
    %barrier3A_59 = arith.constant 0 : index
    tpu.barrier barrier_id(%barrier3A_59)
    %mul3A_60 = arith.constant 640 : i32
    %mul3A_61 = arith.muli %arg1, %mul3A_60 : i32
    %mul3A_62 = arith.constant 640 : i32
    %mul3A_63 = arith.muli %arg1, %mul3A_62 : i32
    "tpu.region"() ({
      %run_scoped3A = tpu.sem_alloc : memref<!tpu.dma_semaphore, #tpu.memory_space<semaphore_mem>>
      %dma_start3A_64 = arith.constant 0 : i32
      %dma_start3A_65 = tpu.memref_slice %arg7[%arg0, %mul3A_63, %dma_start3A_64] : memref<2x10240x16xf32, #tpu.memory_space<hbm>> -> memref<1x640x16xf32, #tpu.memory_space<hbm>>
      %dma_start3A_66 = tpu.memref_squeeze %dma_start3A_65 : memref<1x640x16xf32, #tpu.memory_space<hbm>> -> memref<640x16xf32, #tpu.memory_space<hbm>>
      %dma_start3A_67 = arith.constant 0 : i32
      %dma_start3A_68 = tpu.memref_slice %arg16[%mul3A_61, %dma_start3A_67] : memref<10240x16xf32, #tpu.memory_space<vmem_shared>> -> memref<640x16xf32, #tpu.memory_space<vmem_shared>>
      tpu.enqueue_dma source(%dma_start3A_68 : memref<640x16xf32, #tpu.memory_space<vmem_shared>>) target(%dma_start3A_66 : memref<640x16xf32, #tpu.memory_space<hbm>>) target_semaphore(%run_scoped3A : memref<!tpu.dma_semaphore, #tpu.memory_space<semaphore_mem>>)
      %dma_wait3A_69 = arith.constant 0 : i32
      %dma_wait3A_70 = tpu.memref_slice %arg7[%arg0, %mul3A_63, %dma_wait3A_69] : memref<2x10240x16xf32, #tpu.memory_space<hbm>> -> memref<1x640x16xf32, #tpu.memory_space<hbm>>
      %dma_wait3A_71 = tpu.memref_squeeze %dma_wait3A_70 : memref<1x640x16xf32, #tpu.memory_space<hbm>> -> memref<640x16xf32, #tpu.memory_space<hbm>>
      %dma_wait3A_72 = arith.constant 0 : i32
      %dma_wait3A_73 = tpu.memref_slice %arg16[%mul3A_61, %dma_wait3A_72] : memref<10240x16xf32, #tpu.memory_space<vmem_shared>> -> memref<640x16xf32, #tpu.memory_space<vmem_shared>>
      tpu.wait_dma2 semaphore(%run_scoped3A : memref<!tpu.dma_semaphore, #tpu.memory_space<semaphore_mem>>) src(%dma_wait3A_73 : memref<640x16xf32, #tpu.memory_space<vmem_shared>>) dst(%dma_wait3A_71 : memref<640x16xf32, #tpu.memory_space<hbm>>)
      tpu.yield
    }) : () -> ()
    return
  }
}

#map = affine_map<(d0, d1) -> (0, 0)>
#map1 = affine_map<(d0, d1) -> (0, 0, 0)>
module attributes {stable_mosaic.version = 14 : i64} {
  func.func @_sc_attn_body(%arg0: i32, %arg1: i32, %arg2: memref<10240x16xf32, #tpu.memory_space<hbm>>, %arg3: memref<32x14x768xi32, #tpu.memory_space<hbm>>, %arg4: memref<32x14x768xi32, #tpu.memory_space<hbm>>, %arg5: memref<10240x16xf32, #tpu.memory_space<hbm>>, %arg6: memref<344064x16xf32, #tpu.memory_space<hbm>>, %arg7: memref<2x10240x16xf32, #tpu.memory_space<hbm>>, %arg8: memref<14x768xi32, #tpu.memory_space<vmem>>, %arg9: memref<14x768xi32, #tpu.memory_space<vmem>>, %arg10: memref<768x16xf32, #tpu.memory_space<vmem>>, %arg11: memref<768x16xf32, #tpu.memory_space<vmem>>, %arg12: memref<768x16xf32, #tpu.memory_space<vmem>>, %arg13: memref<768x16xf32, #tpu.memory_space<vmem>>, %arg14: memref<768x16xf32, #tpu.memory_space<vmem>>, %arg15: memref<768x16xf32, #tpu.memory_space<vmem>>, %arg16: memref<10240x16xf32, #tpu.memory_space<vmem_shared>>, %arg17: memref<!tpu.dma_semaphore, #tpu.memory_space<semaphore_mem>>, %arg18: memref<!tpu.dma_semaphore, #tpu.memory_space<semaphore_mem>>, %arg19: memref<!tpu.dma_semaphore, #tpu.memory_space<semaphore_mem>>, %arg20: memref<!tpu.dma_semaphore, #tpu.memory_space<semaphore_mem>>, %arg21: memref<!tpu.dma_semaphore, #tpu.memory_space<semaphore_mem>>, %arg22: memref<!tpu.dma_semaphore, #tpu.memory_space<semaphore_mem>>, %arg23: memref<!tpu.dma_semaphore, #tpu.memory_space<semaphore_mem>>, %arg24: memref<!tpu.dma_semaphore, #tpu.memory_space<semaphore_mem>>) attributes {dimension_semantics = [#tpu.dimension_semantics<core_parallel>, #tpu.dimension_semantics<subcore_parallel>], iteration_bounds = array<i64: 2, 16>, scalar_prefetch = 0 : i64, scratch_operands = 17 : i64, tpu.core_type = #tpu.core_type<sc_vector_subcore>, window_params = [{transform_indices = #map}, {transform_indices = #map1}, {transform_indices = #map1}, {transform_indices = #map}, {transform_indices = #map}, {transform_indices = #map1}]} {
    %mul3A = arith.constant 16 : i32
    %mul3A_0 = arith.muli %arg0, %mul3A : i32
    %add3A = arith.addi %mul3A_0, %arg1 : i32
    %mul3A_1 = arith.constant 10752 : i32
    %mul3A_2 = arith.muli %add3A, %mul3A_1 : i32
    %mul3A_3 = arith.constant 640 : i32
    %mul3A_4 = arith.muli %arg1, %mul3A_3 : i32
    %mul3A_5 = arith.constant 640 : i32
    %mul3A_6 = arith.muli %arg1, %mul3A_5 : i32
    "tpu.region"() ({
      %run_scoped3A = tpu.sem_alloc : memref<!tpu.dma_semaphore, #tpu.memory_space<semaphore_mem>>
      %dma_start3A_64 = arith.constant 0 : i32
      %dma_start3A_65 = tpu.memref_slice %arg16[%mul3A_6, %dma_start3A_64] : memref<10240x16xf32, #tpu.memory_space<vmem_shared>> -> memref<640x16xf32, #tpu.memory_space<vmem_shared>>
      %dma_start3A_66 = arith.constant 0 : i32
      %dma_start3A_67 = tpu.memref_slice %arg5[%mul3A_4, %dma_start3A_66] : memref<10240x16xf32, #tpu.memory_space<hbm>> -> memref<640x16xf32, #tpu.memory_space<hbm>>
      tpu.enqueue_dma source(%dma_start3A_67 : memref<640x16xf32, #tpu.memory_space<hbm>>) target(%dma_start3A_65 : memref<640x16xf32, #tpu.memory_space<vmem_shared>>) target_semaphore(%run_scoped3A : memref<!tpu.dma_semaphore, #tpu.memory_space<semaphore_mem>>)
      %dma_wait3A_68 = arith.constant 0 : i32
      %dma_wait3A_69 = tpu.memref_slice %arg16[%mul3A_6, %dma_wait3A_68] : memref<10240x16xf32, #tpu.memory_space<vmem_shared>> -> memref<640x16xf32, #tpu.memory_space<vmem_shared>>
      %dma_wait3A_70 = arith.constant 0 : i32
      %dma_wait3A_71 = tpu.memref_slice %arg5[%mul3A_4, %dma_wait3A_70] : memref<10240x16xf32, #tpu.memory_space<hbm>> -> memref<640x16xf32, #tpu.memory_space<hbm>>
      tpu.wait_dma2 semaphore(%run_scoped3A : memref<!tpu.dma_semaphore, #tpu.memory_space<semaphore_mem>>) src(%dma_wait3A_71 : memref<640x16xf32, #tpu.memory_space<hbm>>) dst(%dma_wait3A_69 : memref<640x16xf32, #tpu.memory_space<vmem_shared>>)
      tpu.yield
    }) : () -> ()
    "tpu.region"() ({
      %run_scoped3A = tpu.sem_alloc : memref<!tpu.dma_semaphore, #tpu.memory_space<semaphore_mem>>
      %dma_start3A_64 = arith.constant 0 : i32
      %dma_start3A_65 = arith.constant 0 : i32
      %dma_start3A_66 = tpu.memref_slice %arg3[%add3A, %dma_start3A_64, %dma_start3A_65] : memref<32x14x768xi32, #tpu.memory_space<hbm>> -> memref<1x14x768xi32, #tpu.memory_space<hbm>>
      %dma_start3A_67 = tpu.memref_squeeze %dma_start3A_66 : memref<1x14x768xi32, #tpu.memory_space<hbm>> -> memref<14x768xi32, #tpu.memory_space<hbm>>
      %dma_start3A_68 = arith.constant 0 : i32
      %dma_start3A_69 = arith.constant 0 : i32
      %dma_start3A_70 = tpu.memref_slice %arg3[%add3A, %dma_start3A_68, %dma_start3A_69] : memref<32x14x768xi32, #tpu.memory_space<hbm>> -> memref<1x14x768xi32, #tpu.memory_space<hbm>>
      %dma_start3A_71 = tpu.memref_squeeze %dma_start3A_70 : memref<1x14x768xi32, #tpu.memory_space<hbm>> -> memref<14x768xi32, #tpu.memory_space<hbm>>
      tpu.enqueue_dma source(%dma_start3A_71 : memref<14x768xi32, #tpu.memory_space<hbm>>) target(%arg8 : memref<14x768xi32, #tpu.memory_space<vmem>>) target_semaphore(%run_scoped3A : memref<!tpu.dma_semaphore, #tpu.memory_space<semaphore_mem>>)
      %dma_wait3A_72 = arith.constant 0 : i32
      %dma_wait3A_73 = arith.constant 0 : i32
      %dma_wait3A_74 = tpu.memref_slice %arg3[%add3A, %dma_wait3A_72, %dma_wait3A_73] : memref<32x14x768xi32, #tpu.memory_space<hbm>> -> memref<1x14x768xi32, #tpu.memory_space<hbm>>
      %dma_wait3A_75 = tpu.memref_squeeze %dma_wait3A_74 : memref<1x14x768xi32, #tpu.memory_space<hbm>> -> memref<14x768xi32, #tpu.memory_space<hbm>>
      %dma_wait3A_76 = arith.constant 0 : i32
      %dma_wait3A_77 = arith.constant 0 : i32
      %dma_wait3A_78 = tpu.memref_slice %arg3[%add3A, %dma_wait3A_76, %dma_wait3A_77] : memref<32x14x768xi32, #tpu.memory_space<hbm>> -> memref<1x14x768xi32, #tpu.memory_space<hbm>>
      %dma_wait3A_79 = tpu.memref_squeeze %dma_wait3A_78 : memref<1x14x768xi32, #tpu.memory_space<hbm>> -> memref<14x768xi32, #tpu.memory_space<hbm>>
      tpu.wait_dma2 semaphore(%run_scoped3A : memref<!tpu.dma_semaphore, #tpu.memory_space<semaphore_mem>>) src(%dma_wait3A_79 : memref<14x768xi32, #tpu.memory_space<hbm>>) dst(%arg8 : memref<14x768xi32, #tpu.memory_space<vmem>>)
      tpu.yield
    }) : () -> ()
    "tpu.region"() ({
      %run_scoped3A = tpu.sem_alloc : memref<!tpu.dma_semaphore, #tpu.memory_space<semaphore_mem>>
      %dma_start3A_64 = arith.constant 0 : i32
      %dma_start3A_65 = arith.constant 0 : i32
      %dma_start3A_66 = tpu.memref_slice %arg4[%add3A, %dma_start3A_64, %dma_start3A_65] : memref<32x14x768xi32, #tpu.memory_space<hbm>> -> memref<1x14x768xi32, #tpu.memory_space<hbm>>
      %dma_start3A_67 = tpu.memref_squeeze %dma_start3A_66 : memref<1x14x768xi32, #tpu.memory_space<hbm>> -> memref<14x768xi32, #tpu.memory_space<hbm>>
      %dma_start3A_68 = arith.constant 0 : i32
      %dma_start3A_69 = arith.constant 0 : i32
      %dma_start3A_70 = tpu.memref_slice %arg4[%add3A, %dma_start3A_68, %dma_start3A_69] : memref<32x14x768xi32, #tpu.memory_space<hbm>> -> memref<1x14x768xi32, #tpu.memory_space<hbm>>
      %dma_start3A_71 = tpu.memref_squeeze %dma_start3A_70 : memref<1x14x768xi32, #tpu.memory_space<hbm>> -> memref<14x768xi32, #tpu.memory_space<hbm>>
      tpu.enqueue_dma source(%dma_start3A_71 : memref<14x768xi32, #tpu.memory_space<hbm>>) target(%arg9 : memref<14x768xi32, #tpu.memory_space<vmem>>) target_semaphore(%run_scoped3A : memref<!tpu.dma_semaphore, #tpu.memory_space<semaphore_mem>>)
      %dma_wait3A_72 = arith.constant 0 : i32
      %dma_wait3A_73 = arith.constant 0 : i32
      %dma_wait3A_74 = tpu.memref_slice %arg4[%add3A, %dma_wait3A_72, %dma_wait3A_73] : memref<32x14x768xi32, #tpu.memory_space<hbm>> -> memref<1x14x768xi32, #tpu.memory_space<hbm>>
      %dma_wait3A_75 = tpu.memref_squeeze %dma_wait3A_74 : memref<1x14x768xi32, #tpu.memory_space<hbm>> -> memref<14x768xi32, #tpu.memory_space<hbm>>
      %dma_wait3A_76 = arith.constant 0 : i32
      %dma_wait3A_77 = arith.constant 0 : i32
      %dma_wait3A_78 = tpu.memref_slice %arg4[%add3A, %dma_wait3A_76, %dma_wait3A_77] : memref<32x14x768xi32, #tpu.memory_space<hbm>> -> memref<1x14x768xi32, #tpu.memory_space<hbm>>
      %dma_wait3A_79 = tpu.memref_squeeze %dma_wait3A_78 : memref<1x14x768xi32, #tpu.memory_space<hbm>> -> memref<14x768xi32, #tpu.memory_space<hbm>>
      tpu.wait_dma2 semaphore(%run_scoped3A : memref<!tpu.dma_semaphore, #tpu.memory_space<semaphore_mem>>) src(%dma_wait3A_79 : memref<14x768xi32, #tpu.memory_space<hbm>>) dst(%arg9 : memref<14x768xi32, #tpu.memory_space<vmem>>)
      tpu.yield
    }) : () -> ()
    %broadcast_in_dim3A = arith.constant 0.000000e+00 : f32
    %broadcast_in_dim3A_7 = vector.broadcast %broadcast_in_dim3A : f32 to vector<16xf32>
    %scan3A = arith.constant 0 : i32
    %scan3A_8 = arith.constant 768 : i32
    %scan3A_9 = arith.addi %scan3A, %scan3A_8 : i32
    %scan3A_10 = arith.constant 1 : i32
    scf.for %scan3A_64 = %scan3A to %scan3A_9 step %scan3A_10  : i32 {
      %mul3A_65 = arith.constant 1 : i32
      %mul3A_66 = arith.muli %scan3A_64, %mul3A_65 : i32
      %add3A_67 = arith.constant 0 : i32
      %add3A_68 = arith.addi %add3A_67, %mul3A_66 : i32
      %swap3A = arith.index_cast %add3A_68 : i32 to index
      %swap3A_69 = arith.constant 0 : index
      %swap3A_70 = tpu.vector_load %arg14[%swap3A, %swap3A_69] {strides = array<i32>} : memref<768x16xf32, #tpu.memory_space<vmem>>, vector<16xf32>,
      tpu.vector_store %arg14[%swap3A, %swap3A_69], %broadcast_in_dim3A_7 {strides = array<i32>} : memref<768x16xf32, #tpu.memory_space<vmem>>, vector<16xf32>,
      %swap3A_71 = arith.index_cast %add3A_68 : i32 to index
      %swap3A_72 = arith.constant 0 : index
      %swap3A_73 = tpu.vector_load %arg15[%swap3A_71, %swap3A_72] {strides = array<i32>} : memref<768x16xf32, #tpu.memory_space<vmem>>, vector<16xf32>,
      tpu.vector_store %arg15[%swap3A_71, %swap3A_72], %broadcast_in_dim3A_7 {strides = array<i32>} : memref<768x16xf32, #tpu.memory_space<vmem>>, vector<16xf32>,
    }
    %scan3A_11 = arith.constant 768 : i32
    %barrier3A = arith.constant 0 : index
    tpu.barrier barrier_id(%barrier3A)
    %iota3A = tpu.iota {dimensions = array<i32: 0>} : vector<16xi32>
    %and3A = arith.constant 7 : i32
    %and3A_12 = vector.broadcast %and3A : i32 to vector<16xi32>
    %and3A_13 = arith.andi %iota3A, %and3A_12 : vector<16xi32>
    %shift_right_arithmetic3A = arith.constant 3 : i32
    %shift_right_arithmetic3A_14 = vector.broadcast %shift_right_arithmetic3A : i32 to vector<16xi32>
    %shift_right_arithmetic3A_15 = arith.shrsi %iota3A, %shift_right_arithmetic3A_14 : vector<16xi32>
    %dma_start3A = arith.constant 0 : i32
    %dma_start3A_16 = arith.constant 0 : i32
    %dma_start3A_17 = tpu.memref_slice %arg8[%dma_start3A, %dma_start3A_16] : memref<14x768xi32, #tpu.memory_space<vmem>> -> memref<1x768xi32, #tpu.memory_space<vmem>>
    %dma_start3A_18 = tpu.memref_squeeze %dma_start3A_17 : memref<1x768xi32, #tpu.memory_space<vmem>> -> memref<768xi32, #tpu.memory_space<vmem>>
    %dma_start3A_19 = arith.constant 0 : i32
    %dma_start3A_20 = arith.constant 0 : i32
    %dma_start3A_21 = tpu.memref_slice %arg2[%dma_start3A_19, %dma_start3A_20] : memref<10240x16xf32, #tpu.memory_space<hbm>> -> memref<10240x16xf32, #tpu.memory_space<hbm>>
    tpu.enqueue_indirect_dma source(%dma_start3A_21 : memref<10240x16xf32, #tpu.memory_space<hbm>>) target(%arg10 : memref<768x16xf32, #tpu.memory_space<vmem>>) offsets(%dma_start3A_18 : memref<768xi32, #tpu.memory_space<vmem>>) semaphore(%arg17 : memref<!tpu.dma_semaphore, #tpu.memory_space<semaphore_mem>>)
    %dma_start3A_22 = arith.constant 0 : i32
    %dma_start3A_23 = arith.constant 0 : i32
    %dma_start3A_24 = tpu.memref_slice %arg9[%dma_start3A_22, %dma_start3A_23] : memref<14x768xi32, #tpu.memory_space<vmem>> -> memref<1x768xi32, #tpu.memory_space<vmem>>
    %dma_start3A_25 = tpu.memref_squeeze %dma_start3A_24 : memref<1x768xi32, #tpu.memory_space<vmem>> -> memref<768xi32, #tpu.memory_space<vmem>>
    %dma_start3A_26 = arith.constant 0 : i32
    %dma_start3A_27 = arith.constant 0 : i32
    %dma_start3A_28 = tpu.memref_slice %arg2[%dma_start3A_26, %dma_start3A_27] : memref<10240x16xf32, #tpu.memory_space<hbm>> -> memref<10240x16xf32, #tpu.memory_space<hbm>>
    tpu.enqueue_indirect_dma source(%dma_start3A_28 : memref<10240x16xf32, #tpu.memory_space<hbm>>) target(%arg12 : memref<768x16xf32, #tpu.memory_space<vmem>>) offsets(%dma_start3A_25 : memref<768xi32, #tpu.memory_space<vmem>>) semaphore(%arg19 : memref<!tpu.dma_semaphore, #tpu.memory_space<semaphore_mem>>)
    %scan3A_29 = arith.constant 0 : i32
    %scan3A_30 = arith.constant 7 : i32
    %scan3A_31 = arith.addi %scan3A_29, %scan3A_30 : i32
    %scan3A_32 = arith.constant 1 : i32
    scf.for %scan3A_64 = %scan3A_29 to %scan3A_31 step %scan3A_32  : i32 {
      %mul3A_65 = arith.constant 1 : i32
      %mul3A_66 = arith.muli %scan3A_64, %mul3A_65 : i32
      %add3A_67 = arith.constant 0 : i32
      %add3A_68 = arith.addi %add3A_67, %mul3A_66 : i32
      %mul3A_69 = arith.constant 2 : i32
      %mul3A_70 = arith.muli %mul3A_69, %add3A_68 : i32
      %add3A_71 = arith.constant 0 : i32
      %add3A_72 = arith.addi %mul3A_70, %add3A_71 : i32
      %add3A_73 = arith.constant 1 : i32
      %add3A_74 = arith.addi %add3A_72, %add3A_73 : i32
      %lt3A = arith.constant 14 : i32
      %lt3A_75 = arith.cmpi slt, %add3A_74, %lt3A : i32
      %convert_element_type3A = arith.extui %lt3A_75 : i1 to i32
      %cond3A = arith.constant 0 : i32
      %cond3A_76 = arith.cmpi ne, %convert_element_type3A, %cond3A : i32
      scf.if %cond3A_76 {
        %add3A_157 = arith.constant 1 : i32
        %add3A_158 = arith.addi %add3A_72, %add3A_157 : i32
        %dma_start3A_159 = arith.constant 0 : i32
        %dma_start3A_160 = tpu.memref_slice %arg8[%add3A_158, %dma_start3A_159] : memref<14x768xi32, #tpu.memory_space<vmem>> -> memref<1x768xi32, #tpu.memory_space<vmem>>
        %dma_start3A_161 = tpu.memref_squeeze %dma_start3A_160 : memref<1x768xi32, #tpu.memory_space<vmem>> -> memref<768xi32, #tpu.memory_space<vmem>>
        %dma_start3A_162 = arith.constant 0 : i32
        %dma_start3A_163 = arith.constant 0 : i32
        %dma_start3A_164 = tpu.memref_slice %arg2[%dma_start3A_162, %dma_start3A_163] : memref<10240x16xf32, #tpu.memory_space<hbm>> -> memref<10240x16xf32, #tpu.memory_space<hbm>>
        tpu.enqueue_indirect_dma source(%dma_start3A_164 : memref<10240x16xf32, #tpu.memory_space<hbm>>) target(%arg11 : memref<768x16xf32, #tpu.memory_space<vmem>>) offsets(%dma_start3A_161 : memref<768xi32, #tpu.memory_space<vmem>>) semaphore(%arg18 : memref<!tpu.dma_semaphore, #tpu.memory_space<semaphore_mem>>)
        %dma_start3A_165 = arith.constant 0 : i32
        %dma_start3A_166 = tpu.memref_slice %arg9[%add3A_158, %dma_start3A_165] : memref<14x768xi32, #tpu.memory_space<vmem>> -> memref<1x768xi32, #tpu.memory_space<vmem>>
        %dma_start3A_167 = tpu.memref_squeeze %dma_start3A_166 : memref<1x768xi32, #tpu.memory_space<vmem>> -> memref<768xi32, #tpu.memory_space<vmem>>
        %dma_start3A_168 = arith.constant 0 : i32
        %dma_start3A_169 = arith.constant 0 : i32
        %dma_start3A_170 = tpu.memref_slice %arg2[%dma_start3A_168, %dma_start3A_169] : memref<10240x16xf32, #tpu.memory_space<hbm>> -> memref<10240x16xf32, #tpu.memory_space<hbm>>
        tpu.enqueue_indirect_dma source(%dma_start3A_170 : memref<10240x16xf32, #tpu.memory_space<hbm>>) target(%arg13 : memref<768x16xf32, #tpu.memory_space<vmem>>) offsets(%dma_start3A_167 : memref<768xi32, #tpu.memory_space<vmem>>) semaphore(%arg20 : memref<!tpu.dma_semaphore, #tpu.memory_space<semaphore_mem>>)
      } else {
      }
      %dma_wait3A_77 = arith.constant 0 : i32
      %dma_wait3A_78 = tpu.memref_slice %arg8[%add3A_72, %dma_wait3A_77] : memref<14x768xi32, #tpu.memory_space<vmem>> -> memref<1x768xi32, #tpu.memory_space<vmem>>
      %dma_wait3A_79 = tpu.memref_squeeze %dma_wait3A_78 : memref<1x768xi32, #tpu.memory_space<vmem>> -> memref<768xi32, #tpu.memory_space<vmem>>
      %dma_wait3A_80 = arith.constant 0 : i32
      %dma_wait3A_81 = arith.constant 0 : i32
      %dma_wait3A_82 = tpu.memref_slice %arg2[%dma_wait3A_80, %dma_wait3A_81] : memref<10240x16xf32, #tpu.memory_space<hbm>> -> memref<10240x16xf32, #tpu.memory_space<hbm>>
      tpu.wait_indirect_dma semaphore(%arg17 : memref<!tpu.dma_semaphore, #tpu.memory_space<semaphore_mem>>) src(%dma_wait3A_82 : memref<10240x16xf32, #tpu.memory_space<hbm>>) dst(%arg10 : memref<768x16xf32, #tpu.memory_space<vmem>>)
      %dma_wait3A_83 = arith.constant 0 : i32
      %dma_wait3A_84 = tpu.memref_slice %arg9[%add3A_72, %dma_wait3A_83] : memref<14x768xi32, #tpu.memory_space<vmem>> -> memref<1x768xi32, #tpu.memory_space<vmem>>
      %dma_wait3A_85 = tpu.memref_squeeze %dma_wait3A_84 : memref<1x768xi32, #tpu.memory_space<vmem>> -> memref<768xi32, #tpu.memory_space<vmem>>
      %dma_wait3A_86 = arith.constant 0 : i32
      %dma_wait3A_87 = arith.constant 0 : i32
      %dma_wait3A_88 = tpu.memref_slice %arg2[%dma_wait3A_86, %dma_wait3A_87] : memref<10240x16xf32, #tpu.memory_space<hbm>> -> memref<10240x16xf32, #tpu.memory_space<hbm>>
      tpu.wait_indirect_dma semaphore(%arg19 : memref<!tpu.dma_semaphore, #tpu.memory_space<semaphore_mem>>) src(%dma_wait3A_88 : memref<10240x16xf32, #tpu.memory_space<hbm>>) dst(%arg12 : memref<768x16xf32, #tpu.memory_space<vmem>>)
      %ge3A = arith.constant 2 : i32
      %ge3A_89 = arith.cmpi sge, %add3A_72, %ge3A : i32
      %convert_element_type3A_90 = arith.extui %ge3A_89 : i1 to i32
      %cond3A_91 = arith.constant 0 : i32
      %cond3A_92 = arith.cmpi ne, %convert_element_type3A_90, %cond3A_91 : i32
      scf.if %cond3A_92 {
        %sub3A = arith.constant 2 : i32
        %sub3A_157 = arith.subi %add3A_72, %sub3A : i32
        %mul3A_158 = arith.constant 768 : i32
        %mul3A_159 = arith.muli %sub3A_157, %mul3A_158 : i32
        %add3A_160 = arith.addi %mul3A_2, %mul3A_159 : i32
        %dma_wait3A_161 = arith.constant 0 : i32
        %dma_wait3A_162 = tpu.memref_slice %arg6[%add3A_160, %dma_wait3A_161] : memref<344064x16xf32, #tpu.memory_space<hbm>> -> memref<768x16xf32, #tpu.memory_space<hbm>>
        %dma_wait3A_163 = arith.constant 0 : i32
        %dma_wait3A_164 = tpu.memref_slice %arg6[%add3A_160, %dma_wait3A_163] : memref<344064x16xf32, #tpu.memory_space<hbm>> -> memref<768x16xf32, #tpu.memory_space<hbm>>
        tpu.wait_dma2 semaphore(%arg21 : memref<!tpu.dma_semaphore, #tpu.memory_space<semaphore_mem>>) src(%arg14 : memref<768x16xf32, #tpu.memory_space<vmem>>) dst(%dma_wait3A_164 : memref<768x16xf32, #tpu.memory_space<hbm>>)
        %dma_wait3A_165 = arith.constant 0 : i32
        %dma_wait3A_166 = tpu.memref_slice %arg9[%sub3A_157, %dma_wait3A_165] : memref<14x768xi32, #tpu.memory_space<vmem>> -> memref<1x768xi32, #tpu.memory_space<vmem>>
        %dma_wait3A_167 = tpu.memref_squeeze %dma_wait3A_166 : memref<1x768xi32, #tpu.memory_space<vmem>> -> memref<768xi32, #tpu.memory_space<vmem>>
        %dma_wait3A_168 = arith.constant 0 : i32
        %dma_wait3A_169 = arith.constant 0 : i32
        %dma_wait3A_170 = tpu.memref_slice %arg16[%dma_wait3A_168, %dma_wait3A_169] : memref<10240x16xf32, #tpu.memory_space<vmem_shared>> -> memref<10240x16xf32, #tpu.memory_space<vmem_shared>>
        tpu.wait_indirect_dma semaphore(%arg23 : memref<!tpu.dma_semaphore, #tpu.memory_space<semaphore_mem>>) src(%arg14 : memref<768x16xf32, #tpu.memory_space<vmem>>) dst(%dma_wait3A_170 : memref<10240x16xf32, #tpu.memory_space<vmem_shared>>)
      } else {
      }
      %scan3A_93 = arith.constant 0 : i32
      %scan3A_94 = arith.constant 384 : i32
      %scan3A_95 = arith.addi %scan3A_93, %scan3A_94 : i32
      %scan3A_96 = arith.constant 1 : i32
      scf.for %scan3A_157 = %scan3A_93 to %scan3A_95 step %scan3A_96  : i32 {
        %mul3A_158 = arith.constant 1 : i32
        %mul3A_159 = arith.muli %scan3A_157, %mul3A_158 : i32
        %add3A_160 = arith.constant 0 : i32
        %add3A_161 = arith.addi %add3A_160, %mul3A_159 : i32
        %mul3A_162 = arith.constant 2 : i32
        %mul3A_163 = arith.muli %mul3A_162, %add3A_161 : i32
        %add3A_164 = vector.broadcast %mul3A_163 : i32 to vector<16xi32>
        %add3A_165 = arith.addi %add3A_164, %shift_right_arithmetic3A_15 : vector<16xi32>
        %gather3A = tpu.vector_load_idx %arg10[%add3A_165, %and3A_13] : memref<768x16xf32, #tpu.memory_space<vmem>>[vector<16xi32>, vector<16xi32>], vector<16xf32>,
        %add3A_166 = arith.constant 8 : i32
        %add3A_167 = vector.broadcast %add3A_166 : i32 to vector<16xi32>
        %add3A_168 = arith.addi %and3A_13, %add3A_167 : vector<16xi32>
        %gather3A_169 = tpu.vector_load_idx %arg12[%add3A_165, %add3A_168] : memref<768x16xf32, #tpu.memory_space<vmem>>[vector<16xi32>, vector<16xi32>], vector<16xf32>,
        %add3A_170 = arith.addf %gather3A, %gather3A_169 : vector<16xf32>
        %gt3A = arith.constant 0.000000e+00 : f32
        %gt3A_171 = vector.broadcast %gt3A : f32 to vector<16xf32>
        %gt3A_172 = arith.cmpf ogt, %add3A_170, %gt3A_171 : vector<16xf32>
        %mul3A_173 = arith.constant 2.000000e-01 : f32
        %mul3A_174 = vector.broadcast %mul3A_173 : f32 to vector<16xf32>
        %mul3A_175 = arith.mulf %mul3A_174, %add3A_170 : vector<16xf32>
        %select_n3A = arith.select %gt3A_172, %add3A_170, %mul3A_175 : vector<16xi1>, vector<16xf32>
        %exp3A = math.exp %select_n3A : vector<16xf32>
        tpu.vector_store_idx %arg14[%add3A_165, %and3A_13], %exp3A : memref<768x16xf32, #tpu.memory_space<vmem>>[vector<16xi32>, vector<16xi32>], vector<16xf32>,
      }
      %scan3A_97 = arith.constant 384 : i32
      %mul3A_98 = arith.constant 768 : i32
      %mul3A_99 = arith.muli %add3A_72, %mul3A_98 : i32
      %add3A_100 = arith.addi %mul3A_2, %mul3A_99 : i32
      %dma_start3A_101 = arith.constant 0 : i32
      %dma_start3A_102 = tpu.memref_slice %arg6[%add3A_100, %dma_start3A_101] : memref<344064x16xf32, #tpu.memory_space<hbm>> -> memref<768x16xf32, #tpu.memory_space<hbm>>
      %dma_start3A_103 = arith.constant 0 : i32
      %dma_start3A_104 = tpu.memref_slice %arg6[%add3A_100, %dma_start3A_103] : memref<344064x16xf32, #tpu.memory_space<hbm>> -> memref<768x16xf32, #tpu.memory_space<hbm>>
      tpu.enqueue_dma source(%arg14 : memref<768x16xf32, #tpu.memory_space<vmem>>) target(%dma_start3A_104 : memref<768x16xf32, #tpu.memory_space<hbm>>) target_semaphore(%arg21 : memref<!tpu.dma_semaphore, #tpu.memory_space<semaphore_mem>>)
      %dma_start3A_105 = arith.constant 0 : i32
      %dma_start3A_106 = tpu.memref_slice %arg9[%add3A_72, %dma_start3A_105] : memref<14x768xi32, #tpu.memory_space<vmem>> -> memref<1x768xi32, #tpu.memory_space<vmem>>
      %dma_start3A_107 = tpu.memref_squeeze %dma_start3A_106 : memref<1x768xi32, #tpu.memory_space<vmem>> -> memref<768xi32, #tpu.memory_space<vmem>>
      %dma_start3A_108 = arith.constant 0 : i32
      %dma_start3A_109 = arith.constant 0 : i32
      %dma_start3A_110 = tpu.memref_slice %arg16[%dma_start3A_108, %dma_start3A_109] : memref<10240x16xf32, #tpu.memory_space<vmem_shared>> -> memref<10240x16xf32, #tpu.memory_space<vmem_shared>>
      tpu.enqueue_indirect_dma source(%arg14 : memref<768x16xf32, #tpu.memory_space<vmem>>) target(%dma_start3A_110 : memref<10240x16xf32, #tpu.memory_space<vmem_shared>>) offsets(%dma_start3A_107 : memref<768xi32, #tpu.memory_space<vmem>>) semaphore(%arg23 : memref<!tpu.dma_semaphore, #tpu.memory_space<semaphore_mem>>) {add = true}
      %mul3A_111 = arith.constant 2 : i32
      %mul3A_112 = arith.muli %mul3A_111, %add3A_68 : i32
      %add3A_113 = arith.constant 1 : i32
      %add3A_114 = arith.addi %mul3A_112, %add3A_113 : i32
      %add3A_115 = arith.constant 1 : i32
      %add3A_116 = arith.addi %add3A_114, %add3A_115 : i32
      %lt3A_117 = arith.constant 14 : i32
      %lt3A_118 = arith.cmpi slt, %add3A_116, %lt3A_117 : i32
      %convert_element_type3A_119 = arith.extui %lt3A_118 : i1 to i32
      %cond3A_120 = arith.constant 0 : i32
      %cond3A_121 = arith.cmpi ne, %convert_element_type3A_119, %cond3A_120 : i32
      scf.if %cond3A_121 {
        %add3A_157 = arith.constant 1 : i32
        %add3A_158 = arith.addi %add3A_114, %add3A_157 : i32
        %dma_start3A_159 = arith.constant 0 : i32
        %dma_start3A_160 = tpu.memref_slice %arg8[%add3A_158, %dma_start3A_159] : memref<14x768xi32, #tpu.memory_space<vmem>> -> memref<1x768xi32, #tpu.memory_space<vmem>>
        %dma_start3A_161 = tpu.memref_squeeze %dma_start3A_160 : memref<1x768xi32, #tpu.memory_space<vmem>> -> memref<768xi32, #tpu.memory_space<vmem>>
        %dma_start3A_162 = arith.constant 0 : i32
        %dma_start3A_163 = arith.constant 0 : i32
        %dma_start3A_164 = tpu.memref_slice %arg2[%dma_start3A_162, %dma_start3A_163] : memref<10240x16xf32, #tpu.memory_space<hbm>> -> memref<10240x16xf32, #tpu.memory_space<hbm>>
        tpu.enqueue_indirect_dma source(%dma_start3A_164 : memref<10240x16xf32, #tpu.memory_space<hbm>>) target(%arg10 : memref<768x16xf32, #tpu.memory_space<vmem>>) offsets(%dma_start3A_161 : memref<768xi32, #tpu.memory_space<vmem>>) semaphore(%arg17 : memref<!tpu.dma_semaphore, #tpu.memory_space<semaphore_mem>>)
        %dma_start3A_165 = arith.constant 0 : i32
        %dma_start3A_166 = tpu.memref_slice %arg9[%add3A_158, %dma_start3A_165] : memref<14x768xi32, #tpu.memory_space<vmem>> -> memref<1x768xi32, #tpu.memory_space<vmem>>
        %dma_start3A_167 = tpu.memref_squeeze %dma_start3A_166 : memref<1x768xi32, #tpu.memory_space<vmem>> -> memref<768xi32, #tpu.memory_space<vmem>>
        %dma_start3A_168 = arith.constant 0 : i32
        %dma_start3A_169 = arith.constant 0 : i32
        %dma_start3A_170 = tpu.memref_slice %arg2[%dma_start3A_168, %dma_start3A_169] : memref<10240x16xf32, #tpu.memory_space<hbm>> -> memref<10240x16xf32, #tpu.memory_space<hbm>>
        tpu.enqueue_indirect_dma source(%dma_start3A_170 : memref<10240x16xf32, #tpu.memory_space<hbm>>) target(%arg12 : memref<768x16xf32, #tpu.memory_space<vmem>>) offsets(%dma_start3A_167 : memref<768xi32, #tpu.memory_space<vmem>>) semaphore(%arg19 : memref<!tpu.dma_semaphore, #tpu.memory_space<semaphore_mem>>)
      } else {
      }
      %dma_wait3A_122 = arith.constant 0 : i32
      %dma_wait3A_123 = tpu.memref_slice %arg8[%add3A_114, %dma_wait3A_122] : memref<14x768xi32, #tpu.memory_space<vmem>> -> memref<1x768xi32, #tpu.memory_space<vmem>>
      %dma_wait3A_124 = tpu.memref_squeeze %dma_wait3A_123 : memref<1x768xi32, #tpu.memory_space<vmem>> -> memref<768xi32, #tpu.memory_space<vmem>>
      %dma_wait3A_125 = arith.constant 0 : i32
      %dma_wait3A_126 = arith.constant 0 : i32
      %dma_wait3A_127 = tpu.memref_slice %arg2[%dma_wait3A_125, %dma_wait3A_126] : memref<10240x16xf32, #tpu.memory_space<hbm>> -> memref<10240x16xf32, #tpu.memory_space<hbm>>
      tpu.wait_indirect_dma semaphore(%arg18 : memref<!tpu.dma_semaphore, #tpu.memory_space<semaphore_mem>>) src(%dma_wait3A_127 : memref<10240x16xf32, #tpu.memory_space<hbm>>) dst(%arg11 : memref<768x16xf32, #tpu.memory_space<vmem>>)
      %dma_wait3A_128 = arith.constant 0 : i32
      %dma_wait3A_129 = tpu.memref_slice %arg9[%add3A_114, %dma_wait3A_128] : memref<14x768xi32, #tpu.memory_space<vmem>> -> memref<1x768xi32, #tpu.memory_space<vmem>>
      %dma_wait3A_130 = tpu.memref_squeeze %dma_wait3A_129 : memref<1x768xi32, #tpu.memory_space<vmem>> -> memref<768xi32, #tpu.memory_space<vmem>>
      %dma_wait3A_131 = arith.constant 0 : i32
      %dma_wait3A_132 = arith.constant 0 : i32
      %dma_wait3A_133 = tpu.memref_slice %arg2[%dma_wait3A_131, %dma_wait3A_132] : memref<10240x16xf32, #tpu.memory_space<hbm>> -> memref<10240x16xf32, #tpu.memory_space<hbm>>
      tpu.wait_indirect_dma semaphore(%arg20 : memref<!tpu.dma_semaphore, #tpu.memory_space<semaphore_mem>>) src(%dma_wait3A_133 : memref<10240x16xf32, #tpu.memory_space<hbm>>) dst(%arg13 : memref<768x16xf32, #tpu.memory_space<vmem>>)
      %ge3A_134 = arith.constant 2 : i32
      %ge3A_135 = arith.cmpi sge, %add3A_114, %ge3A_134 : i32
      %convert_element_type3A_136 = arith.extui %ge3A_135 : i1 to i32
      %cond3A_137 = arith.constant 0 : i32
      %cond3A_138 = arith.cmpi ne, %convert_element_type3A_136, %cond3A_137 : i32
      scf.if %cond3A_138 {
        %sub3A = arith.constant 2 : i32
        %sub3A_157 = arith.subi %add3A_114, %sub3A : i32
        %mul3A_158 = arith.constant 768 : i32
        %mul3A_159 = arith.muli %sub3A_157, %mul3A_158 : i32
        %add3A_160 = arith.addi %mul3A_2, %mul3A_159 : i32
        %dma_wait3A_161 = arith.constant 0 : i32
        %dma_wait3A_162 = tpu.memref_slice %arg6[%add3A_160, %dma_wait3A_161] : memref<344064x16xf32, #tpu.memory_space<hbm>> -> memref<768x16xf32, #tpu.memory_space<hbm>>
        %dma_wait3A_163 = arith.constant 0 : i32
        %dma_wait3A_164 = tpu.memref_slice %arg6[%add3A_160, %dma_wait3A_163] : memref<344064x16xf32, #tpu.memory_space<hbm>> -> memref<768x16xf32, #tpu.memory_space<hbm>>
        tpu.wait_dma2 semaphore(%arg22 : memref<!tpu.dma_semaphore, #tpu.memory_space<semaphore_mem>>) src(%arg15 : memref<768x16xf32, #tpu.memory_space<vmem>>) dst(%dma_wait3A_164 : memref<768x16xf32, #tpu.memory_space<hbm>>)
        %dma_wait3A_165 = arith.constant 0 : i32
        %dma_wait3A_166 = tpu.memref_slice %arg9[%sub3A_157, %dma_wait3A_165] : memref<14x768xi32, #tpu.memory_space<vmem>> -> memref<1x768xi32, #tpu.memory_space<vmem>>
        %dma_wait3A_167 = tpu.memref_squeeze %dma_wait3A_166 : memref<1x768xi32, #tpu.memory_space<vmem>> -> memref<768xi32, #tpu.memory_space<vmem>>
        %dma_wait3A_168 = arith.constant 0 : i32
        %dma_wait3A_169 = arith.constant 0 : i32
        %dma_wait3A_170 = tpu.memref_slice %arg16[%dma_wait3A_168, %dma_wait3A_169] : memref<10240x16xf32, #tpu.memory_space<vmem_shared>> -> memref<10240x16xf32, #tpu.memory_space<vmem_shared>>
        tpu.wait_indirect_dma semaphore(%arg24 : memref<!tpu.dma_semaphore, #tpu.memory_space<semaphore_mem>>) src(%arg15 : memref<768x16xf32, #tpu.memory_space<vmem>>) dst(%dma_wait3A_170 : memref<10240x16xf32, #tpu.memory_space<vmem_shared>>)
      } else {
      }
      %scan3A_139 = arith.constant 0 : i32
      %scan3A_140 = arith.constant 384 : i32
      %scan3A_141 = arith.addi %scan3A_139, %scan3A_140 : i32
      %scan3A_142 = arith.constant 1 : i32
      scf.for %scan3A_157 = %scan3A_139 to %scan3A_141 step %scan3A_142  : i32 {
        %mul3A_158 = arith.constant 1 : i32
        %mul3A_159 = arith.muli %scan3A_157, %mul3A_158 : i32
        %add3A_160 = arith.constant 0 : i32
        %add3A_161 = arith.addi %add3A_160, %mul3A_159 : i32
        %mul3A_162 = arith.constant 2 : i32
        %mul3A_163 = arith.muli %mul3A_162, %add3A_161 : i32
        %add3A_164 = vector.broadcast %mul3A_163 : i32 to vector<16xi32>
        %add3A_165 = arith.addi %add3A_164, %shift_right_arithmetic3A_15 : vector<16xi32>
        %gather3A = tpu.vector_load_idx %arg11[%add3A_165, %and3A_13] : memref<768x16xf32, #tpu.memory_space<vmem>>[vector<16xi32>, vector<16xi32>], vector<16xf32>,
        %add3A_166 = arith.constant 8 : i32
        %add3A_167 = vector.broadcast %add3A_166 : i32 to vector<16xi32>
        %add3A_168 = arith.addi %and3A_13, %add3A_167 : vector<16xi32>
        %gather3A_169 = tpu.vector_load_idx %arg13[%add3A_165, %add3A_168] : memref<768x16xf32, #tpu.memory_space<vmem>>[vector<16xi32>, vector<16xi32>], vector<16xf32>,
        %add3A_170 = arith.addf %gather3A, %gather3A_169 : vector<16xf32>
        %gt3A = arith.constant 0.000000e+00 : f32
        %gt3A_171 = vector.broadcast %gt3A : f32 to vector<16xf32>
        %gt3A_172 = arith.cmpf ogt, %add3A_170, %gt3A_171 : vector<16xf32>
        %mul3A_173 = arith.constant 2.000000e-01 : f32
        %mul3A_174 = vector.broadcast %mul3A_173 : f32 to vector<16xf32>
        %mul3A_175 = arith.mulf %mul3A_174, %add3A_170 : vector<16xf32>
        %select_n3A = arith.select %gt3A_172, %add3A_170, %mul3A_175 : vector<16xi1>, vector<16xf32>
        %exp3A = math.exp %select_n3A : vector<16xf32>
        tpu.vector_store_idx %arg15[%add3A_165, %and3A_13], %exp3A : memref<768x16xf32, #tpu.memory_space<vmem>>[vector<16xi32>, vector<16xi32>], vector<16xf32>,
      }
      %scan3A_143 = arith.constant 384 : i32
      %mul3A_144 = arith.constant 768 : i32
      %mul3A_145 = arith.muli %add3A_114, %mul3A_144 : i32
      %add3A_146 = arith.addi %mul3A_2, %mul3A_145 : i32
      %dma_start3A_147 = arith.constant 0 : i32
      %dma_start3A_148 = tpu.memref_slice %arg6[%add3A_146, %dma_start3A_147] : memref<344064x16xf32, #tpu.memory_space<hbm>> -> memref<768x16xf32, #tpu.memory_space<hbm>>
      %dma_start3A_149 = arith.constant 0 : i32
      %dma_start3A_150 = tpu.memref_slice %arg6[%add3A_146, %dma_start3A_149] : memref<344064x16xf32, #tpu.memory_space<hbm>> -> memref<768x16xf32, #tpu.memory_space<hbm>>
      tpu.enqueue_dma source(%arg15 : memref<768x16xf32, #tpu.memory_space<vmem>>) target(%dma_start3A_150 : memref<768x16xf32, #tpu.memory_space<hbm>>) target_semaphore(%arg22 : memref<!tpu.dma_semaphore, #tpu.memory_space<semaphore_mem>>)
      %dma_start3A_151 = arith.constant 0 : i32
      %dma_start3A_152 = tpu.memref_slice %arg9[%add3A_114, %dma_start3A_151] : memref<14x768xi32, #tpu.memory_space<vmem>> -> memref<1x768xi32, #tpu.memory_space<vmem>>
      %dma_start3A_153 = tpu.memref_squeeze %dma_start3A_152 : memref<1x768xi32, #tpu.memory_space<vmem>> -> memref<768xi32, #tpu.memory_space<vmem>>
      %dma_start3A_154 = arith.constant 0 : i32
      %dma_start3A_155 = arith.constant 0 : i32
      %dma_start3A_156 = tpu.memref_slice %arg16[%dma_start3A_154, %dma_start3A_155] : memref<10240x16xf32, #tpu.memory_space<vmem_shared>> -> memref<10240x16xf32, #tpu.memory_space<vmem_shared>>
      tpu.enqueue_indirect_dma source(%arg15 : memref<768x16xf32, #tpu.memory_space<vmem>>) target(%dma_start3A_156 : memref<10240x16xf32, #tpu.memory_space<vmem_shared>>) offsets(%dma_start3A_153 : memref<768xi32, #tpu.memory_space<vmem>>) semaphore(%arg24 : memref<!tpu.dma_semaphore, #tpu.memory_space<semaphore_mem>>) {add = true}
    }
    %scan3A_33 = arith.constant 7 : i32
    %add3A_34 = arith.constant 9216 : i32
    %add3A_35 = arith.addi %mul3A_2, %add3A_34 : i32
    %dma_wait3A = arith.constant 0 : i32
    %dma_wait3A_36 = tpu.memref_slice %arg6[%add3A_35, %dma_wait3A] : memref<344064x16xf32, #tpu.memory_space<hbm>> -> memref<768x16xf32, #tpu.memory_space<hbm>>
    %dma_wait3A_37 = arith.constant 0 : i32
    %dma_wait3A_38 = tpu.memref_slice %arg6[%add3A_35, %dma_wait3A_37] : memref<344064x16xf32, #tpu.memory_space<hbm>> -> memref<768x16xf32, #tpu.memory_space<hbm>>
    tpu.wait_dma2 semaphore(%arg21 : memref<!tpu.dma_semaphore, #tpu.memory_space<semaphore_mem>>) src(%arg14 : memref<768x16xf32, #tpu.memory_space<vmem>>) dst(%dma_wait3A_38 : memref<768x16xf32, #tpu.memory_space<hbm>>)
    %dma_wait3A_39 = arith.constant 12 : i32
    %dma_wait3A_40 = arith.constant 0 : i32
    %dma_wait3A_41 = tpu.memref_slice %arg9[%dma_wait3A_39, %dma_wait3A_40] : memref<14x768xi32, #tpu.memory_space<vmem>> -> memref<1x768xi32, #tpu.memory_space<vmem>>
    %dma_wait3A_42 = tpu.memref_squeeze %dma_wait3A_41 : memref<1x768xi32, #tpu.memory_space<vmem>> -> memref<768xi32, #tpu.memory_space<vmem>>
    %dma_wait3A_43 = arith.constant 0 : i32
    %dma_wait3A_44 = arith.constant 0 : i32
    %dma_wait3A_45 = tpu.memref_slice %arg16[%dma_wait3A_43, %dma_wait3A_44] : memref<10240x16xf32, #tpu.memory_space<vmem_shared>> -> memref<10240x16xf32, #tpu.memory_space<vmem_shared>>
    tpu.wait_indirect_dma semaphore(%arg23 : memref<!tpu.dma_semaphore, #tpu.memory_space<semaphore_mem>>) src(%arg14 : memref<768x16xf32, #tpu.memory_space<vmem>>) dst(%dma_wait3A_45 : memref<10240x16xf32, #tpu.memory_space<vmem_shared>>)
    %add3A_46 = arith.constant 9984 : i32
    %add3A_47 = arith.addi %mul3A_2, %add3A_46 : i32
    %dma_wait3A_48 = arith.constant 0 : i32
    %dma_wait3A_49 = tpu.memref_slice %arg6[%add3A_47, %dma_wait3A_48] : memref<344064x16xf32, #tpu.memory_space<hbm>> -> memref<768x16xf32, #tpu.memory_space<hbm>>
    %dma_wait3A_50 = arith.constant 0 : i32
    %dma_wait3A_51 = tpu.memref_slice %arg6[%add3A_47, %dma_wait3A_50] : memref<344064x16xf32, #tpu.memory_space<hbm>> -> memref<768x16xf32, #tpu.memory_space<hbm>>
    tpu.wait_dma2 semaphore(%arg22 : memref<!tpu.dma_semaphore, #tpu.memory_space<semaphore_mem>>) src(%arg15 : memref<768x16xf32, #tpu.memory_space<vmem>>) dst(%dma_wait3A_51 : memref<768x16xf32, #tpu.memory_space<hbm>>)
    %dma_wait3A_52 = arith.constant 13 : i32
    %dma_wait3A_53 = arith.constant 0 : i32
    %dma_wait3A_54 = tpu.memref_slice %arg9[%dma_wait3A_52, %dma_wait3A_53] : memref<14x768xi32, #tpu.memory_space<vmem>> -> memref<1x768xi32, #tpu.memory_space<vmem>>
    %dma_wait3A_55 = tpu.memref_squeeze %dma_wait3A_54 : memref<1x768xi32, #tpu.memory_space<vmem>> -> memref<768xi32, #tpu.memory_space<vmem>>
    %dma_wait3A_56 = arith.constant 0 : i32
    %dma_wait3A_57 = arith.constant 0 : i32
    %dma_wait3A_58 = tpu.memref_slice %arg16[%dma_wait3A_56, %dma_wait3A_57] : memref<10240x16xf32, #tpu.memory_space<vmem_shared>> -> memref<10240x16xf32, #tpu.memory_space<vmem_shared>>
    tpu.wait_indirect_dma semaphore(%arg24 : memref<!tpu.dma_semaphore, #tpu.memory_space<semaphore_mem>>) src(%arg15 : memref<768x16xf32, #tpu.memory_space<vmem>>) dst(%dma_wait3A_58 : memref<10240x16xf32, #tpu.memory_space<vmem_shared>>)
    %barrier3A_59 = arith.constant 0 : index
    tpu.barrier barrier_id(%barrier3A_59)
    %mul3A_60 = arith.constant 640 : i32
    %mul3A_61 = arith.muli %arg1, %mul3A_60 : i32
    %mul3A_62 = arith.constant 640 : i32
    %mul3A_63 = arith.muli %arg1, %mul3A_62 : i32
    "tpu.region"() ({
      %run_scoped3A = tpu.sem_alloc : memref<!tpu.dma_semaphore, #tpu.memory_space<semaphore_mem>>
      %dma_start3A_64 = arith.constant 0 : i32
      %dma_start3A_65 = tpu.memref_slice %arg7[%arg0, %mul3A_63, %dma_start3A_64] : memref<2x10240x16xf32, #tpu.memory_space<hbm>> -> memref<1x640x16xf32, #tpu.memory_space<hbm>>
      %dma_start3A_66 = tpu.memref_squeeze %dma_start3A_65 : memref<1x640x16xf32, #tpu.memory_space<hbm>> -> memref<640x16xf32, #tpu.memory_space<hbm>>
      %dma_start3A_67 = arith.constant 0 : i32
      %dma_start3A_68 = tpu.memref_slice %arg16[%mul3A_61, %dma_start3A_67] : memref<10240x16xf32, #tpu.memory_space<vmem_shared>> -> memref<640x16xf32, #tpu.memory_space<vmem_shared>>
      tpu.enqueue_dma source(%dma_start3A_68 : memref<640x16xf32, #tpu.memory_space<vmem_shared>>) target(%dma_start3A_66 : memref<640x16xf32, #tpu.memory_space<hbm>>) target_semaphore(%run_scoped3A : memref<!tpu.dma_semaphore, #tpu.memory_space<semaphore_mem>>)
      %dma_wait3A_69 = arith.constant 0 : i32
      %dma_wait3A_70 = tpu.memref_slice %arg7[%arg0, %mul3A_63, %dma_wait3A_69] : memref<2x10240x16xf32, #tpu.memory_space<hbm>> -> memref<1x640x16xf32, #tpu.memory_space<hbm>>
      %dma_wait3A_71 = tpu.memref_squeeze %dma_wait3A_70 : memref<1x640x16xf32, #tpu.memory_space<hbm>> -> memref<640x16xf32, #tpu.memory_space<hbm>>
      %dma_wait3A_72 = arith.constant 0 : i32
      %dma_wait3A_73 = tpu.memref_slice %arg16[%mul3A_61, %dma_wait3A_72] : memref<10240x16xf32, #tpu.memory_space<vmem_shared>> -> memref<640x16xf32, #tpu.memory_space<vmem_shared>>
      tpu.wait_dma2 semaphore(%run_scoped3A : memref<!tpu.dma_semaphore, #tpu.memory_space<semaphore_mem>>) src(%dma_wait3A_73 : memref<640x16xf32, #tpu.memory_space<vmem_shared>>) dst(%dma_wait3A_71 : memref<640x16xf32, #tpu.memory_space<hbm>>)
      tpu.yield
    }) : () -> ()
    return
  }
}

#map = affine_map<(d0, d1) -> (0, 0)>
#map1 = affine_map<(d0, d1) -> (0, 0, 0)>
module attributes {stable_mosaic.version = 14 : i64} {
  func.func @_sc_aggr_body(%arg0: i32, %arg1: i32, %arg2: memref<10240x128xf32, #tpu.memory_space<hbm>>, %arg3: memref<10240x16xf32, #tpu.memory_space<hbm>>, %arg4: memref<344064x16xf32, #tpu.memory_space<hbm>>, %arg5: memref<32x224x48xi32, #tpu.memory_space<hbm>>, %arg6: memref<32x224x48xi32, #tpu.memory_space<hbm>>, %arg7: memref<10240x128xf32, #tpu.memory_space<hbm>>, %arg8: memref<2x10240x128xf32, #tpu.memory_space<hbm>>, %arg9: memref<224x48xi32, #tpu.memory_space<vmem>>, %arg10: memref<224x48xi32, #tpu.memory_space<vmem>>, %arg11: memref<48x128xf32, #tpu.memory_space<vmem>>, %arg12: memref<48x128xf32, #tpu.memory_space<vmem>>, %arg13: memref<48x128xf32, #tpu.memory_space<vmem>>, %arg14: memref<48x128xf32, #tpu.memory_space<vmem>>, %arg15: memref<48x16xf32, #tpu.memory_space<vmem>>, %arg16: memref<48x16xf32, #tpu.memory_space<vmem>>, %arg17: memref<48x16xf32, #tpu.memory_space<vmem>>, %arg18: memref<48x16xf32, #tpu.memory_space<vmem>>, %arg19: memref<10240x128xf32, #tpu.memory_space<vmem_shared>>, %arg20: memref<!tpu.dma_semaphore, #tpu.memory_space<semaphore_mem>>, %arg21: memref<!tpu.dma_semaphore, #tpu.memory_space<semaphore_mem>>, %arg22: memref<!tpu.dma_semaphore, #tpu.memory_space<semaphore_mem>>, %arg23: memref<!tpu.dma_semaphore, #tpu.memory_space<semaphore_mem>>, %arg24: memref<!tpu.dma_semaphore, #tpu.memory_space<semaphore_mem>>, %arg25: memref<!tpu.dma_semaphore, #tpu.memory_space<semaphore_mem>>, %arg26: memref<!tpu.dma_semaphore, #tpu.memory_space<semaphore_mem>>, %arg27: memref<!tpu.dma_semaphore, #tpu.memory_space<semaphore_mem>>) attributes {dimension_semantics = [#tpu.dimension_semantics<core_parallel>, #tpu.dimension_semantics<subcore_parallel>], iteration_bounds = array<i64: 2, 16>, scalar_prefetch = 0 : i64, scratch_operands = 19 : i64, tpu.core_type = #tpu.core_type<sc_vector_subcore>, window_params = [{transform_indices = #map}, {transform_indices = #map}, {transform_indices = #map}, {transform_indices = #map1}, {transform_indices = #map1}, {transform_indices = #map}, {transform_indices = #map1}]} {
    %mul3A = arith.constant 16 : i32
    %mul3A_0 = arith.muli %arg0, %mul3A : i32
    %add3A = arith.addi %mul3A_0, %arg1 : i32
    %mul3A_1 = arith.constant 10752 : i32
    %mul3A_2 = arith.muli %add3A, %mul3A_1 : i32
    %mul3A_3 = arith.constant 640 : i32
    %mul3A_4 = arith.muli %arg1, %mul3A_3 : i32
    %mul3A_5 = arith.constant 640 : i32
    %mul3A_6 = arith.muli %arg1, %mul3A_5 : i32
    "tpu.region"() ({
      %run_scoped3A = tpu.sem_alloc : memref<!tpu.dma_semaphore, #tpu.memory_space<semaphore_mem>>
      %dma_start3A_83 = arith.constant 0 : i32
      %dma_start3A_84 = tpu.memref_slice %arg19[%mul3A_6, %dma_start3A_83] : memref<10240x128xf32, #tpu.memory_space<vmem_shared>> -> memref<640x128xf32, #tpu.memory_space<vmem_shared>>
      %dma_start3A_85 = arith.constant 0 : i32
      %dma_start3A_86 = tpu.memref_slice %arg7[%mul3A_4, %dma_start3A_85] : memref<10240x128xf32, #tpu.memory_space<hbm>> -> memref<640x128xf32, #tpu.memory_space<hbm>>
      tpu.enqueue_dma source(%dma_start3A_86 : memref<640x128xf32, #tpu.memory_space<hbm>>) target(%dma_start3A_84 : memref<640x128xf32, #tpu.memory_space<vmem_shared>>) target_semaphore(%run_scoped3A : memref<!tpu.dma_semaphore, #tpu.memory_space<semaphore_mem>>)
      %dma_wait3A_87 = arith.constant 0 : i32
      %dma_wait3A_88 = tpu.memref_slice %arg19[%mul3A_6, %dma_wait3A_87] : memref<10240x128xf32, #tpu.memory_space<vmem_shared>> -> memref<640x128xf32, #tpu.memory_space<vmem_shared>>
      %dma_wait3A_89 = arith.constant 0 : i32
      %dma_wait3A_90 = tpu.memref_slice %arg7[%mul3A_4, %dma_wait3A_89] : memref<10240x128xf32, #tpu.memory_space<hbm>> -> memref<640x128xf32, #tpu.memory_space<hbm>>
      tpu.wait_dma2 semaphore(%run_scoped3A : memref<!tpu.dma_semaphore, #tpu.memory_space<semaphore_mem>>) src(%dma_wait3A_90 : memref<640x128xf32, #tpu.memory_space<hbm>>) dst(%dma_wait3A_88 : memref<640x128xf32, #tpu.memory_space<vmem_shared>>)
      tpu.yield
    }) : () -> ()
    "tpu.region"() ({
      %run_scoped3A = tpu.sem_alloc : memref<!tpu.dma_semaphore, #tpu.memory_space<semaphore_mem>>
      %dma_start3A_83 = arith.constant 0 : i32
      %dma_start3A_84 = arith.constant 0 : i32
      %dma_start3A_85 = tpu.memref_slice %arg5[%add3A, %dma_start3A_83, %dma_start3A_84] : memref<32x224x48xi32, #tpu.memory_space<hbm>> -> memref<1x224x48xi32, #tpu.memory_space<hbm>>
      %dma_start3A_86 = tpu.memref_squeeze %dma_start3A_85 : memref<1x224x48xi32, #tpu.memory_space<hbm>> -> memref<224x48xi32, #tpu.memory_space<hbm>>
      %dma_start3A_87 = arith.constant 0 : i32
      %dma_start3A_88 = arith.constant 0 : i32
      %dma_start3A_89 = tpu.memref_slice %arg5[%add3A, %dma_start3A_87, %dma_start3A_88] : memref<32x224x48xi32, #tpu.memory_space<hbm>> -> memref<1x224x48xi32, #tpu.memory_space<hbm>>
      %dma_start3A_90 = tpu.memref_squeeze %dma_start3A_89 : memref<1x224x48xi32, #tpu.memory_space<hbm>> -> memref<224x48xi32, #tpu.memory_space<hbm>>
      tpu.enqueue_dma source(%dma_start3A_90 : memref<224x48xi32, #tpu.memory_space<hbm>>) target(%arg9 : memref<224x48xi32, #tpu.memory_space<vmem>>) target_semaphore(%run_scoped3A : memref<!tpu.dma_semaphore, #tpu.memory_space<semaphore_mem>>)
      %dma_wait3A_91 = arith.constant 0 : i32
      %dma_wait3A_92 = arith.constant 0 : i32
      %dma_wait3A_93 = tpu.memref_slice %arg5[%add3A, %dma_wait3A_91, %dma_wait3A_92] : memref<32x224x48xi32, #tpu.memory_space<hbm>> -> memref<1x224x48xi32, #tpu.memory_space<hbm>>
      %dma_wait3A_94 = tpu.memref_squeeze %dma_wait3A_93 : memref<1x224x48xi32, #tpu.memory_space<hbm>> -> memref<224x48xi32, #tpu.memory_space<hbm>>
      %dma_wait3A_95 = arith.constant 0 : i32
      %dma_wait3A_96 = arith.constant 0 : i32
      %dma_wait3A_97 = tpu.memref_slice %arg5[%add3A, %dma_wait3A_95, %dma_wait3A_96] : memref<32x224x48xi32, #tpu.memory_space<hbm>> -> memref<1x224x48xi32, #tpu.memory_space<hbm>>
      %dma_wait3A_98 = tpu.memref_squeeze %dma_wait3A_97 : memref<1x224x48xi32, #tpu.memory_space<hbm>> -> memref<224x48xi32, #tpu.memory_space<hbm>>
      tpu.wait_dma2 semaphore(%run_scoped3A : memref<!tpu.dma_semaphore, #tpu.memory_space<semaphore_mem>>) src(%dma_wait3A_98 : memref<224x48xi32, #tpu.memory_space<hbm>>) dst(%arg9 : memref<224x48xi32, #tpu.memory_space<vmem>>)
      tpu.yield
    }) : () -> ()
    "tpu.region"() ({
      %run_scoped3A = tpu.sem_alloc : memref<!tpu.dma_semaphore, #tpu.memory_space<semaphore_mem>>
      %dma_start3A_83 = arith.constant 0 : i32
      %dma_start3A_84 = arith.constant 0 : i32
      %dma_start3A_85 = tpu.memref_slice %arg6[%add3A, %dma_start3A_83, %dma_start3A_84] : memref<32x224x48xi32, #tpu.memory_space<hbm>> -> memref<1x224x48xi32, #tpu.memory_space<hbm>>
      %dma_start3A_86 = tpu.memref_squeeze %dma_start3A_85 : memref<1x224x48xi32, #tpu.memory_space<hbm>> -> memref<224x48xi32, #tpu.memory_space<hbm>>
      %dma_start3A_87 = arith.constant 0 : i32
      %dma_start3A_88 = arith.constant 0 : i32
      %dma_start3A_89 = tpu.memref_slice %arg6[%add3A, %dma_start3A_87, %dma_start3A_88] : memref<32x224x48xi32, #tpu.memory_space<hbm>> -> memref<1x224x48xi32, #tpu.memory_space<hbm>>
      %dma_start3A_90 = tpu.memref_squeeze %dma_start3A_89 : memref<1x224x48xi32, #tpu.memory_space<hbm>> -> memref<224x48xi32, #tpu.memory_space<hbm>>
      tpu.enqueue_dma source(%dma_start3A_90 : memref<224x48xi32, #tpu.memory_space<hbm>>) target(%arg10 : memref<224x48xi32, #tpu.memory_space<vmem>>) target_semaphore(%run_scoped3A : memref<!tpu.dma_semaphore, #tpu.memory_space<semaphore_mem>>)
      %dma_wait3A_91 = arith.constant 0 : i32
      %dma_wait3A_92 = arith.constant 0 : i32
      %dma_wait3A_93 = tpu.memref_slice %arg6[%add3A, %dma_wait3A_91, %dma_wait3A_92] : memref<32x224x48xi32, #tpu.memory_space<hbm>> -> memref<1x224x48xi32, #tpu.memory_space<hbm>>
      %dma_wait3A_94 = tpu.memref_squeeze %dma_wait3A_93 : memref<1x224x48xi32, #tpu.memory_space<hbm>> -> memref<224x48xi32, #tpu.memory_space<hbm>>
      %dma_wait3A_95 = arith.constant 0 : i32
      %dma_wait3A_96 = arith.constant 0 : i32
      %dma_wait3A_97 = tpu.memref_slice %arg6[%add3A, %dma_wait3A_95, %dma_wait3A_96] : memref<32x224x48xi32, #tpu.memory_space<hbm>> -> memref<1x224x48xi32, #tpu.memory_space<hbm>>
      %dma_wait3A_98 = tpu.memref_squeeze %dma_wait3A_97 : memref<1x224x48xi32, #tpu.memory_space<hbm>> -> memref<224x48xi32, #tpu.memory_space<hbm>>
      tpu.wait_dma2 semaphore(%run_scoped3A : memref<!tpu.dma_semaphore, #tpu.memory_space<semaphore_mem>>) src(%dma_wait3A_98 : memref<224x48xi32, #tpu.memory_space<hbm>>) dst(%arg10 : memref<224x48xi32, #tpu.memory_space<vmem>>)
      tpu.yield
    }) : () -> ()
    %barrier3A = arith.constant 0 : index
    tpu.barrier barrier_id(%barrier3A)
    %iota3A = tpu.iota {dimensions = array<i32: 0>} : vector<16xi32>
    %and3A = arith.constant 7 : i32
    %and3A_7 = vector.broadcast %and3A : i32 to vector<16xi32>
    %and3A_8 = arith.andi %iota3A, %and3A_7 : vector<16xi32>
    %shift_right_arithmetic3A = arith.constant 3 : i32
    %shift_right_arithmetic3A_9 = vector.broadcast %shift_right_arithmetic3A : i32 to vector<16xi32>
    %shift_right_arithmetic3A_10 = arith.shrsi %iota3A, %shift_right_arithmetic3A_9 : vector<16xi32>
    %broadcast_in_dim3A = arith.constant 0 : i32
    %broadcast_in_dim3A_11 = vector.broadcast %broadcast_in_dim3A : i32 to vector<16x1xi32>
    %broadcast_in_dim3A_12 = arith.constant 1 : i32
    %broadcast_in_dim3A_13 = vector.broadcast %broadcast_in_dim3A_12 : i32 to vector<16x1xi32>
    %broadcast_in_dim3A_14 = arith.constant 2 : i32
    %broadcast_in_dim3A_15 = vector.broadcast %broadcast_in_dim3A_14 : i32 to vector<16x1xi32>
    %broadcast_in_dim3A_16 = arith.constant 3 : i32
    %broadcast_in_dim3A_17 = vector.broadcast %broadcast_in_dim3A_16 : i32 to vector<16x1xi32>
    %broadcast_in_dim3A_18 = arith.constant 4 : i32
    %broadcast_in_dim3A_19 = vector.broadcast %broadcast_in_dim3A_18 : i32 to vector<16x1xi32>
    %broadcast_in_dim3A_20 = arith.constant 5 : i32
    %broadcast_in_dim3A_21 = vector.broadcast %broadcast_in_dim3A_20 : i32 to vector<16x1xi32>
    %broadcast_in_dim3A_22 = arith.constant 6 : i32
    %broadcast_in_dim3A_23 = vector.broadcast %broadcast_in_dim3A_22 : i32 to vector<16x1xi32>
    %broadcast_in_dim3A_24 = arith.constant 7 : i32
    %broadcast_in_dim3A_25 = vector.broadcast %broadcast_in_dim3A_24 : i32 to vector<16x1xi32>
    %broadcast_in_dim3A_26 = arith.constant 8 : i32
    %broadcast_in_dim3A_27 = vector.broadcast %broadcast_in_dim3A_26 : i32 to vector<16x1xi32>
    %broadcast_in_dim3A_28 = arith.constant 9 : i32
    %broadcast_in_dim3A_29 = vector.broadcast %broadcast_in_dim3A_28 : i32 to vector<16x1xi32>
    %broadcast_in_dim3A_30 = arith.constant 10 : i32
    %broadcast_in_dim3A_31 = vector.broadcast %broadcast_in_dim3A_30 : i32 to vector<16x1xi32>
    %broadcast_in_dim3A_32 = arith.constant 11 : i32
    %broadcast_in_dim3A_33 = vector.broadcast %broadcast_in_dim3A_32 : i32 to vector<16x1xi32>
    %broadcast_in_dim3A_34 = arith.constant 12 : i32
    %broadcast_in_dim3A_35 = vector.broadcast %broadcast_in_dim3A_34 : i32 to vector<16x1xi32>
    %broadcast_in_dim3A_36 = arith.constant 13 : i32
    %broadcast_in_dim3A_37 = vector.broadcast %broadcast_in_dim3A_36 : i32 to vector<16x1xi32>
    %broadcast_in_dim3A_38 = arith.constant 14 : i32
    %broadcast_in_dim3A_39 = vector.broadcast %broadcast_in_dim3A_38 : i32 to vector<16x1xi32>
    %broadcast_in_dim3A_40 = arith.constant 15 : i32
    %broadcast_in_dim3A_41 = vector.broadcast %broadcast_in_dim3A_40 : i32 to vector<16x1xi32>
    %dma_start3A = arith.constant 0 : i32
    %dma_start3A_42 = arith.constant 0 : i32
    %dma_start3A_43 = tpu.memref_slice %arg9[%dma_start3A, %dma_start3A_42] : memref<224x48xi32, #tpu.memory_space<vmem>> -> memref<1x48xi32, #tpu.memory_space<vmem>>
    %dma_start3A_44 = tpu.memref_squeeze %dma_start3A_43 : memref<1x48xi32, #tpu.memory_space<vmem>> -> memref<48xi32, #tpu.memory_space<vmem>>
    %dma_start3A_45 = arith.constant 0 : i32
    %dma_start3A_46 = arith.constant 0 : i32
    %dma_start3A_47 = tpu.memref_slice %arg2[%dma_start3A_45, %dma_start3A_46] : memref<10240x128xf32, #tpu.memory_space<hbm>> -> memref<10240x128xf32, #tpu.memory_space<hbm>>
    tpu.enqueue_indirect_dma source(%dma_start3A_47 : memref<10240x128xf32, #tpu.memory_space<hbm>>) target(%arg11 : memref<48x128xf32, #tpu.memory_space<vmem>>) offsets(%dma_start3A_44 : memref<48xi32, #tpu.memory_space<vmem>>) semaphore(%arg20 : memref<!tpu.dma_semaphore, #tpu.memory_space<semaphore_mem>>)
    %dma_start3A_48 = arith.constant 0 : i32
    %dma_start3A_49 = arith.constant 0 : i32
    %dma_start3A_50 = tpu.memref_slice %arg10[%dma_start3A_48, %dma_start3A_49] : memref<224x48xi32, #tpu.memory_space<vmem>> -> memref<1x48xi32, #tpu.memory_space<vmem>>
    %dma_start3A_51 = tpu.memref_squeeze %dma_start3A_50 : memref<1x48xi32, #tpu.memory_space<vmem>> -> memref<48xi32, #tpu.memory_space<vmem>>
    %dma_start3A_52 = arith.constant 0 : i32
    %dma_start3A_53 = arith.constant 0 : i32
    %dma_start3A_54 = tpu.memref_slice %arg3[%dma_start3A_52, %dma_start3A_53] : memref<10240x16xf32, #tpu.memory_space<hbm>> -> memref<10240x16xf32, #tpu.memory_space<hbm>>
    tpu.enqueue_indirect_dma source(%dma_start3A_54 : memref<10240x16xf32, #tpu.memory_space<hbm>>) target(%arg17 : memref<48x16xf32, #tpu.memory_space<vmem>>) offsets(%dma_start3A_51 : memref<48xi32, #tpu.memory_space<vmem>>) semaphore(%arg22 : memref<!tpu.dma_semaphore, #tpu.memory_space<semaphore_mem>>)
    %add3A_55 = arith.constant 0 : i32
    %add3A_56 = arith.addi %mul3A_2, %add3A_55 : i32
    %dma_start3A_57 = arith.constant 0 : i32
    %dma_start3A_58 = tpu.memref_slice %arg4[%add3A_56, %dma_start3A_57] : memref<344064x16xf32, #tpu.memory_space<hbm>> -> memref<48x16xf32, #tpu.memory_space<hbm>>
    %dma_start3A_59 = arith.constant 0 : i32
    %dma_start3A_60 = tpu.memref_slice %arg4[%add3A_56, %dma_start3A_59] : memref<344064x16xf32, #tpu.memory_space<hbm>> -> memref<48x16xf32, #tpu.memory_space<hbm>>
    tpu.enqueue_dma source(%dma_start3A_60 : memref<48x16xf32, #tpu.memory_space<hbm>>) target(%arg15 : memref<48x16xf32, #tpu.memory_space<vmem>>) target_semaphore(%arg24 : memref<!tpu.dma_semaphore, #tpu.memory_space<semaphore_mem>>)
    %scan3A = arith.constant 0 : i32
    %scan3A_61 = arith.constant 112 : i32
    %scan3A_62 = arith.addi %scan3A, %scan3A_61 : i32
    %scan3A_63 = arith.constant 1 : i32
    scf.for %scan3A_83 = %scan3A to %scan3A_62 step %scan3A_63  : i32 {
      %mul3A_84 = arith.constant 1 : i32
      %mul3A_85 = arith.muli %scan3A_83, %mul3A_84 : i32
      %add3A_86 = arith.constant 0 : i32
      %add3A_87 = arith.addi %add3A_86, %mul3A_85 : i32
      %mul3A_88 = arith.constant 2 : i32
      %mul3A_89 = arith.muli %mul3A_88, %add3A_87 : i32
      %add3A_90 = arith.constant 0 : i32
      %add3A_91 = arith.addi %mul3A_89, %add3A_90 : i32
      %add3A_92 = arith.constant 1 : i32
      %add3A_93 = arith.addi %add3A_91, %add3A_92 : i32
      %lt3A = arith.constant 224 : i32
      %lt3A_94 = arith.cmpi slt, %add3A_93, %lt3A : i32
      %convert_element_type3A = arith.extui %lt3A_94 : i1 to i32
      %cond3A = arith.constant 0 : i32
      %cond3A_95 = arith.cmpi ne, %convert_element_type3A, %cond3A : i32
      scf.if %cond3A_95 {
        %add3A_176 = arith.constant 1 : i32
        %add3A_177 = arith.addi %add3A_91, %add3A_176 : i32
        %dma_start3A_178 = arith.constant 0 : i32
        %dma_start3A_179 = tpu.memref_slice %arg9[%add3A_177, %dma_start3A_178] : memref<224x48xi32, #tpu.memory_space<vmem>> -> memref<1x48xi32, #tpu.memory_space<vmem>>
        %dma_start3A_180 = tpu.memref_squeeze %dma_start3A_179 : memref<1x48xi32, #tpu.memory_space<vmem>> -> memref<48xi32, #tpu.memory_space<vmem>>
        %dma_start3A_181 = arith.constant 0 : i32
        %dma_start3A_182 = arith.constant 0 : i32
        %dma_start3A_183 = tpu.memref_slice %arg2[%dma_start3A_181, %dma_start3A_182] : memref<10240x128xf32, #tpu.memory_space<hbm>> -> memref<10240x128xf32, #tpu.memory_space<hbm>>
        tpu.enqueue_indirect_dma source(%dma_start3A_183 : memref<10240x128xf32, #tpu.memory_space<hbm>>) target(%arg12 : memref<48x128xf32, #tpu.memory_space<vmem>>) offsets(%dma_start3A_180 : memref<48xi32, #tpu.memory_space<vmem>>) semaphore(%arg21 : memref<!tpu.dma_semaphore, #tpu.memory_space<semaphore_mem>>)
        %dma_start3A_184 = arith.constant 0 : i32
        %dma_start3A_185 = tpu.memref_slice %arg10[%add3A_177, %dma_start3A_184] : memref<224x48xi32, #tpu.memory_space<vmem>> -> memref<1x48xi32, #tpu.memory_space<vmem>>
        %dma_start3A_186 = tpu.memref_squeeze %dma_start3A_185 : memref<1x48xi32, #tpu.memory_space<vmem>> -> memref<48xi32, #tpu.memory_space<vmem>>
        %dma_start3A_187 = arith.constant 0 : i32
        %dma_start3A_188 = arith.constant 0 : i32
        %dma_start3A_189 = tpu.memref_slice %arg3[%dma_start3A_187, %dma_start3A_188] : memref<10240x16xf32, #tpu.memory_space<hbm>> -> memref<10240x16xf32, #tpu.memory_space<hbm>>
        tpu.enqueue_indirect_dma source(%dma_start3A_189 : memref<10240x16xf32, #tpu.memory_space<hbm>>) target(%arg18 : memref<48x16xf32, #tpu.memory_space<vmem>>) offsets(%dma_start3A_186 : memref<48xi32, #tpu.memory_space<vmem>>) semaphore(%arg23 : memref<!tpu.dma_semaphore, #tpu.memory_space<semaphore_mem>>)
        %mul3A_190 = arith.constant 48 : i32
        %mul3A_191 = arith.muli %add3A_177, %mul3A_190 : i32
        %add3A_192 = arith.addi %mul3A_2, %mul3A_191 : i32
        %dma_start3A_193 = arith.constant 0 : i32
        %dma_start3A_194 = tpu.memref_slice %arg4[%add3A_192, %dma_start3A_193] : memref<344064x16xf32, #tpu.memory_space<hbm>> -> memref<48x16xf32, #tpu.memory_space<hbm>>
        %dma_start3A_195 = arith.constant 0 : i32
        %dma_start3A_196 = tpu.memref_slice %arg4[%add3A_192, %dma_start3A_195] : memref<344064x16xf32, #tpu.memory_space<hbm>> -> memref<48x16xf32, #tpu.memory_space<hbm>>
        tpu.enqueue_dma source(%dma_start3A_196 : memref<48x16xf32, #tpu.memory_space<hbm>>) target(%arg16 : memref<48x16xf32, #tpu.memory_space<vmem>>) target_semaphore(%arg25 : memref<!tpu.dma_semaphore, #tpu.memory_space<semaphore_mem>>)
      } else {
      }
      %dma_wait3A_96 = arith.constant 0 : i32
      %dma_wait3A_97 = tpu.memref_slice %arg9[%add3A_91, %dma_wait3A_96] : memref<224x48xi32, #tpu.memory_space<vmem>> -> memref<1x48xi32, #tpu.memory_space<vmem>>
      %dma_wait3A_98 = tpu.memref_squeeze %dma_wait3A_97 : memref<1x48xi32, #tpu.memory_space<vmem>> -> memref<48xi32, #tpu.memory_space<vmem>>
      %dma_wait3A_99 = arith.constant 0 : i32
      %dma_wait3A_100 = arith.constant 0 : i32
      %dma_wait3A_101 = tpu.memref_slice %arg2[%dma_wait3A_99, %dma_wait3A_100] : memref<10240x128xf32, #tpu.memory_space<hbm>> -> memref<10240x128xf32, #tpu.memory_space<hbm>>
      tpu.wait_indirect_dma semaphore(%arg20 : memref<!tpu.dma_semaphore, #tpu.memory_space<semaphore_mem>>) src(%dma_wait3A_101 : memref<10240x128xf32, #tpu.memory_space<hbm>>) dst(%arg11 : memref<48x128xf32, #tpu.memory_space<vmem>>)
      %dma_wait3A_102 = arith.constant 0 : i32
      %dma_wait3A_103 = tpu.memref_slice %arg10[%add3A_91, %dma_wait3A_102] : memref<224x48xi32, #tpu.memory_space<vmem>> -> memref<1x48xi32, #tpu.memory_space<vmem>>
      %dma_wait3A_104 = tpu.memref_squeeze %dma_wait3A_103 : memref<1x48xi32, #tpu.memory_space<vmem>> -> memref<48xi32, #tpu.memory_space<vmem>>
      %dma_wait3A_105 = arith.constant 0 : i32
      %dma_wait3A_106 = arith.constant 0 : i32
      %dma_wait3A_107 = tpu.memref_slice %arg3[%dma_wait3A_105, %dma_wait3A_106] : memref<10240x16xf32, #tpu.memory_space<hbm>> -> memref<10240x16xf32, #tpu.memory_space<hbm>>
      tpu.wait_indirect_dma semaphore(%arg22 : memref<!tpu.dma_semaphore, #tpu.memory_space<semaphore_mem>>) src(%dma_wait3A_107 : memref<10240x16xf32, #tpu.memory_space<hbm>>) dst(%arg17 : memref<48x16xf32, #tpu.memory_space<vmem>>)
      %mul3A_108 = arith.constant 48 : i32
      %mul3A_109 = arith.muli %add3A_91, %mul3A_108 : i32
      %add3A_110 = arith.addi %mul3A_2, %mul3A_109 : i32
      %dma_wait3A_111 = arith.constant 0 : i32
      %dma_wait3A_112 = tpu.memref_slice %arg4[%add3A_110, %dma_wait3A_111] : memref<344064x16xf32, #tpu.memory_space<hbm>> -> memref<48x16xf32, #tpu.memory_space<hbm>>
      %dma_wait3A_113 = arith.constant 0 : i32
      %dma_wait3A_114 = tpu.memref_slice %arg4[%add3A_110, %dma_wait3A_113] : memref<344064x16xf32, #tpu.memory_space<hbm>> -> memref<48x16xf32, #tpu.memory_space<hbm>>
      tpu.wait_dma2 semaphore(%arg24 : memref<!tpu.dma_semaphore, #tpu.memory_space<semaphore_mem>>) src(%dma_wait3A_114 : memref<48x16xf32, #tpu.memory_space<hbm>>) dst(%arg15 : memref<48x16xf32, #tpu.memory_space<vmem>>)
      %ge3A = arith.constant 2 : i32
      %ge3A_115 = arith.cmpi sge, %add3A_91, %ge3A : i32
      %convert_element_type3A_116 = arith.extui %ge3A_115 : i1 to i32
      %cond3A_117 = arith.constant 0 : i32
      %cond3A_118 = arith.cmpi ne, %convert_element_type3A_116, %cond3A_117 : i32
      scf.if %cond3A_118 {
        %sub3A = arith.constant 2 : i32
        %sub3A_176 = arith.subi %add3A_91, %sub3A : i32
        %dma_wait3A_177 = arith.constant 0 : i32
        %dma_wait3A_178 = tpu.memref_slice %arg10[%sub3A_176, %dma_wait3A_177] : memref<224x48xi32, #tpu.memory_space<vmem>> -> memref<1x48xi32, #tpu.memory_space<vmem>>
        %dma_wait3A_179 = tpu.memref_squeeze %dma_wait3A_178 : memref<1x48xi32, #tpu.memory_space<vmem>> -> memref<48xi32, #tpu.memory_space<vmem>>
        %dma_wait3A_180 = arith.constant 0 : i32
        %dma_wait3A_181 = arith.constant 0 : i32
        %dma_wait3A_182 = tpu.memref_slice %arg19[%dma_wait3A_180, %dma_wait3A_181] : memref<10240x128xf32, #tpu.memory_space<vmem_shared>> -> memref<10240x128xf32, #tpu.memory_space<vmem_shared>>
        tpu.wait_indirect_dma semaphore(%arg26 : memref<!tpu.dma_semaphore, #tpu.memory_space<semaphore_mem>>) src(%arg13 : memref<48x128xf32, #tpu.memory_space<vmem>>) dst(%dma_wait3A_182 : memref<10240x128xf32, #tpu.memory_space<vmem_shared>>)
      } else {
      }
      %scan3A_119 = arith.constant 0 : i32
      %scan3A_120 = arith.constant 24 : i32
      %scan3A_121 = arith.addi %scan3A_119, %scan3A_120 : i32
      %scan3A_122 = arith.constant 1 : i32
      scf.for %scan3A_176 = %scan3A_119 to %scan3A_121 step %scan3A_122  : i32 {
        %mul3A_177 = arith.constant 1 : i32
        %mul3A_178 = arith.muli %scan3A_176, %mul3A_177 : i32
        %add3A_179 = arith.constant 0 : i32
        %add3A_180 = arith.addi %add3A_179, %mul3A_178 : i32
        %mul3A_181 = arith.constant 2 : i32
        %mul3A_182 = arith.muli %mul3A_181, %add3A_180 : i32
        %add3A_183 = vector.broadcast %mul3A_182 : i32 to vector<16xi32>
        %add3A_184 = arith.addi %add3A_183, %shift_right_arithmetic3A_10 : vector<16xi32>
        %gather3A = tpu.vector_load_idx %arg15[%add3A_184, %and3A_8] : memref<48x16xf32, #tpu.memory_space<vmem>>[vector<16xi32>, vector<16xi32>], vector<16xf32>,
        %gather3A_185 = tpu.vector_load_idx %arg17[%add3A_184, %and3A_8] : memref<48x16xf32, #tpu.memory_space<vmem>>[vector<16xi32>, vector<16xi32>], vector<16xf32>,
        %mul3A_186 = arith.mulf %gather3A, %gather3A_185 : vector<16xf32>
        %mul3A_187 = arith.constant 2 : i32
        %mul3A_188 = arith.muli %mul3A_187, %add3A_180 : i32
        %add3A_189 = arith.constant 0 : i32
        %add3A_190 = arith.addi %mul3A_188, %add3A_189 : i32
        %gather3A_191 = vector.shape_cast %broadcast_in_dim3A_11 : vector<16x1xi32> to vector<16xi32>
        %gather3A_192 = tpu.dynamic_gather %mul3A_186[%gather3A_191] in [0] : vector<16xf32>, vector<16xi32> -> vector<16xf32>
        %get3A = arith.index_cast %add3A_190 : i32 to index
        %get3A_193 = arith.constant 0 : index
        %get3A_194 = tpu.vector_load %arg11[%get3A, %get3A_193] {strides = array<i32>} : memref<48x128xf32, #tpu.memory_space<vmem>>, vector<16xf32>,
        %mul3A_195 = arith.mulf %get3A_194, %gather3A_192 : vector<16xf32>
        %swap3A = arith.index_cast %add3A_190 : i32 to index
        %swap3A_196 = arith.constant 0 : index
        %swap3A_197 = tpu.vector_load %arg13[%swap3A, %swap3A_196] {strides = array<i32>} : memref<48x128xf32, #tpu.memory_space<vmem>>, vector<16xf32>,
        tpu.vector_store %arg13[%swap3A, %swap3A_196], %mul3A_195 {strides = array<i32>} : memref<48x128xf32, #tpu.memory_space<vmem>>, vector<16xf32>,
        %gather3A_198 = vector.shape_cast %broadcast_in_dim3A_13 : vector<16x1xi32> to vector<16xi32>
        %gather3A_199 = tpu.dynamic_gather %mul3A_186[%gather3A_198] in [0] : vector<16xf32>, vector<16xi32> -> vector<16xf32>
        %get3A_200 = arith.index_cast %add3A_190 : i32 to index
        %get3A_201 = arith.constant 16 : index
        %get3A_202 = tpu.vector_load %arg11[%get3A_200, %get3A_201] {strides = array<i32>} : memref<48x128xf32, #tpu.memory_space<vmem>>, vector<16xf32>,
        %mul3A_203 = arith.mulf %get3A_202, %gather3A_199 : vector<16xf32>
        %swap3A_204 = arith.index_cast %add3A_190 : i32 to index
        %swap3A_205 = arith.constant 16 : index
        %swap3A_206 = tpu.vector_load %arg13[%swap3A_204, %swap3A_205] {strides = array<i32>} : memref<48x128xf32, #tpu.memory_space<vmem>>, vector<16xf32>,
        tpu.vector_store %arg13[%swap3A_204, %swap3A_205], %mul3A_203 {strides = array<i32>} : memref<48x128xf32, #tpu.memory_space<vmem>>, vector<16xf32>,
        %gather3A_207 = vector.shape_cast %broadcast_in_dim3A_15 : vector<16x1xi32> to vector<16xi32>
        %gather3A_208 = tpu.dynamic_gather %mul3A_186[%gather3A_207] in [0] : vector<16xf32>, vector<16xi32> -> vector<16xf32>
        %get3A_209 = arith.index_cast %add3A_190 : i32 to index
        %get3A_210 = arith.constant 32 : index
        %get3A_211 = tpu.vector_load %arg11[%get3A_209, %get3A_210] {strides = array<i32>} : memref<48x128xf32, #tpu.memory_space<vmem>>, vector<16xf32>,
        %mul3A_212 = arith.mulf %get3A_211, %gather3A_208 : vector<16xf32>
        %swap3A_213 = arith.index_cast %add3A_190 : i32 to index
        %swap3A_214 = arith.constant 32 : index
        %swap3A_215 = tpu.vector_load %arg13[%swap3A_213, %swap3A_214] {strides = array<i32>} : memref<48x128xf32, #tpu.memory_space<vmem>>, vector<16xf32>,
        tpu.vector_store %arg13[%swap3A_213, %swap3A_214], %mul3A_212 {strides = array<i32>} : memref<48x128xf32, #tpu.memory_space<vmem>>, vector<16xf32>,
        %gather3A_216 = vector.shape_cast %broadcast_in_dim3A_17 : vector<16x1xi32> to vector<16xi32>
        %gather3A_217 = tpu.dynamic_gather %mul3A_186[%gather3A_216] in [0] : vector<16xf32>, vector<16xi32> -> vector<16xf32>
        %get3A_218 = arith.index_cast %add3A_190 : i32 to index
        %get3A_219 = arith.constant 48 : index
        %get3A_220 = tpu.vector_load %arg11[%get3A_218, %get3A_219] {strides = array<i32>} : memref<48x128xf32, #tpu.memory_space<vmem>>, vector<16xf32>,
        %mul3A_221 = arith.mulf %get3A_220, %gather3A_217 : vector<16xf32>
        %swap3A_222 = arith.index_cast %add3A_190 : i32 to index
        %swap3A_223 = arith.constant 48 : index
        %swap3A_224 = tpu.vector_load %arg13[%swap3A_222, %swap3A_223] {strides = array<i32>} : memref<48x128xf32, #tpu.memory_space<vmem>>, vector<16xf32>,
        tpu.vector_store %arg13[%swap3A_222, %swap3A_223], %mul3A_221 {strides = array<i32>} : memref<48x128xf32, #tpu.memory_space<vmem>>, vector<16xf32>,
        %gather3A_225 = vector.shape_cast %broadcast_in_dim3A_19 : vector<16x1xi32> to vector<16xi32>
        %gather3A_226 = tpu.dynamic_gather %mul3A_186[%gather3A_225] in [0] : vector<16xf32>, vector<16xi32> -> vector<16xf32>
        %get3A_227 = arith.index_cast %add3A_190 : i32 to index
        %get3A_228 = arith.constant 64 : index
        %get3A_229 = tpu.vector_load %arg11[%get3A_227, %get3A_228] {strides = array<i32>} : memref<48x128xf32, #tpu.memory_space<vmem>>, vector<16xf32>,
        %mul3A_230 = arith.mulf %get3A_229, %gather3A_226 : vector<16xf32>
        %swap3A_231 = arith.index_cast %add3A_190 : i32 to index
        %swap3A_232 = arith.constant 64 : index
        %swap3A_233 = tpu.vector_load %arg13[%swap3A_231, %swap3A_232] {strides = array<i32>} : memref<48x128xf32, #tpu.memory_space<vmem>>, vector<16xf32>,
        tpu.vector_store %arg13[%swap3A_231, %swap3A_232], %mul3A_230 {strides = array<i32>} : memref<48x128xf32, #tpu.memory_space<vmem>>, vector<16xf32>,
        %gather3A_234 = vector.shape_cast %broadcast_in_dim3A_21 : vector<16x1xi32> to vector<16xi32>
        %gather3A_235 = tpu.dynamic_gather %mul3A_186[%gather3A_234] in [0] : vector<16xf32>, vector<16xi32> -> vector<16xf32>
        %get3A_236 = arith.index_cast %add3A_190 : i32 to index
        %get3A_237 = arith.constant 80 : index
        %get3A_238 = tpu.vector_load %arg11[%get3A_236, %get3A_237] {strides = array<i32>} : memref<48x128xf32, #tpu.memory_space<vmem>>, vector<16xf32>,
        %mul3A_239 = arith.mulf %get3A_238, %gather3A_235 : vector<16xf32>
        %swap3A_240 = arith.index_cast %add3A_190 : i32 to index
        %swap3A_241 = arith.constant 80 : index
        %swap3A_242 = tpu.vector_load %arg13[%swap3A_240, %swap3A_241] {strides = array<i32>} : memref<48x128xf32, #tpu.memory_space<vmem>>, vector<16xf32>,
        tpu.vector_store %arg13[%swap3A_240, %swap3A_241], %mul3A_239 {strides = array<i32>} : memref<48x128xf32, #tpu.memory_space<vmem>>, vector<16xf32>,
        %gather3A_243 = vector.shape_cast %broadcast_in_dim3A_23 : vector<16x1xi32> to vector<16xi32>
        %gather3A_244 = tpu.dynamic_gather %mul3A_186[%gather3A_243] in [0] : vector<16xf32>, vector<16xi32> -> vector<16xf32>
        %get3A_245 = arith.index_cast %add3A_190 : i32 to index
        %get3A_246 = arith.constant 96 : index
        %get3A_247 = tpu.vector_load %arg11[%get3A_245, %get3A_246] {strides = array<i32>} : memref<48x128xf32, #tpu.memory_space<vmem>>, vector<16xf32>,
        %mul3A_248 = arith.mulf %get3A_247, %gather3A_244 : vector<16xf32>
        %swap3A_249 = arith.index_cast %add3A_190 : i32 to index
        %swap3A_250 = arith.constant 96 : index
        %swap3A_251 = tpu.vector_load %arg13[%swap3A_249, %swap3A_250] {strides = array<i32>} : memref<48x128xf32, #tpu.memory_space<vmem>>, vector<16xf32>,
        tpu.vector_store %arg13[%swap3A_249, %swap3A_250], %mul3A_248 {strides = array<i32>} : memref<48x128xf32, #tpu.memory_space<vmem>>, vector<16xf32>,
        %gather3A_252 = vector.shape_cast %broadcast_in_dim3A_25 : vector<16x1xi32> to vector<16xi32>
        %gather3A_253 = tpu.dynamic_gather %mul3A_186[%gather3A_252] in [0] : vector<16xf32>, vector<16xi32> -> vector<16xf32>
        %get3A_254 = arith.index_cast %add3A_190 : i32 to index
        %get3A_255 = arith.constant 112 : index
        %get3A_256 = tpu.vector_load %arg11[%get3A_254, %get3A_255] {strides = array<i32>} : memref<48x128xf32, #tpu.memory_space<vmem>>, vector<16xf32>,
        %mul3A_257 = arith.mulf %get3A_256, %gather3A_253 : vector<16xf32>
        %swap3A_258 = arith.index_cast %add3A_190 : i32 to index
        %swap3A_259 = arith.constant 112 : index
        %swap3A_260 = tpu.vector_load %arg13[%swap3A_258, %swap3A_259] {strides = array<i32>} : memref<48x128xf32, #tpu.memory_space<vmem>>, vector<16xf32>,
        tpu.vector_store %arg13[%swap3A_258, %swap3A_259], %mul3A_257 {strides = array<i32>} : memref<48x128xf32, #tpu.memory_space<vmem>>, vector<16xf32>,
        %mul3A_261 = arith.constant 2 : i32
        %mul3A_262 = arith.muli %mul3A_261, %add3A_180 : i32
        %add3A_263 = arith.constant 1 : i32
        %add3A_264 = arith.addi %mul3A_262, %add3A_263 : i32
        %gather3A_265 = vector.shape_cast %broadcast_in_dim3A_27 : vector<16x1xi32> to vector<16xi32>
        %gather3A_266 = tpu.dynamic_gather %mul3A_186[%gather3A_265] in [0] : vector<16xf32>, vector<16xi32> -> vector<16xf32>
        %get3A_267 = arith.index_cast %add3A_264 : i32 to index
        %get3A_268 = arith.constant 0 : index
        %get3A_269 = tpu.vector_load %arg11[%get3A_267, %get3A_268] {strides = array<i32>} : memref<48x128xf32, #tpu.memory_space<vmem>>, vector<16xf32>,
        %mul3A_270 = arith.mulf %get3A_269, %gather3A_266 : vector<16xf32>
        %swap3A_271 = arith.index_cast %add3A_264 : i32 to index
        %swap3A_272 = arith.constant 0 : index
        %swap3A_273 = tpu.vector_load %arg13[%swap3A_271, %swap3A_272] {strides = array<i32>} : memref<48x128xf32, #tpu.memory_space<vmem>>, vector<16xf32>,
        tpu.vector_store %arg13[%swap3A_271, %swap3A_272], %mul3A_270 {strides = array<i32>} : memref<48x128xf32, #tpu.memory_space<vmem>>, vector<16xf32>,
        %gather3A_274 = vector.shape_cast %broadcast_in_dim3A_29 : vector<16x1xi32> to vector<16xi32>
        %gather3A_275 = tpu.dynamic_gather %mul3A_186[%gather3A_274] in [0] : vector<16xf32>, vector<16xi32> -> vector<16xf32>
        %get3A_276 = arith.index_cast %add3A_264 : i32 to index
        %get3A_277 = arith.constant 16 : index
        %get3A_278 = tpu.vector_load %arg11[%get3A_276, %get3A_277] {strides = array<i32>} : memref<48x128xf32, #tpu.memory_space<vmem>>, vector<16xf32>,
        %mul3A_279 = arith.mulf %get3A_278, %gather3A_275 : vector<16xf32>
        %swap3A_280 = arith.index_cast %add3A_264 : i32 to index
        %swap3A_281 = arith.constant 16 : index
        %swap3A_282 = tpu.vector_load %arg13[%swap3A_280, %swap3A_281] {strides = array<i32>} : memref<48x128xf32, #tpu.memory_space<vmem>>, vector<16xf32>,
        tpu.vector_store %arg13[%swap3A_280, %swap3A_281], %mul3A_279 {strides = array<i32>} : memref<48x128xf32, #tpu.memory_space<vmem>>, vector<16xf32>,
        %gather3A_283 = vector.shape_cast %broadcast_in_dim3A_31 : vector<16x1xi32> to vector<16xi32>
        %gather3A_284 = tpu.dynamic_gather %mul3A_186[%gather3A_283] in [0] : vector<16xf32>, vector<16xi32> -> vector<16xf32>
        %get3A_285 = arith.index_cast %add3A_264 : i32 to index
        %get3A_286 = arith.constant 32 : index
        %get3A_287 = tpu.vector_load %arg11[%get3A_285, %get3A_286] {strides = array<i32>} : memref<48x128xf32, #tpu.memory_space<vmem>>, vector<16xf32>,
        %mul3A_288 = arith.mulf %get3A_287, %gather3A_284 : vector<16xf32>
        %swap3A_289 = arith.index_cast %add3A_264 : i32 to index
        %swap3A_290 = arith.constant 32 : index
        %swap3A_291 = tpu.vector_load %arg13[%swap3A_289, %swap3A_290] {strides = array<i32>} : memref<48x128xf32, #tpu.memory_space<vmem>>, vector<16xf32>,
        tpu.vector_store %arg13[%swap3A_289, %swap3A_290], %mul3A_288 {strides = array<i32>} : memref<48x128xf32, #tpu.memory_space<vmem>>, vector<16xf32>,
        %gather3A_292 = vector.shape_cast %broadcast_in_dim3A_33 : vector<16x1xi32> to vector<16xi32>
        %gather3A_293 = tpu.dynamic_gather %mul3A_186[%gather3A_292] in [0] : vector<16xf32>, vector<16xi32> -> vector<16xf32>
        %get3A_294 = arith.index_cast %add3A_264 : i32 to index
        %get3A_295 = arith.constant 48 : index
        %get3A_296 = tpu.vector_load %arg11[%get3A_294, %get3A_295] {strides = array<i32>} : memref<48x128xf32, #tpu.memory_space<vmem>>, vector<16xf32>,
        %mul3A_297 = arith.mulf %get3A_296, %gather3A_293 : vector<16xf32>
        %swap3A_298 = arith.index_cast %add3A_264 : i32 to index
        %swap3A_299 = arith.constant 48 : index
        %swap3A_300 = tpu.vector_load %arg13[%swap3A_298, %swap3A_299] {strides = array<i32>} : memref<48x128xf32, #tpu.memory_space<vmem>>, vector<16xf32>,
        tpu.vector_store %arg13[%swap3A_298, %swap3A_299], %mul3A_297 {strides = array<i32>} : memref<48x128xf32, #tpu.memory_space<vmem>>, vector<16xf32>,
        %gather3A_301 = vector.shape_cast %broadcast_in_dim3A_35 : vector<16x1xi32> to vector<16xi32>
        %gather3A_302 = tpu.dynamic_gather %mul3A_186[%gather3A_301] in [0] : vector<16xf32>, vector<16xi32> -> vector<16xf32>
        %get3A_303 = arith.index_cast %add3A_264 : i32 to index
        %get3A_304 = arith.constant 64 : index
        %get3A_305 = tpu.vector_load %arg11[%get3A_303, %get3A_304] {strides = array<i32>} : memref<48x128xf32, #tpu.memory_space<vmem>>, vector<16xf32>,
        %mul3A_306 = arith.mulf %get3A_305, %gather3A_302 : vector<16xf32>
        %swap3A_307 = arith.index_cast %add3A_264 : i32 to index
        %swap3A_308 = arith.constant 64 : index
        %swap3A_309 = tpu.vector_load %arg13[%swap3A_307, %swap3A_308] {strides = array<i32>} : memref<48x128xf32, #tpu.memory_space<vmem>>, vector<16xf32>,
        tpu.vector_store %arg13[%swap3A_307, %swap3A_308], %mul3A_306 {strides = array<i32>} : memref<48x128xf32, #tpu.memory_space<vmem>>, vector<16xf32>,
        %gather3A_310 = vector.shape_cast %broadcast_in_dim3A_37 : vector<16x1xi32> to vector<16xi32>
        %gather3A_311 = tpu.dynamic_gather %mul3A_186[%gather3A_310] in [0] : vector<16xf32>, vector<16xi32> -> vector<16xf32>
        %get3A_312 = arith.index_cast %add3A_264 : i32 to index
        %get3A_313 = arith.constant 80 : index
        %get3A_314 = tpu.vector_load %arg11[%get3A_312, %get3A_313] {strides = array<i32>} : memref<48x128xf32, #tpu.memory_space<vmem>>, vector<16xf32>,
        %mul3A_315 = arith.mulf %get3A_314, %gather3A_311 : vector<16xf32>
        %swap3A_316 = arith.index_cast %add3A_264 : i32 to index
        %swap3A_317 = arith.constant 80 : index
        %swap3A_318 = tpu.vector_load %arg13[%swap3A_316, %swap3A_317] {strides = array<i32>} : memref<48x128xf32, #tpu.memory_space<vmem>>, vector<16xf32>,
        tpu.vector_store %arg13[%swap3A_316, %swap3A_317], %mul3A_315 {strides = array<i32>} : memref<48x128xf32, #tpu.memory_space<vmem>>, vector<16xf32>,
        %gather3A_319 = vector.shape_cast %broadcast_in_dim3A_39 : vector<16x1xi32> to vector<16xi32>
        %gather3A_320 = tpu.dynamic_gather %mul3A_186[%gather3A_319] in [0] : vector<16xf32>, vector<16xi32> -> vector<16xf32>
        %get3A_321 = arith.index_cast %add3A_264 : i32 to index
        %get3A_322 = arith.constant 96 : index
        %get3A_323 = tpu.vector_load %arg11[%get3A_321, %get3A_322] {strides = array<i32>} : memref<48x128xf32, #tpu.memory_space<vmem>>, vector<16xf32>,
        %mul3A_324 = arith.mulf %get3A_323, %gather3A_320 : vector<16xf32>
        %swap3A_325 = arith.index_cast %add3A_264 : i32 to index
        %swap3A_326 = arith.constant 96 : index
        %swap3A_327 = tpu.vector_load %arg13[%swap3A_325, %swap3A_326] {strides = array<i32>} : memref<48x128xf32, #tpu.memory_space<vmem>>, vector<16xf32>,
        tpu.vector_store %arg13[%swap3A_325, %swap3A_326], %mul3A_324 {strides = array<i32>} : memref<48x128xf32, #tpu.memory_space<vmem>>, vector<16xf32>,
        %gather3A_328 = vector.shape_cast %broadcast_in_dim3A_41 : vector<16x1xi32> to vector<16xi32>
        %gather3A_329 = tpu.dynamic_gather %mul3A_186[%gather3A_328] in [0] : vector<16xf32>, vector<16xi32> -> vector<16xf32>
        %get3A_330 = arith.index_cast %add3A_264 : i32 to index
        %get3A_331 = arith.constant 112 : index
        %get3A_332 = tpu.vector_load %arg11[%get3A_330, %get3A_331] {strides = array<i32>} : memref<48x128xf32, #tpu.memory_space<vmem>>, vector<16xf32>,
        %mul3A_333 = arith.mulf %get3A_332, %gather3A_329 : vector<16xf32>
        %swap3A_334 = arith.index_cast %add3A_264 : i32 to index
        %swap3A_335 = arith.constant 112 : index
        %swap3A_336 = tpu.vector_load %arg13[%swap3A_334, %swap3A_335] {strides = array<i32>} : memref<48x128xf32, #tpu.memory_space<vmem>>, vector<16xf32>,
        tpu.vector_store %arg13[%swap3A_334, %swap3A_335], %mul3A_333 {strides = array<i32>} : memref<48x128xf32, #tpu.memory_space<vmem>>, vector<16xf32>,
      }
      %scan3A_123 = arith.constant 24 : i32
      %dma_start3A_124 = arith.constant 0 : i32
      %dma_start3A_125 = tpu.memref_slice %arg10[%add3A_91, %dma_start3A_124] : memref<224x48xi32, #tpu.memory_space<vmem>> -> memref<1x48xi32, #tpu.memory_space<vmem>>
      %dma_start3A_126 = tpu.memref_squeeze %dma_start3A_125 : memref<1x48xi32, #tpu.memory_space<vmem>> -> memref<48xi32, #tpu.memory_space<vmem>>
      %dma_start3A_127 = arith.constant 0 : i32
      %dma_start3A_128 = arith.constant 0 : i32
      %dma_start3A_129 = tpu.memref_slice %arg19[%dma_start3A_127, %dma_start3A_128] : memref<10240x128xf32, #tpu.memory_space<vmem_shared>> -> memref<10240x128xf32, #tpu.memory_space<vmem_shared>>
      tpu.enqueue_indirect_dma source(%arg13 : memref<48x128xf32, #tpu.memory_space<vmem>>) target(%dma_start3A_129 : memref<10240x128xf32, #tpu.memory_space<vmem_shared>>) offsets(%dma_start3A_126 : memref<48xi32, #tpu.memory_space<vmem>>) semaphore(%arg26 : memref<!tpu.dma_semaphore, #tpu.memory_space<semaphore_mem>>) {add = true}
      %mul3A_130 = arith.constant 2 : i32
      %mul3A_131 = arith.muli %mul3A_130, %add3A_87 : i32
      %add3A_132 = arith.constant 1 : i32
      %add3A_133 = arith.addi %mul3A_131, %add3A_132 : i32
      %add3A_134 = arith.constant 1 : i32
      %add3A_135 = arith.addi %add3A_133, %add3A_134 : i32
      %lt3A_136 = arith.constant 224 : i32
      %lt3A_137 = arith.cmpi slt, %add3A_135, %lt3A_136 : i32
      %convert_element_type3A_138 = arith.extui %lt3A_137 : i1 to i32
      %cond3A_139 = arith.constant 0 : i32
      %cond3A_140 = arith.cmpi ne, %convert_element_type3A_138, %cond3A_139 : i32
      scf.if %cond3A_140 {
        %add3A_176 = arith.constant 1 : i32
        %add3A_177 = arith.addi %add3A_133, %add3A_176 : i32
        %dma_start3A_178 = arith.constant 0 : i32
        %dma_start3A_179 = tpu.memref_slice %arg9[%add3A_177, %dma_start3A_178] : memref<224x48xi32, #tpu.memory_space<vmem>> -> memref<1x48xi32, #tpu.memory_space<vmem>>
        %dma_start3A_180 = tpu.memref_squeeze %dma_start3A_179 : memref<1x48xi32, #tpu.memory_space<vmem>> -> memref<48xi32, #tpu.memory_space<vmem>>
        %dma_start3A_181 = arith.constant 0 : i32
        %dma_start3A_182 = arith.constant 0 : i32
        %dma_start3A_183 = tpu.memref_slice %arg2[%dma_start3A_181, %dma_start3A_182] : memref<10240x128xf32, #tpu.memory_space<hbm>> -> memref<10240x128xf32, #tpu.memory_space<hbm>>
        tpu.enqueue_indirect_dma source(%dma_start3A_183 : memref<10240x128xf32, #tpu.memory_space<hbm>>) target(%arg11 : memref<48x128xf32, #tpu.memory_space<vmem>>) offsets(%dma_start3A_180 : memref<48xi32, #tpu.memory_space<vmem>>) semaphore(%arg20 : memref<!tpu.dma_semaphore, #tpu.memory_space<semaphore_mem>>)
        %dma_start3A_184 = arith.constant 0 : i32
        %dma_start3A_185 = tpu.memref_slice %arg10[%add3A_177, %dma_start3A_184] : memref<224x48xi32, #tpu.memory_space<vmem>> -> memref<1x48xi32, #tpu.memory_space<vmem>>
        %dma_start3A_186 = tpu.memref_squeeze %dma_start3A_185 : memref<1x48xi32, #tpu.memory_space<vmem>> -> memref<48xi32, #tpu.memory_space<vmem>>
        %dma_start3A_187 = arith.constant 0 : i32
        %dma_start3A_188 = arith.constant 0 : i32
        %dma_start3A_189 = tpu.memref_slice %arg3[%dma_start3A_187, %dma_start3A_188] : memref<10240x16xf32, #tpu.memory_space<hbm>> -> memref<10240x16xf32, #tpu.memory_space<hbm>>
        tpu.enqueue_indirect_dma source(%dma_start3A_189 : memref<10240x16xf32, #tpu.memory_space<hbm>>) target(%arg17 : memref<48x16xf32, #tpu.memory_space<vmem>>) offsets(%dma_start3A_186 : memref<48xi32, #tpu.memory_space<vmem>>) semaphore(%arg22 : memref<!tpu.dma_semaphore, #tpu.memory_space<semaphore_mem>>)
        %mul3A_190 = arith.constant 48 : i32
        %mul3A_191 = arith.muli %add3A_177, %mul3A_190 : i32
        %add3A_192 = arith.addi %mul3A_2, %mul3A_191 : i32
        %dma_start3A_193 = arith.constant 0 : i32
        %dma_start3A_194 = tpu.memref_slice %arg4[%add3A_192, %dma_start3A_193] : memref<344064x16xf32, #tpu.memory_space<hbm>> -> memref<48x16xf32, #tpu.memory_space<hbm>>
        %dma_start3A_195 = arith.constant 0 : i32
        %dma_start3A_196 = tpu.memref_slice %arg4[%add3A_192, %dma_start3A_195] : memref<344064x16xf32, #tpu.memory_space<hbm>> -> memref<48x16xf32, #tpu.memory_space<hbm>>
        tpu.enqueue_dma source(%dma_start3A_196 : memref<48x16xf32, #tpu.memory_space<hbm>>) target(%arg15 : memref<48x16xf32, #tpu.memory_space<vmem>>) target_semaphore(%arg24 : memref<!tpu.dma_semaphore, #tpu.memory_space<semaphore_mem>>)
      } else {
      }
      %dma_wait3A_141 = arith.constant 0 : i32
      %dma_wait3A_142 = tpu.memref_slice %arg9[%add3A_133, %dma_wait3A_141] : memref<224x48xi32, #tpu.memory_space<vmem>> -> memref<1x48xi32, #tpu.memory_space<vmem>>
      %dma_wait3A_143 = tpu.memref_squeeze %dma_wait3A_142 : memref<1x48xi32, #tpu.memory_space<vmem>> -> memref<48xi32, #tpu.memory_space<vmem>>
      %dma_wait3A_144 = arith.constant 0 : i32
      %dma_wait3A_145 = arith.constant 0 : i32
      %dma_wait3A_146 = tpu.memref_slice %arg2[%dma_wait3A_144, %dma_wait3A_145] : memref<10240x128xf32, #tpu.memory_space<hbm>> -> memref<10240x128xf32, #tpu.memory_space<hbm>>
      tpu.wait_indirect_dma semaphore(%arg21 : memref<!tpu.dma_semaphore, #tpu.memory_space<semaphore_mem>>) src(%dma_wait3A_146 : memref<10240x128xf32, #tpu.memory_space<hbm>>) dst(%arg12 : memref<48x128xf32, #tpu.memory_space<vmem>>)
      %dma_wait3A_147 = arith.constant 0 : i32
      %dma_wait3A_148 = tpu.memref_slice %arg10[%add3A_133, %dma_wait3A_147] : memref<224x48xi32, #tpu.memory_space<vmem>> -> memref<1x48xi32, #tpu.memory_space<vmem>>
      %dma_wait3A_149 = tpu.memref_squeeze %dma_wait3A_148 : memref<1x48xi32, #tpu.memory_space<vmem>> -> memref<48xi32, #tpu.memory_space<vmem>>
      %dma_wait3A_150 = arith.constant 0 : i32
      %dma_wait3A_151 = arith.constant 0 : i32
      %dma_wait3A_152 = tpu.memref_slice %arg3[%dma_wait3A_150, %dma_wait3A_151] : memref<10240x16xf32, #tpu.memory_space<hbm>> -> memref<10240x16xf32, #tpu.memory_space<hbm>>
      tpu.wait_indirect_dma semaphore(%arg23 : memref<!tpu.dma_semaphore, #tpu.memory_space<semaphore_mem>>) src(%dma_wait3A_152 : memref<10240x16xf32, #tpu.memory_space<hbm>>) dst(%arg18 : memref<48x16xf32, #tpu.memory_space<vmem>>)
      %mul3A_153 = arith.constant 48 : i32
      %mul3A_154 = arith.muli %add3A_133, %mul3A_153 : i32
      %add3A_155 = arith.addi %mul3A_2, %mul3A_154 : i32
      %dma_wait3A_156 = arith.constant 0 : i32
      %dma_wait3A_157 = tpu.memref_slice %arg4[%add3A_155, %dma_wait3A_156] : memref<344064x16xf32, #tpu.memory_space<hbm>> -> memref<48x16xf32, #tpu.memory_space<hbm>>
      %dma_wait3A_158 = arith.constant 0 : i32
      %dma_wait3A_159 = tpu.memref_slice %arg4[%add3A_155, %dma_wait3A_158] : memref<344064x16xf32, #tpu.memory_space<hbm>> -> memref<48x16xf32, #tpu.memory_space<hbm>>
      tpu.wait_dma2 semaphore(%arg25 : memref<!tpu.dma_semaphore, #tpu.memory_space<semaphore_mem>>) src(%dma_wait3A_159 : memref<48x16xf32, #tpu.memory_space<hbm>>) dst(%arg16 : memref<48x16xf32, #tpu.memory_space<vmem>>)
      %ge3A_160 = arith.constant 2 : i32
      %ge3A_161 = arith.cmpi sge, %add3A_133, %ge3A_160 : i32
      %convert_element_type3A_162 = arith.extui %ge3A_161 : i1 to i32
      %cond3A_163 = arith.constant 0 : i32
      %cond3A_164 = arith.cmpi ne, %convert_element_type3A_162, %cond3A_163 : i32
      scf.if %cond3A_164 {
        %sub3A = arith.constant 2 : i32
        %sub3A_176 = arith.subi %add3A_133, %sub3A : i32
        %dma_wait3A_177 = arith.constant 0 : i32
        %dma_wait3A_178 = tpu.memref_slice %arg10[%sub3A_176, %dma_wait3A_177] : memref<224x48xi32, #tpu.memory_space<vmem>> -> memref<1x48xi32, #tpu.memory_space<vmem>>
        %dma_wait3A_179 = tpu.memref_squeeze %dma_wait3A_178 : memref<1x48xi32, #tpu.memory_space<vmem>> -> memref<48xi32, #tpu.memory_space<vmem>>
        %dma_wait3A_180 = arith.constant 0 : i32
        %dma_wait3A_181 = arith.constant 0 : i32
        %dma_wait3A_182 = tpu.memref_slice %arg19[%dma_wait3A_180, %dma_wait3A_181] : memref<10240x128xf32, #tpu.memory_space<vmem_shared>> -> memref<10240x128xf32, #tpu.memory_space<vmem_shared>>
        tpu.wait_indirect_dma semaphore(%arg27 : memref<!tpu.dma_semaphore, #tpu.memory_space<semaphore_mem>>) src(%arg14 : memref<48x128xf32, #tpu.memory_space<vmem>>) dst(%dma_wait3A_182 : memref<10240x128xf32, #tpu.memory_space<vmem_shared>>)
      } else {
      }
      %scan3A_165 = arith.constant 0 : i32
      %scan3A_166 = arith.constant 24 : i32
      %scan3A_167 = arith.addi %scan3A_165, %scan3A_166 : i32
      %scan3A_168 = arith.constant 1 : i32
      scf.for %scan3A_176 = %scan3A_165 to %scan3A_167 step %scan3A_168  : i32 {
        %mul3A_177 = arith.constant 1 : i32
        %mul3A_178 = arith.muli %scan3A_176, %mul3A_177 : i32
        %add3A_179 = arith.constant 0 : i32
        %add3A_180 = arith.addi %add3A_179, %mul3A_178 : i32
        %mul3A_181 = arith.constant 2 : i32
        %mul3A_182 = arith.muli %mul3A_181, %add3A_180 : i32
        %add3A_183 = vector.broadcast %mul3A_182 : i32 to vector<16xi32>
        %add3A_184 = arith.addi %add3A_183, %shift_right_arithmetic3A_10 : vector<16xi32>
        %gather3A = tpu.vector_load_idx %arg16[%add3A_184, %and3A_8] : memref<48x16xf32, #tpu.memory_space<vmem>>[vector<16xi32>, vector<16xi32>], vector<16xf32>,
        %gather3A_185 = tpu.vector_load_idx %arg18[%add3A_184, %and3A_8] : memref<48x16xf32, #tpu.memory_space<vmem>>[vector<16xi32>, vector<16xi32>], vector<16xf32>,
        %mul3A_186 = arith.mulf %gather3A, %gather3A_185 : vector<16xf32>
        %mul3A_187 = arith.constant 2 : i32
        %mul3A_188 = arith.muli %mul3A_187, %add3A_180 : i32
        %add3A_189 = arith.constant 0 : i32
        %add3A_190 = arith.addi %mul3A_188, %add3A_189 : i32
        %gather3A_191 = vector.shape_cast %broadcast_in_dim3A_11 : vector<16x1xi32> to vector<16xi32>
        %gather3A_192 = tpu.dynamic_gather %mul3A_186[%gather3A_191] in [0] : vector<16xf32>, vector<16xi32> -> vector<16xf32>
        %get3A = arith.index_cast %add3A_190 : i32 to index
        %get3A_193 = arith.constant 0 : index
        %get3A_194 = tpu.vector_load %arg12[%get3A, %get3A_193] {strides = array<i32>} : memref<48x128xf32, #tpu.memory_space<vmem>>, vector<16xf32>,
        %mul3A_195 = arith.mulf %get3A_194, %gather3A_192 : vector<16xf32>
        %swap3A = arith.index_cast %add3A_190 : i32 to index
        %swap3A_196 = arith.constant 0 : index
        %swap3A_197 = tpu.vector_load %arg14[%swap3A, %swap3A_196] {strides = array<i32>} : memref<48x128xf32, #tpu.memory_space<vmem>>, vector<16xf32>,
        tpu.vector_store %arg14[%swap3A, %swap3A_196], %mul3A_195 {strides = array<i32>} : memref<48x128xf32, #tpu.memory_space<vmem>>, vector<16xf32>,
        %gather3A_198 = vector.shape_cast %broadcast_in_dim3A_13 : vector<16x1xi32> to vector<16xi32>
        %gather3A_199 = tpu.dynamic_gather %mul3A_186[%gather3A_198] in [0] : vector<16xf32>, vector<16xi32> -> vector<16xf32>
        %get3A_200 = arith.index_cast %add3A_190 : i32 to index
        %get3A_201 = arith.constant 16 : index
        %get3A_202 = tpu.vector_load %arg12[%get3A_200, %get3A_201] {strides = array<i32>} : memref<48x128xf32, #tpu.memory_space<vmem>>, vector<16xf32>,
        %mul3A_203 = arith.mulf %get3A_202, %gather3A_199 : vector<16xf32>
        %swap3A_204 = arith.index_cast %add3A_190 : i32 to index
        %swap3A_205 = arith.constant 16 : index
        %swap3A_206 = tpu.vector_load %arg14[%swap3A_204, %swap3A_205] {strides = array<i32>} : memref<48x128xf32, #tpu.memory_space<vmem>>, vector<16xf32>,
        tpu.vector_store %arg14[%swap3A_204, %swap3A_205], %mul3A_203 {strides = array<i32>} : memref<48x128xf32, #tpu.memory_space<vmem>>, vector<16xf32>,
        %gather3A_207 = vector.shape_cast %broadcast_in_dim3A_15 : vector<16x1xi32> to vector<16xi32>
        %gather3A_208 = tpu.dynamic_gather %mul3A_186[%gather3A_207] in [0] : vector<16xf32>, vector<16xi32> -> vector<16xf32>
        %get3A_209 = arith.index_cast %add3A_190 : i32 to index
        %get3A_210 = arith.constant 32 : index
        %get3A_211 = tpu.vector_load %arg12[%get3A_209, %get3A_210] {strides = array<i32>} : memref<48x128xf32, #tpu.memory_space<vmem>>, vector<16xf32>,
        %mul3A_212 = arith.mulf %get3A_211, %gather3A_208 : vector<16xf32>
        %swap3A_213 = arith.index_cast %add3A_190 : i32 to index
        %swap3A_214 = arith.constant 32 : index
        %swap3A_215 = tpu.vector_load %arg14[%swap3A_213, %swap3A_214] {strides = array<i32>} : memref<48x128xf32, #tpu.memory_space<vmem>>, vector<16xf32>,
        tpu.vector_store %arg14[%swap3A_213, %swap3A_214], %mul3A_212 {strides = array<i32>} : memref<48x128xf32, #tpu.memory_space<vmem>>, vector<16xf32>,
        %gather3A_216 = vector.shape_cast %broadcast_in_dim3A_17 : vector<16x1xi32> to vector<16xi32>
        %gather3A_217 = tpu.dynamic_gather %mul3A_186[%gather3A_216] in [0] : vector<16xf32>, vector<16xi32> -> vector<16xf32>
        %get3A_218 = arith.index_cast %add3A_190 : i32 to index
        %get3A_219 = arith.constant 48 : index
        %get3A_220 = tpu.vector_load %arg12[%get3A_218, %get3A_219] {strides = array<i32>} : memref<48x128xf32, #tpu.memory_space<vmem>>, vector<16xf32>,
        %mul3A_221 = arith.mulf %get3A_220, %gather3A_217 : vector<16xf32>
        %swap3A_222 = arith.index_cast %add3A_190 : i32 to index
        %swap3A_223 = arith.constant 48 : index
        %swap3A_224 = tpu.vector_load %arg14[%swap3A_222, %swap3A_223] {strides = array<i32>} : memref<48x128xf32, #tpu.memory_space<vmem>>, vector<16xf32>,
        tpu.vector_store %arg14[%swap3A_222, %swap3A_223], %mul3A_221 {strides = array<i32>} : memref<48x128xf32, #tpu.memory_space<vmem>>, vector<16xf32>,
        %gather3A_225 = vector.shape_cast %broadcast_in_dim3A_19 : vector<16x1xi32> to vector<16xi32>
        %gather3A_226 = tpu.dynamic_gather %mul3A_186[%gather3A_225] in [0] : vector<16xf32>, vector<16xi32> -> vector<16xf32>
        %get3A_227 = arith.index_cast %add3A_190 : i32 to index
        %get3A_228 = arith.constant 64 : index
        %get3A_229 = tpu.vector_load %arg12[%get3A_227, %get3A_228] {strides = array<i32>} : memref<48x128xf32, #tpu.memory_space<vmem>>, vector<16xf32>,
        %mul3A_230 = arith.mulf %get3A_229, %gather3A_226 : vector<16xf32>
        %swap3A_231 = arith.index_cast %add3A_190 : i32 to index
        %swap3A_232 = arith.constant 64 : index
        %swap3A_233 = tpu.vector_load %arg14[%swap3A_231, %swap3A_232] {strides = array<i32>} : memref<48x128xf32, #tpu.memory_space<vmem>>, vector<16xf32>,
        tpu.vector_store %arg14[%swap3A_231, %swap3A_232], %mul3A_230 {strides = array<i32>} : memref<48x128xf32, #tpu.memory_space<vmem>>, vector<16xf32>,
        %gather3A_234 = vector.shape_cast %broadcast_in_dim3A_21 : vector<16x1xi32> to vector<16xi32>
        %gather3A_235 = tpu.dynamic_gather %mul3A_186[%gather3A_234] in [0] : vector<16xf32>, vector<16xi32> -> vector<16xf32>
        %get3A_236 = arith.index_cast %add3A_190 : i32 to index
        %get3A_237 = arith.constant 80 : index
        %get3A_238 = tpu.vector_load %arg12[%get3A_236, %get3A_237] {strides = array<i32>} : memref<48x128xf32, #tpu.memory_space<vmem>>, vector<16xf32>,
        %mul3A_239 = arith.mulf %get3A_238, %gather3A_235 : vector<16xf32>
        %swap3A_240 = arith.index_cast %add3A_190 : i32 to index
        %swap3A_241 = arith.constant 80 : index
        %swap3A_242 = tpu.vector_load %arg14[%swap3A_240, %swap3A_241] {strides = array<i32>} : memref<48x128xf32, #tpu.memory_space<vmem>>, vector<16xf32>,
        tpu.vector_store %arg14[%swap3A_240, %swap3A_241], %mul3A_239 {strides = array<i32>} : memref<48x128xf32, #tpu.memory_space<vmem>>, vector<16xf32>,
        %gather3A_243 = vector.shape_cast %broadcast_in_dim3A_23 : vector<16x1xi32> to vector<16xi32>
        %gather3A_244 = tpu.dynamic_gather %mul3A_186[%gather3A_243] in [0] : vector<16xf32>, vector<16xi32> -> vector<16xf32>
        %get3A_245 = arith.index_cast %add3A_190 : i32 to index
        %get3A_246 = arith.constant 96 : index
        %get3A_247 = tpu.vector_load %arg12[%get3A_245, %get3A_246] {strides = array<i32>} : memref<48x128xf32, #tpu.memory_space<vmem>>, vector<16xf32>,
        %mul3A_248 = arith.mulf %get3A_247, %gather3A_244 : vector<16xf32>
        %swap3A_249 = arith.index_cast %add3A_190 : i32 to index
        %swap3A_250 = arith.constant 96 : index
        %swap3A_251 = tpu.vector_load %arg14[%swap3A_249, %swap3A_250] {strides = array<i32>} : memref<48x128xf32, #tpu.memory_space<vmem>>, vector<16xf32>,
        tpu.vector_store %arg14[%swap3A_249, %swap3A_250], %mul3A_248 {strides = array<i32>} : memref<48x128xf32, #tpu.memory_space<vmem>>, vector<16xf32>,
        %gather3A_252 = vector.shape_cast %broadcast_in_dim3A_25 : vector<16x1xi32> to vector<16xi32>
        %gather3A_253 = tpu.dynamic_gather %mul3A_186[%gather3A_252] in [0] : vector<16xf32>, vector<16xi32> -> vector<16xf32>
        %get3A_254 = arith.index_cast %add3A_190 : i32 to index
        %get3A_255 = arith.constant 112 : index
        %get3A_256 = tpu.vector_load %arg12[%get3A_254, %get3A_255] {strides = array<i32>} : memref<48x128xf32, #tpu.memory_space<vmem>>, vector<16xf32>,
        %mul3A_257 = arith.mulf %get3A_256, %gather3A_253 : vector<16xf32>
        %swap3A_258 = arith.index_cast %add3A_190 : i32 to index
        %swap3A_259 = arith.constant 112 : index
        %swap3A_260 = tpu.vector_load %arg14[%swap3A_258, %swap3A_259] {strides = array<i32>} : memref<48x128xf32, #tpu.memory_space<vmem>>, vector<16xf32>,
        tpu.vector_store %arg14[%swap3A_258, %swap3A_259], %mul3A_257 {strides = array<i32>} : memref<48x128xf32, #tpu.memory_space<vmem>>, vector<16xf32>,
        %mul3A_261 = arith.constant 2 : i32
        %mul3A_262 = arith.muli %mul3A_261, %add3A_180 : i32
        %add3A_263 = arith.constant 1 : i32
        %add3A_264 = arith.addi %mul3A_262, %add3A_263 : i32
        %gather3A_265 = vector.shape_cast %broadcast_in_dim3A_27 : vector<16x1xi32> to vector<16xi32>
        %gather3A_266 = tpu.dynamic_gather %mul3A_186[%gather3A_265] in [0] : vector<16xf32>, vector<16xi32> -> vector<16xf32>
        %get3A_267 = arith.index_cast %add3A_264 : i32 to index
        %get3A_268 = arith.constant 0 : index
        %get3A_269 = tpu.vector_load %arg12[%get3A_267, %get3A_268] {strides = array<i32>} : memref<48x128xf32, #tpu.memory_space<vmem>>, vector<16xf32>,
        %mul3A_270 = arith.mulf %get3A_269, %gather3A_266 : vector<16xf32>
        %swap3A_271 = arith.index_cast %add3A_264 : i32 to index
        %swap3A_272 = arith.constant 0 : index
        %swap3A_273 = tpu.vector_load %arg14[%swap3A_271, %swap3A_272] {strides = array<i32>} : memref<48x128xf32, #tpu.memory_space<vmem>>, vector<16xf32>,
        tpu.vector_store %arg14[%swap3A_271, %swap3A_272], %mul3A_270 {strides = array<i32>} : memref<48x128xf32, #tpu.memory_space<vmem>>, vector<16xf32>,
        %gather3A_274 = vector.shape_cast %broadcast_in_dim3A_29 : vector<16x1xi32> to vector<16xi32>
        %gather3A_275 = tpu.dynamic_gather %mul3A_186[%gather3A_274] in [0] : vector<16xf32>, vector<16xi32> -> vector<16xf32>
        %get3A_276 = arith.index_cast %add3A_264 : i32 to index
        %get3A_277 = arith.constant 16 : index
        %get3A_278 = tpu.vector_load %arg12[%get3A_276, %get3A_277] {strides = array<i32>} : memref<48x128xf32, #tpu.memory_space<vmem>>, vector<16xf32>,
        %mul3A_279 = arith.mulf %get3A_278, %gather3A_275 : vector<16xf32>
        %swap3A_280 = arith.index_cast %add3A_264 : i32 to index
        %swap3A_281 = arith.constant 16 : index
        %swap3A_282 = tpu.vector_load %arg14[%swap3A_280, %swap3A_281] {strides = array<i32>} : memref<48x128xf32, #tpu.memory_space<vmem>>, vector<16xf32>,
        tpu.vector_store %arg14[%swap3A_280, %swap3A_281], %mul3A_279 {strides = array<i32>} : memref<48x128xf32, #tpu.memory_space<vmem>>, vector<16xf32>,
        %gather3A_283 = vector.shape_cast %broadcast_in_dim3A_31 : vector<16x1xi32> to vector<16xi32>
        %gather3A_284 = tpu.dynamic_gather %mul3A_186[%gather3A_283] in [0] : vector<16xf32>, vector<16xi32> -> vector<16xf32>
        %get3A_285 = arith.index_cast %add3A_264 : i32 to index
        %get3A_286 = arith.constant 32 : index
        %get3A_287 = tpu.vector_load %arg12[%get3A_285, %get3A_286] {strides = array<i32>} : memref<48x128xf32, #tpu.memory_space<vmem>>, vector<16xf32>,
        %mul3A_288 = arith.mulf %get3A_287, %gather3A_284 : vector<16xf32>
        %swap3A_289 = arith.index_cast %add3A_264 : i32 to index
        %swap3A_290 = arith.constant 32 : index
        %swap3A_291 = tpu.vector_load %arg14[%swap3A_289, %swap3A_290] {strides = array<i32>} : memref<48x128xf32, #tpu.memory_space<vmem>>, vector<16xf32>,
        tpu.vector_store %arg14[%swap3A_289, %swap3A_290], %mul3A_288 {strides = array<i32>} : memref<48x128xf32, #tpu.memory_space<vmem>>, vector<16xf32>,
        %gather3A_292 = vector.shape_cast %broadcast_in_dim3A_33 : vector<16x1xi32> to vector<16xi32>
        %gather3A_293 = tpu.dynamic_gather %mul3A_186[%gather3A_292] in [0] : vector<16xf32>, vector<16xi32> -> vector<16xf32>
        %get3A_294 = arith.index_cast %add3A_264 : i32 to index
        %get3A_295 = arith.constant 48 : index
        %get3A_296 = tpu.vector_load %arg12[%get3A_294, %get3A_295] {strides = array<i32>} : memref<48x128xf32, #tpu.memory_space<vmem>>, vector<16xf32>,
        %mul3A_297 = arith.mulf %get3A_296, %gather3A_293 : vector<16xf32>
        %swap3A_298 = arith.index_cast %add3A_264 : i32 to index
        %swap3A_299 = arith.constant 48 : index
        %swap3A_300 = tpu.vector_load %arg14[%swap3A_298, %swap3A_299] {strides = array<i32>} : memref<48x128xf32, #tpu.memory_space<vmem>>, vector<16xf32>,
        tpu.vector_store %arg14[%swap3A_298, %swap3A_299], %mul3A_297 {strides = array<i32>} : memref<48x128xf32, #tpu.memory_space<vmem>>, vector<16xf32>,
        %gather3A_301 = vector.shape_cast %broadcast_in_dim3A_35 : vector<16x1xi32> to vector<16xi32>
        %gather3A_302 = tpu.dynamic_gather %mul3A_186[%gather3A_301] in [0] : vector<16xf32>, vector<16xi32> -> vector<16xf32>
        %get3A_303 = arith.index_cast %add3A_264 : i32 to index
        %get3A_304 = arith.constant 64 : index
        %get3A_305 = tpu.vector_load %arg12[%get3A_303, %get3A_304] {strides = array<i32>} : memref<48x128xf32, #tpu.memory_space<vmem>>, vector<16xf32>,
        %mul3A_306 = arith.mulf %get3A_305, %gather3A_302 : vector<16xf32>
        %swap3A_307 = arith.index_cast %add3A_264 : i32 to index
        %swap3A_308 = arith.constant 64 : index
        %swap3A_309 = tpu.vector_load %arg14[%swap3A_307, %swap3A_308] {strides = array<i32>} : memref<48x128xf32, #tpu.memory_space<vmem>>, vector<16xf32>,
        tpu.vector_store %arg14[%swap3A_307, %swap3A_308], %mul3A_306 {strides = array<i32>} : memref<48x128xf32, #tpu.memory_space<vmem>>, vector<16xf32>,
        %gather3A_310 = vector.shape_cast %broadcast_in_dim3A_37 : vector<16x1xi32> to vector<16xi32>
        %gather3A_311 = tpu.dynamic_gather %mul3A_186[%gather3A_310] in [0] : vector<16xf32>, vector<16xi32> -> vector<16xf32>
        %get3A_312 = arith.index_cast %add3A_264 : i32 to index
        %get3A_313 = arith.constant 80 : index
        %get3A_314 = tpu.vector_load %arg12[%get3A_312, %get3A_313] {strides = array<i32>} : memref<48x128xf32, #tpu.memory_space<vmem>>, vector<16xf32>,
        %mul3A_315 = arith.mulf %get3A_314, %gather3A_311 : vector<16xf32>
        %swap3A_316 = arith.index_cast %add3A_264 : i32 to index
        %swap3A_317 = arith.constant 80 : index
        %swap3A_318 = tpu.vector_load %arg14[%swap3A_316, %swap3A_317] {strides = array<i32>} : memref<48x128xf32, #tpu.memory_space<vmem>>, vector<16xf32>,
        tpu.vector_store %arg14[%swap3A_316, %swap3A_317], %mul3A_315 {strides = array<i32>} : memref<48x128xf32, #tpu.memory_space<vmem>>, vector<16xf32>,
        %gather3A_319 = vector.shape_cast %broadcast_in_dim3A_39 : vector<16x1xi32> to vector<16xi32>
        %gather3A_320 = tpu.dynamic_gather %mul3A_186[%gather3A_319] in [0] : vector<16xf32>, vector<16xi32> -> vector<16xf32>
        %get3A_321 = arith.index_cast %add3A_264 : i32 to index
        %get3A_322 = arith.constant 96 : index
        %get3A_323 = tpu.vector_load %arg12[%get3A_321, %get3A_322] {strides = array<i32>} : memref<48x128xf32, #tpu.memory_space<vmem>>, vector<16xf32>,
        %mul3A_324 = arith.mulf %get3A_323, %gather3A_320 : vector<16xf32>
        %swap3A_325 = arith.index_cast %add3A_264 : i32 to index
        %swap3A_326 = arith.constant 96 : index
        %swap3A_327 = tpu.vector_load %arg14[%swap3A_325, %swap3A_326] {strides = array<i32>} : memref<48x128xf32, #tpu.memory_space<vmem>>, vector<16xf32>,
        tpu.vector_store %arg14[%swap3A_325, %swap3A_326], %mul3A_324 {strides = array<i32>} : memref<48x128xf32, #tpu.memory_space<vmem>>, vector<16xf32>,
        %gather3A_328 = vector.shape_cast %broadcast_in_dim3A_41 : vector<16x1xi32> to vector<16xi32>
        %gather3A_329 = tpu.dynamic_gather %mul3A_186[%gather3A_328] in [0] : vector<16xf32>, vector<16xi32> -> vector<16xf32>
        %get3A_330 = arith.index_cast %add3A_264 : i32 to index
        %get3A_331 = arith.constant 112 : index
        %get3A_332 = tpu.vector_load %arg12[%get3A_330, %get3A_331] {strides = array<i32>} : memref<48x128xf32, #tpu.memory_space<vmem>>, vector<16xf32>,
        %mul3A_333 = arith.mulf %get3A_332, %gather3A_329 : vector<16xf32>
        %swap3A_334 = arith.index_cast %add3A_264 : i32 to index
        %swap3A_335 = arith.constant 112 : index
        %swap3A_336 = tpu.vector_load %arg14[%swap3A_334, %swap3A_335] {strides = array<i32>} : memref<48x128xf32, #tpu.memory_space<vmem>>, vector<16xf32>,
        tpu.vector_store %arg14[%swap3A_334, %swap3A_335], %mul3A_333 {strides = array<i32>} : memref<48x128xf32, #tpu.memory_space<vmem>>, vector<16xf32>,
      }
      %scan3A_169 = arith.constant 24 : i32
      %dma_start3A_170 = arith.constant 0 : i32
      %dma_start3A_171 = tpu.memref_slice %arg10[%add3A_133, %dma_start3A_170] : memref<224x48xi32, #tpu.memory_space<vmem>> -> memref<1x48xi32, #tpu.memory_space<vmem>>
      %dma_start3A_172 = tpu.memref_squeeze %dma_start3A_171 : memref<1x48xi32, #tpu.memory_space<vmem>> -> memref<48xi32, #tpu.memory_space<vmem>>
      %dma_start3A_173 = arith.constant 0 : i32
      %dma_start3A_174 = arith.constant 0 : i32
      %dma_start3A_175 = tpu.memref_slice %arg19[%dma_start3A_173, %dma_start3A_174] : memref<10240x128xf32, #tpu.memory_space<vmem_shared>> -> memref<10240x128xf32, #tpu.memory_space<vmem_shared>>
      tpu.enqueue_indirect_dma source(%arg14 : memref<48x128xf32, #tpu.memory_space<vmem>>) target(%dma_start3A_175 : memref<10240x128xf32, #tpu.memory_space<vmem_shared>>) offsets(%dma_start3A_172 : memref<48xi32, #tpu.memory_space<vmem>>) semaphore(%arg27 : memref<!tpu.dma_semaphore, #tpu.memory_space<semaphore_mem>>) {add = true}
    }
    %scan3A_64 = arith.constant 112 : i32
    %dma_wait3A = arith.constant 222 : i32
    %dma_wait3A_65 = arith.constant 0 : i32
    %dma_wait3A_66 = tpu.memref_slice %arg10[%dma_wait3A, %dma_wait3A_65] : memref<224x48xi32, #tpu.memory_space<vmem>> -> memref<1x48xi32, #tpu.memory_space<vmem>>
    %dma_wait3A_67 = tpu.memref_squeeze %dma_wait3A_66 : memref<1x48xi32, #tpu.memory_space<vmem>> -> memref<48xi32, #tpu.memory_space<vmem>>
    %dma_wait3A_68 = arith.constant 0 : i32
    %dma_wait3A_69 = arith.constant 0 : i32
    %dma_wait3A_70 = tpu.memref_slice %arg19[%dma_wait3A_68, %dma_wait3A_69] : memref<10240x128xf32, #tpu.memory_space<vmem_shared>> -> memref<10240x128xf32, #tpu.memory_space<vmem_shared>>
    tpu.wait_indirect_dma semaphore(%arg26 : memref<!tpu.dma_semaphore, #tpu.memory_space<semaphore_mem>>) src(%arg13 : memref<48x128xf32, #tpu.memory_space<vmem>>) dst(%dma_wait3A_70 : memref<10240x128xf32, #tpu.memory_space<vmem_shared>>)
    %dma_wait3A_71 = arith.constant 223 : i32
    %dma_wait3A_72 = arith.constant 0 : i32
    %dma_wait3A_73 = tpu.memref_slice %arg10[%dma_wait3A_71, %dma_wait3A_72] : memref<224x48xi32, #tpu.memory_space<vmem>> -> memref<1x48xi32, #tpu.memory_space<vmem>>
    %dma_wait3A_74 = tpu.memref_squeeze %dma_wait3A_73 : memref<1x48xi32, #tpu.memory_space<vmem>> -> memref<48xi32, #tpu.memory_space<vmem>>
    %dma_wait3A_75 = arith.constant 0 : i32
    %dma_wait3A_76 = arith.constant 0 : i32
    %dma_wait3A_77 = tpu.memref_slice %arg19[%dma_wait3A_75, %dma_wait3A_76] : memref<10240x128xf32, #tpu.memory_space<vmem_shared>> -> memref<10240x128xf32, #tpu.memory_space<vmem_shared>>
    tpu.wait_indirect_dma semaphore(%arg27 : memref<!tpu.dma_semaphore, #tpu.memory_space<semaphore_mem>>) src(%arg14 : memref<48x128xf32, #tpu.memory_space<vmem>>) dst(%dma_wait3A_77 : memref<10240x128xf32, #tpu.memory_space<vmem_shared>>)
    %barrier3A_78 = arith.constant 0 : index
    tpu.barrier barrier_id(%barrier3A_78)
    %mul3A_79 = arith.constant 640 : i32
    %mul3A_80 = arith.muli %arg1, %mul3A_79 : i32
    %mul3A_81 = arith.constant 640 : i32
    %mul3A_82 = arith.muli %arg1, %mul3A_81 : i32
    "tpu.region"() ({
      %run_scoped3A = tpu.sem_alloc : memref<!tpu.dma_semaphore, #tpu.memory_space<semaphore_mem>>
      %dma_start3A_83 = arith.constant 0 : i32
      %dma_start3A_84 = tpu.memref_slice %arg8[%arg0, %mul3A_82, %dma_start3A_83] : memref<2x10240x128xf32, #tpu.memory_space<hbm>> -> memref<1x640x128xf32, #tpu.memory_space<hbm>>
      %dma_start3A_85 = tpu.memref_squeeze %dma_start3A_84 : memref<1x640x128xf32, #tpu.memory_space<hbm>> -> memref<640x128xf32, #tpu.memory_space<hbm>>
      %dma_start3A_86 = arith.constant 0 : i32
      %dma_start3A_87 = tpu.memref_slice %arg19[%mul3A_80, %dma_start3A_86] : memref<10240x128xf32, #tpu.memory_space<vmem_shared>> -> memref<640x128xf32, #tpu.memory_space<vmem_shared>>
      tpu.enqueue_dma source(%dma_start3A_87 : memref<640x128xf32, #tpu.memory_space<vmem_shared>>) target(%dma_start3A_85 : memref<640x128xf32, #tpu.memory_space<hbm>>) target_semaphore(%run_scoped3A : memref<!tpu.dma_semaphore, #tpu.memory_space<semaphore_mem>>)
      %dma_wait3A_88 = arith.constant 0 : i32
      %dma_wait3A_89 = tpu.memref_slice %arg8[%arg0, %mul3A_82, %dma_wait3A_88] : memref<2x10240x128xf32, #tpu.memory_space<hbm>> -> memref<1x640x128xf32, #tpu.memory_space<hbm>>
      %dma_wait3A_90 = tpu.memref_squeeze %dma_wait3A_89 : memref<1x640x128xf32, #tpu.memory_space<hbm>> -> memref<640x128xf32, #tpu.memory_space<hbm>>
      %dma_wait3A_91 = arith.constant 0 : i32
      %dma_wait3A_92 = tpu.memref_slice %arg19[%mul3A_80, %dma_wait3A_91] : memref<10240x128xf32, #tpu.memory_space<vmem_shared>> -> memref<640x128xf32, #tpu.memory_space<vmem_shared>>
      tpu.wait_dma2 semaphore(%run_scoped3A : memref<!tpu.dma_semaphore, #tpu.memory_space<semaphore_mem>>) src(%dma_wait3A_92 : memref<640x128xf32, #tpu.memory_space<vmem_shared>>) dst(%dma_wait3A_90 : memref<640x128xf32, #tpu.memory_space<hbm>>)
      tpu.yield
    }) : () -> ()
    return
  }
}

#map = affine_map<(d0, d1) -> (0, 0)>
#map1 = affine_map<(d0, d1) -> (0, 0, 0)>
module attributes {stable_mosaic.version = 14 : i64} {
  func.func @_sc_aggr_body(%arg0: i32, %arg1: i32, %arg2: memref<10240x128xf32, #tpu.memory_space<hbm>>, %arg3: memref<10240x16xf32, #tpu.memory_space<hbm>>, %arg4: memref<344064x16xf32, #tpu.memory_space<hbm>>, %arg5: memref<32x224x48xi32, #tpu.memory_space<hbm>>, %arg6: memref<32x224x48xi32, #tpu.memory_space<hbm>>, %arg7: memref<10240x128xf32, #tpu.memory_space<hbm>>, %arg8: memref<2x10240x128xf32, #tpu.memory_space<hbm>>, %arg9: memref<224x48xi32, #tpu.memory_space<vmem>>, %arg10: memref<224x48xi32, #tpu.memory_space<vmem>>, %arg11: memref<48x128xf32, #tpu.memory_space<vmem>>, %arg12: memref<48x128xf32, #tpu.memory_space<vmem>>, %arg13: memref<48x128xf32, #tpu.memory_space<vmem>>, %arg14: memref<48x128xf32, #tpu.memory_space<vmem>>, %arg15: memref<48x16xf32, #tpu.memory_space<vmem>>, %arg16: memref<48x16xf32, #tpu.memory_space<vmem>>, %arg17: memref<48x16xf32, #tpu.memory_space<vmem>>, %arg18: memref<48x16xf32, #tpu.memory_space<vmem>>, %arg19: memref<10240x128xf32, #tpu.memory_space<vmem_shared>>, %arg20: memref<!tpu.dma_semaphore, #tpu.memory_space<semaphore_mem>>, %arg21: memref<!tpu.dma_semaphore, #tpu.memory_space<semaphore_mem>>, %arg22: memref<!tpu.dma_semaphore, #tpu.memory_space<semaphore_mem>>, %arg23: memref<!tpu.dma_semaphore, #tpu.memory_space<semaphore_mem>>, %arg24: memref<!tpu.dma_semaphore, #tpu.memory_space<semaphore_mem>>, %arg25: memref<!tpu.dma_semaphore, #tpu.memory_space<semaphore_mem>>, %arg26: memref<!tpu.dma_semaphore, #tpu.memory_space<semaphore_mem>>, %arg27: memref<!tpu.dma_semaphore, #tpu.memory_space<semaphore_mem>>) attributes {dimension_semantics = [#tpu.dimension_semantics<core_parallel>, #tpu.dimension_semantics<subcore_parallel>], iteration_bounds = array<i64: 2, 16>, scalar_prefetch = 0 : i64, scratch_operands = 19 : i64, tpu.core_type = #tpu.core_type<sc_vector_subcore>, window_params = [{transform_indices = #map}, {transform_indices = #map}, {transform_indices = #map}, {transform_indices = #map1}, {transform_indices = #map1}, {transform_indices = #map}, {transform_indices = #map1}]} {
    %mul3A = arith.constant 16 : i32
    %mul3A_0 = arith.muli %arg0, %mul3A : i32
    %add3A = arith.addi %mul3A_0, %arg1 : i32
    %mul3A_1 = arith.constant 10752 : i32
    %mul3A_2 = arith.muli %add3A, %mul3A_1 : i32
    %mul3A_3 = arith.constant 640 : i32
    %mul3A_4 = arith.muli %arg1, %mul3A_3 : i32
    %mul3A_5 = arith.constant 640 : i32
    %mul3A_6 = arith.muli %arg1, %mul3A_5 : i32
    "tpu.region"() ({
      %run_scoped3A = tpu.sem_alloc : memref<!tpu.dma_semaphore, #tpu.memory_space<semaphore_mem>>
      %dma_start3A_83 = arith.constant 0 : i32
      %dma_start3A_84 = tpu.memref_slice %arg19[%mul3A_6, %dma_start3A_83] : memref<10240x128xf32, #tpu.memory_space<vmem_shared>> -> memref<640x128xf32, #tpu.memory_space<vmem_shared>>
      %dma_start3A_85 = arith.constant 0 : i32
      %dma_start3A_86 = tpu.memref_slice %arg7[%mul3A_4, %dma_start3A_85] : memref<10240x128xf32, #tpu.memory_space<hbm>> -> memref<640x128xf32, #tpu.memory_space<hbm>>
      tpu.enqueue_dma source(%dma_start3A_86 : memref<640x128xf32, #tpu.memory_space<hbm>>) target(%dma_start3A_84 : memref<640x128xf32, #tpu.memory_space<vmem_shared>>) target_semaphore(%run_scoped3A : memref<!tpu.dma_semaphore, #tpu.memory_space<semaphore_mem>>)
      %dma_wait3A_87 = arith.constant 0 : i32
      %dma_wait3A_88 = tpu.memref_slice %arg19[%mul3A_6, %dma_wait3A_87] : memref<10240x128xf32, #tpu.memory_space<vmem_shared>> -> memref<640x128xf32, #tpu.memory_space<vmem_shared>>
      %dma_wait3A_89 = arith.constant 0 : i32
      %dma_wait3A_90 = tpu.memref_slice %arg7[%mul3A_4, %dma_wait3A_89] : memref<10240x128xf32, #tpu.memory_space<hbm>> -> memref<640x128xf32, #tpu.memory_space<hbm>>
      tpu.wait_dma2 semaphore(%run_scoped3A : memref<!tpu.dma_semaphore, #tpu.memory_space<semaphore_mem>>) src(%dma_wait3A_90 : memref<640x128xf32, #tpu.memory_space<hbm>>) dst(%dma_wait3A_88 : memref<640x128xf32, #tpu.memory_space<vmem_shared>>)
      tpu.yield
    }) : () -> ()
    "tpu.region"() ({
      %run_scoped3A = tpu.sem_alloc : memref<!tpu.dma_semaphore, #tpu.memory_space<semaphore_mem>>
      %dma_start3A_83 = arith.constant 0 : i32
      %dma_start3A_84 = arith.constant 0 : i32
      %dma_start3A_85 = tpu.memref_slice %arg5[%add3A, %dma_start3A_83, %dma_start3A_84] : memref<32x224x48xi32, #tpu.memory_space<hbm>> -> memref<1x224x48xi32, #tpu.memory_space<hbm>>
      %dma_start3A_86 = tpu.memref_squeeze %dma_start3A_85 : memref<1x224x48xi32, #tpu.memory_space<hbm>> -> memref<224x48xi32, #tpu.memory_space<hbm>>
      %dma_start3A_87 = arith.constant 0 : i32
      %dma_start3A_88 = arith.constant 0 : i32
      %dma_start3A_89 = tpu.memref_slice %arg5[%add3A, %dma_start3A_87, %dma_start3A_88] : memref<32x224x48xi32, #tpu.memory_space<hbm>> -> memref<1x224x48xi32, #tpu.memory_space<hbm>>
      %dma_start3A_90 = tpu.memref_squeeze %dma_start3A_89 : memref<1x224x48xi32, #tpu.memory_space<hbm>> -> memref<224x48xi32, #tpu.memory_space<hbm>>
      tpu.enqueue_dma source(%dma_start3A_90 : memref<224x48xi32, #tpu.memory_space<hbm>>) target(%arg9 : memref<224x48xi32, #tpu.memory_space<vmem>>) target_semaphore(%run_scoped3A : memref<!tpu.dma_semaphore, #tpu.memory_space<semaphore_mem>>)
      %dma_wait3A_91 = arith.constant 0 : i32
      %dma_wait3A_92 = arith.constant 0 : i32
      %dma_wait3A_93 = tpu.memref_slice %arg5[%add3A, %dma_wait3A_91, %dma_wait3A_92] : memref<32x224x48xi32, #tpu.memory_space<hbm>> -> memref<1x224x48xi32, #tpu.memory_space<hbm>>
      %dma_wait3A_94 = tpu.memref_squeeze %dma_wait3A_93 : memref<1x224x48xi32, #tpu.memory_space<hbm>> -> memref<224x48xi32, #tpu.memory_space<hbm>>
      %dma_wait3A_95 = arith.constant 0 : i32
      %dma_wait3A_96 = arith.constant 0 : i32
      %dma_wait3A_97 = tpu.memref_slice %arg5[%add3A, %dma_wait3A_95, %dma_wait3A_96] : memref<32x224x48xi32, #tpu.memory_space<hbm>> -> memref<1x224x48xi32, #tpu.memory_space<hbm>>
      %dma_wait3A_98 = tpu.memref_squeeze %dma_wait3A_97 : memref<1x224x48xi32, #tpu.memory_space<hbm>> -> memref<224x48xi32, #tpu.memory_space<hbm>>
      tpu.wait_dma2 semaphore(%run_scoped3A : memref<!tpu.dma_semaphore, #tpu.memory_space<semaphore_mem>>) src(%dma_wait3A_98 : memref<224x48xi32, #tpu.memory_space<hbm>>) dst(%arg9 : memref<224x48xi32, #tpu.memory_space<vmem>>)
      tpu.yield
    }) : () -> ()
    "tpu.region"() ({
      %run_scoped3A = tpu.sem_alloc : memref<!tpu.dma_semaphore, #tpu.memory_space<semaphore_mem>>
      %dma_start3A_83 = arith.constant 0 : i32
      %dma_start3A_84 = arith.constant 0 : i32
      %dma_start3A_85 = tpu.memref_slice %arg6[%add3A, %dma_start3A_83, %dma_start3A_84] : memref<32x224x48xi32, #tpu.memory_space<hbm>> -> memref<1x224x48xi32, #tpu.memory_space<hbm>>
      %dma_start3A_86 = tpu.memref_squeeze %dma_start3A_85 : memref<1x224x48xi32, #tpu.memory_space<hbm>> -> memref<224x48xi32, #tpu.memory_space<hbm>>
      %dma_start3A_87 = arith.constant 0 : i32
      %dma_start3A_88 = arith.constant 0 : i32
      %dma_start3A_89 = tpu.memref_slice %arg6[%add3A, %dma_start3A_87, %dma_start3A_88] : memref<32x224x48xi32, #tpu.memory_space<hbm>> -> memref<1x224x48xi32, #tpu.memory_space<hbm>>
      %dma_start3A_90 = tpu.memref_squeeze %dma_start3A_89 : memref<1x224x48xi32, #tpu.memory_space<hbm>> -> memref<224x48xi32, #tpu.memory_space<hbm>>
      tpu.enqueue_dma source(%dma_start3A_90 : memref<224x48xi32, #tpu.memory_space<hbm>>) target(%arg10 : memref<224x48xi32, #tpu.memory_space<vmem>>) target_semaphore(%run_scoped3A : memref<!tpu.dma_semaphore, #tpu.memory_space<semaphore_mem>>)
      %dma_wait3A_91 = arith.constant 0 : i32
      %dma_wait3A_92 = arith.constant 0 : i32
      %dma_wait3A_93 = tpu.memref_slice %arg6[%add3A, %dma_wait3A_91, %dma_wait3A_92] : memref<32x224x48xi32, #tpu.memory_space<hbm>> -> memref<1x224x48xi32, #tpu.memory_space<hbm>>
      %dma_wait3A_94 = tpu.memref_squeeze %dma_wait3A_93 : memref<1x224x48xi32, #tpu.memory_space<hbm>> -> memref<224x48xi32, #tpu.memory_space<hbm>>
      %dma_wait3A_95 = arith.constant 0 : i32
      %dma_wait3A_96 = arith.constant 0 : i32
      %dma_wait3A_97 = tpu.memref_slice %arg6[%add3A, %dma_wait3A_95, %dma_wait3A_96] : memref<32x224x48xi32, #tpu.memory_space<hbm>> -> memref<1x224x48xi32, #tpu.memory_space<hbm>>
      %dma_wait3A_98 = tpu.memref_squeeze %dma_wait3A_97 : memref<1x224x48xi32, #tpu.memory_space<hbm>> -> memref<224x48xi32, #tpu.memory_space<hbm>>
      tpu.wait_dma2 semaphore(%run_scoped3A : memref<!tpu.dma_semaphore, #tpu.memory_space<semaphore_mem>>) src(%dma_wait3A_98 : memref<224x48xi32, #tpu.memory_space<hbm>>) dst(%arg10 : memref<224x48xi32, #tpu.memory_space<vmem>>)
      tpu.yield
    }) : () -> ()
    %barrier3A = arith.constant 0 : index
    tpu.barrier barrier_id(%barrier3A)
    %iota3A = tpu.iota {dimensions = array<i32: 0>} : vector<16xi32>
    %and3A = arith.constant 7 : i32
    %and3A_7 = vector.broadcast %and3A : i32 to vector<16xi32>
    %and3A_8 = arith.andi %iota3A, %and3A_7 : vector<16xi32>
    %shift_right_arithmetic3A = arith.constant 3 : i32
    %shift_right_arithmetic3A_9 = vector.broadcast %shift_right_arithmetic3A : i32 to vector<16xi32>
    %shift_right_arithmetic3A_10 = arith.shrsi %iota3A, %shift_right_arithmetic3A_9 : vector<16xi32>
    %broadcast_in_dim3A = arith.constant 0 : i32
    %broadcast_in_dim3A_11 = vector.broadcast %broadcast_in_dim3A : i32 to vector<16x1xi32>
    %broadcast_in_dim3A_12 = arith.constant 1 : i32
    %broadcast_in_dim3A_13 = vector.broadcast %broadcast_in_dim3A_12 : i32 to vector<16x1xi32>
    %broadcast_in_dim3A_14 = arith.constant 2 : i32
    %broadcast_in_dim3A_15 = vector.broadcast %broadcast_in_dim3A_14 : i32 to vector<16x1xi32>
    %broadcast_in_dim3A_16 = arith.constant 3 : i32
    %broadcast_in_dim3A_17 = vector.broadcast %broadcast_in_dim3A_16 : i32 to vector<16x1xi32>
    %broadcast_in_dim3A_18 = arith.constant 4 : i32
    %broadcast_in_dim3A_19 = vector.broadcast %broadcast_in_dim3A_18 : i32 to vector<16x1xi32>
    %broadcast_in_dim3A_20 = arith.constant 5 : i32
    %broadcast_in_dim3A_21 = vector.broadcast %broadcast_in_dim3A_20 : i32 to vector<16x1xi32>
    %broadcast_in_dim3A_22 = arith.constant 6 : i32
    %broadcast_in_dim3A_23 = vector.broadcast %broadcast_in_dim3A_22 : i32 to vector<16x1xi32>
    %broadcast_in_dim3A_24 = arith.constant 7 : i32
    %broadcast_in_dim3A_25 = vector.broadcast %broadcast_in_dim3A_24 : i32 to vector<16x1xi32>
    %broadcast_in_dim3A_26 = arith.constant 8 : i32
    %broadcast_in_dim3A_27 = vector.broadcast %broadcast_in_dim3A_26 : i32 to vector<16x1xi32>
    %broadcast_in_dim3A_28 = arith.constant 9 : i32
    %broadcast_in_dim3A_29 = vector.broadcast %broadcast_in_dim3A_28 : i32 to vector<16x1xi32>
    %broadcast_in_dim3A_30 = arith.constant 10 : i32
    %broadcast_in_dim3A_31 = vector.broadcast %broadcast_in_dim3A_30 : i32 to vector<16x1xi32>
    %broadcast_in_dim3A_32 = arith.constant 11 : i32
    %broadcast_in_dim3A_33 = vector.broadcast %broadcast_in_dim3A_32 : i32 to vector<16x1xi32>
    %broadcast_in_dim3A_34 = arith.constant 12 : i32
    %broadcast_in_dim3A_35 = vector.broadcast %broadcast_in_dim3A_34 : i32 to vector<16x1xi32>
    %broadcast_in_dim3A_36 = arith.constant 13 : i32
    %broadcast_in_dim3A_37 = vector.broadcast %broadcast_in_dim3A_36 : i32 to vector<16x1xi32>
    %broadcast_in_dim3A_38 = arith.constant 14 : i32
    %broadcast_in_dim3A_39 = vector.broadcast %broadcast_in_dim3A_38 : i32 to vector<16x1xi32>
    %broadcast_in_dim3A_40 = arith.constant 15 : i32
    %broadcast_in_dim3A_41 = vector.broadcast %broadcast_in_dim3A_40 : i32 to vector<16x1xi32>
    %dma_start3A = arith.constant 0 : i32
    %dma_start3A_42 = arith.constant 0 : i32
    %dma_start3A_43 = tpu.memref_slice %arg9[%dma_start3A, %dma_start3A_42] : memref<224x48xi32, #tpu.memory_space<vmem>> -> memref<1x48xi32, #tpu.memory_space<vmem>>
    %dma_start3A_44 = tpu.memref_squeeze %dma_start3A_43 : memref<1x48xi32, #tpu.memory_space<vmem>> -> memref<48xi32, #tpu.memory_space<vmem>>
    %dma_start3A_45 = arith.constant 0 : i32
    %dma_start3A_46 = arith.constant 0 : i32
    %dma_start3A_47 = tpu.memref_slice %arg2[%dma_start3A_45, %dma_start3A_46] : memref<10240x128xf32, #tpu.memory_space<hbm>> -> memref<10240x128xf32, #tpu.memory_space<hbm>>
    tpu.enqueue_indirect_dma source(%dma_start3A_47 : memref<10240x128xf32, #tpu.memory_space<hbm>>) target(%arg11 : memref<48x128xf32, #tpu.memory_space<vmem>>) offsets(%dma_start3A_44 : memref<48xi32, #tpu.memory_space<vmem>>) semaphore(%arg20 : memref<!tpu.dma_semaphore, #tpu.memory_space<semaphore_mem>>)
    %dma_start3A_48 = arith.constant 0 : i32
    %dma_start3A_49 = arith.constant 0 : i32
    %dma_start3A_50 = tpu.memref_slice %arg10[%dma_start3A_48, %dma_start3A_49] : memref<224x48xi32, #tpu.memory_space<vmem>> -> memref<1x48xi32, #tpu.memory_space<vmem>>
    %dma_start3A_51 = tpu.memref_squeeze %dma_start3A_50 : memref<1x48xi32, #tpu.memory_space<vmem>> -> memref<48xi32, #tpu.memory_space<vmem>>
    %dma_start3A_52 = arith.constant 0 : i32
    %dma_start3A_53 = arith.constant 0 : i32
    %dma_start3A_54 = tpu.memref_slice %arg3[%dma_start3A_52, %dma_start3A_53] : memref<10240x16xf32, #tpu.memory_space<hbm>> -> memref<10240x16xf32, #tpu.memory_space<hbm>>
    tpu.enqueue_indirect_dma source(%dma_start3A_54 : memref<10240x16xf32, #tpu.memory_space<hbm>>) target(%arg17 : memref<48x16xf32, #tpu.memory_space<vmem>>) offsets(%dma_start3A_51 : memref<48xi32, #tpu.memory_space<vmem>>) semaphore(%arg22 : memref<!tpu.dma_semaphore, #tpu.memory_space<semaphore_mem>>)
    %add3A_55 = arith.constant 0 : i32
    %add3A_56 = arith.addi %mul3A_2, %add3A_55 : i32
    %dma_start3A_57 = arith.constant 0 : i32
    %dma_start3A_58 = tpu.memref_slice %arg4[%add3A_56, %dma_start3A_57] : memref<344064x16xf32, #tpu.memory_space<hbm>> -> memref<48x16xf32, #tpu.memory_space<hbm>>
    %dma_start3A_59 = arith.constant 0 : i32
    %dma_start3A_60 = tpu.memref_slice %arg4[%add3A_56, %dma_start3A_59] : memref<344064x16xf32, #tpu.memory_space<hbm>> -> memref<48x16xf32, #tpu.memory_space<hbm>>
    tpu.enqueue_dma source(%dma_start3A_60 : memref<48x16xf32, #tpu.memory_space<hbm>>) target(%arg15 : memref<48x16xf32, #tpu.memory_space<vmem>>) target_semaphore(%arg24 : memref<!tpu.dma_semaphore, #tpu.memory_space<semaphore_mem>>)
    %scan3A = arith.constant 0 : i32
    %scan3A_61 = arith.constant 112 : i32
    %scan3A_62 = arith.addi %scan3A, %scan3A_61 : i32
    %scan3A_63 = arith.constant 1 : i32
    scf.for %scan3A_83 = %scan3A to %scan3A_62 step %scan3A_63  : i32 {
      %mul3A_84 = arith.constant 1 : i32
      %mul3A_85 = arith.muli %scan3A_83, %mul3A_84 : i32
      %add3A_86 = arith.constant 0 : i32
      %add3A_87 = arith.addi %add3A_86, %mul3A_85 : i32
      %mul3A_88 = arith.constant 2 : i32
      %mul3A_89 = arith.muli %mul3A_88, %add3A_87 : i32
      %add3A_90 = arith.constant 0 : i32
      %add3A_91 = arith.addi %mul3A_89, %add3A_90 : i32
      %add3A_92 = arith.constant 1 : i32
      %add3A_93 = arith.addi %add3A_91, %add3A_92 : i32
      %lt3A = arith.constant 224 : i32
      %lt3A_94 = arith.cmpi slt, %add3A_93, %lt3A : i32
      %convert_element_type3A = arith.extui %lt3A_94 : i1 to i32
      %cond3A = arith.constant 0 : i32
      %cond3A_95 = arith.cmpi ne, %convert_element_type3A, %cond3A : i32
      scf.if %cond3A_95 {
        %add3A_176 = arith.constant 1 : i32
        %add3A_177 = arith.addi %add3A_91, %add3A_176 : i32
        %dma_start3A_178 = arith.constant 0 : i32
        %dma_start3A_179 = tpu.memref_slice %arg9[%add3A_177, %dma_start3A_178] : memref<224x48xi32, #tpu.memory_space<vmem>> -> memref<1x48xi32, #tpu.memory_space<vmem>>
        %dma_start3A_180 = tpu.memref_squeeze %dma_start3A_179 : memref<1x48xi32, #tpu.memory_space<vmem>> -> memref<48xi32, #tpu.memory_space<vmem>>
        %dma_start3A_181 = arith.constant 0 : i32
        %dma_start3A_182 = arith.constant 0 : i32
        %dma_start3A_183 = tpu.memref_slice %arg2[%dma_start3A_181, %dma_start3A_182] : memref<10240x128xf32, #tpu.memory_space<hbm>> -> memref<10240x128xf32, #tpu.memory_space<hbm>>
        tpu.enqueue_indirect_dma source(%dma_start3A_183 : memref<10240x128xf32, #tpu.memory_space<hbm>>) target(%arg12 : memref<48x128xf32, #tpu.memory_space<vmem>>) offsets(%dma_start3A_180 : memref<48xi32, #tpu.memory_space<vmem>>) semaphore(%arg21 : memref<!tpu.dma_semaphore, #tpu.memory_space<semaphore_mem>>)
        %dma_start3A_184 = arith.constant 0 : i32
        %dma_start3A_185 = tpu.memref_slice %arg10[%add3A_177, %dma_start3A_184] : memref<224x48xi32, #tpu.memory_space<vmem>> -> memref<1x48xi32, #tpu.memory_space<vmem>>
        %dma_start3A_186 = tpu.memref_squeeze %dma_start3A_185 : memref<1x48xi32, #tpu.memory_space<vmem>> -> memref<48xi32, #tpu.memory_space<vmem>>
        %dma_start3A_187 = arith.constant 0 : i32
        %dma_start3A_188 = arith.constant 0 : i32
        %dma_start3A_189 = tpu.memref_slice %arg3[%dma_start3A_187, %dma_start3A_188] : memref<10240x16xf32, #tpu.memory_space<hbm>> -> memref<10240x16xf32, #tpu.memory_space<hbm>>
        tpu.enqueue_indirect_dma source(%dma_start3A_189 : memref<10240x16xf32, #tpu.memory_space<hbm>>) target(%arg18 : memref<48x16xf32, #tpu.memory_space<vmem>>) offsets(%dma_start3A_186 : memref<48xi32, #tpu.memory_space<vmem>>) semaphore(%arg23 : memref<!tpu.dma_semaphore, #tpu.memory_space<semaphore_mem>>)
        %mul3A_190 = arith.constant 48 : i32
        %mul3A_191 = arith.muli %add3A_177, %mul3A_190 : i32
        %add3A_192 = arith.addi %mul3A_2, %mul3A_191 : i32
        %dma_start3A_193 = arith.constant 0 : i32
        %dma_start3A_194 = tpu.memref_slice %arg4[%add3A_192, %dma_start3A_193] : memref<344064x16xf32, #tpu.memory_space<hbm>> -> memref<48x16xf32, #tpu.memory_space<hbm>>
        %dma_start3A_195 = arith.constant 0 : i32
        %dma_start3A_196 = tpu.memref_slice %arg4[%add3A_192, %dma_start3A_195] : memref<344064x16xf32, #tpu.memory_space<hbm>> -> memref<48x16xf32, #tpu.memory_space<hbm>>
        tpu.enqueue_dma source(%dma_start3A_196 : memref<48x16xf32, #tpu.memory_space<hbm>>) target(%arg16 : memref<48x16xf32, #tpu.memory_space<vmem>>) target_semaphore(%arg25 : memref<!tpu.dma_semaphore, #tpu.memory_space<semaphore_mem>>)
      } else {
      }
      %dma_wait3A_96 = arith.constant 0 : i32
      %dma_wait3A_97 = tpu.memref_slice %arg9[%add3A_91, %dma_wait3A_96] : memref<224x48xi32, #tpu.memory_space<vmem>> -> memref<1x48xi32, #tpu.memory_space<vmem>>
      %dma_wait3A_98 = tpu.memref_squeeze %dma_wait3A_97 : memref<1x48xi32, #tpu.memory_space<vmem>> -> memref<48xi32, #tpu.memory_space<vmem>>
      %dma_wait3A_99 = arith.constant 0 : i32
      %dma_wait3A_100 = arith.constant 0 : i32
      %dma_wait3A_101 = tpu.memref_slice %arg2[%dma_wait3A_99, %dma_wait3A_100] : memref<10240x128xf32, #tpu.memory_space<hbm>> -> memref<10240x128xf32, #tpu.memory_space<hbm>>
      tpu.wait_indirect_dma semaphore(%arg20 : memref<!tpu.dma_semaphore, #tpu.memory_space<semaphore_mem>>) src(%dma_wait3A_101 : memref<10240x128xf32, #tpu.memory_space<hbm>>) dst(%arg11 : memref<48x128xf32, #tpu.memory_space<vmem>>)
      %dma_wait3A_102 = arith.constant 0 : i32
      %dma_wait3A_103 = tpu.memref_slice %arg10[%add3A_91, %dma_wait3A_102] : memref<224x48xi32, #tpu.memory_space<vmem>> -> memref<1x48xi32, #tpu.memory_space<vmem>>
      %dma_wait3A_104 = tpu.memref_squeeze %dma_wait3A_103 : memref<1x48xi32, #tpu.memory_space<vmem>> -> memref<48xi32, #tpu.memory_space<vmem>>
      %dma_wait3A_105 = arith.constant 0 : i32
      %dma_wait3A_106 = arith.constant 0 : i32
      %dma_wait3A_107 = tpu.memref_slice %arg3[%dma_wait3A_105, %dma_wait3A_106] : memref<10240x16xf32, #tpu.memory_space<hbm>> -> memref<10240x16xf32, #tpu.memory_space<hbm>>
      tpu.wait_indirect_dma semaphore(%arg22 : memref<!tpu.dma_semaphore, #tpu.memory_space<semaphore_mem>>) src(%dma_wait3A_107 : memref<10240x16xf32, #tpu.memory_space<hbm>>) dst(%arg17 : memref<48x16xf32, #tpu.memory_space<vmem>>)
      %mul3A_108 = arith.constant 48 : i32
      %mul3A_109 = arith.muli %add3A_91, %mul3A_108 : i32
      %add3A_110 = arith.addi %mul3A_2, %mul3A_109 : i32
      %dma_wait3A_111 = arith.constant 0 : i32
      %dma_wait3A_112 = tpu.memref_slice %arg4[%add3A_110, %dma_wait3A_111] : memref<344064x16xf32, #tpu.memory_space<hbm>> -> memref<48x16xf32, #tpu.memory_space<hbm>>
      %dma_wait3A_113 = arith.constant 0 : i32
      %dma_wait3A_114 = tpu.memref_slice %arg4[%add3A_110, %dma_wait3A_113] : memref<344064x16xf32, #tpu.memory_space<hbm>> -> memref<48x16xf32, #tpu.memory_space<hbm>>
      tpu.wait_dma2 semaphore(%arg24 : memref<!tpu.dma_semaphore, #tpu.memory_space<semaphore_mem>>) src(%dma_wait3A_114 : memref<48x16xf32, #tpu.memory_space<hbm>>) dst(%arg15 : memref<48x16xf32, #tpu.memory_space<vmem>>)
      %ge3A = arith.constant 2 : i32
      %ge3A_115 = arith.cmpi sge, %add3A_91, %ge3A : i32
      %convert_element_type3A_116 = arith.extui %ge3A_115 : i1 to i32
      %cond3A_117 = arith.constant 0 : i32
      %cond3A_118 = arith.cmpi ne, %convert_element_type3A_116, %cond3A_117 : i32
      scf.if %cond3A_118 {
        %sub3A = arith.constant 2 : i32
        %sub3A_176 = arith.subi %add3A_91, %sub3A : i32
        %dma_wait3A_177 = arith.constant 0 : i32
        %dma_wait3A_178 = tpu.memref_slice %arg10[%sub3A_176, %dma_wait3A_177] : memref<224x48xi32, #tpu.memory_space<vmem>> -> memref<1x48xi32, #tpu.memory_space<vmem>>
        %dma_wait3A_179 = tpu.memref_squeeze %dma_wait3A_178 : memref<1x48xi32, #tpu.memory_space<vmem>> -> memref<48xi32, #tpu.memory_space<vmem>>
        %dma_wait3A_180 = arith.constant 0 : i32
        %dma_wait3A_181 = arith.constant 0 : i32
        %dma_wait3A_182 = tpu.memref_slice %arg19[%dma_wait3A_180, %dma_wait3A_181] : memref<10240x128xf32, #tpu.memory_space<vmem_shared>> -> memref<10240x128xf32, #tpu.memory_space<vmem_shared>>
        tpu.wait_indirect_dma semaphore(%arg26 : memref<!tpu.dma_semaphore, #tpu.memory_space<semaphore_mem>>) src(%arg13 : memref<48x128xf32, #tpu.memory_space<vmem>>) dst(%dma_wait3A_182 : memref<10240x128xf32, #tpu.memory_space<vmem_shared>>)
      } else {
      }
      %scan3A_119 = arith.constant 0 : i32
      %scan3A_120 = arith.constant 24 : i32
      %scan3A_121 = arith.addi %scan3A_119, %scan3A_120 : i32
      %scan3A_122 = arith.constant 1 : i32
      scf.for %scan3A_176 = %scan3A_119 to %scan3A_121 step %scan3A_122  : i32 {
        %mul3A_177 = arith.constant 1 : i32
        %mul3A_178 = arith.muli %scan3A_176, %mul3A_177 : i32
        %add3A_179 = arith.constant 0 : i32
        %add3A_180 = arith.addi %add3A_179, %mul3A_178 : i32
        %mul3A_181 = arith.constant 2 : i32
        %mul3A_182 = arith.muli %mul3A_181, %add3A_180 : i32
        %add3A_183 = vector.broadcast %mul3A_182 : i32 to vector<16xi32>
        %add3A_184 = arith.addi %add3A_183, %shift_right_arithmetic3A_10 : vector<16xi32>
        %gather3A = tpu.vector_load_idx %arg15[%add3A_184, %and3A_8] : memref<48x16xf32, #tpu.memory_space<vmem>>[vector<16xi32>, vector<16xi32>], vector<16xf32>,
        %gather3A_185 = tpu.vector_load_idx %arg17[%add3A_184, %and3A_8] : memref<48x16xf32, #tpu.memory_space<vmem>>[vector<16xi32>, vector<16xi32>], vector<16xf32>,
        %mul3A_186 = arith.mulf %gather3A, %gather3A_185 : vector<16xf32>
        %mul3A_187 = arith.constant 2 : i32
        %mul3A_188 = arith.muli %mul3A_187, %add3A_180 : i32
        %add3A_189 = arith.constant 0 : i32
        %add3A_190 = arith.addi %mul3A_188, %add3A_189 : i32
        %gather3A_191 = vector.shape_cast %broadcast_in_dim3A_11 : vector<16x1xi32> to vector<16xi32>
        %gather3A_192 = tpu.dynamic_gather %mul3A_186[%gather3A_191] in [0] : vector<16xf32>, vector<16xi32> -> vector<16xf32>
        %get3A = arith.index_cast %add3A_190 : i32 to index
        %get3A_193 = arith.constant 0 : index
        %get3A_194 = tpu.vector_load %arg11[%get3A, %get3A_193] {strides = array<i32>} : memref<48x128xf32, #tpu.memory_space<vmem>>, vector<16xf32>,
        %mul3A_195 = arith.mulf %get3A_194, %gather3A_192 : vector<16xf32>
        %swap3A = arith.index_cast %add3A_190 : i32 to index
        %swap3A_196 = arith.constant 0 : index
        %swap3A_197 = tpu.vector_load %arg13[%swap3A, %swap3A_196] {strides = array<i32>} : memref<48x128xf32, #tpu.memory_space<vmem>>, vector<16xf32>,
        tpu.vector_store %arg13[%swap3A, %swap3A_196], %mul3A_195 {strides = array<i32>} : memref<48x128xf32, #tpu.memory_space<vmem>>, vector<16xf32>,
        %gather3A_198 = vector.shape_cast %broadcast_in_dim3A_13 : vector<16x1xi32> to vector<16xi32>
        %gather3A_199 = tpu.dynamic_gather %mul3A_186[%gather3A_198] in [0] : vector<16xf32>, vector<16xi32> -> vector<16xf32>
        %get3A_200 = arith.index_cast %add3A_190 : i32 to index
        %get3A_201 = arith.constant 16 : index
        %get3A_202 = tpu.vector_load %arg11[%get3A_200, %get3A_201] {strides = array<i32>} : memref<48x128xf32, #tpu.memory_space<vmem>>, vector<16xf32>,
        %mul3A_203 = arith.mulf %get3A_202, %gather3A_199 : vector<16xf32>
        %swap3A_204 = arith.index_cast %add3A_190 : i32 to index
        %swap3A_205 = arith.constant 16 : index
        %swap3A_206 = tpu.vector_load %arg13[%swap3A_204, %swap3A_205] {strides = array<i32>} : memref<48x128xf32, #tpu.memory_space<vmem>>, vector<16xf32>,
        tpu.vector_store %arg13[%swap3A_204, %swap3A_205], %mul3A_203 {strides = array<i32>} : memref<48x128xf32, #tpu.memory_space<vmem>>, vector<16xf32>,
        %gather3A_207 = vector.shape_cast %broadcast_in_dim3A_15 : vector<16x1xi32> to vector<16xi32>
        %gather3A_208 = tpu.dynamic_gather %mul3A_186[%gather3A_207] in [0] : vector<16xf32>, vector<16xi32> -> vector<16xf32>
        %get3A_209 = arith.index_cast %add3A_190 : i32 to index
        %get3A_210 = arith.constant 32 : index
        %get3A_211 = tpu.vector_load %arg11[%get3A_209, %get3A_210] {strides = array<i32>} : memref<48x128xf32, #tpu.memory_space<vmem>>, vector<16xf32>,
        %mul3A_212 = arith.mulf %get3A_211, %gather3A_208 : vector<16xf32>
        %swap3A_213 = arith.index_cast %add3A_190 : i32 to index
        %swap3A_214 = arith.constant 32 : index
        %swap3A_215 = tpu.vector_load %arg13[%swap3A_213, %swap3A_214] {strides = array<i32>} : memref<48x128xf32, #tpu.memory_space<vmem>>, vector<16xf32>,
        tpu.vector_store %arg13[%swap3A_213, %swap3A_214], %mul3A_212 {strides = array<i32>} : memref<48x128xf32, #tpu.memory_space<vmem>>, vector<16xf32>,
        %gather3A_216 = vector.shape_cast %broadcast_in_dim3A_17 : vector<16x1xi32> to vector<16xi32>
        %gather3A_217 = tpu.dynamic_gather %mul3A_186[%gather3A_216] in [0] : vector<16xf32>, vector<16xi32> -> vector<16xf32>
        %get3A_218 = arith.index_cast %add3A_190 : i32 to index
        %get3A_219 = arith.constant 48 : index
        %get3A_220 = tpu.vector_load %arg11[%get3A_218, %get3A_219] {strides = array<i32>} : memref<48x128xf32, #tpu.memory_space<vmem>>, vector<16xf32>,
        %mul3A_221 = arith.mulf %get3A_220, %gather3A_217 : vector<16xf32>
        %swap3A_222 = arith.index_cast %add3A_190 : i32 to index
        %swap3A_223 = arith.constant 48 : index
        %swap3A_224 = tpu.vector_load %arg13[%swap3A_222, %swap3A_223] {strides = array<i32>} : memref<48x128xf32, #tpu.memory_space<vmem>>, vector<16xf32>,
        tpu.vector_store %arg13[%swap3A_222, %swap3A_223], %mul3A_221 {strides = array<i32>} : memref<48x128xf32, #tpu.memory_space<vmem>>, vector<16xf32>,
        %gather3A_225 = vector.shape_cast %broadcast_in_dim3A_19 : vector<16x1xi32> to vector<16xi32>
        %gather3A_226 = tpu.dynamic_gather %mul3A_186[%gather3A_225] in [0] : vector<16xf32>, vector<16xi32> -> vector<16xf32>
        %get3A_227 = arith.index_cast %add3A_190 : i32 to index
        %get3A_228 = arith.constant 64 : index
        %get3A_229 = tpu.vector_load %arg11[%get3A_227, %get3A_228] {strides = array<i32>} : memref<48x128xf32, #tpu.memory_space<vmem>>, vector<16xf32>,
        %mul3A_230 = arith.mulf %get3A_229, %gather3A_226 : vector<16xf32>
        %swap3A_231 = arith.index_cast %add3A_190 : i32 to index
        %swap3A_232 = arith.constant 64 : index
        %swap3A_233 = tpu.vector_load %arg13[%swap3A_231, %swap3A_232] {strides = array<i32>} : memref<48x128xf32, #tpu.memory_space<vmem>>, vector<16xf32>,
        tpu.vector_store %arg13[%swap3A_231, %swap3A_232], %mul3A_230 {strides = array<i32>} : memref<48x128xf32, #tpu.memory_space<vmem>>, vector<16xf32>,
        %gather3A_234 = vector.shape_cast %broadcast_in_dim3A_21 : vector<16x1xi32> to vector<16xi32>
        %gather3A_235 = tpu.dynamic_gather %mul3A_186[%gather3A_234] in [0] : vector<16xf32>, vector<16xi32> -> vector<16xf32>
        %get3A_236 = arith.index_cast %add3A_190 : i32 to index
        %get3A_237 = arith.constant 80 : index
        %get3A_238 = tpu.vector_load %arg11[%get3A_236, %get3A_237] {strides = array<i32>} : memref<48x128xf32, #tpu.memory_space<vmem>>, vector<16xf32>,
        %mul3A_239 = arith.mulf %get3A_238, %gather3A_235 : vector<16xf32>
        %swap3A_240 = arith.index_cast %add3A_190 : i32 to index
        %swap3A_241 = arith.constant 80 : index
        %swap3A_242 = tpu.vector_load %arg13[%swap3A_240, %swap3A_241] {strides = array<i32>} : memref<48x128xf32, #tpu.memory_space<vmem>>, vector<16xf32>,
        tpu.vector_store %arg13[%swap3A_240, %swap3A_241], %mul3A_239 {strides = array<i32>} : memref<48x128xf32, #tpu.memory_space<vmem>>, vector<16xf32>,
        %gather3A_243 = vector.shape_cast %broadcast_in_dim3A_23 : vector<16x1xi32> to vector<16xi32>
        %gather3A_244 = tpu.dynamic_gather %mul3A_186[%gather3A_243] in [0] : vector<16xf32>, vector<16xi32> -> vector<16xf32>
        %get3A_245 = arith.index_cast %add3A_190 : i32 to index
        %get3A_246 = arith.constant 96 : index
        %get3A_247 = tpu.vector_load %arg11[%get3A_245, %get3A_246] {strides = array<i32>} : memref<48x128xf32, #tpu.memory_space<vmem>>, vector<16xf32>,
        %mul3A_248 = arith.mulf %get3A_247, %gather3A_244 : vector<16xf32>
        %swap3A_249 = arith.index_cast %add3A_190 : i32 to index
        %swap3A_250 = arith.constant 96 : index
        %swap3A_251 = tpu.vector_load %arg13[%swap3A_249, %swap3A_250] {strides = array<i32>} : memref<48x128xf32, #tpu.memory_space<vmem>>, vector<16xf32>,
        tpu.vector_store %arg13[%swap3A_249, %swap3A_250], %mul3A_248 {strides = array<i32>} : memref<48x128xf32, #tpu.memory_space<vmem>>, vector<16xf32>,
        %gather3A_252 = vector.shape_cast %broadcast_in_dim3A_25 : vector<16x1xi32> to vector<16xi32>
        %gather3A_253 = tpu.dynamic_gather %mul3A_186[%gather3A_252] in [0] : vector<16xf32>, vector<16xi32> -> vector<16xf32>
        %get3A_254 = arith.index_cast %add3A_190 : i32 to index
        %get3A_255 = arith.constant 112 : index
        %get3A_256 = tpu.vector_load %arg11[%get3A_254, %get3A_255] {strides = array<i32>} : memref<48x128xf32, #tpu.memory_space<vmem>>, vector<16xf32>,
        %mul3A_257 = arith.mulf %get3A_256, %gather3A_253 : vector<16xf32>
        %swap3A_258 = arith.index_cast %add3A_190 : i32 to index
        %swap3A_259 = arith.constant 112 : index
        %swap3A_260 = tpu.vector_load %arg13[%swap3A_258, %swap3A_259] {strides = array<i32>} : memref<48x128xf32, #tpu.memory_space<vmem>>, vector<16xf32>,
        tpu.vector_store %arg13[%swap3A_258, %swap3A_259], %mul3A_257 {strides = array<i32>} : memref<48x128xf32, #tpu.memory_space<vmem>>, vector<16xf32>,
        %mul3A_261 = arith.constant 2 : i32
        %mul3A_262 = arith.muli %mul3A_261, %add3A_180 : i32
        %add3A_263 = arith.constant 1 : i32
        %add3A_264 = arith.addi %mul3A_262, %add3A_263 : i32
        %gather3A_265 = vector.shape_cast %broadcast_in_dim3A_27 : vector<16x1xi32> to vector<16xi32>
        %gather3A_266 = tpu.dynamic_gather %mul3A_186[%gather3A_265] in [0] : vector<16xf32>, vector<16xi32> -> vector<16xf32>
        %get3A_267 = arith.index_cast %add3A_264 : i32 to index
        %get3A_268 = arith.constant 0 : index
        %get3A_269 = tpu.vector_load %arg11[%get3A_267, %get3A_268] {strides = array<i32>} : memref<48x128xf32, #tpu.memory_space<vmem>>, vector<16xf32>,
        %mul3A_270 = arith.mulf %get3A_269, %gather3A_266 : vector<16xf32>
        %swap3A_271 = arith.index_cast %add3A_264 : i32 to index
        %swap3A_272 = arith.constant 0 : index
        %swap3A_273 = tpu.vector_load %arg13[%swap3A_271, %swap3A_272] {strides = array<i32>} : memref<48x128xf32, #tpu.memory_space<vmem>>, vector<16xf32>,
        tpu.vector_store %arg13[%swap3A_271, %swap3A_272], %mul3A_270 {strides = array<i32>} : memref<48x128xf32, #tpu.memory_space<vmem>>, vector<16xf32>,
        %gather3A_274 = vector.shape_cast %broadcast_in_dim3A_29 : vector<16x1xi32> to vector<16xi32>
        %gather3A_275 = tpu.dynamic_gather %mul3A_186[%gather3A_274] in [0] : vector<16xf32>, vector<16xi32> -> vector<16xf32>
        %get3A_276 = arith.index_cast %add3A_264 : i32 to index
        %get3A_277 = arith.constant 16 : index
        %get3A_278 = tpu.vector_load %arg11[%get3A_276, %get3A_277] {strides = array<i32>} : memref<48x128xf32, #tpu.memory_space<vmem>>, vector<16xf32>,
        %mul3A_279 = arith.mulf %get3A_278, %gather3A_275 : vector<16xf32>
        %swap3A_280 = arith.index_cast %add3A_264 : i32 to index
        %swap3A_281 = arith.constant 16 : index
        %swap3A_282 = tpu.vector_load %arg13[%swap3A_280, %swap3A_281] {strides = array<i32>} : memref<48x128xf32, #tpu.memory_space<vmem>>, vector<16xf32>,
        tpu.vector_store %arg13[%swap3A_280, %swap3A_281], %mul3A_279 {strides = array<i32>} : memref<48x128xf32, #tpu.memory_space<vmem>>, vector<16xf32>,
        %gather3A_283 = vector.shape_cast %broadcast_in_dim3A_31 : vector<16x1xi32> to vector<16xi32>
        %gather3A_284 = tpu.dynamic_gather %mul3A_186[%gather3A_283] in [0] : vector<16xf32>, vector<16xi32> -> vector<16xf32>
        %get3A_285 = arith.index_cast %add3A_264 : i32 to index
        %get3A_286 = arith.constant 32 : index
        %get3A_287 = tpu.vector_load %arg11[%get3A_285, %get3A_286] {strides = array<i32>} : memref<48x128xf32, #tpu.memory_space<vmem>>, vector<16xf32>,
        %mul3A_288 = arith.mulf %get3A_287, %gather3A_284 : vector<16xf32>
        %swap3A_289 = arith.index_cast %add3A_264 : i32 to index
        %swap3A_290 = arith.constant 32 : index
        %swap3A_291 = tpu.vector_load %arg13[%swap3A_289, %swap3A_290] {strides = array<i32>} : memref<48x128xf32, #tpu.memory_space<vmem>>, vector<16xf32>,
        tpu.vector_store %arg13[%swap3A_289, %swap3A_290], %mul3A_288 {strides = array<i32>} : memref<48x128xf32, #tpu.memory_space<vmem>>, vector<16xf32>,
        %gather3A_292 = vector.shape_cast %broadcast_in_dim3A_33 : vector<16x1xi32> to vector<16xi32>
        %gather3A_293 = tpu.dynamic_gather %mul3A_186[%gather3A_292] in [0] : vector<16xf32>, vector<16xi32> -> vector<16xf32>
        %get3A_294 = arith.index_cast %add3A_264 : i32 to index
        %get3A_295 = arith.constant 48 : index
        %get3A_296 = tpu.vector_load %arg11[%get3A_294, %get3A_295] {strides = array<i32>} : memref<48x128xf32, #tpu.memory_space<vmem>>, vector<16xf32>,
        %mul3A_297 = arith.mulf %get3A_296, %gather3A_293 : vector<16xf32>
        %swap3A_298 = arith.index_cast %add3A_264 : i32 to index
        %swap3A_299 = arith.constant 48 : index
        %swap3A_300 = tpu.vector_load %arg13[%swap3A_298, %swap3A_299] {strides = array<i32>} : memref<48x128xf32, #tpu.memory_space<vmem>>, vector<16xf32>,
        tpu.vector_store %arg13[%swap3A_298, %swap3A_299], %mul3A_297 {strides = array<i32>} : memref<48x128xf32, #tpu.memory_space<vmem>>, vector<16xf32>,
        %gather3A_301 = vector.shape_cast %broadcast_in_dim3A_35 : vector<16x1xi32> to vector<16xi32>
        %gather3A_302 = tpu.dynamic_gather %mul3A_186[%gather3A_301] in [0] : vector<16xf32>, vector<16xi32> -> vector<16xf32>
        %get3A_303 = arith.index_cast %add3A_264 : i32 to index
        %get3A_304 = arith.constant 64 : index
        %get3A_305 = tpu.vector_load %arg11[%get3A_303, %get3A_304] {strides = array<i32>} : memref<48x128xf32, #tpu.memory_space<vmem>>, vector<16xf32>,
        %mul3A_306 = arith.mulf %get3A_305, %gather3A_302 : vector<16xf32>
        %swap3A_307 = arith.index_cast %add3A_264 : i32 to index
        %swap3A_308 = arith.constant 64 : index
        %swap3A_309 = tpu.vector_load %arg13[%swap3A_307, %swap3A_308] {strides = array<i32>} : memref<48x128xf32, #tpu.memory_space<vmem>>, vector<16xf32>,
        tpu.vector_store %arg13[%swap3A_307, %swap3A_308], %mul3A_306 {strides = array<i32>} : memref<48x128xf32, #tpu.memory_space<vmem>>, vector<16xf32>,
        %gather3A_310 = vector.shape_cast %broadcast_in_dim3A_37 : vector<16x1xi32> to vector<16xi32>
        %gather3A_311 = tpu.dynamic_gather %mul3A_186[%gather3A_310] in [0] : vector<16xf32>, vector<16xi32> -> vector<16xf32>
        %get3A_312 = arith.index_cast %add3A_264 : i32 to index
        %get3A_313 = arith.constant 80 : index
        %get3A_314 = tpu.vector_load %arg11[%get3A_312, %get3A_313] {strides = array<i32>} : memref<48x128xf32, #tpu.memory_space<vmem>>, vector<16xf32>,
        %mul3A_315 = arith.mulf %get3A_314, %gather3A_311 : vector<16xf32>
        %swap3A_316 = arith.index_cast %add3A_264 : i32 to index
        %swap3A_317 = arith.constant 80 : index
        %swap3A_318 = tpu.vector_load %arg13[%swap3A_316, %swap3A_317] {strides = array<i32>} : memref<48x128xf32, #tpu.memory_space<vmem>>, vector<16xf32>,
        tpu.vector_store %arg13[%swap3A_316, %swap3A_317], %mul3A_315 {strides = array<i32>} : memref<48x128xf32, #tpu.memory_space<vmem>>, vector<16xf32>,
        %gather3A_319 = vector.shape_cast %broadcast_in_dim3A_39 : vector<16x1xi32> to vector<16xi32>
        %gather3A_320 = tpu.dynamic_gather %mul3A_186[%gather3A_319] in [0] : vector<16xf32>, vector<16xi32> -> vector<16xf32>
        %get3A_321 = arith.index_cast %add3A_264 : i32 to index
        %get3A_322 = arith.constant 96 : index
        %get3A_323 = tpu.vector_load %arg11[%get3A_321, %get3A_322] {strides = array<i32>} : memref<48x128xf32, #tpu.memory_space<vmem>>, vector<16xf32>,
        %mul3A_324 = arith.mulf %get3A_323, %gather3A_320 : vector<16xf32>
        %swap3A_325 = arith.index_cast %add3A_264 : i32 to index
        %swap3A_326 = arith.constant 96 : index
        %swap3A_327 = tpu.vector_load %arg13[%swap3A_325, %swap3A_326] {strides = array<i32>} : memref<48x128xf32, #tpu.memory_space<vmem>>, vector<16xf32>,
        tpu.vector_store %arg13[%swap3A_325, %swap3A_326], %mul3A_324 {strides = array<i32>} : memref<48x128xf32, #tpu.memory_space<vmem>>, vector<16xf32>,
        %gather3A_328 = vector.shape_cast %broadcast_in_dim3A_41 : vector<16x1xi32> to vector<16xi32>
        %gather3A_329 = tpu.dynamic_gather %mul3A_186[%gather3A_328] in [0] : vector<16xf32>, vector<16xi32> -> vector<16xf32>
        %get3A_330 = arith.index_cast %add3A_264 : i32 to index
        %get3A_331 = arith.constant 112 : index
        %get3A_332 = tpu.vector_load %arg11[%get3A_330, %get3A_331] {strides = array<i32>} : memref<48x128xf32, #tpu.memory_space<vmem>>, vector<16xf32>,
        %mul3A_333 = arith.mulf %get3A_332, %gather3A_329 : vector<16xf32>
        %swap3A_334 = arith.index_cast %add3A_264 : i32 to index
        %swap3A_335 = arith.constant 112 : index
        %swap3A_336 = tpu.vector_load %arg13[%swap3A_334, %swap3A_335] {strides = array<i32>} : memref<48x128xf32, #tpu.memory_space<vmem>>, vector<16xf32>,
        tpu.vector_store %arg13[%swap3A_334, %swap3A_335], %mul3A_333 {strides = array<i32>} : memref<48x128xf32, #tpu.memory_space<vmem>>, vector<16xf32>,
      }
      %scan3A_123 = arith.constant 24 : i32
      %dma_start3A_124 = arith.constant 0 : i32
      %dma_start3A_125 = tpu.memref_slice %arg10[%add3A_91, %dma_start3A_124] : memref<224x48xi32, #tpu.memory_space<vmem>> -> memref<1x48xi32, #tpu.memory_space<vmem>>
      %dma_start3A_126 = tpu.memref_squeeze %dma_start3A_125 : memref<1x48xi32, #tpu.memory_space<vmem>> -> memref<48xi32, #tpu.memory_space<vmem>>
      %dma_start3A_127 = arith.constant 0 : i32
      %dma_start3A_128 = arith.constant 0 : i32
      %dma_start3A_129 = tpu.memref_slice %arg19[%dma_start3A_127, %dma_start3A_128] : memref<10240x128xf32, #tpu.memory_space<vmem_shared>> -> memref<10240x128xf32, #tpu.memory_space<vmem_shared>>
      tpu.enqueue_indirect_dma source(%arg13 : memref<48x128xf32, #tpu.memory_space<vmem>>) target(%dma_start3A_129 : memref<10240x128xf32, #tpu.memory_space<vmem_shared>>) offsets(%dma_start3A_126 : memref<48xi32, #tpu.memory_space<vmem>>) semaphore(%arg26 : memref<!tpu.dma_semaphore, #tpu.memory_space<semaphore_mem>>) {add = true}
      %mul3A_130 = arith.constant 2 : i32
      %mul3A_131 = arith.muli %mul3A_130, %add3A_87 : i32
      %add3A_132 = arith.constant 1 : i32
      %add3A_133 = arith.addi %mul3A_131, %add3A_132 : i32
      %add3A_134 = arith.constant 1 : i32
      %add3A_135 = arith.addi %add3A_133, %add3A_134 : i32
      %lt3A_136 = arith.constant 224 : i32
      %lt3A_137 = arith.cmpi slt, %add3A_135, %lt3A_136 : i32
      %convert_element_type3A_138 = arith.extui %lt3A_137 : i1 to i32
      %cond3A_139 = arith.constant 0 : i32
      %cond3A_140 = arith.cmpi ne, %convert_element_type3A_138, %cond3A_139 : i32
      scf.if %cond3A_140 {
        %add3A_176 = arith.constant 1 : i32
        %add3A_177 = arith.addi %add3A_133, %add3A_176 : i32
        %dma_start3A_178 = arith.constant 0 : i32
        %dma_start3A_179 = tpu.memref_slice %arg9[%add3A_177, %dma_start3A_178] : memref<224x48xi32, #tpu.memory_space<vmem>> -> memref<1x48xi32, #tpu.memory_space<vmem>>
        %dma_start3A_180 = tpu.memref_squeeze %dma_start3A_179 : memref<1x48xi32, #tpu.memory_space<vmem>> -> memref<48xi32, #tpu.memory_space<vmem>>
        %dma_start3A_181 = arith.constant 0 : i32
        %dma_start3A_182 = arith.constant 0 : i32
        %dma_start3A_183 = tpu.memref_slice %arg2[%dma_start3A_181, %dma_start3A_182] : memref<10240x128xf32, #tpu.memory_space<hbm>> -> memref<10240x128xf32, #tpu.memory_space<hbm>>
        tpu.enqueue_indirect_dma source(%dma_start3A_183 : memref<10240x128xf32, #tpu.memory_space<hbm>>) target(%arg11 : memref<48x128xf32, #tpu.memory_space<vmem>>) offsets(%dma_start3A_180 : memref<48xi32, #tpu.memory_space<vmem>>) semaphore(%arg20 : memref<!tpu.dma_semaphore, #tpu.memory_space<semaphore_mem>>)
        %dma_start3A_184 = arith.constant 0 : i32
        %dma_start3A_185 = tpu.memref_slice %arg10[%add3A_177, %dma_start3A_184] : memref<224x48xi32, #tpu.memory_space<vmem>> -> memref<1x48xi32, #tpu.memory_space<vmem>>
        %dma_start3A_186 = tpu.memref_squeeze %dma_start3A_185 : memref<1x48xi32, #tpu.memory_space<vmem>> -> memref<48xi32, #tpu.memory_space<vmem>>
        %dma_start3A_187 = arith.constant 0 : i32
        %dma_start3A_188 = arith.constant 0 : i32
        %dma_start3A_189 = tpu.memref_slice %arg3[%dma_start3A_187, %dma_start3A_188] : memref<10240x16xf32, #tpu.memory_space<hbm>> -> memref<10240x16xf32, #tpu.memory_space<hbm>>
        tpu.enqueue_indirect_dma source(%dma_start3A_189 : memref<10240x16xf32, #tpu.memory_space<hbm>>) target(%arg17 : memref<48x16xf32, #tpu.memory_space<vmem>>) offsets(%dma_start3A_186 : memref<48xi32, #tpu.memory_space<vmem>>) semaphore(%arg22 : memref<!tpu.dma_semaphore, #tpu.memory_space<semaphore_mem>>)
        %mul3A_190 = arith.constant 48 : i32
        %mul3A_191 = arith.muli %add3A_177, %mul3A_190 : i32
        %add3A_192 = arith.addi %mul3A_2, %mul3A_191 : i32
        %dma_start3A_193 = arith.constant 0 : i32
        %dma_start3A_194 = tpu.memref_slice %arg4[%add3A_192, %dma_start3A_193] : memref<344064x16xf32, #tpu.memory_space<hbm>> -> memref<48x16xf32, #tpu.memory_space<hbm>>
        %dma_start3A_195 = arith.constant 0 : i32
        %dma_start3A_196 = tpu.memref_slice %arg4[%add3A_192, %dma_start3A_195] : memref<344064x16xf32, #tpu.memory_space<hbm>> -> memref<48x16xf32, #tpu.memory_space<hbm>>
        tpu.enqueue_dma source(%dma_start3A_196 : memref<48x16xf32, #tpu.memory_space<hbm>>) target(%arg15 : memref<48x16xf32, #tpu.memory_space<vmem>>) target_semaphore(%arg24 : memref<!tpu.dma_semaphore, #tpu.memory_space<semaphore_mem>>)
      } else {
      }
      %dma_wait3A_141 = arith.constant 0 : i32
      %dma_wait3A_142 = tpu.memref_slice %arg9[%add3A_133, %dma_wait3A_141] : memref<224x48xi32, #tpu.memory_space<vmem>> -> memref<1x48xi32, #tpu.memory_space<vmem>>
      %dma_wait3A_143 = tpu.memref_squeeze %dma_wait3A_142 : memref<1x48xi32, #tpu.memory_space<vmem>> -> memref<48xi32, #tpu.memory_space<vmem>>
      %dma_wait3A_144 = arith.constant 0 : i32
      %dma_wait3A_145 = arith.constant 0 : i32
      %dma_wait3A_146 = tpu.memref_slice %arg2[%dma_wait3A_144, %dma_wait3A_145] : memref<10240x128xf32, #tpu.memory_space<hbm>> -> memref<10240x128xf32, #tpu.memory_space<hbm>>
      tpu.wait_indirect_dma semaphore(%arg21 : memref<!tpu.dma_semaphore, #tpu.memory_space<semaphore_mem>>) src(%dma_wait3A_146 : memref<10240x128xf32, #tpu.memory_space<hbm>>) dst(%arg12 : memref<48x128xf32, #tpu.memory_space<vmem>>)
      %dma_wait3A_147 = arith.constant 0 : i32
      %dma_wait3A_148 = tpu.memref_slice %arg10[%add3A_133, %dma_wait3A_147] : memref<224x48xi32, #tpu.memory_space<vmem>> -> memref<1x48xi32, #tpu.memory_space<vmem>>
      %dma_wait3A_149 = tpu.memref_squeeze %dma_wait3A_148 : memref<1x48xi32, #tpu.memory_space<vmem>> -> memref<48xi32, #tpu.memory_space<vmem>>
      %dma_wait3A_150 = arith.constant 0 : i32
      %dma_wait3A_151 = arith.constant 0 : i32
      %dma_wait3A_152 = tpu.memref_slice %arg3[%dma_wait3A_150, %dma_wait3A_151] : memref<10240x16xf32, #tpu.memory_space<hbm>> -> memref<10240x16xf32, #tpu.memory_space<hbm>>
      tpu.wait_indirect_dma semaphore(%arg23 : memref<!tpu.dma_semaphore, #tpu.memory_space<semaphore_mem>>) src(%dma_wait3A_152 : memref<10240x16xf32, #tpu.memory_space<hbm>>) dst(%arg18 : memref<48x16xf32, #tpu.memory_space<vmem>>)
      %mul3A_153 = arith.constant 48 : i32
      %mul3A_154 = arith.muli %add3A_133, %mul3A_153 : i32
      %add3A_155 = arith.addi %mul3A_2, %mul3A_154 : i32
      %dma_wait3A_156 = arith.constant 0 : i32
      %dma_wait3A_157 = tpu.memref_slice %arg4[%add3A_155, %dma_wait3A_156] : memref<344064x16xf32, #tpu.memory_space<hbm>> -> memref<48x16xf32, #tpu.memory_space<hbm>>
      %dma_wait3A_158 = arith.constant 0 : i32
      %dma_wait3A_159 = tpu.memref_slice %arg4[%add3A_155, %dma_wait3A_158] : memref<344064x16xf32, #tpu.memory_space<hbm>> -> memref<48x16xf32, #tpu.memory_space<hbm>>
      tpu.wait_dma2 semaphore(%arg25 : memref<!tpu.dma_semaphore, #tpu.memory_space<semaphore_mem>>) src(%dma_wait3A_159 : memref<48x16xf32, #tpu.memory_space<hbm>>) dst(%arg16 : memref<48x16xf32, #tpu.memory_space<vmem>>)
      %ge3A_160 = arith.constant 2 : i32
      %ge3A_161 = arith.cmpi sge, %add3A_133, %ge3A_160 : i32
      %convert_element_type3A_162 = arith.extui %ge3A_161 : i1 to i32
      %cond3A_163 = arith.constant 0 : i32
      %cond3A_164 = arith.cmpi ne, %convert_element_type3A_162, %cond3A_163 : i32
      scf.if %cond3A_164 {
        %sub3A = arith.constant 2 : i32
        %sub3A_176 = arith.subi %add3A_133, %sub3A : i32
        %dma_wait3A_177 = arith.constant 0 : i32
        %dma_wait3A_178 = tpu.memref_slice %arg10[%sub3A_176, %dma_wait3A_177] : memref<224x48xi32, #tpu.memory_space<vmem>> -> memref<1x48xi32, #tpu.memory_space<vmem>>
        %dma_wait3A_179 = tpu.memref_squeeze %dma_wait3A_178 : memref<1x48xi32, #tpu.memory_space<vmem>> -> memref<48xi32, #tpu.memory_space<vmem>>
        %dma_wait3A_180 = arith.constant 0 : i32
        %dma_wait3A_181 = arith.constant 0 : i32
        %dma_wait3A_182 = tpu.memref_slice %arg19[%dma_wait3A_180, %dma_wait3A_181] : memref<10240x128xf32, #tpu.memory_space<vmem_shared>> -> memref<10240x128xf32, #tpu.memory_space<vmem_shared>>
        tpu.wait_indirect_dma semaphore(%arg27 : memref<!tpu.dma_semaphore, #tpu.memory_space<semaphore_mem>>) src(%arg14 : memref<48x128xf32, #tpu.memory_space<vmem>>) dst(%dma_wait3A_182 : memref<10240x128xf32, #tpu.memory_space<vmem_shared>>)
      } else {
      }
      %scan3A_165 = arith.constant 0 : i32
      %scan3A_166 = arith.constant 24 : i32
      %scan3A_167 = arith.addi %scan3A_165, %scan3A_166 : i32
      %scan3A_168 = arith.constant 1 : i32
      scf.for %scan3A_176 = %scan3A_165 to %scan3A_167 step %scan3A_168  : i32 {
        %mul3A_177 = arith.constant 1 : i32
        %mul3A_178 = arith.muli %scan3A_176, %mul3A_177 : i32
        %add3A_179 = arith.constant 0 : i32
        %add3A_180 = arith.addi %add3A_179, %mul3A_178 : i32
        %mul3A_181 = arith.constant 2 : i32
        %mul3A_182 = arith.muli %mul3A_181, %add3A_180 : i32
        %add3A_183 = vector.broadcast %mul3A_182 : i32 to vector<16xi32>
        %add3A_184 = arith.addi %add3A_183, %shift_right_arithmetic3A_10 : vector<16xi32>
        %gather3A = tpu.vector_load_idx %arg16[%add3A_184, %and3A_8] : memref<48x16xf32, #tpu.memory_space<vmem>>[vector<16xi32>, vector<16xi32>], vector<16xf32>,
        %gather3A_185 = tpu.vector_load_idx %arg18[%add3A_184, %and3A_8] : memref<48x16xf32, #tpu.memory_space<vmem>>[vector<16xi32>, vector<16xi32>], vector<16xf32>,
        %mul3A_186 = arith.mulf %gather3A, %gather3A_185 : vector<16xf32>
        %mul3A_187 = arith.constant 2 : i32
        %mul3A_188 = arith.muli %mul3A_187, %add3A_180 : i32
        %add3A_189 = arith.constant 0 : i32
        %add3A_190 = arith.addi %mul3A_188, %add3A_189 : i32
        %gather3A_191 = vector.shape_cast %broadcast_in_dim3A_11 : vector<16x1xi32> to vector<16xi32>
        %gather3A_192 = tpu.dynamic_gather %mul3A_186[%gather3A_191] in [0] : vector<16xf32>, vector<16xi32> -> vector<16xf32>
        %get3A = arith.index_cast %add3A_190 : i32 to index
        %get3A_193 = arith.constant 0 : index
        %get3A_194 = tpu.vector_load %arg12[%get3A, %get3A_193] {strides = array<i32>} : memref<48x128xf32, #tpu.memory_space<vmem>>, vector<16xf32>,
        %mul3A_195 = arith.mulf %get3A_194, %gather3A_192 : vector<16xf32>
        %swap3A = arith.index_cast %add3A_190 : i32 to index
        %swap3A_196 = arith.constant 0 : index
        %swap3A_197 = tpu.vector_load %arg14[%swap3A, %swap3A_196] {strides = array<i32>} : memref<48x128xf32, #tpu.memory_space<vmem>>, vector<16xf32>,
        tpu.vector_store %arg14[%swap3A, %swap3A_196], %mul3A_195 {strides = array<i32>} : memref<48x128xf32, #tpu.memory_space<vmem>>, vector<16xf32>,
        %gather3A_198 = vector.shape_cast %broadcast_in_dim3A_13 : vector<16x1xi32> to vector<16xi32>
        %gather3A_199 = tpu.dynamic_gather %mul3A_186[%gather3A_198] in [0] : vector<16xf32>, vector<16xi32> -> vector<16xf32>
        %get3A_200 = arith.index_cast %add3A_190 : i32 to index
        %get3A_201 = arith.constant 16 : index
        %get3A_202 = tpu.vector_load %arg12[%get3A_200, %get3A_201] {strides = array<i32>} : memref<48x128xf32, #tpu.memory_space<vmem>>, vector<16xf32>,
        %mul3A_203 = arith.mulf %get3A_202, %gather3A_199 : vector<16xf32>
        %swap3A_204 = arith.index_cast %add3A_190 : i32 to index
        %swap3A_205 = arith.constant 16 : index
        %swap3A_206 = tpu.vector_load %arg14[%swap3A_204, %swap3A_205] {strides = array<i32>} : memref<48x128xf32, #tpu.memory_space<vmem>>, vector<16xf32>,
        tpu.vector_store %arg14[%swap3A_204, %swap3A_205], %mul3A_203 {strides = array<i32>} : memref<48x128xf32, #tpu.memory_space<vmem>>, vector<16xf32>,
        %gather3A_207 = vector.shape_cast %broadcast_in_dim3A_15 : vector<16x1xi32> to vector<16xi32>
        %gather3A_208 = tpu.dynamic_gather %mul3A_186[%gather3A_207] in [0] : vector<16xf32>, vector<16xi32> -> vector<16xf32>
        %get3A_209 = arith.index_cast %add3A_190 : i32 to index
        %get3A_210 = arith.constant 32 : index
        %get3A_211 = tpu.vector_load %arg12[%get3A_209, %get3A_210] {strides = array<i32>} : memref<48x128xf32, #tpu.memory_space<vmem>>, vector<16xf32>,
        %mul3A_212 = arith.mulf %get3A_211, %gather3A_208 : vector<16xf32>
        %swap3A_213 = arith.index_cast %add3A_190 : i32 to index
        %swap3A_214 = arith.constant 32 : index
        %swap3A_215 = tpu.vector_load %arg14[%swap3A_213, %swap3A_214] {strides = array<i32>} : memref<48x128xf32, #tpu.memory_space<vmem>>, vector<16xf32>,
        tpu.vector_store %arg14[%swap3A_213, %swap3A_214], %mul3A_212 {strides = array<i32>} : memref<48x128xf32, #tpu.memory_space<vmem>>, vector<16xf32>,
        %gather3A_216 = vector.shape_cast %broadcast_in_dim3A_17 : vector<16x1xi32> to vector<16xi32>
        %gather3A_217 = tpu.dynamic_gather %mul3A_186[%gather3A_216] in [0] : vector<16xf32>, vector<16xi32> -> vector<16xf32>
        %get3A_218 = arith.index_cast %add3A_190 : i32 to index
        %get3A_219 = arith.constant 48 : index
        %get3A_220 = tpu.vector_load %arg12[%get3A_218, %get3A_219] {strides = array<i32>} : memref<48x128xf32, #tpu.memory_space<vmem>>, vector<16xf32>,
        %mul3A_221 = arith.mulf %get3A_220, %gather3A_217 : vector<16xf32>
        %swap3A_222 = arith.index_cast %add3A_190 : i32 to index
        %swap3A_223 = arith.constant 48 : index
        %swap3A_224 = tpu.vector_load %arg14[%swap3A_222, %swap3A_223] {strides = array<i32>} : memref<48x128xf32, #tpu.memory_space<vmem>>, vector<16xf32>,
        tpu.vector_store %arg14[%swap3A_222, %swap3A_223], %mul3A_221 {strides = array<i32>} : memref<48x128xf32, #tpu.memory_space<vmem>>, vector<16xf32>,
        %gather3A_225 = vector.shape_cast %broadcast_in_dim3A_19 : vector<16x1xi32> to vector<16xi32>
        %gather3A_226 = tpu.dynamic_gather %mul3A_186[%gather3A_225] in [0] : vector<16xf32>, vector<16xi32> -> vector<16xf32>
        %get3A_227 = arith.index_cast %add3A_190 : i32 to index
        %get3A_228 = arith.constant 64 : index
        %get3A_229 = tpu.vector_load %arg12[%get3A_227, %get3A_228] {strides = array<i32>} : memref<48x128xf32, #tpu.memory_space<vmem>>, vector<16xf32>,
        %mul3A_230 = arith.mulf %get3A_229, %gather3A_226 : vector<16xf32>
        %swap3A_231 = arith.index_cast %add3A_190 : i32 to index
        %swap3A_232 = arith.constant 64 : index
        %swap3A_233 = tpu.vector_load %arg14[%swap3A_231, %swap3A_232] {strides = array<i32>} : memref<48x128xf32, #tpu.memory_space<vmem>>, vector<16xf32>,
        tpu.vector_store %arg14[%swap3A_231, %swap3A_232], %mul3A_230 {strides = array<i32>} : memref<48x128xf32, #tpu.memory_space<vmem>>, vector<16xf32>,
        %gather3A_234 = vector.shape_cast %broadcast_in_dim3A_21 : vector<16x1xi32> to vector<16xi32>
        %gather3A_235 = tpu.dynamic_gather %mul3A_186[%gather3A_234] in [0] : vector<16xf32>, vector<16xi32> -> vector<16xf32>
        %get3A_236 = arith.index_cast %add3A_190 : i32 to index
        %get3A_237 = arith.constant 80 : index
        %get3A_238 = tpu.vector_load %arg12[%get3A_236, %get3A_237] {strides = array<i32>} : memref<48x128xf32, #tpu.memory_space<vmem>>, vector<16xf32>,
        %mul3A_239 = arith.mulf %get3A_238, %gather3A_235 : vector<16xf32>
        %swap3A_240 = arith.index_cast %add3A_190 : i32 to index
        %swap3A_241 = arith.constant 80 : index
        %swap3A_242 = tpu.vector_load %arg14[%swap3A_240, %swap3A_241] {strides = array<i32>} : memref<48x128xf32, #tpu.memory_space<vmem>>, vector<16xf32>,
        tpu.vector_store %arg14[%swap3A_240, %swap3A_241], %mul3A_239 {strides = array<i32>} : memref<48x128xf32, #tpu.memory_space<vmem>>, vector<16xf32>,
        %gather3A_243 = vector.shape_cast %broadcast_in_dim3A_23 : vector<16x1xi32> to vector<16xi32>
        %gather3A_244 = tpu.dynamic_gather %mul3A_186[%gather3A_243] in [0] : vector<16xf32>, vector<16xi32> -> vector<16xf32>
        %get3A_245 = arith.index_cast %add3A_190 : i32 to index
        %get3A_246 = arith.constant 96 : index
        %get3A_247 = tpu.vector_load %arg12[%get3A_245, %get3A_246] {strides = array<i32>} : memref<48x128xf32, #tpu.memory_space<vmem>>, vector<16xf32>,
        %mul3A_248 = arith.mulf %get3A_247, %gather3A_244 : vector<16xf32>
        %swap3A_249 = arith.index_cast %add3A_190 : i32 to index
        %swap3A_250 = arith.constant 96 : index
        %swap3A_251 = tpu.vector_load %arg14[%swap3A_249, %swap3A_250] {strides = array<i32>} : memref<48x128xf32, #tpu.memory_space<vmem>>, vector<16xf32>,
        tpu.vector_store %arg14[%swap3A_249, %swap3A_250], %mul3A_248 {strides = array<i32>} : memref<48x128xf32, #tpu.memory_space<vmem>>, vector<16xf32>,
        %gather3A_252 = vector.shape_cast %broadcast_in_dim3A_25 : vector<16x1xi32> to vector<16xi32>
        %gather3A_253 = tpu.dynamic_gather %mul3A_186[%gather3A_252] in [0] : vector<16xf32>, vector<16xi32> -> vector<16xf32>
        %get3A_254 = arith.index_cast %add3A_190 : i32 to index
        %get3A_255 = arith.constant 112 : index
        %get3A_256 = tpu.vector_load %arg12[%get3A_254, %get3A_255] {strides = array<i32>} : memref<48x128xf32, #tpu.memory_space<vmem>>, vector<16xf32>,
        %mul3A_257 = arith.mulf %get3A_256, %gather3A_253 : vector<16xf32>
        %swap3A_258 = arith.index_cast %add3A_190 : i32 to index
        %swap3A_259 = arith.constant 112 : index
        %swap3A_260 = tpu.vector_load %arg14[%swap3A_258, %swap3A_259] {strides = array<i32>} : memref<48x128xf32, #tpu.memory_space<vmem>>, vector<16xf32>,
        tpu.vector_store %arg14[%swap3A_258, %swap3A_259], %mul3A_257 {strides = array<i32>} : memref<48x128xf32, #tpu.memory_space<vmem>>, vector<16xf32>,
        %mul3A_261 = arith.constant 2 : i32
        %mul3A_262 = arith.muli %mul3A_261, %add3A_180 : i32
        %add3A_263 = arith.constant 1 : i32
        %add3A_264 = arith.addi %mul3A_262, %add3A_263 : i32
        %gather3A_265 = vector.shape_cast %broadcast_in_dim3A_27 : vector<16x1xi32> to vector<16xi32>
        %gather3A_266 = tpu.dynamic_gather %mul3A_186[%gather3A_265] in [0] : vector<16xf32>, vector<16xi32> -> vector<16xf32>
        %get3A_267 = arith.index_cast %add3A_264 : i32 to index
        %get3A_268 = arith.constant 0 : index
        %get3A_269 = tpu.vector_load %arg12[%get3A_267, %get3A_268] {strides = array<i32>} : memref<48x128xf32, #tpu.memory_space<vmem>>, vector<16xf32>,
        %mul3A_270 = arith.mulf %get3A_269, %gather3A_266 : vector<16xf32>
        %swap3A_271 = arith.index_cast %add3A_264 : i32 to index
        %swap3A_272 = arith.constant 0 : index
        %swap3A_273 = tpu.vector_load %arg14[%swap3A_271, %swap3A_272] {strides = array<i32>} : memref<48x128xf32, #tpu.memory_space<vmem>>, vector<16xf32>,
        tpu.vector_store %arg14[%swap3A_271, %swap3A_272], %mul3A_270 {strides = array<i32>} : memref<48x128xf32, #tpu.memory_space<vmem>>, vector<16xf32>,
        %gather3A_274 = vector.shape_cast %broadcast_in_dim3A_29 : vector<16x1xi32> to vector<16xi32>
        %gather3A_275 = tpu.dynamic_gather %mul3A_186[%gather3A_274] in [0] : vector<16xf32>, vector<16xi32> -> vector<16xf32>
        %get3A_276 = arith.index_cast %add3A_264 : i32 to index
        %get3A_277 = arith.constant 16 : index
        %get3A_278 = tpu.vector_load %arg12[%get3A_276, %get3A_277] {strides = array<i32>} : memref<48x128xf32, #tpu.memory_space<vmem>>, vector<16xf32>,
        %mul3A_279 = arith.mulf %get3A_278, %gather3A_275 : vector<16xf32>
        %swap3A_280 = arith.index_cast %add3A_264 : i32 to index
        %swap3A_281 = arith.constant 16 : index
        %swap3A_282 = tpu.vector_load %arg14[%swap3A_280, %swap3A_281] {strides = array<i32>} : memref<48x128xf32, #tpu.memory_space<vmem>>, vector<16xf32>,
        tpu.vector_store %arg14[%swap3A_280, %swap3A_281], %mul3A_279 {strides = array<i32>} : memref<48x128xf32, #tpu.memory_space<vmem>>, vector<16xf32>,
        %gather3A_283 = vector.shape_cast %broadcast_in_dim3A_31 : vector<16x1xi32> to vector<16xi32>
        %gather3A_284 = tpu.dynamic_gather %mul3A_186[%gather3A_283] in [0] : vector<16xf32>, vector<16xi32> -> vector<16xf32>
        %get3A_285 = arith.index_cast %add3A_264 : i32 to index
        %get3A_286 = arith.constant 32 : index
        %get3A_287 = tpu.vector_load %arg12[%get3A_285, %get3A_286] {strides = array<i32>} : memref<48x128xf32, #tpu.memory_space<vmem>>, vector<16xf32>,
        %mul3A_288 = arith.mulf %get3A_287, %gather3A_284 : vector<16xf32>
        %swap3A_289 = arith.index_cast %add3A_264 : i32 to index
        %swap3A_290 = arith.constant 32 : index
        %swap3A_291 = tpu.vector_load %arg14[%swap3A_289, %swap3A_290] {strides = array<i32>} : memref<48x128xf32, #tpu.memory_space<vmem>>, vector<16xf32>,
        tpu.vector_store %arg14[%swap3A_289, %swap3A_290], %mul3A_288 {strides = array<i32>} : memref<48x128xf32, #tpu.memory_space<vmem>>, vector<16xf32>,
        %gather3A_292 = vector.shape_cast %broadcast_in_dim3A_33 : vector<16x1xi32> to vector<16xi32>
        %gather3A_293 = tpu.dynamic_gather %mul3A_186[%gather3A_292] in [0] : vector<16xf32>, vector<16xi32> -> vector<16xf32>
        %get3A_294 = arith.index_cast %add3A_264 : i32 to index
        %get3A_295 = arith.constant 48 : index
        %get3A_296 = tpu.vector_load %arg12[%get3A_294, %get3A_295] {strides = array<i32>} : memref<48x128xf32, #tpu.memory_space<vmem>>, vector<16xf32>,
        %mul3A_297 = arith.mulf %get3A_296, %gather3A_293 : vector<16xf32>
        %swap3A_298 = arith.index_cast %add3A_264 : i32 to index
        %swap3A_299 = arith.constant 48 : index
        %swap3A_300 = tpu.vector_load %arg14[%swap3A_298, %swap3A_299] {strides = array<i32>} : memref<48x128xf32, #tpu.memory_space<vmem>>, vector<16xf32>,
        tpu.vector_store %arg14[%swap3A_298, %swap3A_299], %mul3A_297 {strides = array<i32>} : memref<48x128xf32, #tpu.memory_space<vmem>>, vector<16xf32>,
        %gather3A_301 = vector.shape_cast %broadcast_in_dim3A_35 : vector<16x1xi32> to vector<16xi32>
        %gather3A_302 = tpu.dynamic_gather %mul3A_186[%gather3A_301] in [0] : vector<16xf32>, vector<16xi32> -> vector<16xf32>
        %get3A_303 = arith.index_cast %add3A_264 : i32 to index
        %get3A_304 = arith.constant 64 : index
        %get3A_305 = tpu.vector_load %arg12[%get3A_303, %get3A_304] {strides = array<i32>} : memref<48x128xf32, #tpu.memory_space<vmem>>, vector<16xf32>,
        %mul3A_306 = arith.mulf %get3A_305, %gather3A_302 : vector<16xf32>
        %swap3A_307 = arith.index_cast %add3A_264 : i32 to index
        %swap3A_308 = arith.constant 64 : index
        %swap3A_309 = tpu.vector_load %arg14[%swap3A_307, %swap3A_308] {strides = array<i32>} : memref<48x128xf32, #tpu.memory_space<vmem>>, vector<16xf32>,
        tpu.vector_store %arg14[%swap3A_307, %swap3A_308], %mul3A_306 {strides = array<i32>} : memref<48x128xf32, #tpu.memory_space<vmem>>, vector<16xf32>,
        %gather3A_310 = vector.shape_cast %broadcast_in_dim3A_37 : vector<16x1xi32> to vector<16xi32>
        %gather3A_311 = tpu.dynamic_gather %mul3A_186[%gather3A_310] in [0] : vector<16xf32>, vector<16xi32> -> vector<16xf32>
        %get3A_312 = arith.index_cast %add3A_264 : i32 to index
        %get3A_313 = arith.constant 80 : index
        %get3A_314 = tpu.vector_load %arg12[%get3A_312, %get3A_313] {strides = array<i32>} : memref<48x128xf32, #tpu.memory_space<vmem>>, vector<16xf32>,
        %mul3A_315 = arith.mulf %get3A_314, %gather3A_311 : vector<16xf32>
        %swap3A_316 = arith.index_cast %add3A_264 : i32 to index
        %swap3A_317 = arith.constant 80 : index
        %swap3A_318 = tpu.vector_load %arg14[%swap3A_316, %swap3A_317] {strides = array<i32>} : memref<48x128xf32, #tpu.memory_space<vmem>>, vector<16xf32>,
        tpu.vector_store %arg14[%swap3A_316, %swap3A_317], %mul3A_315 {strides = array<i32>} : memref<48x128xf32, #tpu.memory_space<vmem>>, vector<16xf32>,
        %gather3A_319 = vector.shape_cast %broadcast_in_dim3A_39 : vector<16x1xi32> to vector<16xi32>
        %gather3A_320 = tpu.dynamic_gather %mul3A_186[%gather3A_319] in [0] : vector<16xf32>, vector<16xi32> -> vector<16xf32>
        %get3A_321 = arith.index_cast %add3A_264 : i32 to index
        %get3A_322 = arith.constant 96 : index
        %get3A_323 = tpu.vector_load %arg12[%get3A_321, %get3A_322] {strides = array<i32>} : memref<48x128xf32, #tpu.memory_space<vmem>>, vector<16xf32>,
        %mul3A_324 = arith.mulf %get3A_323, %gather3A_320 : vector<16xf32>
        %swap3A_325 = arith.index_cast %add3A_264 : i32 to index
        %swap3A_326 = arith.constant 96 : index
        %swap3A_327 = tpu.vector_load %arg14[%swap3A_325, %swap3A_326] {strides = array<i32>} : memref<48x128xf32, #tpu.memory_space<vmem>>, vector<16xf32>,
        tpu.vector_store %arg14[%swap3A_325, %swap3A_326], %mul3A_324 {strides = array<i32>} : memref<48x128xf32, #tpu.memory_space<vmem>>, vector<16xf32>,
        %gather3A_328 = vector.shape_cast %broadcast_in_dim3A_41 : vector<16x1xi32> to vector<16xi32>
        %gather3A_329 = tpu.dynamic_gather %mul3A_186[%gather3A_328] in [0] : vector<16xf32>, vector<16xi32> -> vector<16xf32>
        %get3A_330 = arith.index_cast %add3A_264 : i32 to index
        %get3A_331 = arith.constant 112 : index
        %get3A_332 = tpu.vector_load %arg12[%get3A_330, %get3A_331] {strides = array<i32>} : memref<48x128xf32, #tpu.memory_space<vmem>>, vector<16xf32>,
        %mul3A_333 = arith.mulf %get3A_332, %gather3A_329 : vector<16xf32>
        %swap3A_334 = arith.index_cast %add3A_264 : i32 to index
        %swap3A_335 = arith.constant 112 : index
        %swap3A_336 = tpu.vector_load %arg14[%swap3A_334, %swap3A_335] {strides = array<i32>} : memref<48x128xf32, #tpu.memory_space<vmem>>, vector<16xf32>,
        tpu.vector_store %arg14[%swap3A_334, %swap3A_335], %mul3A_333 {strides = array<i32>} : memref<48x128xf32, #tpu.memory_space<vmem>>, vector<16xf32>,
      }
      %scan3A_169 = arith.constant 24 : i32
      %dma_start3A_170 = arith.constant 0 : i32
      %dma_start3A_171 = tpu.memref_slice %arg10[%add3A_133, %dma_start3A_170] : memref<224x48xi32, #tpu.memory_space<vmem>> -> memref<1x48xi32, #tpu.memory_space<vmem>>
      %dma_start3A_172 = tpu.memref_squeeze %dma_start3A_171 : memref<1x48xi32, #tpu.memory_space<vmem>> -> memref<48xi32, #tpu.memory_space<vmem>>
      %dma_start3A_173 = arith.constant 0 : i32
      %dma_start3A_174 = arith.constant 0 : i32
      %dma_start3A_175 = tpu.memref_slice %arg19[%dma_start3A_173, %dma_start3A_174] : memref<10240x128xf32, #tpu.memory_space<vmem_shared>> -> memref<10240x128xf32, #tpu.memory_space<vmem_shared>>
      tpu.enqueue_indirect_dma source(%arg14 : memref<48x128xf32, #tpu.memory_space<vmem>>) target(%dma_start3A_175 : memref<10240x128xf32, #tpu.memory_space<vmem_shared>>) offsets(%dma_start3A_172 : memref<48xi32, #tpu.memory_space<vmem>>) semaphore(%arg27 : memref<!tpu.dma_semaphore, #tpu.memory_space<semaphore_mem>>) {add = true}
    }
    %scan3A_64 = arith.constant 112 : i32
    %dma_wait3A = arith.constant 222 : i32
    %dma_wait3A_65 = arith.constant 0 : i32
    %dma_wait3A_66 = tpu.memref_slice %arg10[%dma_wait3A, %dma_wait3A_65] : memref<224x48xi32, #tpu.memory_space<vmem>> -> memref<1x48xi32, #tpu.memory_space<vmem>>
    %dma_wait3A_67 = tpu.memref_squeeze %dma_wait3A_66 : memref<1x48xi32, #tpu.memory_space<vmem>> -> memref<48xi32, #tpu.memory_space<vmem>>
    %dma_wait3A_68 = arith.constant 0 : i32
    %dma_wait3A_69 = arith.constant 0 : i32
    %dma_wait3A_70 = tpu.memref_slice %arg19[%dma_wait3A_68, %dma_wait3A_69] : memref<10240x128xf32, #tpu.memory_space<vmem_shared>> -> memref<10240x128xf32, #tpu.memory_space<vmem_shared>>
    tpu.wait_indirect_dma semaphore(%arg26 : memref<!tpu.dma_semaphore, #tpu.memory_space<semaphore_mem>>) src(%arg13 : memref<48x128xf32, #tpu.memory_space<vmem>>) dst(%dma_wait3A_70 : memref<10240x128xf32, #tpu.memory_space<vmem_shared>>)
    %dma_wait3A_71 = arith.constant 223 : i32
    %dma_wait3A_72 = arith.constant 0 : i32
    %dma_wait3A_73 = tpu.memref_slice %arg10[%dma_wait3A_71, %dma_wait3A_72] : memref<224x48xi32, #tpu.memory_space<vmem>> -> memref<1x48xi32, #tpu.memory_space<vmem>>
    %dma_wait3A_74 = tpu.memref_squeeze %dma_wait3A_73 : memref<1x48xi32, #tpu.memory_space<vmem>> -> memref<48xi32, #tpu.memory_space<vmem>>
    %dma_wait3A_75 = arith.constant 0 : i32
    %dma_wait3A_76 = arith.constant 0 : i32
    %dma_wait3A_77 = tpu.memref_slice %arg19[%dma_wait3A_75, %dma_wait3A_76] : memref<10240x128xf32, #tpu.memory_space<vmem_shared>> -> memref<10240x128xf32, #tpu.memory_space<vmem_shared>>
    tpu.wait_indirect_dma semaphore(%arg27 : memref<!tpu.dma_semaphore, #tpu.memory_space<semaphore_mem>>) src(%arg14 : memref<48x128xf32, #tpu.memory_space<vmem>>) dst(%dma_wait3A_77 : memref<10240x128xf32, #tpu.memory_space<vmem_shared>>)
    %barrier3A_78 = arith.constant 0 : index
    tpu.barrier barrier_id(%barrier3A_78)
    %mul3A_79 = arith.constant 640 : i32
    %mul3A_80 = arith.muli %arg1, %mul3A_79 : i32
    %mul3A_81 = arith.constant 640 : i32
    %mul3A_82 = arith.muli %arg1, %mul3A_81 : i32
    "tpu.region"() ({
      %run_scoped3A = tpu.sem_alloc : memref<!tpu.dma_semaphore, #tpu.memory_space<semaphore_mem>>
      %dma_start3A_83 = arith.constant 0 : i32
      %dma_start3A_84 = tpu.memref_slice %arg8[%arg0, %mul3A_82, %dma_start3A_83] : memref<2x10240x128xf32, #tpu.memory_space<hbm>> -> memref<1x640x128xf32, #tpu.memory_space<hbm>>
      %dma_start3A_85 = tpu.memref_squeeze %dma_start3A_84 : memref<1x640x128xf32, #tpu.memory_space<hbm>> -> memref<640x128xf32, #tpu.memory_space<hbm>>
      %dma_start3A_86 = arith.constant 0 : i32
      %dma_start3A_87 = tpu.memref_slice %arg19[%mul3A_80, %dma_start3A_86] : memref<10240x128xf32, #tpu.memory_space<vmem_shared>> -> memref<640x128xf32, #tpu.memory_space<vmem_shared>>
      tpu.enqueue_dma source(%dma_start3A_87 : memref<640x128xf32, #tpu.memory_space<vmem_shared>>) target(%dma_start3A_85 : memref<640x128xf32, #tpu.memory_space<hbm>>) target_semaphore(%run_scoped3A : memref<!tpu.dma_semaphore, #tpu.memory_space<semaphore_mem>>)
      %dma_wait3A_88 = arith.constant 0 : i32
      %dma_wait3A_89 = tpu.memref_slice %arg8[%arg0, %mul3A_82, %dma_wait3A_88] : memref<2x10240x128xf32, #tpu.memory_space<hbm>> -> memref<1x640x128xf32, #tpu.memory_space<hbm>>
      %dma_wait3A_90 = tpu.memref_squeeze %dma_wait3A_89 : memref<1x640x128xf32, #tpu.memory_space<hbm>> -> memref<640x128xf32, #tpu.memory_space<hbm>>
      %dma_wait3A_91 = arith.constant 0 : i32
      %dma_wait3A_92 = tpu.memref_slice %arg19[%mul3A_80, %dma_wait3A_91] : memref<10240x128xf32, #tpu.memory_space<vmem_shared>> -> memref<640x128xf32, #tpu.memory_space<vmem_shared>>
      tpu.wait_dma2 semaphore(%run_scoped3A : memref<!tpu.dma_semaphore, #tpu.memory_space<semaphore_mem>>) src(%dma_wait3A_92 : memref<640x128xf32, #tpu.memory_space<vmem_shared>>) dst(%dma_wait3A_90 : memref<640x128xf32, #tpu.memory_space<hbm>>)
      tpu.yield
    }) : () -> ()
    return
  }
}

module attributes {stable_mosaic.version = 14 : i64} {
  func.func @_norm_body(%arg0: memref<10000x128xf32, #tpu.memory_space<vmem>>, %arg1: memref<10000x128xf32, #tpu.memory_space<vmem>>) attributes {dimension_semantics = [], scalar_prefetch = 0 : i64, scratch_operands = 0 : i64, tpu.core_type = #tpu.core_type<tc>} {
    %get3A = arith.constant 0 : index
    %get3A_0 = arith.constant 0 : index
    %get3A_1 = vector.load %arg0[%get3A, %get3A_0] : memref<10000x128xf32, #tpu.memory_space<vmem>>, vector<10000x128xf32>
    %mul3A = arith.mulf %get3A_1, %get3A_1 : vector<10000x128xf32>
    %reduce_sum3A = arith.constant dense<0.000000e+00> : vector<10000xf32>
    %reduce_sum3A_2 = vector.multi_reduction <add>, %mul3A, %reduce_sum3A [1] : vector<10000x128xf32> to vector<10000xf32>
    %broadcast_in_dim3A = vector.shape_cast %reduce_sum3A_2 : vector<10000xf32> to vector<10000x1xf32>
    %sqrt3A = math.sqrt %broadcast_in_dim3A : vector<10000x1xf32>
    %max3A = arith.constant 9.99999996E-13 : f32
    %max3A_3 = vector.broadcast %max3A : f32 to vector<10000x1xf32>
    %max3A_4 = arith.maximumf %sqrt3A, %max3A_3 : vector<10000x1xf32>
    %div3A = vector.broadcast %max3A_4 : vector<10000x1xf32> to vector<10000x128xf32>
    %div3A_5 = arith.divf %get3A_1, %div3A : vector<10000x128xf32>
    %swap3A = arith.constant 0 : index
    %swap3A_6 = arith.constant 0 : index
    %swap3A_7 = vector.load %arg1[%swap3A, %swap3A_6] : memref<10000x128xf32, #tpu.memory_space<vmem>>, vector<10000x128xf32>
    tpu.vector_store %arg1[%swap3A, %swap3A_6], %div3A_5 {strides = array<i32>} : memref<10000x128xf32, #tpu.memory_space<vmem>>, vector<10000x128xf32>,
    return
  }
}

module attributes {stable_mosaic.version = 14 : i64} {
  func.func @_pre_body(%arg0: memref<10000x128xf32, #tpu.memory_space<vmem>>, %arg1: memref<128x128xf32, #tpu.memory_space<vmem>>, %arg2: memref<128x8xf32, #tpu.memory_space<vmem>>, %arg3: memref<128x8xf32, #tpu.memory_space<vmem>>, %arg4: memref<10000x128xf32, #tpu.memory_space<vmem>>, %arg5: memref<10000x16xf32, #tpu.memory_space<vmem>>) attributes {dimension_semantics = [], scalar_prefetch = 0 : i64, scratch_operands = 0 : i64, tpu.core_type = #tpu.core_type<tc>} {
    %get3A = arith.constant 0 : index
    %get3A_0 = arith.constant 0 : index
    %get3A_1 = vector.load %arg0[%get3A, %get3A_0] : memref<10000x128xf32, #tpu.memory_space<vmem>>, vector<10000x128xf32>
    %get3A_2 = arith.constant 0 : index
    %get3A_3 = arith.constant 0 : index
    %get3A_4 = vector.load %arg1[%get3A_2, %get3A_3] : memref<128x128xf32, #tpu.memory_space<vmem>>, vector<128x128xf32>
    %dot_general3A = arith.constant dense<0.000000e+00> : vector<10000x128xf32>
    %dot_general3A_5 = tpu.matmul %get3A_1, %get3A_4, %dot_general3A {dimension_numbers = #tpu.dot_dimension_numbers<[1], [0], [0], [1], [0, 0, 1, 1], [], []>, transpose_lhs_hint = false} : vector<10000x128xf32>, vector<128x128xf32>, vector<10000x128xf32> -> vector<10000x128xf32>
    %swap3A = arith.constant 0 : index
    %swap3A_6 = arith.constant 0 : index
    %swap3A_7 = vector.load %arg4[%swap3A, %swap3A_6] : memref<10000x128xf32, #tpu.memory_space<vmem>>, vector<10000x128xf32>
    tpu.vector_store %arg4[%swap3A, %swap3A_6], %dot_general3A_5 {strides = array<i32>} : memref<10000x128xf32, #tpu.memory_space<vmem>>, vector<10000x128xf32>,
    %get3A_8 = arith.constant 0 : index
    %get3A_9 = arith.constant 0 : index
    %get3A_10 = vector.load %arg2[%get3A_8, %get3A_9] : memref<128x8xf32, #tpu.memory_space<vmem>>, vector<128x8xf32>
    %dot_general3A_11 = arith.constant dense<0.000000e+00> : vector<10000x8xf32>
    %dot_general3A_12 = tpu.matmul %dot_general3A_5, %get3A_10, %dot_general3A_11 {dimension_numbers = #tpu.dot_dimension_numbers<[1], [0], [0], [1], [0, 0, 1, 1], [], []>, transpose_lhs_hint = false} : vector<10000x128xf32>, vector<128x8xf32>, vector<10000x8xf32> -> vector<10000x8xf32>
    %get3A_13 = arith.constant 0 : index
    %get3A_14 = arith.constant 0 : index
    %get3A_15 = vector.load %arg3[%get3A_13, %get3A_14] : memref<128x8xf32, #tpu.memory_space<vmem>>, vector<128x8xf32>
    %dot_general3A_16 = arith.constant dense<0.000000e+00> : vector<10000x8xf32>
    %dot_general3A_17 = tpu.matmul %dot_general3A_5, %get3A_15, %dot_general3A_16 {dimension_numbers = #tpu.dot_dimension_numbers<[1], [0], [0], [1], [0, 0, 1, 1], [], []>, transpose_lhs_hint = false} : vector<10000x128xf32>, vector<128x8xf32>, vector<10000x8xf32> -> vector<10000x8xf32>
    %concatenate3A = tpu.concatenate %dot_general3A_12, %dot_general3A_17 in 1 : vector<10000x8xf32>, vector<10000x8xf32> -> vector<10000x16xf32>
    %swap3A_18 = arith.constant 0 : index
    %swap3A_19 = arith.constant 0 : index
    %swap3A_20 = vector.load %arg5[%swap3A_18, %swap3A_19] : memref<10000x16xf32, #tpu.memory_space<vmem>>, vector<10000x16xf32>
    tpu.vector_store %arg5[%swap3A_18, %swap3A_19], %concatenate3A {strides = array<i32>} : memref<10000x16xf32, #tpu.memory_space<vmem>>, vector<10000x16xf32>,
    return
  }
}

module attributes {stable_mosaic.version = 14 : i64} {
  func.func @_rinv_body(%arg0: memref<2x10240x16xf32, #tpu.memory_space<vmem>>, %arg1: memref<10240x16xf32, #tpu.memory_space<vmem>>) attributes {dimension_semantics = [], scalar_prefetch = 0 : i64, scratch_operands = 0 : i64, tpu.core_type = #tpu.core_type<tc>} {
    %get3A = arith.constant 0 : index
    %get3A_0 = arith.constant 0 : index
    %get3A_1 = arith.constant 0 : index
    %get3A_2 = vector.load %arg0[%get3A, %get3A_0, %get3A_1] : memref<2x10240x16xf32, #tpu.memory_space<vmem>>, vector<1x10240x16xf32>
    %get3A_3 = vector.shape_cast %get3A_2 : vector<1x10240x16xf32> to vector<10240x16xf32>
    %get3A_4 = arith.constant 1 : index
    %get3A_5 = arith.constant 0 : index
    %get3A_6 = arith.constant 0 : index
    %get3A_7 = vector.load %arg0[%get3A_4, %get3A_5, %get3A_6] : memref<2x10240x16xf32, #tpu.memory_space<vmem>>, vector<1x10240x16xf32>
    %get3A_8 = vector.shape_cast %get3A_7 : vector<1x10240x16xf32> to vector<10240x16xf32>
    %add3A = arith.addf %get3A_3, %get3A_8 : vector<10240x16xf32>
    %add3A_9 = arith.constant 1.000000e-16 : f32
    %add3A_10 = vector.broadcast %add3A_9 : f32 to vector<10240x16xf32>
    %add3A_11 = arith.addf %add3A, %add3A_10 : vector<10240x16xf32>
    %div3A = arith.constant 1.000000e+00 : f32
    %div3A_12 = vector.broadcast %div3A : f32 to vector<10240x16xf32>
    %div3A_13 = arith.divf %div3A_12, %add3A_11 : vector<10240x16xf32>
    %swap3A = arith.constant 0 : index
    %swap3A_14 = arith.constant 0 : index
    %swap3A_15 = vector.load %arg1[%swap3A, %swap3A_14] : memref<10240x16xf32, #tpu.memory_space<vmem>>, vector<10240x16xf32>
    tpu.vector_store %arg1[%swap3A, %swap3A_14], %div3A_13 {strides = array<i32>} : memref<10240x16xf32, #tpu.memory_space<vmem>>, vector<10240x16xf32>,
    return
  }
}

module attributes {stable_mosaic.version = 14 : i64} {
  func.func @_post_body(%arg0: memref<2x10000x128xf32, #tpu.memory_space<vmem>>, %arg1: memref<10000x128xf32, #tpu.memory_space<vmem>>, %arg2: memref<10000x128xf32, #tpu.memory_space<vmem>>) attributes {dimension_semantics = [], scalar_prefetch = 0 : i64, scratch_operands = 0 : i64, tpu.core_type = #tpu.core_type<tc>} {
    %get3A = arith.constant 0 : index
    %get3A_0 = arith.constant 0 : index
    %get3A_1 = arith.constant 0 : index
    %get3A_2 = vector.load %arg0[%get3A, %get3A_0, %get3A_1] : memref<2x10000x128xf32, #tpu.memory_space<vmem>>, vector<1x10000x128xf32>
    %get3A_3 = vector.shape_cast %get3A_2 : vector<1x10000x128xf32> to vector<10000x128xf32>
    %get3A_4 = arith.constant 1 : index
    %get3A_5 = arith.constant 0 : index
    %get3A_6 = arith.constant 0 : index
    %get3A_7 = vector.load %arg0[%get3A_4, %get3A_5, %get3A_6] : memref<2x10000x128xf32, #tpu.memory_space<vmem>>, vector<1x10000x128xf32>
    %get3A_8 = vector.shape_cast %get3A_7 : vector<1x10000x128xf32> to vector<10000x128xf32>
    %add3A = arith.addf %get3A_3, %get3A_8 : vector<10000x128xf32>
    %get3A_9 = arith.constant 0 : index
    %get3A_10 = arith.constant 0 : index
    %get3A_11 = vector.load %arg1[%get3A_9, %get3A_10] : memref<10000x128xf32, #tpu.memory_space<vmem>>, vector<10000x128xf32>
    %add3A_12 = arith.addf %add3A, %get3A_11 : vector<10000x128xf32>
    %gt3A = arith.constant 0.000000e+00 : f32
    %gt3A_13 = vector.broadcast %gt3A : f32 to vector<10000x128xf32>
    %gt3A_14 = arith.cmpf ogt, %add3A_12, %gt3A_13 : vector<10000x128xf32>
    %exp3A = math.exp %add3A_12 : vector<10000x128xf32>
    %sub3A = arith.constant 1.000000e+00 : f32
    %sub3A_15 = vector.broadcast %sub3A : f32 to vector<10000x128xf32>
    %sub3A_16 = arith.subf %exp3A, %sub3A_15 : vector<10000x128xf32>
    %select_n3A = arith.select %gt3A_14, %add3A_12, %sub3A_16 : vector<10000x128xi1>, vector<10000x128xf32>
    %mul3A = arith.mulf %select_n3A, %select_n3A : vector<10000x128xf32>
    %reduce_sum3A = arith.constant dense<0.000000e+00> : vector<10000xf32>
    %reduce_sum3A_17 = vector.multi_reduction <add>, %mul3A, %reduce_sum3A [1] : vector<10000x128xf32> to vector<10000xf32>
    %broadcast_in_dim3A = vector.shape_cast %reduce_sum3A_17 : vector<10000xf32> to vector<10000x1xf32>
    %sqrt3A = math.sqrt %broadcast_in_dim3A : vector<10000x1xf32>
    %max3A = arith.constant 9.99999996E-13 : f32
    %max3A_18 = vector.broadcast %max3A : f32 to vector<10000x1xf32>
    %max3A_19 = arith.maximumf %sqrt3A, %max3A_18 : vector<10000x1xf32>
    %div3A = vector.broadcast %max3A_19 : vector<10000x1xf32> to vector<10000x128xf32>
    %div3A_20 = arith.divf %select_n3A, %div3A : vector<10000x128xf32>
    %swap3A = arith.constant 0 : index
    %swap3A_21 = arith.constant 0 : index
    %swap3A_22 = vector.load %arg2[%swap3A, %swap3A_21] : memref<10000x128xf32, #tpu.memory_space<vmem>>, vector<10000x128xf32>
    tpu.vector_store %arg2[%swap3A, %swap3A_21], %div3A_20 {strides = array<i32>} : memref<10000x128xf32, #tpu.memory_space<vmem>>, vector<10000x128xf32>,
    return
  }
}

module attributes {stable_mosaic.version = 14 : i64} {
  func.func @_post_body(%arg0: memref<2x10000x128xf32, #tpu.memory_space<vmem>>, %arg1: memref<10000x128xf32, #tpu.memory_space<vmem>>, %arg2: memref<10000x128xf32, #tpu.memory_space<vmem>>) attributes {dimension_semantics = [], scalar_prefetch = 0 : i64, scratch_operands = 0 : i64, tpu.core_type = #tpu.core_type<tc>} {
    %get3A = arith.constant 0 : index
    %get3A_0 = arith.constant 0 : index
    %get3A_1 = arith.constant 0 : index
    %get3A_2 = vector.load %arg0[%get3A, %get3A_0, %get3A_1] : memref<2x10000x128xf32, #tpu.memory_space<vmem>>, vector<1x10000x128xf32>
    %get3A_3 = vector.shape_cast %get3A_2 : vector<1x10000x128xf32> to vector<10000x128xf32>
    %get3A_4 = arith.constant 1 : index
    %get3A_5 = arith.constant 0 : index
    %get3A_6 = arith.constant 0 : index
    %get3A_7 = vector.load %arg0[%get3A_4, %get3A_5, %get3A_6] : memref<2x10000x128xf32, #tpu.memory_space<vmem>>, vector<1x10000x128xf32>
    %get3A_8 = vector.shape_cast %get3A_7 : vector<1x10000x128xf32> to vector<10000x128xf32>
    %add3A = arith.addf %get3A_3, %get3A_8 : vector<10000x128xf32>
    %get3A_9 = arith.constant 0 : index
    %get3A_10 = arith.constant 0 : index
    %get3A_11 = vector.load %arg1[%get3A_9, %get3A_10] : memref<10000x128xf32, #tpu.memory_space<vmem>>, vector<10000x128xf32>
    %add3A_12 = arith.addf %add3A, %get3A_11 : vector<10000x128xf32>
    %mul3A = arith.mulf %add3A_12, %add3A_12 : vector<10000x128xf32>
    %reduce_sum3A = arith.constant dense<0.000000e+00> : vector<10000xf32>
    %reduce_sum3A_13 = vector.multi_reduction <add>, %mul3A, %reduce_sum3A [1] : vector<10000x128xf32> to vector<10000xf32>
    %broadcast_in_dim3A = vector.shape_cast %reduce_sum3A_13 : vector<10000xf32> to vector<10000x1xf32>
    %sqrt3A = math.sqrt %broadcast_in_dim3A : vector<10000x1xf32>
    %max3A = arith.constant 9.99999996E-13 : f32
    %max3A_14 = vector.broadcast %max3A : f32 to vector<10000x1xf32>
    %max3A_15 = arith.maximumf %sqrt3A, %max3A_14 : vector<10000x1xf32>
    %div3A = vector.broadcast %max3A_15 : vector<10000x1xf32> to vector<10000x128xf32>
    %div3A_16 = arith.divf %add3A_12, %div3A : vector<10000x128xf32>
    %swap3A = arith.constant 0 : index
    %swap3A_17 = arith.constant 0 : index
    %swap3A_18 = vector.load %arg2[%swap3A, %swap3A_17] : memref<10000x128xf32, #tpu.memory_space<vmem>>, vector<10000x128xf32>
    tpu.vector_store %arg2[%swap3A, %swap3A_17], %div3A_16 {strides = array<i32>} : memref<10000x128xf32, #tpu.memory_space<vmem>>, vector<10000x128xf32>,
    return
  }
}

</mosaic_0001>

<sc_bundles>
// kernel: kernel.13.cloned.1.call-start
scs
__scs_entry_jumppad:
0x0: {  	(pc) =	sbr.rel $0x88, $3  }
0x1: {  	(tag) =	ssettag $0x0;
	lr =	simm.s32 $0x1  }
0x2: {  	[smem:$0x3F99] =	sst lr;
	_ =	strace $0xD0000000  }
0x3: {  	_ = 	snop  }
0x4: {  	_ = 	snop  }
0x5: {  	_ = 	snop  }
0x6: {  	_ = 	snop  }
0x7: {  	_ = 	snop  }
__scs_overlays_trampoline_lowered:
0x8: {  	[smem:$0x3FA8] =	sst s0  }
0x9: {  	[smem:$0x3FA9] =	sst s1  }
0xa: {  	[smem:$0x3FAA] =	sst s2  }
0xb: {  	[smem:$0x3FAB] =	sst s3  }
0xc: {  	[smem:$0x3FAC] =	sst s4  }
0xd: {  	[smem:$0x3FAD] =	sst s5  }
0xe: {  	[smem:$0x3FAE] =	sst s6  }
0xf: {  	[smem:$0x3FAF] =	sst s7  }
0x10: {  	[smem:$0x3FB0] =	sst s8  }
0x11: {  	[smem:$0x3FB1] =	sst s9;
	s0 =	simm.s32 @!p0 $0x0  }
0x12: {  	s1 =	sld [smem:$0x3F97];
	s0 =	simm.s32 @p0 $0x1  }
0x13: {  	[smem:$0x3FB2] =	sst s0;
	s0 =	simm.s32 @!p1 $0x0  }
0x14: {  	s2 =	sld [smem:$0x3F96];
	s0 =	simm.s32 @p1 $0x1  }
0x15: {  	[smem:$0x3FB3] =	sst s0;
	s0 =	simm.s32 @!p2 $0x0  }
0x16: {  	s3 =	sld [smem:$0x3FDB];
	s0 =	simm.s32 @p2 $0x1  }
0x17: {  	s4 =	simm.s32 $0x1BF5;
	[smem:$0x3FB5] =	sst s0  }
0x18: {  	s0 =	sld [smem:$0x3F98];
	_ =	swait.ge [sflag:s4], $0x0  }
0x19: {  	s7 =	sld [smem:$0x3F99]  }
0x1a: {  	s8 =	sadd.s32 $0xFFFFE003, lr  }
0x1b: {  	s9 =	sadd.s32 $0xFFFFFEF7, lr;
	s5 =	simm.s32 $0xFFFFFFFF;
	p2 =	slt.u32 s8, $0xFFFFF086  }
0x1c: {  	p1 =	slt.u32 s9, $0xF7A;
	s5 =	simm.s32 @!p2 $0x0  }
0x1d: {  	s5 =	simm.s32 @p1 $0x1;
	p0 =	seq.s32 s7, s2  }
0x1e: {  	s7 =	smul.u32 @!p0 $0xF7A, s2;
	p2 =	seq.s32 @!p0 s5, $0x0  }
0x1f: {  	s9 =	smul.u32 $0xF7A, s1;
	s8 =	simm.s32 @!p0 $0x1BF5;
	p2 =	por !p2, p0  }
0x20: {  	[sflag:s8] =	ssyncset.s32 @!p0 $0xFFFFF086;
	s6 =	sadd.s32 @!p0 s3, s7;
	s7 =	simm.s32 @!p0 $0x108  }
0x21: {  	s3 =	sadd.s32 s3, s9;
	s6 =	sadd.s32 @!p0 $0x88, s6;
	s7 =	simm.s32 @p2 $0x1082  }
0x22: {  	[simem:s7], [sflag:s8] =	dma.local @!p0 [hbm:s6], $0xF7A  }
0x23: {  	s9 =	sor.u32 $0xD0000000, s2;
	s6 =	simm.s32 $0x108;
	_ =	swait.ge @!p0 [sflag:s8], $0x0  }
0x24: {  	s3 =	sadd.s32 $0x88, s3;
	s6 =	simm.s32 @!p1 $0x1082;
	[sflag:s4] =	ssyncset.s32 $0xFFFFF086  }
0x25: {  	[simem:s6], [sflag:s4] =	dma.local [hbm:s3], $0xF7A  }
0x26: {  	[smem:$0x3F99] =	sst s1;
	(tag) =	ssettag s2;
	_ =	strace s9  }
0x27: {  	s1 =	sld [smem:$0x3FA9]  }
0x28: {  	s2 =	sld [smem:$0x3FAA]  }
0x29: {  	s4 =	sld [smem:$0x3FAC]  }
0x2a: {  	p0 =	seq.s32 s5, $0x0;
	s5 =	sld [smem:$0x3FAD]  }
0x2b: {  	s6 =	sld [smem:$0x3FAE]  }
0x2c: {  	s7 =	sld [smem:$0x3FAF]  }
0x2d: {  	s3 =	simm.s32 $0x108;
	s8 =	sld [smem:$0x3FB0]  }
0x2e: {  	s3 =	simm.s32 @!p0 $0x1082;
	s9 =	sld [smem:$0x3FB1]  }
0x2f: {  	lr =	sadd.s32 s0, s3;
	s0 =	sld [smem:$0x3FA8]  }
0x30: {  	s3 =	sld [smem:$0x3FAB]  }
0x31: {  	[smem:$0x3FB4] =	sst s10  }
0x32: {  	s10 =	sld [smem:$0x3FB2];
	_ =	sdelay $0x3  }
0x33: {  	p0 =	seq.s32 s10, $0x1;
	s10 =	sld [smem:$0x3FB4];
	_ =	sdelay $0x3  }
0x34: {  	[smem:$0x3FB4] =	sst s10  }
0x35: {  	s10 =	sld [smem:$0x3FB3];
	_ =	sdelay $0x3  }
0x36: {  	p1 =	seq.s32 s10, $0x1;
	s10 =	sld [smem:$0x3FB4];
	_ =	sdelay $0x3  }
0x37: {  	[smem:$0x3FB4] =	sst s10  }
0x38: {  	s10 =	sld [smem:$0x3FB5]  }
0x39: {  	_ = 	snop;
	(pc) =	sbr.ind lr, $3  }
0x3a: {  	_ = 	snop  }
0x3b: {  	_ = 	snop  }
0x3c: {  	p2 =	seq.s32 s10, $0x1;
	s10 =	sld [smem:$0x3FB4]  }
0x3d: {  	_ =	shalt  }
0x3e: {  	_ =	shalt  }
0x3f: {  	_ =	shalt  }
0x40: {  	_ =	shalt  }
0x41: {  	_ =	shalt  }
0x42: {  	_ =	shalt  }
0x43: {  	_ =	shalt  }
0x44: {  	_ =	shalt  }
0x45: {  	_ =	shalt  }
0x46: {  	_ =	shalt  }
0x47: {  	_ =	shalt  }
0x48: {  	_ =	shalt  }
0x49: {  	_ =	shalt  }
0x4a: {  	_ =	shalt  }
0x4b: {  	_ =	shalt  }
0x4c: {  	_ =	shalt  }
0x4d: {  	_ =	shalt  }
0x4e: {  	_ =	shalt  }
0x4f: {  	_ =	shalt  }
0x50: {  	_ =	shalt  }
0x51: {  	_ =	shalt  }
0x52: {  	_ =	shalt  }
0x53: {  	_ =	shalt  }
0x54: {  	_ =	shalt  }
0x55: {  	_ =	shalt  }
0x56: {  	_ =	shalt  }
0x57: {  	_ =	shalt  }
0x58: {  	_ =	shalt  }
0x59: {  	_ =	shalt  }
0x5a: {  	_ =	shalt  }
0x5b: {  	_ =	shalt  }
0x5c: {  	_ =	shalt  }
0x5d: {  	_ =	shalt  }
0x5e: {  	_ =	shalt  }
0x5f: {  	_ =	shalt  }
0x60: {  	_ =	shalt  }
0x61: {  	_ =	shalt  }
0x62: {  	_ =	shalt  }
0x63: {  	_ =	shalt  }
0x64: {  	_ =	shalt  }
0x65: {  	_ =	shalt  }
0x66: {  	_ =	shalt  }
0x67: {  	_ =	shalt  }
0x68: {  	_ =	shalt  }
0x69: {  	_ =	shalt  }
0x6a: {  	_ =	shalt  }
0x6b: {  	_ =	shalt  }
0x6c: {  	_ =	shalt  }
0x6d: {  	_ =	shalt  }
0x6e: {  	_ =	shalt  }
0x6f: {  	_ =	shalt  }
0x70: {  	_ =	shalt  }
0x71: {  	_ =	shalt  }
0x72: {  	_ =	shalt  }
0x73: {  	_ =	shalt  }
0x74: {  	_ =	shalt  }
0x75: {  	_ =	shalt  }
0x76: {  	_ =	shalt  }
0x77: {  	_ =	shalt  }
0x78: {  	_ =	shalt  }
0x79: {  	_ =	shalt  }
0x7a: {  	_ =	shalt  }
0x7b: {  	_ =	shalt  }
0x7c: {  	_ =	shalt  }
0x7d: {  	_ =	shalt  }
0x7e: {  	_ =	shalt  }
0x7f: {  	_ =	shalt  }
0x80: {  	_ =	shalt  }
0x81: {  	_ =	shalt  }
0x82: {  	_ =	shalt  }
0x83: {  	_ =	shalt  }
0x84: {  	_ =	shalt  }
0x85: {  	_ =	shalt  }
0x86: {  	_ =	shalt  }
0x87: {  	_ =	shalt  }
.Lfunc_end0:
.L_simem_size_0:
called_computation_lowered:
.L_overlay_start_0:
0x88: {  	s2 =	sld [smem:$0x3FD9]  }
0x89: {  	s3 =	sld [smem:$0x3FFE];
	_ =	sdelay $0x1  }
0x8a: {  	s1 =	srdreg.scid  }
0x8b: {  	s0 =	sand.u32 $0x1, s1  }
0x8c: {  	s17 =	sshll.u32 s0, $0xA;
	s2 =	sadd.s32 s3, s2  }
0x8d: {  	s2 =	sadd.s32 s2, s17  }
0x8e: {  	[smem:$0x3FC0] =	sst s2  }
0x8f: {  	_ = 	snop  }
0x90: {  	s2 =	sld [smem:$0x3FD0];
	(tm) =	ssettm $0x1  }
0x91: {  	s18 =	sld [smem:$0x3FFB];
	_ =	sdelay $0x3  }
0x92: {  	_ =	strace s18  }
0x93: {  	s3 =	sld [smem:$0x3FFC];
	_ =	sdelay $0x3  }
0x94: {  	_ =	strace s3  }
0x95: {  	s3 =	sld [smem:$0x3FFD];
	_ =	sdelay $0x3  }
0x96: {  	_ =	strace s3  }
0x97: {  	_ =	strace $0x8FFFFFFF  }
0x98: {  	s19 =	sld [smem:$0x3FDB];
	_ =	sdelay $0x1  }
0x99: {  	s4 =	simm.s32 $_scs_section_size  }
0x9a: {  	s5 =	simm.s32 $_size__tile_overlayer_lowered;
	s6 =	simm.s32 $_tile_overlayer_lowered  }
0x9b: {  	s22 =	simm.s32 $0x1BFF;
	s21 =	sshll.u32 s6, $0x1;
	s3 =	sadd.s32 s4, s19  }
0x9c: {  	s7 =	simm.s32 $0x0;
	s20 =	sshll.u32 s5, $0x1;
	s5 =	sadd.s32 s21, s3  }
0x9d: {  	[timem:s7], [sflag:s22] =	dma.local [hbm:s5], s20  }
0x9e: {  	_ =	swait.ge [sflag:s22], s20  }
0x9f: {  	s4 =	ssub.s32 $0x0, s20;
	[sflag:s22] =	ssyncset.done $0x0  }
0xa0: {  	[sflag:s22] =	ssyncadd.s32 s4;
	_ =	sdelay $0x1  }
0xa1: {  	s23 =	simm.s32 $0x1B8B  }
0xa2: {  	_ =	swait.ge [sflag:s23], $0x1  }
0xa3: {  	[sflag:s23] =	ssyncset.done $0x0  }
0xa4: {  	s25 =	simm.s32 $0x1B8E;
	s24 =	sld [smem:$0x3FFE];
	[sflag:s23] =	ssyncadd.s32 $0xFFFFFFFF  }
0xa5: {  	s26 =	simm.s32 $execute0_lowered;
	[smem:$0x3FD2] =	sst s25  }
0xa6: {  	s5 =	sshll.u32 s26, $0x1;
	_ =	strace $0x80000046;
	[dreg:$0x1] =	wrdreg $0xFFFFFFFF  }
0xa7: {  	s28 =	simm.s32 $_size_execute0_lowered;
	s3 =	sadd.s32 s3, s5;
	[dreg:$0x0] =	wrdreg $0x0  }
0xa8: {  	s5 =	sshll.u32 s28, $0x1;
	[dreg:$0x2] =	wrdreg s3  }
0xa9: {  	[dreg:$0x3] =	wrdreg s5  }
0xaa: {  	[dreg:$0x4] =	wrdreg $0xC0  }
0xab: {  	_ =	task [dreg:s7], $0x5FFFF  }
0xac: {  	[dreg:$0x1] =	wrdreg $0xFFFFFFFF  }
0xad: {  	[dreg:$0x0] =	wrdreg $0x60  }
0xae: {  	[dreg:$0x2] =	wrdreg s24  }
0xaf: {  	[dreg:$0x3] =	wrdreg s2  }
0xb0: {  	[dreg:$0x4] =	wrdreg $0x174000  }
0xb1: {  	[dreg:$0x5] =	wrdreg $0x9  }
0xb2: {  	_ =	task.clear_ibuf [dreg:s7], $0x6FFFF;
	_ =	strace $0x90000046  }
0xb3: {  	s29 =	simm.s32 $0x9;
	_ =	strace $0x80000048  }
0xb4: {  	_ =	swait.ge [sflag:s29], $0x1  }
0xb5: {  	[sflag:s29] =	ssyncadd.s32 $0xFFFFFFFF  }
0xb6: {  	_ =	strace $0x90000048  }
0xb7: {  	_ =	sfence  }
0xb8: {  	s30 =	sld [smem:$0x0];
	_ =	sdelay $0x2  }
0xb9: {  	s31 =	sshll.u32 s1, $0xD;
	s1 =	sshrl.u32 s1, $0x2  }
0xba: {  	s3 =	sand.u32 $0x4000, s31;
	s1 =	sadd.s32 s1, s30  }
0xbb: {  	s0 =	sor.u32 s3, s0;
	s1 =	sshll.u32 s1, $0x11  }
0xbc: {  	s0 =	sor.u32 s1, s0  }
0xbd: {  	s0 =	sadd.s32 $0x8F2B, s0  }
0xbe: {  	[sflag:s0] =	ssyncadd.remote.s32 $0x1  }
0xbf: {  	_ =	sfence.sel $0xFFFF  }
0xc0: {  	[dreg:$0x0] =	wrdreg $0xFFFFFFFF;
	(pc) =	sbr.abs _section_cstart, $3  }
0xc1: {  	[dreg:$0x1] =	wrdreg $0xFFFFFFFF  }
0xc2: {  	_ =	task.clear_ibuf [dreg:s7], $0x2FFFF;
	_ =	strace $0x9FFFFFFF  }
0xc3: {  	(tm) =	ssettm $0x7FFFFFFF  }
tec
execute0_lowered:
.L_overlay_start_1:
0x0: {  	(tag) =	ssettag $0x1  }
0x1: {  	s0 =	srdreg.scid  }
0x2: {  	s1 =	rddreg [dreg:$0x0];
	s14 =	stileid.u32  }
0x3: {  	s7 =	rddreg [dreg:$0x1];
	s4 =	simm.s32 $0x0;
	s16 =	simm.s32 $0x300  }
0x4: {  	s17 =	simm.s32 $0x5400;
	s18 =	simm.s32 $0xB400;
	s19 =	simm.s32 $0x8400  }
0x5: {  	s20 =	simm.s32 $0xE400;
	s21 =	simm.s32 $0x1;
	s22 =	simm.s32 $0x3  }
0x6: {  	s23 =	simm.s32 $0x11400;
	s29 =	simm.s32 $0x7;
	s30 =	simm.s32 $0x6  }
0x7: {  	s31 =	simm.s32 $0x8;
	s0 =	sand.u32 $0x1, s0;
	s8 =	smul.u32 $0x2800, s14  }
0x8: {  	[smem:$0x7FF] =	sst s4;
	s5 =	sadd.s32 $0x2600, s1;
	s26 =	sshll.u32 s14, $0x6  }
0x9: {  	s2 =	sshll.u32 s0, $0x4;
	s6 =	smul.u32 $0x28000, s0;
	s0 =	ssub.s32 $0x2, s0  }
0xa: {  	s3 =	sor.u32 s14, s2;
	s2 =	rddreg [dreg:$0x2];
	_ =	strace $0x80000047  }
0xb: {  	s11 =	sshrl.u32 s8, $0x3;
	s13 =	sshrl.u32 s0, $0x1;
	s14 =	simm.s32 $0x9  }
0xc: {  	s3 =	smul.u32 $0x2A00, s3;
	s6 =	sadd.s32 s8, s6;
	s11 =	sadd.s32 s11, s1  }
0xd: {  	s0 =	ssub.s32 s0, s13;
	s24 =	sadd.s32 s8, s2;
	s8 =	sor.u32 $0x1C09, s26  }
0xe: {  	s26 =	simm.s32 $0x14400;
	s12 =	sshrl.u32 s6, $0x3;
	s6 =	sadd.s32 $0x20E00, s1  }
0xf: {  	s25 =	sadd.s32 $0x11E00, s11;
	s0 =	smax.u32 s0, $0x1;
	s13 =	sshrl.u32 s24, $0x3  }
0x10: {  	s24 =	simm.s32 $0x2;
	s9 =	sshrl.u32 s3, $0x3;
	[dreg:$0x4] =	wrdreg s25  }
0x11: {  	v3 =	vlaneseq.u32;
	[dreg:$0x8] =	wrdreg s0;
	s10 =	sadd.s32 s9, s1;
	s7 =	sadd.s32 s7, s9  }
0x12: {  	v1 =	vshrl.u32 v3, $0x3;
	s1 =	sadd.s32 s12, s1;
	[dreg:$0x5] =	wrdreg s7;
	s28 =	sadd.s32 $0x7600, s10  }
0x13: {  	v1 =	vmul.u32 $0x10, v1;
	s25 =	simm.s32 $0x4;
	s1 =	sadd.s32 $0x16E00, s1;
	[dreg:$0x6] =	wrdreg s28  }
0x14: {  	v0 =	vimm.f32 $0.0e+00;
	v2 =	vand.u32 $0x7, v3;
	v3 =	vor.u32 $0x8, v3;
	s10 =	simm.s32 $0x2A00;
	[dreg:$0x7] =	wrdreg s1;
	s1 =	simm.s32 $0x0  }
.LBB2_1:
0x15: {  	s0 =	rddreg [dreg:$0x4]  }
0x16: {  	[spmem:s13], [sflag:s8] =	dma.local [hbm:s0], $0x500  }
0x17: {  	_ =	swait.ge [sflag:s14], $0x500  }
0x18: {  	[sflag:s14] =	ssyncset.done $0x0  }
0x19: {  	s15 =	rddreg [dreg:$0x5];
	[sflag:s14] =	ssyncadd.s32 $0xFFFFFB00  }
0x1a: {  	[tilespmem:s4], [sflag:$0x9] =	stream.linear.gather [hbm4b:s15+s4], $0x2A00, $0x38;
	[tilespmem:$0x19C00] =	vst v63  }
0x1b: {  	_ =	swait.ge [sflag:s14], $0x2A00  }
0x1c: {  	[sflag:s14] =	ssyncset.done $0x0  }
0x1d: {  	s28 =	rddreg [dreg:$0x6];
	[sflag:s14] =	ssyncadd.s32 $0xFFFFD600  }
0x1e: {  	[tilespmem:s10], [sflag:$0x9] =	stream.linear.gather [hbm4b:s28+s4], $0x2A00, $0x38;
	[tilespmem:$0x19C00] =	vst v63  }
0x1f: {  	_ =	swait.ge [sflag:s14], $0x2A00  }
0x20: {  	[sflag:s14] =	ssyncset.done $0x0  }
0x21: {  	s7 =	simm.s32 $0x0;
	s0 =	simm.s32 $0x40;
	[sflag:s14] =	ssyncadd.s32 $0xFFFFD600  }
.LBB2_2:
0x22: {  	p0 =	sne.s32 s0, $0xBFC0;
	[tilespmem:s7+$0x11400] =	vst v0;
	s9 =	smov.u32 s0;
	s0 =	sadd.s32 $0x40, s0  }
.Ltmp0:
0x23: {  	[tilespmem:s7+$0x14400] =	vst v0;
	(pc) =	sbr.rel @p0 .LBB2_2-.Ltmp0, $2  }
0x24: {  	_ =	sdelay $0x2  }
0x25: {  	s7 =	sshra.s32 s9, $0x2  }
0x26: {  	[tilespmem:s7+$0x11400] =	vst v0  }
0x27: {  	[tilespmem:s7+$0x14400] =	vst v0  }
0x28: {  	s0 =	simm.s32 $0x0;
	[bflag:$0x0] =	sbarrier.arrive $0xFFFF  }
0x29: {  	[tilespmem:s17], [sflag:$0x1] =	stream.indirect.gather [hbm4b:s5+s16], $0x10, s0, s16, $0xb8;
	[tilespmem:$0x19C00] =	vst v63  }
0x2a: {  	s7 =	simm.s32 $0x0  }
0x2b: {  	[tilespmem:s18], [sflag:$0x3] =	stream.indirect.gather [hbm4b:s5+s16], $0x10, s10, s16, $0xb8;
	[tilespmem:$0x19C00] =	vst v63  }
.LBB2_4:
0x2c: {  	s10 =	smul.u32 $0x600, s7;
	_ =	sdelay $0x1  }
0x2d: {  	s15 =	sadd.s32 $0x300, s10  }
0x2e: {  	[tilespmem:s19], [sflag:$0x2] =	stream.indirect.gather [hbm4b:s5+s16], $0x10, s15, s16, $0xb8;
	[tilespmem:$0x19C00] =	vst v63  }
0x2f: {  	s9 =	sadd.s32 $0x2D00, s10  }
0x30: {  	[tilespmem:s20], [sflag:$0x4] =	stream.indirect.gather [hbm4b:s5+s16], $0x10, s9, s16, $0xb8;
	[tilespmem:$0x19C00] =	vst v63  }
0x31: {  	_ =	swait.ge [sflag:s21], $0x3000  }
0x32: {  	[sflag:s21] =	ssyncset.done $0x0  }
0x33: {  	[sflag:s21] =	ssyncadd.s32 $0xFFFFD000  }
0x34: {  	_ =	swait.ge [sflag:s22], $0x3000  }
0x35: {  	p0 =	seq.s32 s7, $0x0;
	v4 =	vmov s0;
	[sflag:s22] =	ssyncset.done $0x0  }
0x36: {  	s11 =	simm.s32 @!p0 $0x5;
	v4 =	vshll.u32 v4, $0x4;
	[sflag:s22] =	ssyncadd.s32 $0xFFFFD000  }
0x37: {  	v4 =	vor.u32 v1, v4;
	_ =	swait.ge @!p0 [sflag:s11], $0x3000  }
0x38: {  	v5 =	vor.u32 v3, v4;
	[sflag:s11] =	ssyncset.done @!p0 $0x0  }
0x39: {  	v4 =	vor.u32 v2, v4;
	[sflag:s11] =	ssyncadd.s32 @!p0 $0xFFFFD000;
	s11 =	simm.s32 @!p0 $0x7  }
0x3a: {  	_ =	swait.ge @!p0 [sflag:s11], $0x3000  }
0x3b: {  	[sflag:s11] =	ssyncset.done @!p0 $0x0  }
0x3c: {  	[sflag:s11] =	ssyncadd.s32 @!p0 $0xFFFFD000  }
0x3d: {  	v5 =	vld.idx.msk [tilespmem:v5+s18+$0x0], $0xffff  }
0x3e: {  	v6 =	vld.idx.msk [tilespmem:v4+s17+$0x0], $0xffff;
	_ =	sdelay $0x4  }
0x3f: {  	v5 =	vadd.f32 v5, v6;
	_ =	sdelay $0x1  }
0x40: {  	v6 =	vmul.f32 $2.000000030e-01, v5  }
0x41: {  	vm0 =	vgt.f32 v5, $0.0e+00  }
0x42: {  	v5 =	vsel vm0, v5, v6  }
0x43: {  	v5 =	vmul.f32 $1.442695020e+00, v5;
	_ =	sdelay $0x1  }
0x44: {  	(erf) = vpow2.f32 v5;
	_ =	sdelay $0x1  }
0x45: {  	s28 =	simm.s32 $0x2  }
0x46: {  	v6 =	vmov s28  }
0x47: {  	s11 =	simm.s32 $0x4;
	v5 =	vshll.u32 v6, $0x4  }
.LBB2_5:
0x48: {  	p1 =	sne.s32 s11, $0x2FE;
	v5 =	vor.u32 v1, v5  }
0x49: {  	v6 =	vor.u32 v3, v5  }
0x4a: {  	v5 =	vor.u32 v2, v5;
	_ =	sdelay $0x1  }
0x4b: {  	v7 =	vpop (erf)  }
0x4c: {  	[tilespmem:v4+s23+$0x0] =	vst.idx.msk $0xffff, v7;
	v4 =	vmov v5  }
0x4d: {  	v6 =	vld.idx.msk [tilespmem:v6+s18+$0x0], $0xffff  }
0x4e: {  	v5 =	vld.idx.msk [tilespmem:v5+s17+$0x0], $0xffff;
	_ =	sdelay $0x5  }
0x4f: {  	v5 =	vadd.f32 v6, v5;
	_ =	sdelay $0x1  }
0x50: {  	v6 =	vmul.f32 $2.000000030e-01, v5  }
0x51: {  	vm0 =	vgt.f32 v5, $0.0e+00  }
0x52: {  	v5 =	vsel vm0, v5, v6  }
0x53: {  	v5 =	vmul.f32 $1.442695020e+00, v5;
	_ =	sdelay $0x1  }
.Ltmp1:
0x54: {  	(erf) = vpow2.f32 v5;
	(pc) =	sbr.rel @p1 .LBB2_5-.Ltmp1, $3  }
0x55: {  	_ =	sdelay $0x1  }
0x56: {  	v5 =	vmov s11  }
0x57: {  	s11 =	sadd.s32 $0x2, s11;
	v5 =	vshll.u32 v5, $0x4  }
0x58: {  	v5 =	vor.u32 v1, v5  }
0x59: {  	v6 =	vor.u32 v3, v5  }
0x5a: {  	v5 =	vor.u32 v2, v5;
	_ =	sdelay $0x1  }
0x5b: {  	v7 =	vpop (erf)  }
0x5c: {  	[tilespmem:v4+s23+$0x0] =	vst.idx.msk $0xffff, v7  }
0x5d: {  	v4 =	vld.idx.msk [tilespmem:v6+s18+$0x0], $0xffff  }
0x5e: {  	v6 =	vld.idx.msk [tilespmem:v5+s17+$0x0], $0xffff;
	_ =	sdelay $0x4  }
0x5f: {  	v4 =	vadd.f32 v4, v6;
	_ =	sdelay $0x1  }
0x60: {  	v6 =	vmul.f32 $2.000000030e-01, v4  }
0x61: {  	vm0 =	vgt.f32 v4, $0.0e+00  }
0x62: {  	v4 =	vsel vm0, v4, v6  }
0x63: {  	v4 =	vmul.f32 $1.442695020e+00, v4;
	_ =	sdelay $0x1  }
0x64: {  	(erf) = vpow2.f32 v4;
	_ =	sdelay $0x7  }
0x65: {  	s11 =	sadd.s32 s3, s10;
	s12 =	smul.u32 $0x1800, s7  }
0x66: {  	s11 =	sshll.u32 s11, $0x1;
	v4 =	vpop (erf)  }
0x67: {  	s11 =	sadd.s32 s6, s11;
	s28 =	sshra.s32 s12, $0x2;
	[tilespmem:v5+s23+$0x0] =	vst.idx.msk $0xffff, v4  }
0x68: {  	[hbm4b:s11+s4] =	stream.linear.scatter [tilespmem:s23], [sflag:$0x5], $0x3000, $0x38;
	[tilespmem:$0x19C00] =	vst v63  }
0x69: {  	p1 =	seq.s32 s7, $0x6;
	s11 =	sadd.s32 $0x2A00, s28  }
0x6a: {  	[spmem:s2] =	stream.indirect.scatter.add.f32 [tilespmem:s23], [sflag:$0x7], $0x10, s11, s16, $0xb8;
	[tilespmem:$0x19C00] =	vst v63  }
0x6b: {  	s12 =	simm.s32 @!p1 $0x300;
	s28 =	simm.s32 @!p1 $0x5400;
	s11 =	sadd.s32 @!p1 $0x600, s10  }
0x6c: {  	[tilespmem:s28], [sflag:$0x1] =	stream.indirect.gather @!p1 [hbm4b:s5+s12], $0x10, s11, s12, $0xb8;
	[tilespmem:$0x19C00] =	vst v63  }
0x6d: {  	s10 =	sadd.s32 @!p1 $0x3000, s10;
	s11 =	simm.s32 @!p1 $0xB400  }
0x6e: {  	[tilespmem:s11], [sflag:$0x3] =	stream.indirect.gather @!p1 [hbm4b:s5+s12], $0x10, s10, s12, $0xb8;
	[tilespmem:$0x19C00] =	vst v63  }
0x6f: {  	_ =	swait.ge [sflag:s24], $0x3000  }
0x70: {  	[sflag:s24] =	ssyncset.done $0x0  }
0x71: {  	[sflag:s24] =	ssyncadd.s32 $0xFFFFD000  }
0x72: {  	s12 =	simm.s32 $0x0;
	_ =	swait.ge [sflag:s25], $0x3000  }
0x73: {  	v4 =	vmov s12;
	[sflag:s25] =	ssyncset.done $0x0  }
0x74: {  	s10 =	simm.s32 @!p0 $0x6;
	v4 =	vshll.u32 v4, $0x4;
	[sflag:s25] =	ssyncadd.s32 $0xFFFFD000  }
0x75: {  	v4 =	vor.u32 v1, v4;
	_ =	swait.ge @!p0 [sflag:s10], $0x3000  }
0x76: {  	v5 =	vor.u32 v3, v4;
	[sflag:s10] =	ssyncset.done @!p0 $0x0  }
0x77: {  	v4 =	vor.u32 v2, v4;
	[sflag:s10] =	ssyncadd.s32 @!p0 $0xFFFFD000;
	s10 =	simm.s32 @!p0 $0x8  }
0x78: {  	_ =	swait.ge @!p0 [sflag:s10], $0x3000  }
0x79: {  	[sflag:s10] =	ssyncset.done @!p0 $0x0  }
0x7a: {  	[sflag:s10] =	ssyncadd.s32 @!p0 $0xFFFFD000  }
0x7b: {  	v5 =	vld.idx.msk [tilespmem:v5+s20+$0x0], $0xffff  }
0x7c: {  	v6 =	vld.idx.msk [tilespmem:v4+s19+$0x0], $0xffff;
	_ =	sdelay $0x4  }
0x7d: {  	v5 =	vadd.f32 v5, v6;
	_ =	sdelay $0x1  }
0x7e: {  	v6 =	vmul.f32 $2.000000030e-01, v5  }
0x7f: {  	vm15 =	vgt.f32 v5, $0.0e+00  }
0x80: {  	v5 =	vsel vm15, v5, v6  }
0x81: {  	v5 =	vmul.f32 $1.442695020e+00, v5;
	_ =	sdelay $0x1  }
0x82: {  	(erf) = vpow2.f32 v5;
	_ =	sdelay $0x1  }
0x83: {  	s28 =	simm.s32 $0x2  }
0x84: {  	v6 =	vmov s28  }
0x85: {  	s10 =	simm.s32 $0x4;
	v5 =	vshll.u32 v6, $0x4  }
.LBB2_7:
0x86: {  	p0 =	sne.s32 s10, $0x2FE;
	v5 =	vor.u32 v1, v5  }
0x87: {  	v6 =	vor.u32 v3, v5  }
0x88: {  	v5 =	vor.u32 v2, v5;
	_ =	sdelay $0x1  }
0x89: {  	v7 =	vpop (erf)  }
0x8a: {  	[tilespmem:v4+s26+$0x0] =	vst.idx.msk $0xffff, v7;
	v4 =	vmov v5  }
0x8b: {  	v6 =	vld.idx.msk [tilespmem:v6+s20+$0x0], $0xffff  }
0x8c: {  	v5 =	vld.idx.msk [tilespmem:v5+s19+$0x0], $0xffff;
	_ =	sdelay $0x5  }
0x8d: {  	v5 =	vadd.f32 v6, v5;
	_ =	sdelay $0x1  }
0x8e: {  	v6 =	vmul.f32 $2.000000030e-01, v5  }
0x8f: {  	vm0 =	vgt.f32 v5, $0.0e+00  }
0x90: {  	v5 =	vsel vm0, v5, v6  }
0x91: {  	v5 =	vmul.f32 $1.442695020e+00, v5;
	_ =	sdelay $0x1  }
.Ltmp2:
0x92: {  	(erf) = vpow2.f32 v5;
	(pc) =	sbr.rel @p0 .LBB2_7-.Ltmp2, $3  }
0x93: {  	_ =	sdelay $0x1  }
0x94: {  	v5 =	vmov s10  }
0x95: {  	s10 =	sadd.s32 $0x2, s10;
	v5 =	vshll.u32 v5, $0x4  }
0x96: {  	v5 =	vor.u32 v1, v5  }
0x97: {  	v6 =	vor.u32 v3, v5  }
0x98: {  	v5 =	vor.u32 v2, v5;
	_ =	sdelay $0x1  }
0x99: {  	v7 =	vpop (erf)  }
0x9a: {  	[tilespmem:v4+s26+$0x0] =	vst.idx.msk $0xffff, v7  }
0x9b: {  	v4 =	vld.idx.msk [tilespmem:v6+s20+$0x0], $0xffff  }
0x9c: {  	v63 =	vld.idx.msk [tilespmem:v5+s19+$0x0], $0xffff;
	_ =	sdelay $0x4  }
0x9d: {  	v4 =	vadd.f32 v4, v63;
	_ =	sdelay $0x1  }
0x9e: {  	v6 =	vmul.f32 $2.000000030e-01, v4  }
0x9f: {  	vm0 =	vgt.f32 v4, $0.0e+00  }
0xa0: {  	v4 =	vsel vm0, v4, v6  }
0xa1: {  	v4 =	vmul.f32 $1.442695020e+00, v4;
	_ =	sdelay $0x1  }
0xa2: {  	(erf) = vpow2.f32 v4;
	_ =	sdelay $0x6  }
0xa3: {  	s10 =	sadd.s32 s3, s15;
	s7 =	sadd.s32 $0x1, s7  }
0xa4: {  	s10 =	sshll.u32 s10, $0x1;
	p0 =	sne.s32 s7, $0x7  }
.Ltmp3:
0xa5: {  	s10 =	sand.u32 $0x1FFFFE00, s10;
	v4 =	vpop (erf);
	(pc) =	sbr.rel @p0 .LBB2_4-.Ltmp3, $4  }
0xa6: {  	s10 =	sadd.s32 s6, s10;
	[tilespmem:v5+s26+$0x0] =	vst.idx.msk $0xffff, v4  }
0xa7: {  	[hbm4b:s10+s4] =	stream.linear.scatter [tilespmem:s26], [sflag:$0x6], $0x3000, $0x38;
	[tilespmem:$0x19C00] =	vst v63  }
0xa8: {  	_ = 	snop  }
0xa9: {  	[spmem:s2] =	stream.indirect.scatter.add.f32 [tilespmem:s26], [sflag:$0x8], $0x10, s9, s16, $0xb8;
	[tilespmem:$0x19C00] =	vst v63  }
0xaa: {  	s0 =	simm.s32 $0x5  }
0xab: {  	_ =	swait.ge [sflag:s0], $0x3000  }
0xac: {  	[sflag:s0] =	ssyncset.done $0x0  }
0xad: {  	[sflag:s0] =	ssyncadd.s32 $0xFFFFD000  }
0xae: {  	_ =	swait.ge [sflag:s29], $0x3000  }
0xaf: {  	[sflag:s29] =	ssyncset.done $0x0  }
0xb0: {  	[sflag:s29] =	ssyncadd.s32 $0xFFFFD000  }
0xb1: {  	_ =	swait.ge [sflag:s30], $0x3000  }
0xb2: {  	[sflag:s30] =	ssyncset.done $0x0  }
0xb3: {  	[sflag:s30] =	ssyncadd.s32 $0xFFFFD000  }
0xb4: {  	_ =	swait.ge [sflag:s31], $0x3000  }
0xb5: {  	[sflag:s31] =	ssyncset.done $0x0  }
0xb6: {  	[sflag:s31] =	ssyncadd.s32 $0xFFFFD000  }
0xb7: {  	[bflag:$0x0] =	sbarrier.arrive $0xFFFF  }
0xb8: {  	s15 =	rddreg [dreg:$0x7]  }
0xb9: {  	[hbm:s15], [sflag:s8] =	dma.local [spmem:s13], $0x500  }
0xba: {  	_ =	swait.ge [sflag:s14], $0x500  }
0xbb: {  	s1 =	sadd.s32 $0x1, s1;
	s28 =	rddreg [dreg:$0x8]  }
0xbc: {  	p0 =	sne.s32 s1, s28  }
.Ltmp4:
0xbd: {  	_ = 	snop;
	(pc) =	sbr.rel @p0 .LBB2_1-.Ltmp4, $3  }
0xbe: {  	_ =	sdelay $0x1  }
0xbf: {  	[sflag:s14] =	ssyncset.done $0x0  }
0xc0: {  	s10 =	simm.s32 $0x2A00;
	[sflag:s14] =	ssyncadd.s32 $0xFFFFFB00  }
0xc1: {  	_ =	sfence.sel $0x180000  }
0xc2: {  	[bflag:$0x0] =	sbarrier.arrive $0xFFFF  }
0xc3: {  	_ =	strace $0x90000047  }
0xc4: {  	s0 =	stileid.u32;
	[bflag:$0x2] =	sbarrier.arrive $0xFFFF  }
0xc5: {  	p0 =	sne.s32 s0, $0x0;
	s0 =	rddreg [dreg:$0x3]  }
0xc6: {  	s0 =	sadd.s32 @!p0 $0x100000, s0  }
0xc7: {  	[sflag:s0] =	ssyncadd.tile.s32 @!p0 $0x1;
	_ =	shalt  }
.Lfunc_end2:
_tile_overlayer_lowered:
.L_overlay_start_2:
0xc8: {  	(tag) =	ssettag $0x2  }
0xc9: {  	s0 =	rddreg [dreg:$0x0];
	s2 =	stileid.u32  }
0xca: {  	s1 =	rddreg [dreg:$0x1];
	p0 =	sne.s32 s2, $0x0  }
0xcb: {  	s3 =	rddreg [dreg:$0x2];
	[bflag:$0x3] =	sbarrier.arrive $0xFFFF;
	s2 =	simm.s32 @!p0 $0x1C09  }
0xcc: {  	[timem:s3], [sflag:s2] =	dma.local @!p0 [hbm:s0], s1  }
0xcd: {  	s0 =	simm.s32 @!p0 $0x9  }
0xce: {  	_ =	swait.ge @!p0 [sflag:s0], s1  }
0xcf: {  	s1 =	ssub.s32 @!p0 $0x0, s1;
	[sflag:s0] =	ssyncset.done @!p0 $0x0  }
0xd0: {  	[sflag:s0] =	ssyncadd.s32 @!p0 s1  }
0xd1: {  	[bflag:$0x3] =	sbarrier.arrive $0xFFFF  }
0xd2: {  	_ =	shalt  }

// kernel: kernel.16.cloned.1.call-start
scs
__scs_entry_jumppad:
0x0: {  	(pc) =	sbr.rel $0x88, $3  }
0x1: {  	(tag) =	ssettag $0x0;
	lr =	simm.s32 $0x1  }
0x2: {  	[smem:$0x3F99] =	sst lr;
	_ =	strace $0xD0000000  }
0x3: {  	_ = 	snop  }
0x4: {  	_ = 	snop  }
0x5: {  	_ = 	snop  }
0x6: {  	_ = 	snop  }
0x7: {  	_ = 	snop  }
__scs_overlays_trampoline_lowered:
0x8: {  	[smem:$0x3FA8] =	sst s0  }
0x9: {  	[smem:$0x3FA9] =	sst s1  }
0xa: {  	[smem:$0x3FAA] =	sst s2  }
0xb: {  	[smem:$0x3FAB] =	sst s3  }
0xc: {  	[smem:$0x3FAC] =	sst s4  }
0xd: {  	[smem:$0x3FAD] =	sst s5  }
0xe: {  	[smem:$0x3FAE] =	sst s6  }
0xf: {  	[smem:$0x3FAF] =	sst s7  }
0x10: {  	[smem:$0x3FB0] =	sst s8  }
0x11: {  	[smem:$0x3FB1] =	sst s9;
	s0 =	simm.s32 @!p0 $0x0  }
0x12: {  	s1 =	sld [smem:$0x3F97];
	s0 =	simm.s32 @p0 $0x1  }
0x13: {  	[smem:$0x3FB2] =	sst s0;
	s0 =	simm.s32 @!p1 $0x0  }
0x14: {  	s2 =	sld [smem:$0x3F96];
	s0 =	simm.s32 @p1 $0x1  }
0x15: {  	[smem:$0x3FB3] =	sst s0;
	s0 =	simm.s32 @!p2 $0x0  }
0x16: {  	s3 =	sld [smem:$0x3FDB];
	s0 =	simm.s32 @p2 $0x1  }
0x17: {  	s4 =	simm.s32 $0x1BF5;
	[smem:$0x3FB5] =	sst s0  }
0x18: {  	s0 =	sld [smem:$0x3F98];
	_ =	swait.ge [sflag:s4], $0x0  }
0x19: {  	s7 =	sld [smem:$0x3F99]  }
0x1a: {  	s8 =	sadd.s32 $0xFFFFE003, lr  }
0x1b: {  	s9 =	sadd.s32 $0xFFFFFEF7, lr;
	s5 =	simm.s32 $0xFFFFFFFF;
	p2 =	slt.u32 s8, $0xFFFFF086  }
0x1c: {  	p1 =	slt.u32 s9, $0xF7A;
	s5 =	simm.s32 @!p2 $0x0  }
0x1d: {  	s5 =	simm.s32 @p1 $0x1;
	p0 =	seq.s32 s7, s2  }
0x1e: {  	s7 =	smul.u32 @!p0 $0xF7A, s2;
	p2 =	seq.s32 @!p0 s5, $0x0  }
0x1f: {  	s9 =	smul.u32 $0xF7A, s1;
	s8 =	simm.s32 @!p0 $0x1BF5;
	p2 =	por !p2, p0  }
0x20: {  	[sflag:s8] =	ssyncset.s32 @!p0 $0xFFFFF086;
	s6 =	sadd.s32 @!p0 s3, s7;
	s7 =	simm.s32 @!p0 $0x108  }
0x21: {  	s3 =	sadd.s32 s3, s9;
	s6 =	sadd.s32 @!p0 $0x88, s6;
	s7 =	simm.s32 @p2 $0x1082  }
0x22: {  	[simem:s7], [sflag:s8] =	dma.local @!p0 [hbm:s6], $0xF7A  }
0x23: {  	s9 =	sor.u32 $0xD0000000, s2;
	s6 =	simm.s32 $0x108;
	_ =	swait.ge @!p0 [sflag:s8], $0x0  }
0x24: {  	s3 =	sadd.s32 $0x88, s3;
	s6 =	simm.s32 @!p1 $0x1082;
	[sflag:s4] =	ssyncset.s32 $0xFFFFF086  }
0x25: {  	[simem:s6], [sflag:s4] =	dma.local [hbm:s3], $0xF7A  }
0x26: {  	[smem:$0x3F99] =	sst s1;
	(tag) =	ssettag s2;
	_ =	strace s9  }
0x27: {  	s1 =	sld [smem:$0x3FA9]  }
0x28: {  	s2 =	sld [smem:$0x3FAA]  }
0x29: {  	s4 =	sld [smem:$0x3FAC]  }
0x2a: {  	p0 =	seq.s32 s5, $0x0;
	s5 =	sld [smem:$0x3FAD]  }
0x2b: {  	s6 =	sld [smem:$0x3FAE]  }
0x2c: {  	s7 =	sld [smem:$0x3FAF]  }
0x2d: {  	s3 =	simm.s32 $0x108;
	s8 =	sld [smem:$0x3FB0]  }
0x2e: {  	s3 =	simm.s32 @!p0 $0x1082;
	s9 =	sld [smem:$0x3FB1]  }
0x2f: {  	lr =	sadd.s32 s0, s3;
	s0 =	sld [smem:$0x3FA8]  }
0x30: {  	s3 =	sld [smem:$0x3FAB]  }
0x31: {  	[smem:$0x3FB4] =	sst s10  }
0x32: {  	s10 =	sld [smem:$0x3FB2];
	_ =	sdelay $0x3  }
0x33: {  	p0 =	seq.s32 s10, $0x1;
	s10 =	sld [smem:$0x3FB4];
	_ =	sdelay $0x3  }
0x34: {  	[smem:$0x3FB4] =	sst s10  }
0x35: {  	s10 =	sld [smem:$0x3FB3];
	_ =	sdelay $0x3  }
0x36: {  	p1 =	seq.s32 s10, $0x1;
	s10 =	sld [smem:$0x3FB4];
	_ =	sdelay $0x3  }
0x37: {  	[smem:$0x3FB4] =	sst s10  }
0x38: {  	s10 =	sld [smem:$0x3FB5]  }
0x39: {  	_ = 	snop;
	(pc) =	sbr.ind lr, $3  }
0x3a: {  	_ = 	snop  }
0x3b: {  	_ = 	snop  }
0x3c: {  	p2 =	seq.s32 s10, $0x1;
	s10 =	sld [smem:$0x3FB4]  }
0x3d: {  	_ =	shalt  }
0x3e: {  	_ =	shalt  }
0x3f: {  	_ =	shalt  }
0x40: {  	_ =	shalt  }
0x41: {  	_ =	shalt  }
0x42: {  	_ =	shalt  }
0x43: {  	_ =	shalt  }
0x44: {  	_ =	shalt  }
0x45: {  	_ =	shalt  }
0x46: {  	_ =	shalt  }
0x47: {  	_ =	shalt  }
0x48: {  	_ =	shalt  }
0x49: {  	_ =	shalt  }
0x4a: {  	_ =	shalt  }
0x4b: {  	_ =	shalt  }
0x4c: {  	_ =	shalt  }
0x4d: {  	_ =	shalt  }
0x4e: {  	_ =	shalt  }
0x4f: {  	_ =	shalt  }
0x50: {  	_ =	shalt  }
0x51: {  	_ =	shalt  }
0x52: {  	_ =	shalt  }
0x53: {  	_ =	shalt  }
0x54: {  	_ =	shalt  }
0x55: {  	_ =	shalt  }
0x56: {  	_ =	shalt  }
0x57: {  	_ =	shalt  }
0x58: {  	_ =	shalt  }
0x59: {  	_ =	shalt  }
0x5a: {  	_ =	shalt  }
0x5b: {  	_ =	shalt  }
0x5c: {  	_ =	shalt  }
0x5d: {  	_ =	shalt  }
0x5e: {  	_ =	shalt  }
0x5f: {  	_ =	shalt  }
0x60: {  	_ =	shalt  }
0x61: {  	_ =	shalt  }
0x62: {  	_ =	shalt  }
0x63: {  	_ =	shalt  }
0x64: {  	_ =	shalt  }
0x65: {  	_ =	shalt  }
0x66: {  	_ =	shalt  }
0x67: {  	_ =	shalt  }
0x68: {  	_ =	shalt  }
0x69: {  	_ =	shalt  }
0x6a: {  	_ =	shalt  }
0x6b: {  	_ =	shalt  }
0x6c: {  	_ =	shalt  }
0x6d: {  	_ =	shalt  }
0x6e: {  	_ =	shalt  }
0x6f: {  	_ =	shalt  }
0x70: {  	_ =	shalt  }
0x71: {  	_ =	shalt  }
0x72: {  	_ =	shalt  }
0x73: {  	_ =	shalt  }
0x74: {  	_ =	shalt  }
0x75: {  	_ =	shalt  }
0x76: {  	_ =	shalt  }
0x77: {  	_ =	shalt  }
0x78: {  	_ =	shalt  }
0x79: {  	_ =	shalt  }
0x7a: {  	_ =	shalt  }
0x7b: {  	_ =	shalt  }
0x7c: {  	_ =	shalt  }
0x7d: {  	_ =	shalt  }
0x7e: {  	_ =	shalt  }
0x7f: {  	_ =	shalt  }
0x80: {  	_ =	shalt  }
0x81: {  	_ =	shalt  }
0x82: {  	_ =	shalt  }
0x83: {  	_ =	shalt  }
0x84: {  	_ =	shalt  }
0x85: {  	_ =	shalt  }
0x86: {  	_ =	shalt  }
0x87: {  	_ =	shalt  }
.Lfunc_end0:
.L_simem_size_0:
called_computation.1_lowered:
.L_overlay_start_0:
0x88: {  	s2 =	sld [smem:$0x3FD9]  }
0x89: {  	s3 =	sld [smem:$0x3FFE];
	_ =	sdelay $0x1  }
0x8a: {  	s1 =	srdreg.scid  }
0x8b: {  	s0 =	sand.u32 $0x1, s1  }
0x8c: {  	s17 =	sshll.u32 s0, $0xA;
	s2 =	sadd.s32 s3, s2  }
0x8d: {  	s2 =	sadd.s32 s2, s17  }
0x8e: {  	[smem:$0x3FC0] =	sst s2  }
0x8f: {  	_ = 	snop  }
0x90: {  	s2 =	sld [smem:$0x3FD0];
	(tm) =	ssettm $0x1  }
0x91: {  	s18 =	sld [smem:$0x3FFB];
	_ =	sdelay $0x3  }
0x92: {  	_ =	strace s18  }
0x93: {  	s3 =	sld [smem:$0x3FFC];
	_ =	sdelay $0x3  }
0x94: {  	_ =	strace s3  }
0x95: {  	s3 =	sld [smem:$0x3FFD];
	_ =	sdelay $0x3  }
0x96: {  	_ =	strace s3  }
0x97: {  	_ =	strace $0x8FFFFFFF  }
0x98: {  	s19 =	sld [smem:$0x3FDB];
	_ =	sdelay $0x1  }
0x99: {  	s4 =	simm.s32 $_scs_section_size  }
0x9a: {  	s5 =	simm.s32 $_size__tile_overlayer_lowered;
	s6 =	simm.s32 $_tile_overlayer_lowered  }
0x9b: {  	s22 =	simm.s32 $0x1BFF;
	s21 =	sshll.u32 s6, $0x1;
	s3 =	sadd.s32 s4, s19  }
0x9c: {  	s7 =	simm.s32 $0x0;
	s20 =	sshll.u32 s5, $0x1;
	s5 =	sadd.s32 s21, s3  }
0x9d: {  	[timem:s7], [sflag:s22] =	dma.local [hbm:s5], s20  }
0x9e: {  	_ =	swait.ge [sflag:s22], s20  }
0x9f: {  	s4 =	ssub.s32 $0x0, s20;
	[sflag:s22] =	ssyncset.done $0x0  }
0xa0: {  	[sflag:s22] =	ssyncadd.s32 s4;
	_ =	sdelay $0x1  }
0xa1: {  	s23 =	simm.s32 $0x1B8B  }
0xa2: {  	_ =	swait.ge [sflag:s23], $0x1  }
0xa3: {  	[sflag:s23] =	ssyncset.done $0x0  }
0xa4: {  	s25 =	simm.s32 $0x1B8E;
	s24 =	sld [smem:$0x3FFE];
	[sflag:s23] =	ssyncadd.s32 $0xFFFFFFFF  }
0xa5: {  	s26 =	simm.s32 $execute0_lowered;
	[smem:$0x3FD2] =	sst s25  }
0xa6: {  	s5 =	sshll.u32 s26, $0x1;
	_ =	strace $0x80000049;
	[dreg:$0x1] =	wrdreg $0xFFFFFFFF  }
0xa7: {  	s28 =	simm.s32 $_size_execute0_lowered;
	s3 =	sadd.s32 s3, s5;
	[dreg:$0x0] =	wrdreg $0x0  }
0xa8: {  	s5 =	sshll.u32 s28, $0x1;
	[dreg:$0x2] =	wrdreg s3  }
0xa9: {  	[dreg:$0x3] =	wrdreg s5  }
0xaa: {  	[dreg:$0x4] =	wrdreg $0xC0  }
0xab: {  	_ =	task [dreg:s7], $0x5FFFF  }
0xac: {  	[dreg:$0x1] =	wrdreg $0xFFFFFFFF  }
0xad: {  	[dreg:$0x0] =	wrdreg $0x60  }
0xae: {  	[dreg:$0x2] =	wrdreg s24  }
0xaf: {  	[dreg:$0x3] =	wrdreg s2  }
0xb0: {  	[dreg:$0x4] =	wrdreg $0xC0000  }
0xb1: {  	[dreg:$0x5] =	wrdreg $0x9  }
0xb2: {  	_ =	task.clear_ibuf [dreg:s7], $0x6FFFF;
	_ =	strace $0x90000049  }
0xb3: {  	s29 =	simm.s32 $0x9;
	_ =	strace $0x8000004B  }
0xb4: {  	_ =	swait.ge [sflag:s29], $0x1  }
0xb5: {  	[sflag:s29] =	ssyncadd.s32 $0xFFFFFFFF  }
0xb6: {  	_ =	strace $0x9000004B  }
0xb7: {  	_ =	sfence  }
0xb8: {  	s30 =	sld [smem:$0x0];
	_ =	sdelay $0x2  }
0xb9: {  	s31 =	sshll.u32 s1, $0xD;
	s1 =	sshrl.u32 s1, $0x2  }
0xba: {  	s3 =	sand.u32 $0x4000, s31;
	s1 =	sadd.s32 s1, s30  }
0xbb: {  	s0 =	sor.u32 s3, s0;
	s1 =	sshll.u32 s1, $0x11  }
0xbc: {  	s0 =	sor.u32 s1, s0  }
0xbd: {  	s0 =	sadd.s32 $0x8F2B, s0  }
0xbe: {  	[sflag:s0] =	ssyncadd.remote.s32 $0x1  }
0xbf: {  	_ =	sfence.sel $0xFFFF  }
0xc0: {  	[dreg:$0x0] =	wrdreg $0xFFFFFFFF;
	(pc) =	sbr.abs _section_cstart, $3  }
0xc1: {  	[dreg:$0x1] =	wrdreg $0xFFFFFFFF  }
0xc2: {  	_ =	task.clear_ibuf [dreg:s7], $0x2FFFF;
	_ =	strace $0x9FFFFFFF  }
0xc3: {  	(tm) =	ssettm $0x7FFFFFFF  }
tec
execute0_lowered:
.L_overlay_start_1:
0x0: {  	(tag) =	ssettag $0x1  }
0x1: {  	s0 =	rddreg [dreg:$0x0]  }
0x2: {  	s8 =	rddreg [dreg:$0x1]  }
0x3: {  	s1 =	srdreg.scid;
	s2 =	rddreg [dreg:$0x2]  }
0x4: {  	s16 =	stileid.u32;
	s3 =	simm.s32 $0x0;
	s18 =	simm.s32 $0x30  }
0x5: {  	s20 =	simm.s32 $0xBA00;
	s21 =	simm.s32 $0xB400;
	s28 =	simm.s32 $0x5  }
0x6: {  	s29 =	simm.s32 $0x8400;
	s30 =	simm.s32 $0x2;
	s31 =	simm.s32 $0x4  }
0x7: {  	s1 =	sand.u32 $0x1, s1;
	[smem:$0x7FF] =	sst s3;
	s10 =	smul.u32 $0x14000, s16  }
0x8: {  	s5 =	sadd.s32 $0xC8E00, s0;
	s6 =	sadd.s32 $0x2600, s0;
	s7 =	sadd.s32 $0x20E00, s0  }
0x9: {  	s23 =	sshll.u32 s16, $0x6;
	s4 =	sshll.u32 s1, $0x4;
	_ =	strace $0x8000004A  }
0xa: {  	s12 =	smul.u32 $0x140000, s1;
	s1 =	ssub.s32 $0x2, s1;
	s9 =	sor.u32 s16, s4  }
0xb: {  	s14 =	sshrl.u32 s10, $0x3;
	s15 =	sshrl.u32 s1, $0x1;
	s16 =	simm.s32 $0x9  }
0xc: {  	s4 =	smul.u32 $0x2A00, s9;
	s12 =	sadd.s32 s10, s12;
	s14 =	sadd.s32 s14, s0  }
0xd: {  	s1 =	ssub.s32 s1, s15;
	s10 =	sadd.s32 s10, s2;
	s9 =	smul.u32 $0x5400, s9  }
0xe: {  	s12 =	sshrl.u32 s12, $0x3;
	s22 =	sadd.s32 $0xF0E00, s14;
	s26 =	smax.u32 s1, $0x1  }
0xf: {  	s10 =	sshrl.u32 s10, $0x3;
	s1 =	simm.s32 $0x9C00;
	[dreg:$0x4] =	wrdreg s22  }
0x10: {  	v2 =	vlaneseq.u32;
	v1 =	vimm.s32 $0x4;
	s11 =	sshrl.u32 s4, $0x3;
	s25 =	sadd.s32 s7, s9;
	[dreg:$0x9] =	wrdreg s26  }
0x11: {  	v3 =	vimm.s32 $0x0;
	v4 =	vimm.s32 $0x1;
	v5 =	vimm.s32 $0x2;
	s22 =	simm.s32 $0x6C00;
	s26 =	simm.s32 $0x3;
	[dreg:$0xa] =	wrdreg s10  }
0x12: {  	v6 =	vimm.s32 $0x3;
	v7 =	vimm.s32 $0x5;
	v8 =	vimm.s32 $0x6;
	s13 =	sadd.s32 s11, s0;
	s0 =	sadd.s32 s12, s0;
	s12 =	sor.u32 $0x1C09, s23  }
0x13: {  	v9 =	vimm.s32 $0x7;
	v10 =	vimm.s32 $0x8;
	v11 =	vimm.s32 $0x9;
	s8 =	sadd.s32 s8, s11;
	[dreg:$0x7] =	wrdreg s25;
	s23 =	simm.s32 $0xBD00  }
0x14: {  	v12 =	vimm.s32 $0xA;
	v13 =	vimm.s32 $0xB;
	v14 =	vimm.s32 $0xC;
	s25 =	simm.s32 $0x1;
	[dreg:$0x5] =	wrdreg s8;
	s24 =	sadd.s32 $0x7600, s13  }
0x15: {  	v15 =	vimm.s32 $0xD;
	v16 =	vimm.s32 $0xE;
	v0 =	vshrl.u32 v2, $0x3;
	s0 =	sadd.s32 $0x118E00, s0;
	s8 =	simm.s32 $0x0;
	[dreg:$0x6] =	wrdreg s24  }
0x16: {  	v17 =	vimm.s32 $0xF;
	v2 =	vand.u32 $0x7, v2;
	v0 =	vmul.u32 $0x10, v0;
	[dreg:$0x8] =	wrdreg s0;
	s24 =	simm.s32 $0xB700;
	s0 =	simm.s32 $0x6  }
.LBB2_1:
0x17: {  	s9 =	rddreg [dreg:$0x4]  }
0x18: {  	[spmem:s10], [sflag:s12] =	dma.local [hbm:s9], $0x2800  }
0x19: {  	_ =	swait.ge [sflag:s16], $0x2800  }
0x1a: {  	[sflag:s16] =	ssyncset.done $0x0  }
0x1b: {  	s15 =	smov.u32 s12;
	s12 =	rddreg [dreg:$0x5];
	[sflag:s16] =	ssyncadd.s32 $0xFFFFD800  }
0x1c: {  	[tilespmem:s3], [sflag:$0x9] =	stream.linear.gather [hbm4b:s12+s3], $0x2A00, $0x38;
	v63 =	vld [tilespmem:$0x0]  }
0x1d: {  	_ =	swait.ge [sflag:s16], $0x2A00  }
0x1e: {  	[sflag:s16] =	ssyncset.done $0x0  }
0x1f: {  	s14 =	simm.s32 $0x2A00;
	s13 =	rddreg [dreg:$0x6];
	[sflag:s16] =	ssyncadd.s32 $0xFFFFD600  }
0x20: {  	[tilespmem:s14], [sflag:$0x9] =	stream.linear.gather [hbm4b:s13+s3], $0x2A00, $0x38;
	v63 =	vld [tilespmem:$0x0]  }
0x21: {  	_ =	swait.ge [sflag:s16], $0x2A00  }
0x22: {  	[sflag:s16] =	ssyncset.done $0x0  }
0x23: {  	[sflag:s16] =	ssyncadd.s32 $0xFFFFD600  }
0x24: {  	s17 =	simm.s32 $0x5400;
	[bflag:$0x0] =	sbarrier.arrive $0xFFFF  }
0x25: {  	[tilespmem:s17], [sflag:$0x1] =	stream.indirect.gather [hbm4b:s5+s18], $0x80, s3, s18, $0xb8;
	v63 =	vld [tilespmem:$0x0]  }
0x26: {  	_ = 	snop  }
0x27: {  	[tilespmem:s20], [sflag:$0x3] =	stream.indirect.gather [hbm4b:s6+s18], $0x10, s14, s18, $0xb8;
	v63 =	vld [tilespmem:$0x0]  }
0x28: {  	s10 =	simm.s32 $0x0;
	s19 =	rddreg [dreg:$0x7]  }
0x29: {  	[tilespmem:s21], [sflag:$0x5] =	stream.linear.gather [hbm4b:s19+s3], $0x300, $0x38;
	v63 =	vld [tilespmem:$0x0]  }
.LBB2_2:
0x2a: {  	s11 =	sshllo.u32 s10, $0x1  }
0x2b: {  	s9 =	smul.u32 $0x30, s11;
	_ =	sdelay $0x1  }
0x2c: {  	[tilespmem:s22], [sflag:$0x2] =	stream.indirect.gather [hbm4b:s5+s18], $0x80, s9, s18, $0xb8;
	v63 =	vld [tilespmem:$0x0]  }
0x2d: {  	s12 =	sadd.s32 $0x2A00, s9;
	s9 =	sadd.s32 s4, s9  }
0x2e: {  	s9 =	sshll.u32 s9, $0x1  }
0x2f: {  	[tilespmem:s23], [sflag:$0x4] =	stream.indirect.gather [hbm4b:s6+s18], $0x10, s12, s18, $0xb8;
	v63 =	vld [tilespmem:$0x0]  }
0x30: {  	s9 =	sand.u32 $0x1FFFFFE0, s9  }
0x31: {  	s9 =	sadd.s32 s7, s9  }
0x32: {  	[tilespmem:s24], [sflag:$0x6] =	stream.linear.gather [hbm4b:s9+s3], $0x300, $0x38;
	v63 =	vld [tilespmem:$0x0]  }
0x33: {  	_ =	swait.ge [sflag:s25], $0x1800  }
0x34: {  	[sflag:s25] =	ssyncset.done $0x0  }
0x35: {  	[sflag:s25] =	ssyncadd.s32 $0xFFFFE800  }
0x36: {  	s17 =	simm.s32 $0x0;
	_ =	swait.ge [sflag:s26], $0x300  }
0x37: {  	v18 =	vmov s17;
	[sflag:s26] =	ssyncset.done $0x0  }
0x38: {  	v18 =	vshll.u32 v18, $0x4;
	[sflag:s26] =	ssyncadd.s32 $0xFFFFFD00  }
0x39: {  	v18 =	vor.u32 v0, v18;
	_ =	swait.ge [sflag:s28], $0x300  }
0x3a: {  	p0 =	seq.s32 s10, $0x0;
	v18 =	vor.u32 v2, v18;
	[sflag:s28] =	ssyncset.done $0x0  }
0x3b: {  	s9 =	simm.s32 @!p0 $0x7;
	[sflag:s28] =	ssyncadd.s32 $0xFFFFFD00  }
0x3c: {  	_ =	swait.ge @!p0 [sflag:s9], $0x1800  }
0x3d: {  	[sflag:s9] =	ssyncset.done @!p0 $0x0  }
0x3e: {  	[sflag:s9] =	ssyncadd.s32 @!p0 $0xFFFFE800  }
0x3f: {  	v19 =	vld.idx.msk [tilespmem:v18+s21+$0x0], $0xffff  }
0x40: {  	v18 =	vld.idx.msk [tilespmem:v18+s20+$0x0], $0xffff;
	_ =	sdelay $0x2  }
0x41: {  	s12 =	simm.s32 $0x5480  }
0x42: {  	v20 =	vld [tilespmem:s12+$0xFFFFFF80]  }
0x43: {  	v18 =	vmul.f32 v18, v19;
	_ =	sdelay $0x1  }
0x44: {  	v19 =	vperm.xlane v18, v3;
	_ =	sdelay $0x1  }
0x45: {  	v19 =	vmul.f32 v20, v19  }
0x46: {  	s13 =	simm.s32 $0x8480  }
0x47: {  	[tilespmem:s13+$0xFFFFFF80] =	vst v19  }
0x48: {  	v19 =	vld [tilespmem:s12+$0xFFFFFF90];
	_ =	sdelay $0x2  }
0x49: {  	v20 =	vperm.xlane v18, v4;
	_ =	sdelay $0x1  }
0x4a: {  	v19 =	vmul.f32 v19, v20;
	_ =	sdelay $0x1  }
0x4b: {  	[tilespmem:s13+$0xFFFFFF90] =	vst v19  }
0x4c: {  	v19 =	vld [tilespmem:s12+$0xFFFFFFA0];
	_ =	sdelay $0x2  }
0x4d: {  	v20 =	vperm.xlane v18, v5;
	_ =	sdelay $0x1  }
0x4e: {  	v19 =	vmul.f32 v19, v20;
	_ =	sdelay $0x1  }
0x4f: {  	[tilespmem:s13+$0xFFFFFFA0] =	vst v19  }
0x50: {  	v19 =	vld [tilespmem:s12+$0xFFFFFFB0];
	_ =	sdelay $0x2  }
0x51: {  	v20 =	vperm.xlane v18, v6;
	_ =	sdelay $0x1  }
0x52: {  	v19 =	vmul.f32 v19, v20;
	_ =	sdelay $0x1  }
0x53: {  	[tilespmem:s13+$0xFFFFFFB0] =	vst v19  }
0x54: {  	v19 =	vld [tilespmem:s12+$0xFFFFFFC0];
	_ =	sdelay $0x2  }
0x55: {  	v20 =	vperm.xlane v18, v1;
	_ =	sdelay $0x1  }
0x56: {  	v19 =	vmul.f32 v19, v20;
	_ =	sdelay $0x1  }
0x57: {  	[tilespmem:s13+$0xFFFFFFC0] =	vst v19  }
0x58: {  	v19 =	vld [tilespmem:s12+$0xFFFFFFD0];
	_ =	sdelay $0x2  }
0x59: {  	v20 =	vperm.xlane v18, v7;
	_ =	sdelay $0x1  }
0x5a: {  	v19 =	vmul.f32 v19, v20;
	_ =	sdelay $0x1  }
0x5b: {  	[tilespmem:s13+$0xFFFFFFD0] =	vst v19  }
0x5c: {  	v19 =	vld [tilespmem:s12+$0xFFFFFFE0];
	_ =	sdelay $0x2  }
0x5d: {  	v20 =	vperm.xlane v18, v8;
	_ =	sdelay $0x1  }
0x5e: {  	v19 =	vmul.f32 v19, v20;
	_ =	sdelay $0x1  }
0x5f: {  	[tilespmem:s13+$0xFFFFFFE0] =	vst v19  }
0x60: {  	v19 =	vld [tilespmem:s12+$0xFFFFFFF0];
	_ =	sdelay $0x2  }
0x61: {  	v20 =	vperm.xlane v18, v9;
	_ =	sdelay $0x1  }
0x62: {  	v19 =	vmul.f32 v19, v20;
	_ =	sdelay $0x1  }
0x63: {  	[tilespmem:s13+$0xFFFFFFF0] =	vst v19  }
0x64: {  	v19 =	vld [tilespmem:s12+$0x0];
	_ =	sdelay $0x2  }
0x65: {  	v20 =	vperm.xlane v18, v10;
	_ =	sdelay $0x1  }
0x66: {  	v19 =	vmul.f32 v19, v20;
	_ =	sdelay $0x1  }
0x67: {  	[tilespmem:s13+$0x0] =	vst v19  }
0x68: {  	v19 =	vld [tilespmem:s12+$0x10];
	_ =	sdelay $0x2  }
0x69: {  	v20 =	vperm.xlane v18, v11;
	_ =	sdelay $0x1  }
0x6a: {  	v19 =	vmul.f32 v19, v20;
	_ =	sdelay $0x1  }
0x6b: {  	[tilespmem:s13+$0x10] =	vst v19  }
0x6c: {  	v19 =	vld [tilespmem:s12+$0x20];
	_ =	sdelay $0x2  }
0x6d: {  	v20 =	vperm.xlane v18, v12;
	_ =	sdelay $0x1  }
0x6e: {  	v19 =	vmul.f32 v19, v20;
	_ =	sdelay $0x1  }
0x6f: {  	[tilespmem:s13+$0x20] =	vst v19  }
0x70: {  	v19 =	vld [tilespmem:s12+$0x30];
	_ =	sdelay $0x2  }
0x71: {  	v20 =	vperm.xlane v18, v13;
	_ =	sdelay $0x1  }
0x72: {  	v19 =	vmul.f32 v19, v20;
	_ =	sdelay $0x1  }
0x73: {  	[tilespmem:s13+$0x30] =	vst v19  }
0x74: {  	v19 =	vld [tilespmem:s12+$0x40];
	_ =	sdelay $0x2  }
0x75: {  	v20 =	vperm.xlane v18, v14;
	_ =	sdelay $0x1  }
0x76: {  	v19 =	vmul.f32 v19, v20;
	_ =	sdelay $0x1  }
0x77: {  	[tilespmem:s13+$0x40] =	vst v19  }
0x78: {  	v19 =	vld [tilespmem:s12+$0x50];
	_ =	sdelay $0x2  }
0x79: {  	v20 =	vperm.xlane v18, v15;
	_ =	sdelay $0x1  }
0x7a: {  	v19 =	vmul.f32 v19, v20;
	_ =	sdelay $0x1  }
0x7b: {  	[tilespmem:s13+$0x50] =	vst v19  }
0x7c: {  	v19 =	vld [tilespmem:s12+$0x60];
	_ =	sdelay $0x2  }
0x7d: {  	v20 =	vperm.xlane v18, v16;
	_ =	sdelay $0x1  }
0x7e: {  	v19 =	vmul.f32 v19, v20;
	_ =	sdelay $0x1  }
0x7f: {  	[tilespmem:s13+$0x60] =	vst v19  }
0x80: {  	s19 =	simm.s32 $0x2;
	v19 =	vld [tilespmem:s12+$0x70]  }
0x81: {  	v20 =	vmov s19  }
0x82: {  	v20 =	vshll.u32 v20, $0x4  }
0x83: {  	v21 =	vperm.xlane v18, v17;
	v18 =	vor.u32 v0, v20  }
0x84: {  	v18 =	vor.u32 v2, v18  }
0x85: {  	s14 =	simm.s32 $0x8480;
	s19 =	simm.s32 $0x4;
	v19 =	vmul.f32 v19, v21  }
.LBB2_3:
0x86: {  	s12 =	sadd.s32 $0x100, s12  }
0x87: {  	s13 =	sadd.s32 $0x100, s13;
	s17 =	smov.u32 s19;
	s9 =	sadd.s32 $0x2, s19  }
0x88: {  	p1 =	sne.s32 s19, $0x2E;
	[tilespmem:s14+$0x70] =	vst v19;
	s14 =	smov.u32 s13  }
0x89: {  	v19 =	vld.idx.msk [tilespmem:v18+s21+$0x0], $0xffff  }
0x8a: {  	v18 =	vld.idx.msk [tilespmem:v18+s20+$0x0], $0xffff;
	_ =	sdelay $0x3  }
0x8b: {  	v20 =	vld [tilespmem:s12+$0xFFFFFF80];
	_ =	sdelay $0x1  }
0x8c: {  	v18 =	vmul.f32 v18, v19;
	_ =	sdelay $0x1  }
0x8d: {  	v19 =	vperm.xlane v18, v3;
	_ =	sdelay $0x1  }
0x8e: {  	v19 =	vmul.f32 v20, v19;
	_ =	sdelay $0x1  }
0x8f: {  	[tilespmem:s13+$0xFFFFFF80] =	vst v19  }
0x90: {  	v19 =	vld [tilespmem:s12+$0xFFFFFF90];
	_ =	sdelay $0x1  }
0x91: {  	v20 =	vperm.xlane v18, v4;
	_ =	sdelay $0x2  }
0x92: {  	v19 =	vmul.f32 v19, v20;
	_ =	sdelay $0x1  }
0x93: {  	[tilespmem:s13+$0xFFFFFF90] =	vst v19  }
0x94: {  	v19 =	vld [tilespmem:s12+$0xFFFFFFA0];
	_ =	sdelay $0x1  }
0x95: {  	v20 =	vperm.xlane v18, v5;
	_ =	sdelay $0x2  }
0x96: {  	v19 =	vmul.f32 v19, v20;
	_ =	sdelay $0x1  }
0x97: {  	[tilespmem:s13+$0xFFFFFFA0] =	vst v19  }
0x98: {  	v19 =	vld [tilespmem:s12+$0xFFFFFFB0];
	_ =	sdelay $0x1  }
0x99: {  	v20 =	vperm.xlane v18, v6;
	_ =	sdelay $0x2  }
0x9a: {  	v19 =	vmul.f32 v19, v20;
	_ =	sdelay $0x1  }
0x9b: {  	[tilespmem:s13+$0xFFFFFFB0] =	vst v19  }
0x9c: {  	v19 =	vld [tilespmem:s12+$0xFFFFFFC0];
	_ =	sdelay $0x1  }
0x9d: {  	v20 =	vperm.xlane v18, v1;
	_ =	sdelay $0x2  }
0x9e: {  	v19 =	vmul.f32 v19, v20;
	_ =	sdelay $0x1  }
0x9f: {  	[tilespmem:s13+$0xFFFFFFC0] =	vst v19  }
0xa0: {  	v19 =	vld [tilespmem:s12+$0xFFFFFFD0];
	_ =	sdelay $0x1  }
0xa1: {  	v20 =	vperm.xlane v18, v7;
	_ =	sdelay $0x2  }
0xa2: {  	v19 =	vmul.f32 v19, v20;
	_ =	sdelay $0x1  }
0xa3: {  	[tilespmem:s13+$0xFFFFFFD0] =	vst v19  }
0xa4: {  	v19 =	vld [tilespmem:s12+$0xFFFFFFE0];
	_ =	sdelay $0x1  }
0xa5: {  	v20 =	vperm.xlane v18, v8;
	_ =	sdelay $0x2  }
0xa6: {  	v19 =	vmul.f32 v19, v20;
	_ =	sdelay $0x1  }
0xa7: {  	[tilespmem:s13+$0xFFFFFFE0] =	vst v19  }
0xa8: {  	v19 =	vld [tilespmem:s12+$0xFFFFFFF0];
	_ =	sdelay $0x1  }
0xa9: {  	v20 =	vperm.xlane v18, v9;
	_ =	sdelay $0x2  }
0xaa: {  	v19 =	vmul.f32 v19, v20;
	_ =	sdelay $0x1  }
0xab: {  	[tilespmem:s13+$0xFFFFFFF0] =	vst v19  }
0xac: {  	v19 =	vld [tilespmem:s12+$0x0];
	_ =	sdelay $0x1  }
0xad: {  	v20 =	vperm.xlane v18, v10;
	_ =	sdelay $0x2  }
0xae: {  	v19 =	vmul.f32 v19, v20;
	_ =	sdelay $0x1  }
0xaf: {  	[tilespmem:s13+$0x0] =	vst v19  }
0xb0: {  	v19 =	vld [tilespmem:s12+$0x10];
	_ =	sdelay $0x1  }
0xb1: {  	v20 =	vperm.xlane v18, v11;
	_ =	sdelay $0x2  }
0xb2: {  	v19 =	vmul.f32 v19, v20;
	_ =	sdelay $0x1  }
0xb3: {  	[tilespmem:s13+$0x10] =	vst v19  }
0xb4: {  	v19 =	vld [tilespmem:s12+$0x20];
	_ =	sdelay $0x1  }
0xb5: {  	v20 =	vperm.xlane v18, v12;
	_ =	sdelay $0x2  }
0xb6: {  	v19 =	vmul.f32 v19, v20;
	_ =	sdelay $0x1  }
0xb7: {  	[tilespmem:s13+$0x20] =	vst v19  }
0xb8: {  	v19 =	vld [tilespmem:s12+$0x30];
	_ =	sdelay $0x1  }
0xb9: {  	v20 =	vperm.xlane v18, v13;
	_ =	sdelay $0x2  }
0xba: {  	v19 =	vmul.f32 v19, v20;
	_ =	sdelay $0x1  }
0xbb: {  	[tilespmem:s13+$0x30] =	vst v19  }
0xbc: {  	v19 =	vld [tilespmem:s12+$0x40];
	_ =	sdelay $0x1  }
0xbd: {  	v20 =	vperm.xlane v18, v14;
	_ =	sdelay $0x2  }
0xbe: {  	v19 =	vmul.f32 v19, v20;
	_ =	sdelay $0x1  }
0xbf: {  	[tilespmem:s13+$0x40] =	vst v19  }
0xc0: {  	v19 =	vld [tilespmem:s12+$0x50];
	_ =	sdelay $0x1  }
0xc1: {  	v20 =	vperm.xlane v18, v15;
	_ =	sdelay $0x2  }
0xc2: {  	v19 =	vmul.f32 v19, v20;
	_ =	sdelay $0x1  }
0xc3: {  	[tilespmem:s13+$0x50] =	vst v19  }
0xc4: {  	v19 =	vld [tilespmem:s12+$0x60];
	_ =	sdelay $0x1  }
0xc5: {  	v20 =	vperm.xlane v18, v16;
	_ =	sdelay $0x2  }
0xc6: {  	v19 =	vmul.f32 v19, v20;
	_ =	sdelay $0x1  }
0xc7: {  	[tilespmem:s13+$0x60] =	vst v19  }
0xc8: {  	v19 =	vmov s17;
	v20 =	vld [tilespmem:s12+$0x70]  }
.Ltmp0:
0xc9: {  	v19 =	vshll.u32 v19, $0x4;
	(pc) =	sbr.rel @p1 .LBB2_3-.Ltmp0, $3  }
0xca: {  	v21 =	vperm.xlane v18, v17;
	v19 =	vor.u32 v0, v19  }
0xcb: {  	v18 =	vor.u32 v2, v19;
	_ =	sdelay $0x1  }
0xcc: {  	s19 =	smov.u32 s9;
	v19 =	vmul.f32 v20, v21  }
0xcd: {  	_ =	sdelay $0x2  }
0xce: {  	[tilespmem:s14+$0x70] =	vst v19  }
0xcf: {  	v19 =	vld.idx.msk [tilespmem:v18+s21+$0x0], $0xffff  }
0xd0: {  	v18 =	vld.idx.msk [tilespmem:v18+s20+$0x0], $0xffff;
	_ =	sdelay $0x2  }
0xd1: {  	s12 =	sadd.s32 $0x100, s12  }
0xd2: {  	v20 =	vld [tilespmem:s12+$0xFFFFFF80]  }
0xd3: {  	v18 =	vmul.f32 v18, v19;
	_ =	sdelay $0x1  }
0xd4: {  	v19 =	vperm.xlane v18, v3;
	_ =	sdelay $0x1  }
0xd5: {  	v19 =	vmul.f32 v20, v19  }
0xd6: {  	s13 =	sadd.s32 $0x100, s13  }
0xd7: {  	[tilespmem:s13+$0xFFFFFF80] =	vst v19  }
0xd8: {  	v19 =	vld [tilespmem:s12+$0xFFFFFF90];
	_ =	sdelay $0x2  }
0xd9: {  	v20 =	vperm.xlane v18, v4;
	_ =	sdelay $0x1  }
0xda: {  	v19 =	vmul.f32 v19, v20;
	_ =	sdelay $0x1  }
0xdb: {  	[tilespmem:s13+$0xFFFFFF90] =	vst v19  }
0xdc: {  	v19 =	vld [tilespmem:s12+$0xFFFFFFA0];
	_ =	sdelay $0x2  }
0xdd: {  	v20 =	vperm.xlane v18, v5;
	_ =	sdelay $0x1  }
0xde: {  	v19 =	vmul.f32 v19, v20;
	_ =	sdelay $0x1  }
0xdf: {  	[tilespmem:s13+$0xFFFFFFA0] =	vst v19  }
0xe0: {  	v19 =	vld [tilespmem:s12+$0xFFFFFFB0];
	_ =	sdelay $0x2  }
0xe1: {  	v20 =	vperm.xlane v18, v6;
	_ =	sdelay $0x1  }
0xe2: {  	v19 =	vmul.f32 v19, v20;
	_ =	sdelay $0x1  }
0xe3: {  	[tilespmem:s13+$0xFFFFFFB0] =	vst v19  }
0xe4: {  	v19 =	vld [tilespmem:s12+$0xFFFFFFC0];
	_ =	sdelay $0x2  }
0xe5: {  	v20 =	vperm.xlane v18, v1;
	_ =	sdelay $0x1  }
0xe6: {  	v19 =	vmul.f32 v19, v20;
	_ =	sdelay $0x1  }
0xe7: {  	[tilespmem:s13+$0xFFFFFFC0] =	vst v19  }
0xe8: {  	v19 =	vld [tilespmem:s12+$0xFFFFFFD0];
	_ =	sdelay $0x2  }
0xe9: {  	v20 =	vperm.xlane v18, v7;
	_ =	sdelay $0x1  }
0xea: {  	v19 =	vmul.f32 v19, v20;
	_ =	sdelay $0x1  }
0xeb: {  	[tilespmem:s13+$0xFFFFFFD0] =	vst v19  }
0xec: {  	v19 =	vld [tilespmem:s12+$0xFFFFFFE0];
	_ =	sdelay $0x2  }
0xed: {  	v20 =	vperm.xlane v18, v8;
	_ =	sdelay $0x1  }
0xee: {  	v19 =	vmul.f32 v19, v20;
	_ =	sdelay $0x1  }
0xef: {  	[tilespmem:s13+$0xFFFFFFE0] =	vst v19  }
0xf0: {  	v19 =	vld [tilespmem:s12+$0xFFFFFFF0];
	_ =	sdelay $0x2  }
0xf1: {  	v20 =	vperm.xlane v18, v9;
	_ =	sdelay $0x1  }
0xf2: {  	v19 =	vmul.f32 v19, v20;
	_ =	sdelay $0x1  }
0xf3: {  	[tilespmem:s13+$0xFFFFFFF0] =	vst v19  }
0xf4: {  	v19 =	vld [tilespmem:s12+$0x0];
	_ =	sdelay $0x2  }
0xf5: {  	v20 =	vperm.xlane v18, v10;
	_ =	sdelay $0x1  }
0xf6: {  	v19 =	vmul.f32 v19, v20;
	_ =	sdelay $0x1  }
0xf7: {  	[tilespmem:s13+$0x0] =	vst v19  }
0xf8: {  	v19 =	vld [tilespmem:s12+$0x10];
	_ =	sdelay $0x2  }
0xf9: {  	v20 =	vperm.xlane v18, v11;
	_ =	sdelay $0x1  }
0xfa: {  	v19 =	vmul.f32 v19, v20;
	_ =	sdelay $0x1  }
0xfb: {  	[tilespmem:s13+$0x10] =	vst v19  }
0xfc: {  	v19 =	vld [tilespmem:s12+$0x20];
	_ =	sdelay $0x2  }
0xfd: {  	v20 =	vperm.xlane v18, v12;
	_ =	sdelay $0x1  }
0xfe: {  	v19 =	vmul.f32 v19, v20;
	_ =	sdelay $0x1  }
0xff: {  	[tilespmem:s13+$0x20] =	vst v19  }
0x100: {  	v19 =	vld [tilespmem:s12+$0x30];
	_ =	sdelay $0x2  }
0x101: {  	v20 =	vperm.xlane v18, v13;
	_ =	sdelay $0x1  }
0x102: {  	v19 =	vmul.f32 v19, v20;
	_ =	sdelay $0x1  }
0x103: {  	[tilespmem:s13+$0x30] =	vst v19  }
0x104: {  	v19 =	vld [tilespmem:s12+$0x40];
	_ =	sdelay $0x2  }
0x105: {  	v20 =	vperm.xlane v18, v14;
	_ =	sdelay $0x1  }
0x106: {  	v19 =	vmul.f32 v19, v20;
	_ =	sdelay $0x1  }
0x107: {  	[tilespmem:s13+$0x40] =	vst v19  }
0x108: {  	v19 =	vld [tilespmem:s12+$0x50];
	_ =	sdelay $0x2  }
0x109: {  	v20 =	vperm.xlane v18, v15;
	_ =	sdelay $0x1  }
0x10a: {  	v19 =	vmul.f32 v19, v20;
	_ =	sdelay $0x1  }
0x10b: {  	[tilespmem:s13+$0x50] =	vst v19  }
0x10c: {  	v19 =	vld [tilespmem:s12+$0x60];
	_ =	sdelay $0x2  }
0x10d: {  	v20 =	vperm.xlane v18, v16;
	_ =	sdelay $0x1  }
0x10e: {  	v19 =	vmul.f32 v19, v20;
	_ =	sdelay $0x1  }
0x10f: {  	[tilespmem:s13+$0x60] =	vst v19  }
0x110: {  	v19 =	vld [tilespmem:s12+$0x70];
	_ =	sdelay $0x2  }
0x111: {  	v18 =	vperm.xlane v18, v17  }
0x112: {  	s9 =	smul.u32 $0x180, s10  }
0x113: {  	v18 =	vmul.f32 v19, v18  }
0x114: {  	p1 =	seq.s32 s10, $0x6F;
	s9 =	sshra.s32 s9, $0x2  }
0x115: {  	s9 =	sadd.s32 $0x2A00, s9;
	s12 =	smul.u32 @!p1 $0x60, s10;
	[tilespmem:s13+$0x70] =	vst v18  }
0x116: {  	[spmem:s2] =	stream.indirect.scatter.add.f32 [tilespmem:s29], [sflag:$0x7], $0x80, s9, s18, $0xb8;
	v63 =	vld [tilespmem:$0x0]  }
0x117: {  	s14 =	simm.s32 @!p1 $0x5400;
	s13 =	simm.s32 @!p1 $0x30;
	s9 =	sadd.s32 @!p1 $0x60, s12  }
0x118: {  	[tilespmem:s14], [sflag:$0x1] =	stream.indirect.gather @!p1 [hbm4b:s5+s13], $0x80, s9, s13, $0xb8;
	v63 =	vld [tilespmem:$0x0]  }
0x119: {  	s9 =	sadd.s32 @!p1 s4, s9  }
0x11a: {  	s12 =	sadd.s32 @!p1 $0x2A60, s12;
	s14 =	simm.s32 @!p1 $0xBA00;
	s9 =	sshll.u32 @!p1 s9, $0x1  }
0x11b: {  	[tilespmem:s14], [sflag:$0x3] =	stream.indirect.gather @!p1 [hbm4b:s6+s13], $0x10, s12, s13, $0xb8;
	v63 =	vld [tilespmem:$0x0]  }
0x11c: {  	s9 =	sand.u32 @!p1 $0x1FFFFFC0, s9  }
0x11d: {  	s12 =	simm.s32 @!p1 $0x0;
	s13 =	simm.s32 @!p1 $0xB400;
	s9 =	sadd.s32 @!p1 s7, s9  }
0x11e: {  	[tilespmem:s13], [sflag:$0x5] =	stream.linear.gather @!p1 [hbm4b:s9+s12], $0x300, $0x38;
	v63 =	vld [tilespmem:$0x0]  }
0x11f: {  	_ =	swait.ge [sflag:s30], $0x1800  }
0x120: {  	[sflag:s30] =	ssyncset.done $0x0  }
0x121: {  	[sflag:s30] =	ssyncadd.s32 $0xFFFFE800  }
0x122: {  	s17 =	simm.s32 $0x0;
	_ =	swait.ge [sflag:s31], $0x300  }
0x123: {  	v18 =	vmov s17;
	[sflag:s31] =	ssyncset.done $0x0  }
0x124: {  	v18 =	vshll.u32 v18, $0x4;
	[sflag:s31] =	ssyncadd.s32 $0xFFFFFD00  }
0x125: {  	v18 =	vor.u32 v0, v18;
	_ =	swait.ge [sflag:s0], $0x300  }
0x126: {  	v18 =	vor.u32 v2, v18;
	[sflag:s0] =	ssyncset.done $0x0  }
0x127: {  	s9 =	simm.s32 @!p0 $0x8;
	[sflag:s0] =	ssyncadd.s32 $0xFFFFFD00  }
0x128: {  	_ =	swait.ge @!p0 [sflag:s9], $0x1800  }
0x129: {  	[sflag:s9] =	ssyncset.done @!p0 $0x0  }
0x12a: {  	[sflag:s9] =	ssyncadd.s32 @!p0 $0xFFFFE800  }
0x12b: {  	v19 =	vld.idx.msk [tilespmem:v18+s24+$0x0], $0xffff  }
0x12c: {  	v18 =	vld.idx.msk [tilespmem:v18+s23+$0x0], $0xffff;
	_ =	sdelay $0x2  }
0x12d: {  	s12 =	simm.s32 $0x6C80  }
0x12e: {  	v20 =	vld [tilespmem:s12+$0xFFFFFF80]  }
0x12f: {  	v18 =	vmul.f32 v18, v19;
	_ =	sdelay $0x1  }
0x130: {  	v19 =	vperm.xlane v18, v3;
	_ =	sdelay $0x1  }
0x131: {  	v19 =	vmul.f32 v20, v19  }
0x132: {  	s13 =	simm.s32 $0x9C80  }
0x133: {  	[tilespmem:s13+$0xFFFFFF80] =	vst v19  }
0x134: {  	v19 =	vld [tilespmem:s12+$0xFFFFFF90];
	_ =	sdelay $0x2  }
0x135: {  	v20 =	vperm.xlane v18, v4;
	_ =	sdelay $0x1  }
0x136: {  	v19 =	vmul.f32 v19, v20;
	_ =	sdelay $0x1  }
0x137: {  	[tilespmem:s13+$0xFFFFFF90] =	vst v19  }
0x138: {  	v19 =	vld [tilespmem:s12+$0xFFFFFFA0];
	_ =	sdelay $0x2  }
0x139: {  	v20 =	vperm.xlane v18, v5;
	_ =	sdelay $0x1  }
0x13a: {  	v19 =	vmul.f32 v19, v20;
	_ =	sdelay $0x1  }
0x13b: {  	[tilespmem:s13+$0xFFFFFFA0] =	vst v19  }
0x13c: {  	v19 =	vld [tilespmem:s12+$0xFFFFFFB0];
	_ =	sdelay $0x2  }
0x13d: {  	v20 =	vperm.xlane v18, v6;
	_ =	sdelay $0x1  }
0x13e: {  	v19 =	vmul.f32 v19, v20;
	_ =	sdelay $0x1  }
0x13f: {  	[tilespmem:s13+$0xFFFFFFB0] =	vst v19  }
0x140: {  	v19 =	vld [tilespmem:s12+$0xFFFFFFC0];
	_ =	sdelay $0x2  }
0x141: {  	v20 =	vperm.xlane v18, v1;
	_ =	sdelay $0x1  }
0x142: {  	v19 =	vmul.f32 v19, v20;
	_ =	sdelay $0x1  }
0x143: {  	[tilespmem:s13+$0xFFFFFFC0] =	vst v19  }
0x144: {  	v19 =	vld [tilespmem:s12+$0xFFFFFFD0];
	_ =	sdelay $0x2  }
0x145: {  	v20 =	vperm.xlane v18, v7;
	_ =	sdelay $0x1  }
0x146: {  	v19 =	vmul.f32 v19, v20;
	_ =	sdelay $0x1  }
0x147: {  	[tilespmem:s13+$0xFFFFFFD0] =	vst v19  }
0x148: {  	v19 =	vld [tilespmem:s12+$0xFFFFFFE0];
	_ =	sdelay $0x2  }
0x149: {  	v20 =	vperm.xlane v18, v8;
	_ =	sdelay $0x1  }
0x14a: {  	v19 =	vmul.f32 v19, v20;
	_ =	sdelay $0x1  }
0x14b: {  	[tilespmem:s13+$0xFFFFFFE0] =	vst v19  }
0x14c: {  	v19 =	vld [tilespmem:s12+$0xFFFFFFF0];
	_ =	sdelay $0x2  }
0x14d: {  	v20 =	vperm.xlane v18, v9;
	_ =	sdelay $0x1  }
0x14e: {  	v19 =	vmul.f32 v19, v20;
	_ =	sdelay $0x1  }
0x14f: {  	[tilespmem:s13+$0xFFFFFFF0] =	vst v19  }
0x150: {  	v19 =	vld [tilespmem:s12+$0x0];
	_ =	sdelay $0x2  }
0x151: {  	v20 =	vperm.xlane v18, v10;
	_ =	sdelay $0x1  }
0x152: {  	v19 =	vmul.f32 v19, v20;
	_ =	sdelay $0x1  }
0x153: {  	[tilespmem:s13+$0x0] =	vst v19  }
0x154: {  	v19 =	vld [tilespmem:s12+$0x10];
	_ =	sdelay $0x2  }
0x155: {  	v20 =	vperm.xlane v18, v11;
	_ =	sdelay $0x1  }
0x156: {  	v19 =	vmul.f32 v19, v20;
	_ =	sdelay $0x1  }
0x157: {  	[tilespmem:s13+$0x10] =	vst v19  }
0x158: {  	v19 =	vld [tilespmem:s12+$0x20];
	_ =	sdelay $0x2  }
0x159: {  	v20 =	vperm.xlane v18, v12;
	_ =	sdelay $0x1  }
0x15a: {  	v19 =	vmul.f32 v19, v20;
	_ =	sdelay $0x1  }
0x15b: {  	[tilespmem:s13+$0x20] =	vst v19  }
0x15c: {  	v19 =	vld [tilespmem:s12+$0x30];
	_ =	sdelay $0x2  }
0x15d: {  	v20 =	vperm.xlane v18, v13;
	_ =	sdelay $0x1  }
0x15e: {  	v19 =	vmul.f32 v19, v20;
	_ =	sdelay $0x1  }
0x15f: {  	[tilespmem:s13+$0x30] =	vst v19  }
0x160: {  	v19 =	vld [tilespmem:s12+$0x40];
	_ =	sdelay $0x2  }
0x161: {  	v20 =	vperm.xlane v18, v14;
	_ =	sdelay $0x1  }
0x162: {  	v19 =	vmul.f32 v19, v20;
	_ =	sdelay $0x1  }
0x163: {  	[tilespmem:s13+$0x40] =	vst v19  }
0x164: {  	v19 =	vld [tilespmem:s12+$0x50];
	_ =	sdelay $0x2  }
0x165: {  	v20 =	vperm.xlane v18, v15;
	_ =	sdelay $0x1  }
0x166: {  	v19 =	vmul.f32 v19, v20;
	_ =	sdelay $0x1  }
0x167: {  	[tilespmem:s13+$0x50] =	vst v19  }
0x168: {  	v19 =	vld [tilespmem:s12+$0x60];
	_ =	sdelay $0x2  }
0x169: {  	v20 =	vperm.xlane v18, v16;
	_ =	sdelay $0x1  }
0x16a: {  	v19 =	vmul.f32 v19, v20;
	_ =	sdelay $0x1  }
0x16b: {  	[tilespmem:s13+$0x60] =	vst v19  }
0x16c: {  	s19 =	simm.s32 $0x2;
	v19 =	vld [tilespmem:s12+$0x70]  }
0x16d: {  	v20 =	vmov s19  }
0x16e: {  	v20 =	vshll.u32 v20, $0x4  }
0x16f: {  	v21 =	vperm.xlane v18, v17;
	v18 =	vor.u32 v0, v20  }
0x170: {  	v18 =	vor.u32 v2, v18  }
0x171: {  	s14 =	simm.s32 $0x9C80;
	s9 =	simm.s32 $0x4;
	v19 =	vmul.f32 v19, v21  }
.LBB2_5:
0x172: {  	s12 =	sadd.s32 $0x100, s12  }
0x173: {  	s13 =	sadd.s32 $0x100, s13;
	s17 =	smov.u32 s9;
	s19 =	sadd.s32 $0x2, s9  }
0x174: {  	p0 =	sne.s32 s9, $0x2E;
	[tilespmem:s14+$0x70] =	vst v19;
	s14 =	smov.u32 s13  }
0x175: {  	v19 =	vld.idx.msk [tilespmem:v18+s24+$0x0], $0xffff  }
0x176: {  	v18 =	vld.idx.msk [tilespmem:v18+s23+$0x0], $0xffff;
	_ =	sdelay $0x3  }
0x177: {  	v20 =	vld [tilespmem:s12+$0xFFFFFF80];
	_ =	sdelay $0x1  }
0x178: {  	v18 =	vmul.f32 v18, v19;
	_ =	sdelay $0x1  }
0x179: {  	v19 =	vperm.xlane v18, v3;
	_ =	sdelay $0x1  }
0x17a: {  	v19 =	vmul.f32 v20, v19;
	_ =	sdelay $0x1  }
0x17b: {  	[tilespmem:s13+$0xFFFFFF80] =	vst v19  }
0x17c: {  	v19 =	vld [tilespmem:s12+$0xFFFFFF90];
	_ =	sdelay $0x1  }
0x17d: {  	v20 =	vperm.xlane v18, v4;
	_ =	sdelay $0x2  }
0x17e: {  	v19 =	vmul.f32 v19, v20;
	_ =	sdelay $0x1  }
0x17f: {  	[tilespmem:s13+$0xFFFFFF90] =	vst v19  }
0x180: {  	v19 =	vld [tilespmem:s12+$0xFFFFFFA0];
	_ =	sdelay $0x1  }
0x181: {  	v20 =	vperm.xlane v18, v5;
	_ =	sdelay $0x2  }
0x182: {  	v19 =	vmul.f32 v19, v20;
	_ =	sdelay $0x1  }
0x183: {  	[tilespmem:s13+$0xFFFFFFA0] =	vst v19  }
0x184: {  	v19 =	vld [tilespmem:s12+$0xFFFFFFB0];
	_ =	sdelay $0x1  }
0x185: {  	v20 =	vperm.xlane v18, v6;
	_ =	sdelay $0x2  }
0x186: {  	v19 =	vmul.f32 v19, v20;
	_ =	sdelay $0x1  }
0x187: {  	[tilespmem:s13+$0xFFFFFFB0] =	vst v19  }
0x188: {  	v19 =	vld [tilespmem:s12+$0xFFFFFFC0];
	_ =	sdelay $0x1  }
0x189: {  	v20 =	vperm.xlane v18, v1;
	_ =	sdelay $0x2  }
0x18a: {  	v19 =	vmul.f32 v19, v20;
	_ =	sdelay $0x1  }
0x18b: {  	[tilespmem:s13+$0xFFFFFFC0] =	vst v19  }
0x18c: {  	v19 =	vld [tilespmem:s12+$0xFFFFFFD0];
	_ =	sdelay $0x1  }
0x18d: {  	v20 =	vperm.xlane v18, v7;
	_ =	sdelay $0x2  }
0x18e: {  	v19 =	vmul.f32 v19, v20;
	_ =	sdelay $0x1  }
0x18f: {  	[tilespmem:s13+$0xFFFFFFD0] =	vst v19  }
0x190: {  	v19 =	vld [tilespmem:s12+$0xFFFFFFE0];
	_ =	sdelay $0x1  }
0x191: {  	v20 =	vperm.xlane v18, v8;
	_ =	sdelay $0x2  }
0x192: {  	v19 =	vmul.f32 v19, v20;
	_ =	sdelay $0x1  }
0x193: {  	[tilespmem:s13+$0xFFFFFFE0] =	vst v19  }
0x194: {  	v19 =	vld [tilespmem:s12+$0xFFFFFFF0];
	_ =	sdelay $0x1  }
0x195: {  	v20 =	vperm.xlane v18, v9;
	_ =	sdelay $0x2  }
0x196: {  	v19 =	vmul.f32 v19, v20;
	_ =	sdelay $0x1  }
0x197: {  	[tilespmem:s13+$0xFFFFFFF0] =	vst v19  }
0x198: {  	v19 =	vld [tilespmem:s12+$0x0];
	_ =	sdelay $0x1  }
0x199: {  	v20 =	vperm.xlane v18, v10;
	_ =	sdelay $0x2  }
0x19a: {  	v19 =	vmul.f32 v19, v20;
	_ =	sdelay $0x1  }
0x19b: {  	[tilespmem:s13+$0x0] =	vst v19  }
0x19c: {  	v19 =	vld [tilespmem:s12+$0x10];
	_ =	sdelay $0x1  }
0x19d: {  	v20 =	vperm.xlane v18, v11;
	_ =	sdelay $0x2  }
0x19e: {  	v19 =	vmul.f32 v19, v20;
	_ =	sdelay $0x1  }
0x19f: {  	[tilespmem:s13+$0x10] =	vst v19  }
0x1a0: {  	v19 =	vld [tilespmem:s12+$0x20];
	_ =	sdelay $0x1  }
0x1a1: {  	v20 =	vperm.xlane v18, v12;
	_ =	sdelay $0x2  }
0x1a2: {  	v19 =	vmul.f32 v19, v20;
	_ =	sdelay $0x1  }
0x1a3: {  	[tilespmem:s13+$0x20] =	vst v19  }
0x1a4: {  	v19 =	vld [tilespmem:s12+$0x30];
	_ =	sdelay $0x1  }
0x1a5: {  	v20 =	vperm.xlane v18, v13;
	_ =	sdelay $0x2  }
0x1a6: {  	v19 =	vmul.f32 v19, v20;
	_ =	sdelay $0x1  }
0x1a7: {  	[tilespmem:s13+$0x30] =	vst v19  }
0x1a8: {  	v19 =	vld [tilespmem:s12+$0x40];
	_ =	sdelay $0x1  }
0x1a9: {  	v20 =	vperm.xlane v18, v14;
	_ =	sdelay $0x2  }
0x1aa: {  	v19 =	vmul.f32 v19, v20;
	_ =	sdelay $0x1  }
0x1ab: {  	[tilespmem:s13+$0x40] =	vst v19  }
0x1ac: {  	v19 =	vld [tilespmem:s12+$0x50];
	_ =	sdelay $0x1  }
0x1ad: {  	v20 =	vperm.xlane v18, v15;
	_ =	sdelay $0x2  }
0x1ae: {  	v19 =	vmul.f32 v19, v20;
	_ =	sdelay $0x1  }
0x1af: {  	[tilespmem:s13+$0x50] =	vst v19  }
0x1b0: {  	v19 =	vld [tilespmem:s12+$0x60];
	_ =	sdelay $0x1  }
0x1b1: {  	v20 =	vperm.xlane v18, v16;
	_ =	sdelay $0x2  }
0x1b2: {  	v19 =	vmul.f32 v19, v20;
	_ =	sdelay $0x1  }
0x1b3: {  	[tilespmem:s13+$0x60] =	vst v19  }
0x1b4: {  	v19 =	vmov s17;
	v20 =	vld [tilespmem:s12+$0x70]  }
.Ltmp1:
0x1b5: {  	v19 =	vshll.u32 v19, $0x4;
	(pc) =	sbr.rel @p0 .LBB2_5-.Ltmp1, $3  }
0x1b6: {  	v21 =	vperm.xlane v18, v17;
	v19 =	vor.u32 v0, v19  }
0x1b7: {  	v18 =	vor.u32 v2, v19;
	_ =	sdelay $0x1  }
0x1b8: {  	s9 =	smov.u32 s19;
	v19 =	vmul.f32 v20, v21  }
0x1b9: {  	_ =	sdelay $0x2  }
0x1ba: {  	[tilespmem:s14+$0x70] =	vst v19  }
0x1bb: {  	v19 =	vld.idx.msk [tilespmem:v18+s24+$0x0], $0xffff  }
0x1bc: {  	v18 =	vld.idx.msk [tilespmem:v18+s23+$0x0], $0xffff;
	_ =	sdelay $0x2  }
0x1bd: {  	s12 =	sadd.s32 $0x100, s12  }
0x1be: {  	v20 =	vld [tilespmem:s12+$0xFFFFFF80]  }
0x1bf: {  	v18 =	vmul.f32 v18, v19;
	_ =	sdelay $0x1  }
0x1c0: {  	v19 =	vperm.xlane v18, v3;
	_ =	sdelay $0x1  }
0x1c1: {  	v19 =	vmul.f32 v20, v19  }
0x1c2: {  	s13 =	sadd.s32 $0x100, s13  }
0x1c3: {  	[tilespmem:s13+$0xFFFFFF80] =	vst v19  }
0x1c4: {  	v19 =	vld [tilespmem:s12+$0xFFFFFF90];
	_ =	sdelay $0x2  }
0x1c5: {  	v49 =	vperm.xlane v18, v4;
	_ =	sdelay $0x1  }
0x1c6: {  	v19 =	vmul.f32 v19, v49;
	_ =	sdelay $0x1  }
0x1c7: {  	[tilespmem:s13+$0xFFFFFF90] =	vst v19  }
0x1c8: {  	v19 =	vld [tilespmem:s12+$0xFFFFFFA0];
	_ =	sdelay $0x2  }
0x1c9: {  	v50 =	vperm.xlane v18, v5;
	_ =	sdelay $0x1  }
0x1ca: {  	v19 =	vmul.f32 v19, v50;
	_ =	sdelay $0x1  }
0x1cb: {  	[tilespmem:s13+$0xFFFFFFA0] =	vst v19  }
0x1cc: {  	v19 =	vld [tilespmem:s12+$0xFFFFFFB0];
	_ =	sdelay $0x2  }
0x1cd: {  	v51 =	vperm.xlane v18, v6;
	_ =	sdelay $0x1  }
0x1ce: {  	v19 =	vmul.f32 v19, v51;
	_ =	sdelay $0x1  }
0x1cf: {  	[tilespmem:s13+$0xFFFFFFB0] =	vst v19  }
0x1d0: {  	v19 =	vld [tilespmem:s12+$0xFFFFFFC0];
	_ =	sdelay $0x2  }
0x1d1: {  	v52 =	vperm.xlane v18, v1;
	_ =	sdelay $0x1  }
0x1d2: {  	v19 =	vmul.f32 v19, v52;
	_ =	sdelay $0x1  }
0x1d3: {  	[tilespmem:s13+$0xFFFFFFC0] =	vst v19  }
0x1d4: {  	v19 =	vld [tilespmem:s12+$0xFFFFFFD0];
	_ =	sdelay $0x2  }
0x1d5: {  	v53 =	vperm.xlane v18, v7;
	_ =	sdelay $0x1  }
0x1d6: {  	v19 =	vmul.f32 v19, v53;
	_ =	sdelay $0x1  }
0x1d7: {  	[tilespmem:s13+$0xFFFFFFD0] =	vst v19  }
0x1d8: {  	v19 =	vld [tilespmem:s12+$0xFFFFFFE0];
	_ =	sdelay $0x2  }
0x1d9: {  	v54 =	vperm.xlane v18, v8;
	_ =	sdelay $0x1  }
0x1da: {  	v19 =	vmul.f32 v19, v54;
	_ =	sdelay $0x1  }
0x1db: {  	[tilespmem:s13+$0xFFFFFFE0] =	vst v19  }
0x1dc: {  	v19 =	vld [tilespmem:s12+$0xFFFFFFF0];
	_ =	sdelay $0x2  }
0x1dd: {  	v55 =	vperm.xlane v18, v9;
	_ =	sdelay $0x1  }
0x1de: {  	v19 =	vmul.f32 v19, v55;
	_ =	sdelay $0x1  }
0x1df: {  	[tilespmem:s13+$0xFFFFFFF0] =	vst v19  }
0x1e0: {  	v19 =	vld [tilespmem:s12+$0x0];
	_ =	sdelay $0x2  }
0x1e1: {  	v56 =	vperm.xlane v18, v10;
	_ =	sdelay $0x1  }
0x1e2: {  	v19 =	vmul.f32 v19, v56;
	_ =	sdelay $0x1  }
0x1e3: {  	[tilespmem:s13+$0x0] =	vst v19  }
0x1e4: {  	v19 =	vld [tilespmem:s12+$0x10];
	_ =	sdelay $0x2  }
0x1e5: {  	v57 =	vperm.xlane v18, v11;
	_ =	sdelay $0x1  }
0x1e6: {  	v19 =	vmul.f32 v19, v57;
	_ =	sdelay $0x1  }
0x1e7: {  	[tilespmem:s13+$0x10] =	vst v19  }
0x1e8: {  	v19 =	vld [tilespmem:s12+$0x20];
	_ =	sdelay $0x2  }
0x1e9: {  	v58 =	vperm.xlane v18, v12;
	_ =	sdelay $0x1  }
0x1ea: {  	v19 =	vmul.f32 v19, v58;
	_ =	sdelay $0x1  }
0x1eb: {  	[tilespmem:s13+$0x20] =	vst v19  }
0x1ec: {  	v19 =	vld [tilespmem:s12+$0x30];
	_ =	sdelay $0x2  }
0x1ed: {  	v59 =	vperm.xlane v18, v13;
	_ =	sdelay $0x1  }
0x1ee: {  	v19 =	vmul.f32 v19, v59;
	_ =	sdelay $0x1  }
0x1ef: {  	[tilespmem:s13+$0x30] =	vst v19  }
0x1f0: {  	v19 =	vld [tilespmem:s12+$0x40];
	_ =	sdelay $0x2  }
0x1f1: {  	v60 =	vperm.xlane v18, v14;
	_ =	sdelay $0x1  }
0x1f2: {  	v19 =	vmul.f32 v19, v60;
	_ =	sdelay $0x1  }
0x1f3: {  	[tilespmem:s13+$0x40] =	vst v19  }
0x1f4: {  	v19 =	vld [tilespmem:s12+$0x50];
	_ =	sdelay $0x2  }
0x1f5: {  	v61 =	vperm.xlane v18, v15;
	_ =	sdelay $0x1  }
0x1f6: {  	v19 =	vmul.f32 v19, v61;
	_ =	sdelay $0x1  }
0x1f7: {  	[tilespmem:s13+$0x50] =	vst v19  }
0x1f8: {  	v19 =	vld [tilespmem:s12+$0x60];
	_ =	sdelay $0x2  }
0x1f9: {  	v62 =	vperm.xlane v18, v16;
	_ =	sdelay $0x1  }
0x1fa: {  	v19 =	vmul.f32 v19, v62;
	_ =	sdelay $0x1  }
0x1fb: {  	[tilespmem:s13+$0x60] =	vst v19  }
0x1fc: {  	v19 =	vld [tilespmem:s12+$0x70];
	_ =	sdelay $0x1  }
0x1fd: {  	s10 =	sadd.s32 $0x1, s10  }
0x1fe: {  	s9 =	smul.u32 $0xC0, s11;
	p0 =	sne.s32 s10, $0x70;
	v18 =	vperm.xlane v18, v17  }
.Ltmp2:
0x1ff: {  	_ = 	snop;
	(pc) =	sbr.rel @p0 .LBB2_2-.Ltmp2, $4  }
0x200: {  	v18 =	vmul.f32 v19, v18  }
0x201: {  	s9 =	sshra.s32 s9, $0x2  }
0x202: {  	s9 =	sadd.s32 $0x2A00, s9;
	[tilespmem:s13+$0x70] =	vst v18  }
0x203: {  	[spmem:s2] =	stream.indirect.scatter.add.f32 [tilespmem:s1], [sflag:$0x8], $0x80, s9, s18, $0xb8;
	v63 =	vld [tilespmem:$0x0]  }
0x204: {  	s9 =	simm.s32 $0x7  }
0x205: {  	_ =	swait.ge [sflag:s9], $0x1800  }
0x206: {  	[sflag:s9] =	ssyncset.done $0x0  }
0x207: {  	s14 =	simm.s32 $0x8;
	[sflag:s9] =	ssyncadd.s32 $0xFFFFE800  }
0x208: {  	_ =	swait.ge [sflag:s14], $0x1800  }
0x209: {  	[sflag:s14] =	ssyncset.done $0x0  }
0x20a: {  	[sflag:s14] =	ssyncadd.s32 $0xFFFFE800  }
0x20b: {  	[bflag:$0x0] =	sbarrier.arrive $0xFFFF  }
0x20c: {  	s17 =	rddreg [dreg:$0x8]  }
0x20d: {  	s10 =	rddreg [dreg:$0xa]  }
0x20e: {  	[hbm:s17], [sflag:s15] =	dma.local [spmem:s10], $0x2800  }
0x20f: {  	_ =	swait.ge [sflag:s16], $0x2800  }
0x210: {  	s8 =	sadd.s32 $0x1, s8;
	s19 =	rddreg [dreg:$0x9]  }
0x211: {  	p0 =	sne.s32 s8, s19  }
.Ltmp3:
0x212: {  	_ = 	snop;
	(pc) =	sbr.rel @p0 .LBB2_1-.Ltmp3, $3  }
0x213: {  	_ =	sdelay $0x1  }
0x214: {  	[sflag:s16] =	ssyncset.done $0x0  }
0x215: {  	s12 =	smov.u32 s15;
	[sflag:s16] =	ssyncadd.s32 $0xFFFFD800  }
0x216: {  	_ =	sfence.sel $0x180000  }
0x217: {  	[bflag:$0x0] =	sbarrier.arrive $0xFFFF  }
0x218: {  	_ =	strace $0x9000004A  }
0x219: {  	s0 =	stileid.u32;
	[bflag:$0x2] =	sbarrier.arrive $0xFFFF  }
0x21a: {  	p0 =	sne.s32 s0, $0x0;
	s0 =	rddreg [dreg:$0x3]  }
0x21b: {  	s0 =	sadd.s32 @!p0 $0x100000, s0  }
0x21c: {  	[sflag:s0] =	ssyncadd.tile.s32 @!p0 $0x1;
	_ =	shalt  }
.Lfunc_end2:
_tile_overlayer_lowered:
.L_overlay_start_2:
0x21d: {  	(tag) =	ssettag $0x2  }
0x21e: {  	s0 =	rddreg [dreg:$0x0];
	s2 =	stileid.u32  }
0x21f: {  	s1 =	rddreg [dreg:$0x1];
	p0 =	sne.s32 s2, $0x0  }
0x220: {  	s3 =	rddreg [dreg:$0x2];
	[bflag:$0x3] =	sbarrier.arrive $0xFFFF;
	s2 =	simm.s32 @!p0 $0x1C09  }
0x221: {  	[timem:s3], [sflag:s2] =	dma.local @!p0 [hbm:s0], s1  }
0x222: {  	s0 =	simm.s32 @!p0 $0x9  }
0x223: {  	_ =	swait.ge @!p0 [sflag:s0], s1  }
0x224: {  	s1 =	ssub.s32 @!p0 $0x0, s1;
	[sflag:s0] =	ssyncset.done @!p0 $0x0  }
0x225: {  	[sflag:s0] =	ssyncadd.s32 @!p0 s1  }
0x226: {  	[bflag:$0x3] =	sbarrier.arrive $0xFFFF  }
0x227: {  	_ =	shalt  }

// kernel: kernel.19.cloned.1.call-start
scs
__scs_entry_jumppad:
0x0: {  	(pc) =	sbr.rel $0x88, $3  }
0x1: {  	(tag) =	ssettag $0x0;
	lr =	simm.s32 $0x1  }
0x2: {  	[smem:$0x3F99] =	sst lr;
	_ =	strace $0xD0000000  }
0x3: {  	_ = 	snop  }
0x4: {  	_ = 	snop  }
0x5: {  	_ = 	snop  }
0x6: {  	_ = 	snop  }
0x7: {  	_ = 	snop  }
__scs_overlays_trampoline_lowered:
0x8: {  	[smem:$0x3FA8] =	sst s0  }
0x9: {  	[smem:$0x3FA9] =	sst s1  }
0xa: {  	[smem:$0x3FAA] =	sst s2  }
0xb: {  	[smem:$0x3FAB] =	sst s3  }
0xc: {  	[smem:$0x3FAC] =	sst s4  }
0xd: {  	[smem:$0x3FAD] =	sst s5  }
0xe: {  	[smem:$0x3FAE] =	sst s6  }
0xf: {  	[smem:$0x3FAF] =	sst s7  }
0x10: {  	[smem:$0x3FB0] =	sst s8  }
0x11: {  	[smem:$0x3FB1] =	sst s9;
	s0 =	simm.s32 @!p0 $0x0  }
0x12: {  	s1 =	sld [smem:$0x3F97];
	s0 =	simm.s32 @p0 $0x1  }
0x13: {  	[smem:$0x3FB2] =	sst s0;
	s0 =	simm.s32 @!p1 $0x0  }
0x14: {  	s2 =	sld [smem:$0x3F96];
	s0 =	simm.s32 @p1 $0x1  }
0x15: {  	[smem:$0x3FB3] =	sst s0;
	s0 =	simm.s32 @!p2 $0x0  }
0x16: {  	s3 =	sld [smem:$0x3FDB];
	s0 =	simm.s32 @p2 $0x1  }
0x17: {  	s4 =	simm.s32 $0x1BF5;
	[smem:$0x3FB5] =	sst s0  }
0x18: {  	s0 =	sld [smem:$0x3F98];
	_ =	swait.ge [sflag:s4], $0x0  }
0x19: {  	s7 =	sld [smem:$0x3F99]  }
0x1a: {  	s8 =	sadd.s32 $0xFFFFE003, lr  }
0x1b: {  	s9 =	sadd.s32 $0xFFFFFEF7, lr;
	s5 =	simm.s32 $0xFFFFFFFF;
	p2 =	slt.u32 s8, $0xFFFFF086  }
0x1c: {  	p1 =	slt.u32 s9, $0xF7A;
	s5 =	simm.s32 @!p2 $0x0  }
0x1d: {  	s5 =	simm.s32 @p1 $0x1;
	p0 =	seq.s32 s7, s2  }
0x1e: {  	s7 =	smul.u32 @!p0 $0xF7A, s2;
	p2 =	seq.s32 @!p0 s5, $0x0  }
0x1f: {  	s9 =	smul.u32 $0xF7A, s1;
	s8 =	simm.s32 @!p0 $0x1BF5;
	p2 =	por !p2, p0  }
0x20: {  	[sflag:s8] =	ssyncset.s32 @!p0 $0xFFFFF086;
	s6 =	sadd.s32 @!p0 s3, s7;
	s7 =	simm.s32 @!p0 $0x108  }
0x21: {  	s3 =	sadd.s32 s3, s9;
	s6 =	sadd.s32 @!p0 $0x88, s6;
	s7 =	simm.s32 @p2 $0x1082  }
0x22: {  	[simem:s7], [sflag:s8] =	dma.local @!p0 [hbm:s6], $0xF7A  }
0x23: {  	s9 =	sor.u32 $0xD0000000, s2;
	s6 =	simm.s32 $0x108;
	_ =	swait.ge @!p0 [sflag:s8], $0x0  }
0x24: {  	s3 =	sadd.s32 $0x88, s3;
	s6 =	simm.s32 @!p1 $0x1082;
	[sflag:s4] =	ssyncset.s32 $0xFFFFF086  }
0x25: {  	[simem:s6], [sflag:s4] =	dma.local [hbm:s3], $0xF7A  }
0x26: {  	[smem:$0x3F99] =	sst s1;
	(tag) =	ssettag s2;
	_ =	strace s9  }
0x27: {  	s1 =	sld [smem:$0x3FA9]  }
0x28: {  	s2 =	sld [smem:$0x3FAA]  }
0x29: {  	s4 =	sld [smem:$0x3FAC]  }
0x2a: {  	p0 =	seq.s32 s5, $0x0;
	s5 =	sld [smem:$0x3FAD]  }
0x2b: {  	s6 =	sld [smem:$0x3FAE]  }
0x2c: {  	s7 =	sld [smem:$0x3FAF]  }
0x2d: {  	s3 =	simm.s32 $0x108;
	s8 =	sld [smem:$0x3FB0]  }
0x2e: {  	s3 =	simm.s32 @!p0 $0x1082;
	s9 =	sld [smem:$0x3FB1]  }
0x2f: {  	lr =	sadd.s32 s0, s3;
	s0 =	sld [smem:$0x3FA8]  }
0x30: {  	s3 =	sld [smem:$0x3FAB]  }
0x31: {  	[smem:$0x3FB4] =	sst s10  }
0x32: {  	s10 =	sld [smem:$0x3FB2];
	_ =	sdelay $0x3  }
0x33: {  	p0 =	seq.s32 s10, $0x1;
	s10 =	sld [smem:$0x3FB4];
	_ =	sdelay $0x3  }
0x34: {  	[smem:$0x3FB4] =	sst s10  }
0x35: {  	s10 =	sld [smem:$0x3FB3];
	_ =	sdelay $0x3  }
0x36: {  	p1 =	seq.s32 s10, $0x1;
	s10 =	sld [smem:$0x3FB4];
	_ =	sdelay $0x3  }
0x37: {  	[smem:$0x3FB4] =	sst s10  }
0x38: {  	s10 =	sld [smem:$0x3FB5]  }
0x39: {  	_ = 	snop;
	(pc) =	sbr.ind lr, $3  }
0x3a: {  	_ = 	snop  }
0x3b: {  	_ = 	snop  }
0x3c: {  	p2 =	seq.s32 s10, $0x1;
	s10 =	sld [smem:$0x3FB4]  }
0x3d: {  	_ =	shalt  }
0x3e: {  	_ =	shalt  }
0x3f: {  	_ =	shalt  }
0x40: {  	_ =	shalt  }
0x41: {  	_ =	shalt  }
0x42: {  	_ =	shalt  }
0x43: {  	_ =	shalt  }
0x44: {  	_ =	shalt  }
0x45: {  	_ =	shalt  }
0x46: {  	_ =	shalt  }
0x47: {  	_ =	shalt  }
0x48: {  	_ =	shalt  }
0x49: {  	_ =	shalt  }
0x4a: {  	_ =	shalt  }
0x4b: {  	_ =	shalt  }
0x4c: {  	_ =	shalt  }
0x4d: {  	_ =	shalt  }
0x4e: {  	_ =	shalt  }
0x4f: {  	_ =	shalt  }
0x50: {  	_ =	shalt  }
0x51: {  	_ =	shalt  }
0x52: {  	_ =	shalt  }
0x53: {  	_ =	shalt  }
0x54: {  	_ =	shalt  }
0x55: {  	_ =	shalt  }
0x56: {  	_ =	shalt  }
0x57: {  	_ =	shalt  }
0x58: {  	_ =	shalt  }
0x59: {  	_ =	shalt  }
0x5a: {  	_ =	shalt  }
0x5b: {  	_ =	shalt  }
0x5c: {  	_ =	shalt  }
0x5d: {  	_ =	shalt  }
0x5e: {  	_ =	shalt  }
0x5f: {  	_ =	shalt  }
0x60: {  	_ =	shalt  }
0x61: {  	_ =	shalt  }
0x62: {  	_ =	shalt  }
0x63: {  	_ =	shalt  }
0x64: {  	_ =	shalt  }
0x65: {  	_ =	shalt  }
0x66: {  	_ =	shalt  }
0x67: {  	_ =	shalt  }
0x68: {  	_ =	shalt  }
0x69: {  	_ =	shalt  }
0x6a: {  	_ =	shalt  }
0x6b: {  	_ =	shalt  }
0x6c: {  	_ =	shalt  }
0x6d: {  	_ =	shalt  }
0x6e: {  	_ =	shalt  }
0x6f: {  	_ =	shalt  }
0x70: {  	_ =	shalt  }
0x71: {  	_ =	shalt  }
0x72: {  	_ =	shalt  }
0x73: {  	_ =	shalt  }
0x74: {  	_ =	shalt  }
0x75: {  	_ =	shalt  }
0x76: {  	_ =	shalt  }
0x77: {  	_ =	shalt  }
0x78: {  	_ =	shalt  }
0x79: {  	_ =	shalt  }
0x7a: {  	_ =	shalt  }
0x7b: {  	_ =	shalt  }
0x7c: {  	_ =	shalt  }
0x7d: {  	_ =	shalt  }
0x7e: {  	_ =	shalt  }
0x7f: {  	_ =	shalt  }
0x80: {  	_ =	shalt  }
0x81: {  	_ =	shalt  }
0x82: {  	_ =	shalt  }
0x83: {  	_ =	shalt  }
0x84: {  	_ =	shalt  }
0x85: {  	_ =	shalt  }
0x86: {  	_ =	shalt  }
0x87: {  	_ =	shalt  }
.Lfunc_end0:
.L_simem_size_0:
called_computation.2_lowered:
.L_overlay_start_0:
0x88: {  	s2 =	sld [smem:$0x3FD9]  }
0x89: {  	s3 =	sld [smem:$0x3FFE];
	_ =	sdelay $0x1  }
0x8a: {  	s1 =	srdreg.scid  }
0x8b: {  	s0 =	sand.u32 $0x1, s1  }
0x8c: {  	s17 =	sshll.u32 s0, $0xA;
	s2 =	sadd.s32 s3, s2  }
0x8d: {  	s2 =	sadd.s32 s2, s17  }
0x8e: {  	[smem:$0x3FC0] =	sst s2  }
0x8f: {  	_ = 	snop  }
0x90: {  	s2 =	sld [smem:$0x3FD0];
	(tm) =	ssettm $0x1  }
0x91: {  	s18 =	sld [smem:$0x3FFB];
	_ =	sdelay $0x3  }
0x92: {  	_ =	strace s18  }
0x93: {  	s3 =	sld [smem:$0x3FFC];
	_ =	sdelay $0x3  }
0x94: {  	_ =	strace s3  }
0x95: {  	s3 =	sld [smem:$0x3FFD];
	_ =	sdelay $0x3  }
0x96: {  	_ =	strace s3  }
0x97: {  	_ =	strace $0x8FFFFFFF  }
0x98: {  	s19 =	sld [smem:$0x3FDB];
	_ =	sdelay $0x1  }
0x99: {  	s4 =	simm.s32 $_scs_section_size  }
0x9a: {  	s5 =	simm.s32 $_size__tile_overlayer_lowered;
	s6 =	simm.s32 $_tile_overlayer_lowered  }
0x9b: {  	s22 =	simm.s32 $0x1BFF;
	s21 =	sshll.u32 s6, $0x1;
	s3 =	sadd.s32 s4, s19  }
0x9c: {  	s7 =	simm.s32 $0x0;
	s20 =	sshll.u32 s5, $0x1;
	s5 =	sadd.s32 s21, s3  }
0x9d: {  	[timem:s7], [sflag:s22] =	dma.local [hbm:s5], s20  }
0x9e: {  	_ =	swait.ge [sflag:s22], s20  }
0x9f: {  	s4 =	ssub.s32 $0x0, s20;
	[sflag:s22] =	ssyncset.done $0x0  }
0xa0: {  	[sflag:s22] =	ssyncadd.s32 s4;
	_ =	sdelay $0x1  }
0xa1: {  	s23 =	simm.s32 $0x1B8B  }
0xa2: {  	_ =	swait.ge [sflag:s23], $0x1  }
0xa3: {  	[sflag:s23] =	ssyncset.done $0x0  }
0xa4: {  	s25 =	simm.s32 $0x1B8E;
	s24 =	sld [smem:$0x3FFE];
	[sflag:s23] =	ssyncadd.s32 $0xFFFFFFFF  }
0xa5: {  	s26 =	simm.s32 $execute0_lowered;
	[smem:$0x3FD2] =	sst s25  }
0xa6: {  	s5 =	sshll.u32 s26, $0x1;
	_ =	strace $0x8000004C;
	[dreg:$0x1] =	wrdreg $0xFFFFFFFF  }
0xa7: {  	s28 =	simm.s32 $_size_execute0_lowered;
	s3 =	sadd.s32 s3, s5;
	[dreg:$0x0] =	wrdreg $0x0  }
0xa8: {  	s5 =	sshll.u32 s28, $0x1;
	[dreg:$0x2] =	wrdreg s3  }
0xa9: {  	[dreg:$0x3] =	wrdreg s5  }
0xaa: {  	[dreg:$0x4] =	wrdreg $0xC0  }
0xab: {  	_ =	task [dreg:s7], $0x5FFFF  }
0xac: {  	[dreg:$0x1] =	wrdreg $0xFFFFFFFF  }
0xad: {  	[dreg:$0x0] =	wrdreg $0x60  }
0xae: {  	[dreg:$0x2] =	wrdreg s24  }
0xaf: {  	[dreg:$0x3] =	wrdreg s2  }
0xb0: {  	[dreg:$0x4] =	wrdreg $0x174000  }
0xb1: {  	[dreg:$0x5] =	wrdreg $0x9  }
0xb2: {  	_ =	task.clear_ibuf [dreg:s7], $0x6FFFF;
	_ =	strace $0x9000004C  }
0xb3: {  	s29 =	simm.s32 $0x9;
	_ =	strace $0x8000004E  }
0xb4: {  	_ =	swait.ge [sflag:s29], $0x1  }
0xb5: {  	[sflag:s29] =	ssyncadd.s32 $0xFFFFFFFF  }
0xb6: {  	_ =	strace $0x9000004E  }
0xb7: {  	_ =	sfence  }
0xb8: {  	s30 =	sld [smem:$0x0];
	_ =	sdelay $0x2  }
0xb9: {  	s31 =	sshll.u32 s1, $0xD;
	s1 =	sshrl.u32 s1, $0x2  }
0xba: {  	s3 =	sand.u32 $0x4000, s31;
	s1 =	sadd.s32 s1, s30  }
0xbb: {  	s0 =	sor.u32 s3, s0;
	s1 =	sshll.u32 s1, $0x11  }
0xbc: {  	s0 =	sor.u32 s1, s0  }
0xbd: {  	s0 =	sadd.s32 $0x8F2B, s0  }
0xbe: {  	[sflag:s0] =	ssyncadd.remote.s32 $0x1  }
0xbf: {  	_ =	sfence.sel $0xFFFF  }
0xc0: {  	[dreg:$0x0] =	wrdreg $0xFFFFFFFF;
	(pc) =	sbr.abs _section_cstart, $3  }
0xc1: {  	[dreg:$0x1] =	wrdreg $0xFFFFFFFF  }
0xc2: {  	_ =	task.clear_ibuf [dreg:s7], $0x2FFFF;
	_ =	strace $0x9FFFFFFF  }
0xc3: {  	(tm) =	ssettm $0x7FFFFFFF  }
tec
execute0_lowered:
.L_overlay_start_1:
0x0: {  	(tag) =	ssettag $0x1  }
0x1: {  	s0 =	srdreg.scid  }
0x2: {  	s1 =	rddreg [dreg:$0x0];
	s14 =	stileid.u32  }
0x3: {  	s7 =	rddreg [dreg:$0x1];
	s4 =	simm.s32 $0x0;
	s16 =	simm.s32 $0x300  }
0x4: {  	s17 =	simm.s32 $0x5400;
	s18 =	simm.s32 $0xB400;
	s19 =	simm.s32 $0x8400  }
0x5: {  	s20 =	simm.s32 $0xE400;
	s21 =	simm.s32 $0x1;
	s22 =	simm.s32 $0x3  }
0x6: {  	s23 =	simm.s32 $0x11400;
	s29 =	simm.s32 $0x7;
	s30 =	simm.s32 $0x6  }
0x7: {  	s31 =	simm.s32 $0x8;
	s0 =	sand.u32 $0x1, s0;
	s8 =	smul.u32 $0x2800, s14  }
0x8: {  	[smem:$0x7FF] =	sst s4;
	s5 =	sadd.s32 $0x2600, s1;
	s26 =	sshll.u32 s14, $0x6  }
0x9: {  	s2 =	sshll.u32 s0, $0x4;
	s6 =	smul.u32 $0x28000, s0;
	s0 =	ssub.s32 $0x2, s0  }
0xa: {  	s3 =	sor.u32 s14, s2;
	s2 =	rddreg [dreg:$0x2];
	_ =	strace $0x8000004D  }
0xb: {  	s11 =	sshrl.u32 s8, $0x3;
	s13 =	sshrl.u32 s0, $0x1;
	s14 =	simm.s32 $0x9  }
0xc: {  	s3 =	smul.u32 $0x2A00, s3;
	s6 =	sadd.s32 s8, s6;
	s11 =	sadd.s32 s11, s1  }
0xd: {  	s0 =	ssub.s32 s0, s13;
	s24 =	sadd.s32 s8, s2;
	s8 =	sor.u32 $0x1C09, s26  }
0xe: {  	s26 =	simm.s32 $0x14400;
	s12 =	sshrl.u32 s6, $0x3;
	s6 =	sadd.s32 $0x20E00, s1  }
0xf: {  	s25 =	sadd.s32 $0x11E00, s11;
	s0 =	smax.u32 s0, $0x1;
	s13 =	sshrl.u32 s24, $0x3  }
0x10: {  	s24 =	simm.s32 $0x2;
	s9 =	sshrl.u32 s3, $0x3;
	[dreg:$0x4] =	wrdreg s25  }
0x11: {  	v3 =	vlaneseq.u32;
	[dreg:$0x8] =	wrdreg s0;
	s10 =	sadd.s32 s9, s1;
	s7 =	sadd.s32 s7, s9  }
0x12: {  	v1 =	vshrl.u32 v3, $0x3;
	s1 =	sadd.s32 s12, s1;
	[dreg:$0x5] =	wrdreg s7;
	s28 =	sadd.s32 $0x7600, s10  }
0x13: {  	v1 =	vmul.u32 $0x10, v1;
	s25 =	simm.s32 $0x4;
	s1 =	sadd.s32 $0x16E00, s1;
	[dreg:$0x6] =	wrdreg s28  }
0x14: {  	v0 =	vimm.f32 $0.0e+00;
	v2 =	vand.u32 $0x7, v3;
	v3 =	vor.u32 $0x8, v3;
	s10 =	simm.s32 $0x2A00;
	[dreg:$0x7] =	wrdreg s1;
	s1 =	simm.s32 $0x0  }
.LBB2_1:
0x15: {  	s0 =	rddreg [dreg:$0x4]  }
0x16: {  	[spmem:s13], [sflag:s8] =	dma.local [hbm:s0], $0x500  }
0x17: {  	_ =	swait.ge [sflag:s14], $0x500  }
0x18: {  	[sflag:s14] =	ssyncset.done $0x0  }
0x19: {  	s15 =	rddreg [dreg:$0x5];
	[sflag:s14] =	ssyncadd.s32 $0xFFFFFB00  }
0x1a: {  	[tilespmem:s4], [sflag:$0x9] =	stream.linear.gather [hbm4b:s15+s4], $0x2A00, $0x38;
	[tilespmem:$0x19C00] =	vst v63  }
0x1b: {  	_ =	swait.ge [sflag:s14], $0x2A00  }
0x1c: {  	[sflag:s14] =	ssyncset.done $0x0  }
0x1d: {  	s28 =	rddreg [dreg:$0x6];
	[sflag:s14] =	ssyncadd.s32 $0xFFFFD600  }
0x1e: {  	[tilespmem:s10], [sflag:$0x9] =	stream.linear.gather [hbm4b:s28+s4], $0x2A00, $0x38;
	[tilespmem:$0x19C00] =	vst v63  }
0x1f: {  	_ =	swait.ge [sflag:s14], $0x2A00  }
0x20: {  	[sflag:s14] =	ssyncset.done $0x0  }
0x21: {  	s7 =	simm.s32 $0x0;
	s0 =	simm.s32 $0x40;
	[sflag:s14] =	ssyncadd.s32 $0xFFFFD600  }
.LBB2_2:
0x22: {  	p0 =	sne.s32 s0, $0xBFC0;
	[tilespmem:s7+$0x11400] =	vst v0;
	s9 =	smov.u32 s0;
	s0 =	sadd.s32 $0x40, s0  }
.Ltmp0:
0x23: {  	[tilespmem:s7+$0x14400] =	vst v0;
	(pc) =	sbr.rel @p0 .LBB2_2-.Ltmp0, $2  }
0x24: {  	_ =	sdelay $0x2  }
0x25: {  	s7 =	sshra.s32 s9, $0x2  }
0x26: {  	[tilespmem:s7+$0x11400] =	vst v0  }
0x27: {  	[tilespmem:s7+$0x14400] =	vst v0  }
0x28: {  	s0 =	simm.s32 $0x0;
	[bflag:$0x0] =	sbarrier.arrive $0xFFFF  }
0x29: {  	[tilespmem:s17], [sflag:$0x1] =	stream.indirect.gather [hbm4b:s5+s16], $0x10, s0, s16, $0xb8;
	[tilespmem:$0x19C00] =	vst v63  }
0x2a: {  	s7 =	simm.s32 $0x0  }
0x2b: {  	[tilespmem:s18], [sflag:$0x3] =	stream.indirect.gather [hbm4b:s5+s16], $0x10, s10, s16, $0xb8;
	[tilespmem:$0x19C00] =	vst v63  }
.LBB2_4:
0x2c: {  	s10 =	smul.u32 $0x600, s7;
	_ =	sdelay $0x1  }
0x2d: {  	s15 =	sadd.s32 $0x300, s10  }
0x2e: {  	[tilespmem:s19], [sflag:$0x2] =	stream.indirect.gather [hbm4b:s5+s16], $0x10, s15, s16, $0xb8;
	[tilespmem:$0x19C00] =	vst v63  }
0x2f: {  	s9 =	sadd.s32 $0x2D00, s10  }
0x30: {  	[tilespmem:s20], [sflag:$0x4] =	stream.indirect.gather [hbm4b:s5+s16], $0x10, s9, s16, $0xb8;
	[tilespmem:$0x19C00] =	vst v63  }
0x31: {  	_ =	swait.ge [sflag:s21], $0x3000  }
0x32: {  	[sflag:s21] =	ssyncset.done $0x0  }
0x33: {  	[sflag:s21] =	ssyncadd.s32 $0xFFFFD000  }
0x34: {  	_ =	swait.ge [sflag:s22], $0x3000  }
0x35: {  	p0 =	seq.s32 s7, $0x0;
	v4 =	vmov s0;
	[sflag:s22] =	ssyncset.done $0x0  }
0x36: {  	s11 =	simm.s32 @!p0 $0x5;
	v4 =	vshll.u32 v4, $0x4;
	[sflag:s22] =	ssyncadd.s32 $0xFFFFD000  }
0x37: {  	v4 =	vor.u32 v1, v4;
	_ =	swait.ge @!p0 [sflag:s11], $0x3000  }
0x38: {  	v5 =	vor.u32 v3, v4;
	[sflag:s11] =	ssyncset.done @!p0 $0x0  }
0x39: {  	v4 =	vor.u32 v2, v4;
	[sflag:s11] =	ssyncadd.s32 @!p0 $0xFFFFD000;
	s11 =	simm.s32 @!p0 $0x7  }
0x3a: {  	_ =	swait.ge @!p0 [sflag:s11], $0x3000  }
0x3b: {  	[sflag:s11] =	ssyncset.done @!p0 $0x0  }
0x3c: {  	[sflag:s11] =	ssyncadd.s32 @!p0 $0xFFFFD000  }
0x3d: {  	v5 =	vld.idx.msk [tilespmem:v5+s18+$0x0], $0xffff  }
0x3e: {  	v6 =	vld.idx.msk [tilespmem:v4+s17+$0x0], $0xffff;
	_ =	sdelay $0x4  }
0x3f: {  	v5 =	vadd.f32 v5, v6;
	_ =	sdelay $0x1  }
0x40: {  	v6 =	vmul.f32 $2.000000030e-01, v5  }
0x41: {  	vm0 =	vgt.f32 v5, $0.0e+00  }
0x42: {  	v5 =	vsel vm0, v5, v6  }
0x43: {  	v5 =	vmul.f32 $1.442695020e+00, v5;
	_ =	sdelay $0x1  }
0x44: {  	(erf) = vpow2.f32 v5;
	_ =	sdelay $0x1  }
0x45: {  	s28 =	simm.s32 $0x2  }
0x46: {  	v6 =	vmov s28  }
0x47: {  	s11 =	simm.s32 $0x4;
	v5 =	vshll.u32 v6, $0x4  }
.LBB2_5:
0x48: {  	p1 =	sne.s32 s11, $0x2FE;
	v5 =	vor.u32 v1, v5  }
0x49: {  	v6 =	vor.u32 v3, v5  }
0x4a: {  	v5 =	vor.u32 v2, v5;
	_ =	sdelay $0x1  }
0x4b: {  	v7 =	vpop (erf)  }
0x4c: {  	[tilespmem:v4+s23+$0x0] =	vst.idx.msk $0xffff, v7;
	v4 =	vmov v5  }
0x4d: {  	v6 =	vld.idx.msk [tilespmem:v6+s18+$0x0], $0xffff  }
0x4e: {  	v5 =	vld.idx.msk [tilespmem:v5+s17+$0x0], $0xffff;
	_ =	sdelay $0x5  }
0x4f: {  	v5 =	vadd.f32 v6, v5;
	_ =	sdelay $0x1  }
0x50: {  	v6 =	vmul.f32 $2.000000030e-01, v5  }
0x51: {  	vm0 =	vgt.f32 v5, $0.0e+00  }
0x52: {  	v5 =	vsel vm0, v5, v6  }
0x53: {  	v5 =	vmul.f32 $1.442695020e+00, v5;
	_ =	sdelay $0x1  }
.Ltmp1:
0x54: {  	(erf) = vpow2.f32 v5;
	(pc) =	sbr.rel @p1 .LBB2_5-.Ltmp1, $3  }
0x55: {  	_ =	sdelay $0x1  }
0x56: {  	v5 =	vmov s11  }
0x57: {  	s11 =	sadd.s32 $0x2, s11;
	v5 =	vshll.u32 v5, $0x4  }
0x58: {  	v5 =	vor.u32 v1, v5  }
0x59: {  	v6 =	vor.u32 v3, v5  }
0x5a: {  	v5 =	vor.u32 v2, v5;
	_ =	sdelay $0x1  }
0x5b: {  	v7 =	vpop (erf)  }
0x5c: {  	[tilespmem:v4+s23+$0x0] =	vst.idx.msk $0xffff, v7  }
0x5d: {  	v4 =	vld.idx.msk [tilespmem:v6+s18+$0x0], $0xffff  }
0x5e: {  	v6 =	vld.idx.msk [tilespmem:v5+s17+$0x0], $0xffff;
	_ =	sdelay $0x4  }
0x5f: {  	v4 =	vadd.f32 v4, v6;
	_ =	sdelay $0x1  }
0x60: {  	v6 =	vmul.f32 $2.000000030e-01, v4  }
0x61: {  	vm0 =	vgt.f32 v4, $0.0e+00  }
0x62: {  	v4 =	vsel vm0, v4, v6  }
0x63: {  	v4 =	vmul.f32 $1.442695020e+00, v4;
	_ =	sdelay $0x1  }
0x64: {  	(erf) = vpow2.f32 v4;
	_ =	sdelay $0x7  }
0x65: {  	s11 =	sadd.s32 s3, s10;
	s12 =	smul.u32 $0x1800, s7  }
0x66: {  	s11 =	sshll.u32 s11, $0x1;
	v4 =	vpop (erf)  }
0x67: {  	s11 =	sadd.s32 s6, s11;
	s28 =	sshra.s32 s12, $0x2;
	[tilespmem:v5+s23+$0x0] =	vst.idx.msk $0xffff, v4  }
0x68: {  	[hbm4b:s11+s4] =	stream.linear.scatter [tilespmem:s23], [sflag:$0x5], $0x3000, $0x38;
	[tilespmem:$0x19C00] =	vst v63  }
0x69: {  	p1 =	seq.s32 s7, $0x6;
	s11 =	sadd.s32 $0x2A00, s28  }
0x6a: {  	[spmem:s2] =	stream.indirect.scatter.add.f32 [tilespmem:s23], [sflag:$0x7], $0x10, s11, s16, $0xb8;
	[tilespmem:$0x19C00] =	vst v63  }
0x6b: {  	s12 =	simm.s32 @!p1 $0x300;
	s28 =	simm.s32 @!p1 $0x5400;
	s11 =	sadd.s32 @!p1 $0x600, s10  }
0x6c: {  	[tilespmem:s28], [sflag:$0x1] =	stream.indirect.gather @!p1 [hbm4b:s5+s12], $0x10, s11, s12, $0xb8;
	[tilespmem:$0x19C00] =	vst v63  }
0x6d: {  	s10 =	sadd.s32 @!p1 $0x3000, s10;
	s11 =	simm.s32 @!p1 $0xB400  }
0x6e: {  	[tilespmem:s11], [sflag:$0x3] =	stream.indirect.gather @!p1 [hbm4b:s5+s12], $0x10, s10, s12, $0xb8;
	[tilespmem:$0x19C00] =	vst v63  }
0x6f: {  	_ =	swait.ge [sflag:s24], $0x3000  }
0x70: {  	[sflag:s24] =	ssyncset.done $0x0  }
0x71: {  	[sflag:s24] =	ssyncadd.s32 $0xFFFFD000  }
0x72: {  	s12 =	simm.s32 $0x0;
	_ =	swait.ge [sflag:s25], $0x3000  }
0x73: {  	v4 =	vmov s12;
	[sflag:s25] =	ssyncset.done $0x0  }
0x74: {  	s10 =	simm.s32 @!p0 $0x6;
	v4 =	vshll.u32 v4, $0x4;
	[sflag:s25] =	ssyncadd.s32 $0xFFFFD000  }
0x75: {  	v4 =	vor.u32 v1, v4;
	_ =	swait.ge @!p0 [sflag:s10], $0x3000  }
0x76: {  	v5 =	vor.u32 v3, v4;
	[sflag:s10] =	ssyncset.done @!p0 $0x0  }
0x77: {  	v4 =	vor.u32 v2, v4;
	[sflag:s10] =	ssyncadd.s32 @!p0 $0xFFFFD000;
	s10 =	simm.s32 @!p0 $0x8  }
0x78: {  	_ =	swait.ge @!p0 [sflag:s10], $0x3000  }
0x79: {  	[sflag:s10] =	ssyncset.done @!p0 $0x0  }
0x7a: {  	[sflag:s10] =	ssyncadd.s32 @!p0 $0xFFFFD000  }
0x7b: {  	v5 =	vld.idx.msk [tilespmem:v5+s20+$0x0], $0xffff  }
0x7c: {  	v6 =	vld.idx.msk [tilespmem:v4+s19+$0x0], $0xffff;
	_ =	sdelay $0x4  }
0x7d: {  	v5 =	vadd.f32 v5, v6;
	_ =	sdelay $0x1  }
0x7e: {  	v6 =	vmul.f32 $2.000000030e-01, v5  }
0x7f: {  	vm15 =	vgt.f32 v5, $0.0e+00  }
0x80: {  	v5 =	vsel vm15, v5, v6  }
0x81: {  	v5 =	vmul.f32 $1.442695020e+00, v5;
	_ =	sdelay $0x1  }
0x82: {  	(erf) = vpow2.f32 v5;
	_ =	sdelay $0x1  }
0x83: {  	s28 =	simm.s32 $0x2  }
0x84: {  	v6 =	vmov s28  }
0x85: {  	s10 =	simm.s32 $0x4;
	v5 =	vshll.u32 v6, $0x4  }
.LBB2_7:
0x86: {  	p0 =	sne.s32 s10, $0x2FE;
	v5 =	vor.u32 v1, v5  }
0x87: {  	v6 =	vor.u32 v3, v5  }
0x88: {  	v5 =	vor.u32 v2, v5;
	_ =	sdelay $0x1  }
0x89: {  	v7 =	vpop (erf)  }
0x8a: {  	[tilespmem:v4+s26+$0x0] =	vst.idx.msk $0xffff, v7;
	v4 =	vmov v5  }
0x8b: {  	v6 =	vld.idx.msk [tilespmem:v6+s20+$0x0], $0xffff  }
0x8c: {  	v5 =	vld.idx.msk [tilespmem:v5+s19+$0x0], $0xffff;
	_ =	sdelay $0x5  }
0x8d: {  	v5 =	vadd.f32 v6, v5;
	_ =	sdelay $0x1  }
0x8e: {  	v6 =	vmul.f32 $2.000000030e-01, v5  }
0x8f: {  	vm0 =	vgt.f32 v5, $0.0e+00  }
0x90: {  	v5 =	vsel vm0, v5, v6  }
0x91: {  	v5 =	vmul.f32 $1.442695020e+00, v5;
	_ =	sdelay $0x1  }
.Ltmp2:
0x92: {  	(erf) = vpow2.f32 v5;
	(pc) =	sbr.rel @p0 .LBB2_7-.Ltmp2, $3  }
0x93: {  	_ =	sdelay $0x1  }
0x94: {  	v5 =	vmov s10  }
0x95: {  	s10 =	sadd.s32 $0x2, s10;
	v5 =	vshll.u32 v5, $0x4  }
0x96: {  	v5 =	vor.u32 v1, v5  }
0x97: {  	v6 =	vor.u32 v3, v5  }
0x98: {  	v5 =	vor.u32 v2, v5;
	_ =	sdelay $0x1  }
0x99: {  	v7 =	vpop (erf)  }
0x9a: {  	[tilespmem:v4+s26+$0x0] =	vst.idx.msk $0xffff, v7  }
0x9b: {  	v4 =	vld.idx.msk [tilespmem:v6+s20+$0x0], $0xffff  }
0x9c: {  	v63 =	vld.idx.msk [tilespmem:v5+s19+$0x0], $0xffff;
	_ =	sdelay $0x4  }
0x9d: {  	v4 =	vadd.f32 v4, v63;
	_ =	sdelay $0x1  }
0x9e: {  	v6 =	vmul.f32 $2.000000030e-01, v4  }
0x9f: {  	vm0 =	vgt.f32 v4, $0.0e+00  }
0xa0: {  	v4 =	vsel vm0, v4, v6  }
0xa1: {  	v4 =	vmul.f32 $1.442695020e+00, v4;
	_ =	sdelay $0x1  }
0xa2: {  	(erf) = vpow2.f32 v4;
	_ =	sdelay $0x6  }
0xa3: {  	s10 =	sadd.s32 s3, s15;
	s7 =	sadd.s32 $0x1, s7  }
0xa4: {  	s10 =	sshll.u32 s10, $0x1;
	p0 =	sne.s32 s7, $0x7  }
.Ltmp3:
0xa5: {  	s10 =	sand.u32 $0x1FFFFE00, s10;
	v4 =	vpop (erf);
	(pc) =	sbr.rel @p0 .LBB2_4-.Ltmp3, $4  }
0xa6: {  	s10 =	sadd.s32 s6, s10;
	[tilespmem:v5+s26+$0x0] =	vst.idx.msk $0xffff, v4  }
0xa7: {  	[hbm4b:s10+s4] =	stream.linear.scatter [tilespmem:s26], [sflag:$0x6], $0x3000, $0x38;
	[tilespmem:$0x19C00] =	vst v63  }
0xa8: {  	_ = 	snop  }
0xa9: {  	[spmem:s2] =	stream.indirect.scatter.add.f32 [tilespmem:s26], [sflag:$0x8], $0x10, s9, s16, $0xb8;
	[tilespmem:$0x19C00] =	vst v63  }
0xaa: {  	s0 =	simm.s32 $0x5  }
0xab: {  	_ =	swait.ge [sflag:s0], $0x3000  }
0xac: {  	[sflag:s0] =	ssyncset.done $0x0  }
0xad: {  	[sflag:s0] =	ssyncadd.s32 $0xFFFFD000  }
0xae: {  	_ =	swait.ge [sflag:s29], $0x3000  }
0xaf: {  	[sflag:s29] =	ssyncset.done $0x0  }
0xb0: {  	[sflag:s29] =	ssyncadd.s32 $0xFFFFD000  }
0xb1: {  	_ =	swait.ge [sflag:s30], $0x3000  }
0xb2: {  	[sflag:s30] =	ssyncset.done $0x0  }
0xb3: {  	[sflag:s30] =	ssyncadd.s32 $0xFFFFD000  }
0xb4: {  	_ =	swait.ge [sflag:s31], $0x3000  }
0xb5: {  	[sflag:s31] =	ssyncset.done $0x0  }
0xb6: {  	[sflag:s31] =	ssyncadd.s32 $0xFFFFD000  }
0xb7: {  	[bflag:$0x0] =	sbarrier.arrive $0xFFFF  }
0xb8: {  	s15 =	rddreg [dreg:$0x7]  }
0xb9: {  	[hbm:s15], [sflag:s8] =	dma.local [spmem:s13], $0x500  }
0xba: {  	_ =	swait.ge [sflag:s14], $0x500  }
0xbb: {  	s1 =	sadd.s32 $0x1, s1;
	s28 =	rddreg [dreg:$0x8]  }
0xbc: {  	p0 =	sne.s32 s1, s28  }
.Ltmp4:
0xbd: {  	_ = 	snop;
	(pc) =	sbr.rel @p0 .LBB2_1-.Ltmp4, $3  }
0xbe: {  	_ =	sdelay $0x1  }
0xbf: {  	[sflag:s14] =	ssyncset.done $0x0  }
0xc0: {  	s10 =	simm.s32 $0x2A00;
	[sflag:s14] =	ssyncadd.s32 $0xFFFFFB00  }
0xc1: {  	_ =	sfence.sel $0x180000  }
0xc2: {  	[bflag:$0x0] =	sbarrier.arrive $0xFFFF  }
0xc3: {  	_ =	strace $0x9000004D  }
0xc4: {  	s0 =	stileid.u32;
	[bflag:$0x2] =	sbarrier.arrive $0xFFFF  }
0xc5: {  	p0 =	sne.s32 s0, $0x0;
	s0 =	rddreg [dreg:$0x3]  }
0xc6: {  	s0 =	sadd.s32 @!p0 $0x100000, s0  }
0xc7: {  	[sflag:s0] =	ssyncadd.tile.s32 @!p0 $0x1;
	_ =	shalt  }
.Lfunc_end2:
_tile_overlayer_lowered:
.L_overlay_start_2:
0xc8: {  	(tag) =	ssettag $0x2  }
0xc9: {  	s0 =	rddreg [dreg:$0x0];
	s2 =	stileid.u32  }
0xca: {  	s1 =	rddreg [dreg:$0x1];
	p0 =	sne.s32 s2, $0x0  }
0xcb: {  	s3 =	rddreg [dreg:$0x2];
	[bflag:$0x3] =	sbarrier.arrive $0xFFFF;
	s2 =	simm.s32 @!p0 $0x1C09  }
0xcc: {  	[timem:s3], [sflag:s2] =	dma.local @!p0 [hbm:s0], s1  }
0xcd: {  	s0 =	simm.s32 @!p0 $0x9  }
0xce: {  	_ =	swait.ge @!p0 [sflag:s0], s1  }
0xcf: {  	s1 =	ssub.s32 @!p0 $0x0, s1;
	[sflag:s0] =	ssyncset.done @!p0 $0x0  }
0xd0: {  	[sflag:s0] =	ssyncadd.s32 @!p0 s1  }
0xd1: {  	[bflag:$0x3] =	sbarrier.arrive $0xFFFF  }
0xd2: {  	_ =	shalt  }

// kernel: kernel.22.cloned.1.call-start
scs
__scs_entry_jumppad:
0x0: {  	(pc) =	sbr.rel $0x88, $3  }
0x1: {  	(tag) =	ssettag $0x0;
	lr =	simm.s32 $0x1  }
0x2: {  	[smem:$0x3F99] =	sst lr;
	_ =	strace $0xD0000000  }
0x3: {  	_ = 	snop  }
0x4: {  	_ = 	snop  }
0x5: {  	_ = 	snop  }
0x6: {  	_ = 	snop  }
0x7: {  	_ = 	snop  }
__scs_overlays_trampoline_lowered:
0x8: {  	[smem:$0x3FA8] =	sst s0  }
0x9: {  	[smem:$0x3FA9] =	sst s1  }
0xa: {  	[smem:$0x3FAA] =	sst s2  }
0xb: {  	[smem:$0x3FAB] =	sst s3  }
0xc: {  	[smem:$0x3FAC] =	sst s4  }
0xd: {  	[smem:$0x3FAD] =	sst s5  }
0xe: {  	[smem:$0x3FAE] =	sst s6  }
0xf: {  	[smem:$0x3FAF] =	sst s7  }
0x10: {  	[smem:$0x3FB0] =	sst s8  }
0x11: {  	[smem:$0x3FB1] =	sst s9;
	s0 =	simm.s32 @!p0 $0x0  }
0x12: {  	s1 =	sld [smem:$0x3F97];
	s0 =	simm.s32 @p0 $0x1  }
0x13: {  	[smem:$0x3FB2] =	sst s0;
	s0 =	simm.s32 @!p1 $0x0  }
0x14: {  	s2 =	sld [smem:$0x3F96];
	s0 =	simm.s32 @p1 $0x1  }
0x15: {  	[smem:$0x3FB3] =	sst s0;
	s0 =	simm.s32 @!p2 $0x0  }
0x16: {  	s3 =	sld [smem:$0x3FDB];
	s0 =	simm.s32 @p2 $0x1  }
0x17: {  	s4 =	simm.s32 $0x1BF5;
	[smem:$0x3FB5] =	sst s0  }
0x18: {  	s0 =	sld [smem:$0x3F98];
	_ =	swait.ge [sflag:s4], $0x0  }
0x19: {  	s7 =	sld [smem:$0x3F99]  }
0x1a: {  	s8 =	sadd.s32 $0xFFFFE003, lr  }
0x1b: {  	s9 =	sadd.s32 $0xFFFFFEF7, lr;
	s5 =	simm.s32 $0xFFFFFFFF;
	p2 =	slt.u32 s8, $0xFFFFF086  }
0x1c: {  	p1 =	slt.u32 s9, $0xF7A;
	s5 =	simm.s32 @!p2 $0x0  }
0x1d: {  	s5 =	simm.s32 @p1 $0x1;
	p0 =	seq.s32 s7, s2  }
0x1e: {  	s7 =	smul.u32 @!p0 $0xF7A, s2;
	p2 =	seq.s32 @!p0 s5, $0x0  }
0x1f: {  	s9 =	smul.u32 $0xF7A, s1;
	s8 =	simm.s32 @!p0 $0x1BF5;
	p2 =	por !p2, p0  }
0x20: {  	[sflag:s8] =	ssyncset.s32 @!p0 $0xFFFFF086;
	s6 =	sadd.s32 @!p0 s3, s7;
	s7 =	simm.s32 @!p0 $0x108  }
0x21: {  	s3 =	sadd.s32 s3, s9;
	s6 =	sadd.s32 @!p0 $0x88, s6;
	s7 =	simm.s32 @p2 $0x1082  }
0x22: {  	[simem:s7], [sflag:s8] =	dma.local @!p0 [hbm:s6], $0xF7A  }
0x23: {  	s9 =	sor.u32 $0xD0000000, s2;
	s6 =	simm.s32 $0x108;
	_ =	swait.ge @!p0 [sflag:s8], $0x0  }
0x24: {  	s3 =	sadd.s32 $0x88, s3;
	s6 =	simm.s32 @!p1 $0x1082;
	[sflag:s4] =	ssyncset.s32 $0xFFFFF086  }
0x25: {  	[simem:s6], [sflag:s4] =	dma.local [hbm:s3], $0xF7A  }
0x26: {  	[smem:$0x3F99] =	sst s1;
	(tag) =	ssettag s2;
	_ =	strace s9  }
0x27: {  	s1 =	sld [smem:$0x3FA9]  }
0x28: {  	s2 =	sld [smem:$0x3FAA]  }
0x29: {  	s4 =	sld [smem:$0x3FAC]  }
0x2a: {  	p0 =	seq.s32 s5, $0x0;
	s5 =	sld [smem:$0x3FAD]  }
0x2b: {  	s6 =	sld [smem:$0x3FAE]  }
0x2c: {  	s7 =	sld [smem:$0x3FAF]  }
0x2d: {  	s3 =	simm.s32 $0x108;
	s8 =	sld [smem:$0x3FB0]  }
0x2e: {  	s3 =	simm.s32 @!p0 $0x1082;
	s9 =	sld [smem:$0x3FB1]  }
0x2f: {  	lr =	sadd.s32 s0, s3;
	s0 =	sld [smem:$0x3FA8]  }
0x30: {  	s3 =	sld [smem:$0x3FAB]  }
0x31: {  	[smem:$0x3FB4] =	sst s10  }
0x32: {  	s10 =	sld [smem:$0x3FB2];
	_ =	sdelay $0x3  }
0x33: {  	p0 =	seq.s32 s10, $0x1;
	s10 =	sld [smem:$0x3FB4];
	_ =	sdelay $0x3  }
0x34: {  	[smem:$0x3FB4] =	sst s10  }
0x35: {  	s10 =	sld [smem:$0x3FB3];
	_ =	sdelay $0x3  }
0x36: {  	p1 =	seq.s32 s10, $0x1;
	s10 =	sld [smem:$0x3FB4];
	_ =	sdelay $0x3  }
0x37: {  	[smem:$0x3FB4] =	sst s10  }
0x38: {  	s10 =	sld [smem:$0x3FB5]  }
0x39: {  	_ = 	snop;
	(pc) =	sbr.ind lr, $3  }
0x3a: {  	_ = 	snop  }
0x3b: {  	_ = 	snop  }
0x3c: {  	p2 =	seq.s32 s10, $0x1;
	s10 =	sld [smem:$0x3FB4]  }
0x3d: {  	_ =	shalt  }
0x3e: {  	_ =	shalt  }
0x3f: {  	_ =	shalt  }
0x40: {  	_ =	shalt  }
0x41: {  	_ =	shalt  }
0x42: {  	_ =	shalt  }
0x43: {  	_ =	shalt  }
0x44: {  	_ =	shalt  }
0x45: {  	_ =	shalt  }
0x46: {  	_ =	shalt  }
0x47: {  	_ =	shalt  }
0x48: {  	_ =	shalt  }
0x49: {  	_ =	shalt  }
0x4a: {  	_ =	shalt  }
0x4b: {  	_ =	shalt  }
0x4c: {  	_ =	shalt  }
0x4d: {  	_ =	shalt  }
0x4e: {  	_ =	shalt  }
0x4f: {  	_ =	shalt  }
0x50: {  	_ =	shalt  }
0x51: {  	_ =	shalt  }
0x52: {  	_ =	shalt  }
0x53: {  	_ =	shalt  }
0x54: {  	_ =	shalt  }
0x55: {  	_ =	shalt  }
0x56: {  	_ =	shalt  }
0x57: {  	_ =	shalt  }
0x58: {  	_ =	shalt  }
0x59: {  	_ =	shalt  }
0x5a: {  	_ =	shalt  }
0x5b: {  	_ =	shalt  }
0x5c: {  	_ =	shalt  }
0x5d: {  	_ =	shalt  }
0x5e: {  	_ =	shalt  }
0x5f: {  	_ =	shalt  }
0x60: {  	_ =	shalt  }
0x61: {  	_ =	shalt  }
0x62: {  	_ =	shalt  }
0x63: {  	_ =	shalt  }
0x64: {  	_ =	shalt  }
0x65: {  	_ =	shalt  }
0x66: {  	_ =	shalt  }
0x67: {  	_ =	shalt  }
0x68: {  	_ =	shalt  }
0x69: {  	_ =	shalt  }
0x6a: {  	_ =	shalt  }
0x6b: {  	_ =	shalt  }
0x6c: {  	_ =	shalt  }
0x6d: {  	_ =	shalt  }
0x6e: {  	_ =	shalt  }
0x6f: {  	_ =	shalt  }
0x70: {  	_ =	shalt  }
0x71: {  	_ =	shalt  }
0x72: {  	_ =	shalt  }
0x73: {  	_ =	shalt  }
0x74: {  	_ =	shalt  }
0x75: {  	_ =	shalt  }
0x76: {  	_ =	shalt  }
0x77: {  	_ =	shalt  }
0x78: {  	_ =	shalt  }
0x79: {  	_ =	shalt  }
0x7a: {  	_ =	shalt  }
0x7b: {  	_ =	shalt  }
0x7c: {  	_ =	shalt  }
0x7d: {  	_ =	shalt  }
0x7e: {  	_ =	shalt  }
0x7f: {  	_ =	shalt  }
0x80: {  	_ =	shalt  }
0x81: {  	_ =	shalt  }
0x82: {  	_ =	shalt  }
0x83: {  	_ =	shalt  }
0x84: {  	_ =	shalt  }
0x85: {  	_ =	shalt  }
0x86: {  	_ =	shalt  }
0x87: {  	_ =	shalt  }
.Lfunc_end0:
.L_simem_size_0:
called_computation.3_lowered:
.L_overlay_start_0:
0x88: {  	s2 =	sld [smem:$0x3FD9]  }
0x89: {  	s3 =	sld [smem:$0x3FFE];
	_ =	sdelay $0x1  }
0x8a: {  	s1 =	srdreg.scid  }
0x8b: {  	s0 =	sand.u32 $0x1, s1  }
0x8c: {  	s17 =	sshll.u32 s0, $0xA;
	s2 =	sadd.s32 s3, s2  }
0x8d: {  	s2 =	sadd.s32 s2, s17  }
0x8e: {  	[smem:$0x3FC0] =	sst s2  }
0x8f: {  	_ = 	snop  }
0x90: {  	s2 =	sld [smem:$0x3FD0];
	(tm) =	ssettm $0x1  }
0x91: {  	s18 =	sld [smem:$0x3FFB];
	_ =	sdelay $0x3  }
0x92: {  	_ =	strace s18  }
0x93: {  	s3 =	sld [smem:$0x3FFC];
	_ =	sdelay $0x3  }
0x94: {  	_ =	strace s3  }
0x95: {  	s3 =	sld [smem:$0x3FFD];
	_ =	sdelay $0x3  }
0x96: {  	_ =	strace s3  }
0x97: {  	_ =	strace $0x8FFFFFFF  }
0x98: {  	s19 =	sld [smem:$0x3FDB];
	_ =	sdelay $0x1  }
0x99: {  	s4 =	simm.s32 $_scs_section_size  }
0x9a: {  	s5 =	simm.s32 $_size__tile_overlayer_lowered;
	s6 =	simm.s32 $_tile_overlayer_lowered  }
0x9b: {  	s22 =	simm.s32 $0x1BFF;
	s21 =	sshll.u32 s6, $0x1;
	s3 =	sadd.s32 s4, s19  }
0x9c: {  	s7 =	simm.s32 $0x0;
	s20 =	sshll.u32 s5, $0x1;
	s5 =	sadd.s32 s21, s3  }
0x9d: {  	[timem:s7], [sflag:s22] =	dma.local [hbm:s5], s20  }
0x9e: {  	_ =	swait.ge [sflag:s22], s20  }
0x9f: {  	s4 =	ssub.s32 $0x0, s20;
	[sflag:s22] =	ssyncset.done $0x0  }
0xa0: {  	[sflag:s22] =	ssyncadd.s32 s4;
	_ =	sdelay $0x1  }
0xa1: {  	s23 =	simm.s32 $0x1B8B  }
0xa2: {  	_ =	swait.ge [sflag:s23], $0x1  }
0xa3: {  	[sflag:s23] =	ssyncset.done $0x0  }
0xa4: {  	s25 =	simm.s32 $0x1B8E;
	s24 =	sld [smem:$0x3FFE];
	[sflag:s23] =	ssyncadd.s32 $0xFFFFFFFF  }
0xa5: {  	s26 =	simm.s32 $execute0_lowered;
	[smem:$0x3FD2] =	sst s25  }
0xa6: {  	s5 =	sshll.u32 s26, $0x1;
	_ =	strace $0x8000004F;
	[dreg:$0x1] =	wrdreg $0xFFFFFFFF  }
0xa7: {  	s28 =	simm.s32 $_size_execute0_lowered;
	s3 =	sadd.s32 s3, s5;
	[dreg:$0x0] =	wrdreg $0x0  }
0xa8: {  	s5 =	sshll.u32 s28, $0x1;
	[dreg:$0x2] =	wrdreg s3  }
0xa9: {  	[dreg:$0x3] =	wrdreg s5  }
0xaa: {  	[dreg:$0x4] =	wrdreg $0xC0  }
0xab: {  	_ =	task [dreg:s7], $0x5FFFF  }
0xac: {  	[dreg:$0x1] =	wrdreg $0xFFFFFFFF  }
0xad: {  	[dreg:$0x0] =	wrdreg $0x60  }
0xae: {  	[dreg:$0x2] =	wrdreg s24  }
0xaf: {  	[dreg:$0x3] =	wrdreg s2  }
0xb0: {  	[dreg:$0x4] =	wrdreg $0xC0000  }
0xb1: {  	[dreg:$0x5] =	wrdreg $0x9  }
0xb2: {  	_ =	task.clear_ibuf [dreg:s7], $0x6FFFF;
	_ =	strace $0x9000004F  }
0xb3: {  	s29 =	simm.s32 $0x9;
	_ =	strace $0x80000051  }
0xb4: {  	_ =	swait.ge [sflag:s29], $0x1  }
0xb5: {  	[sflag:s29] =	ssyncadd.s32 $0xFFFFFFFF  }
0xb6: {  	_ =	strace $0x90000051  }
0xb7: {  	_ =	sfence  }
0xb8: {  	s30 =	sld [smem:$0x0];
	_ =	sdelay $0x2  }
0xb9: {  	s31 =	sshll.u32 s1, $0xD;
	s1 =	sshrl.u32 s1, $0x2  }
0xba: {  	s3 =	sand.u32 $0x4000, s31;
	s1 =	sadd.s32 s1, s30  }
0xbb: {  	s0 =	sor.u32 s3, s0;
	s1 =	sshll.u32 s1, $0x11  }
0xbc: {  	s0 =	sor.u32 s1, s0  }
0xbd: {  	s0 =	sadd.s32 $0x8F2B, s0  }
0xbe: {  	[sflag:s0] =	ssyncadd.remote.s32 $0x1  }
0xbf: {  	_ =	sfence.sel $0xFFFF  }
0xc0: {  	[dreg:$0x0] =	wrdreg $0xFFFFFFFF;
	(pc) =	sbr.abs _section_cstart, $3  }
0xc1: {  	[dreg:$0x1] =	wrdreg $0xFFFFFFFF  }
0xc2: {  	_ =	task.clear_ibuf [dreg:s7], $0x2FFFF;
	_ =	strace $0x9FFFFFFF  }
0xc3: {  	(tm) =	ssettm $0x7FFFFFFF  }
tec
execute0_lowered:
.L_overlay_start_1:
0x0: {  	(tag) =	ssettag $0x1  }
0x1: {  	s0 =	rddreg [dreg:$0x0]  }
0x2: {  	s8 =	rddreg [dreg:$0x1]  }
0x3: {  	s1 =	srdreg.scid;
	s2 =	rddreg [dreg:$0x2]  }
0x4: {  	s16 =	stileid.u32;
	s3 =	simm.s32 $0x0;
	s18 =	simm.s32 $0x30  }
0x5: {  	s20 =	simm.s32 $0xBA00;
	s21 =	simm.s32 $0xB400;
	s28 =	simm.s32 $0x5  }
0x6: {  	s29 =	simm.s32 $0x8400;
	s30 =	simm.s32 $0x2;
	s31 =	simm.s32 $0x4  }
0x7: {  	s1 =	sand.u32 $0x1, s1;
	[smem:$0x7FF] =	sst s3;
	s10 =	smul.u32 $0x14000, s16  }
0x8: {  	s5 =	sadd.s32 $0xC8E00, s0;
	s6 =	sadd.s32 $0x2600, s0;
	s7 =	sadd.s32 $0x20E00, s0  }
0x9: {  	s23 =	sshll.u32 s16, $0x6;
	s4 =	sshll.u32 s1, $0x4;
	_ =	strace $0x80000050  }
0xa: {  	s12 =	smul.u32 $0x140000, s1;
	s1 =	ssub.s32 $0x2, s1;
	s9 =	sor.u32 s16, s4  }
0xb: {  	s14 =	sshrl.u32 s10, $0x3;
	s15 =	sshrl.u32 s1, $0x1;
	s16 =	simm.s32 $0x9  }
0xc: {  	s4 =	smul.u32 $0x2A00, s9;
	s12 =	sadd.s32 s10, s12;
	s14 =	sadd.s32 s14, s0  }
0xd: {  	s1 =	ssub.s32 s1, s15;
	s10 =	sadd.s32 s10, s2;
	s9 =	smul.u32 $0x5400, s9  }
0xe: {  	s12 =	sshrl.u32 s12, $0x3;
	s22 =	sadd.s32 $0xF0E00, s14;
	s26 =	smax.u32 s1, $0x1  }
0xf: {  	s10 =	sshrl.u32 s10, $0x3;
	s1 =	simm.s32 $0x9C00;
	[dreg:$0x4] =	wrdreg s22  }
0x10: {  	v2 =	vlaneseq.u32;
	v1 =	vimm.s32 $0x4;
	s11 =	sshrl.u32 s4, $0x3;
	s25 =	sadd.s32 s7, s9;
	[dreg:$0x9] =	wrdreg s26  }
0x11: {  	v3 =	vimm.s32 $0x0;
	v4 =	vimm.s32 $0x1;
	v5 =	vimm.s32 $0x2;
	s22 =	simm.s32 $0x6C00;
	s26 =	simm.s32 $0x3;
	[dreg:$0xa] =	wrdreg s10  }
0x12: {  	v6 =	vimm.s32 $0x3;
	v7 =	vimm.s32 $0x5;
	v8 =	vimm.s32 $0x6;
	s13 =	sadd.s32 s11, s0;
	s0 =	sadd.s32 s12, s0;
	s12 =	sor.u32 $0x1C09, s23  }
0x13: {  	v9 =	vimm.s32 $0x7;
	v10 =	vimm.s32 $0x8;
	v11 =	vimm.s32 $0x9;
	s8 =	sadd.s32 s8, s11;
	[dreg:$0x7] =	wrdreg s25;
	s23 =	simm.s32 $0xBD00  }
0x14: {  	v12 =	vimm.s32 $0xA;
	v13 =	vimm.s32 $0xB;
	v14 =	vimm.s32 $0xC;
	s25 =	simm.s32 $0x1;
	[dreg:$0x5] =	wrdreg s8;
	s24 =	sadd.s32 $0x7600, s13  }
0x15: {  	v15 =	vimm.s32 $0xD;
	v16 =	vimm.s32 $0xE;
	v0 =	vshrl.u32 v2, $0x3;
	s0 =	sadd.s32 $0x118E00, s0;
	s8 =	simm.s32 $0x0;
	[dreg:$0x6] =	wrdreg s24  }
0x16: {  	v17 =	vimm.s32 $0xF;
	v2 =	vand.u32 $0x7, v2;
	v0 =	vmul.u32 $0x10, v0;
	[dreg:$0x8] =	wrdreg s0;
	s24 =	simm.s32 $0xB700;
	s0 =	simm.s32 $0x6  }
.LBB2_1:
0x17: {  	s9 =	rddreg [dreg:$0x4]  }
0x18: {  	[spmem:s10], [sflag:s12] =	dma.local [hbm:s9], $0x2800  }
0x19: {  	_ =	swait.ge [sflag:s16], $0x2800  }
0x1a: {  	[sflag:s16] =	ssyncset.done $0x0  }
0x1b: {  	s15 =	smov.u32 s12;
	s12 =	rddreg [dreg:$0x5];
	[sflag:s16] =	ssyncadd.s32 $0xFFFFD800  }
0x1c: {  	[tilespmem:s3], [sflag:$0x9] =	stream.linear.gather [hbm4b:s12+s3], $0x2A00, $0x38;
	v63 =	vld [tilespmem:$0x0]  }
0x1d: {  	_ =	swait.ge [sflag:s16], $0x2A00  }
0x1e: {  	[sflag:s16] =	ssyncset.done $0x0  }
0x1f: {  	s14 =	simm.s32 $0x2A00;
	s13 =	rddreg [dreg:$0x6];
	[sflag:s16] =	ssyncadd.s32 $0xFFFFD600  }
0x20: {  	[tilespmem:s14], [sflag:$0x9] =	stream.linear.gather [hbm4b:s13+s3], $0x2A00, $0x38;
	v63 =	vld [tilespmem:$0x0]  }
0x21: {  	_ =	swait.ge [sflag:s16], $0x2A00  }
0x22: {  	[sflag:s16] =	ssyncset.done $0x0  }
0x23: {  	[sflag:s16] =	ssyncadd.s32 $0xFFFFD600  }
0x24: {  	s17 =	simm.s32 $0x5400;
	[bflag:$0x0] =	sbarrier.arrive $0xFFFF  }
0x25: {  	[tilespmem:s17], [sflag:$0x1] =	stream.indirect.gather [hbm4b:s5+s18], $0x80, s3, s18, $0xb8;
	v63 =	vld [tilespmem:$0x0]  }
0x26: {  	_ = 	snop  }
0x27: {  	[tilespmem:s20], [sflag:$0x3] =	stream.indirect.gather [hbm4b:s6+s18], $0x10, s14, s18, $0xb8;
	v63 =	vld [tilespmem:$0x0]  }
0x28: {  	s10 =	simm.s32 $0x0;
	s19 =	rddreg [dreg:$0x7]  }
0x29: {  	[tilespmem:s21], [sflag:$0x5] =	stream.linear.gather [hbm4b:s19+s3], $0x300, $0x38;
	v63 =	vld [tilespmem:$0x0]  }
.LBB2_2:
0x2a: {  	s11 =	sshllo.u32 s10, $0x1  }
0x2b: {  	s9 =	smul.u32 $0x30, s11;
	_ =	sdelay $0x1  }
0x2c: {  	[tilespmem:s22], [sflag:$0x2] =	stream.indirect.gather [hbm4b:s5+s18], $0x80, s9, s18, $0xb8;
	v63 =	vld [tilespmem:$0x0]  }
0x2d: {  	s12 =	sadd.s32 $0x2A00, s9;
	s9 =	sadd.s32 s4, s9  }
0x2e: {  	s9 =	sshll.u32 s9, $0x1  }
0x2f: {  	[tilespmem:s23], [sflag:$0x4] =	stream.indirect.gather [hbm4b:s6+s18], $0x10, s12, s18, $0xb8;
	v63 =	vld [tilespmem:$0x0]  }
0x30: {  	s9 =	sand.u32 $0x1FFFFFE0, s9  }
0x31: {  	s9 =	sadd.s32 s7, s9  }
0x32: {  	[tilespmem:s24], [sflag:$0x6] =	stream.linear.gather [hbm4b:s9+s3], $0x300, $0x38;
	v63 =	vld [tilespmem:$0x0]  }
0x33: {  	_ =	swait.ge [sflag:s25], $0x1800  }
0x34: {  	[sflag:s25] =	ssyncset.done $0x0  }
0x35: {  	[sflag:s25] =	ssyncadd.s32 $0xFFFFE800  }
0x36: {  	s17 =	simm.s32 $0x0;
	_ =	swait.ge [sflag:s26], $0x300  }
0x37: {  	v18 =	vmov s17;
	[sflag:s26] =	ssyncset.done $0x0  }
0x38: {  	v18 =	vshll.u32 v18, $0x4;
	[sflag:s26] =	ssyncadd.s32 $0xFFFFFD00  }
0x39: {  	v18 =	vor.u32 v0, v18;
	_ =	swait.ge [sflag:s28], $0x300  }
0x3a: {  	p0 =	seq.s32 s10, $0x0;
	v18 =	vor.u32 v2, v18;
	[sflag:s28] =	ssyncset.done $0x0  }
0x3b: {  	s9 =	simm.s32 @!p0 $0x7;
	[sflag:s28] =	ssyncadd.s32 $0xFFFFFD00  }
0x3c: {  	_ =	swait.ge @!p0 [sflag:s9], $0x1800  }
0x3d: {  	[sflag:s9] =	ssyncset.done @!p0 $0x0  }
0x3e: {  	[sflag:s9] =	ssyncadd.s32 @!p0 $0xFFFFE800  }
0x3f: {  	v19 =	vld.idx.msk [tilespmem:v18+s21+$0x0], $0xffff  }
0x40: {  	v18 =	vld.idx.msk [tilespmem:v18+s20+$0x0], $0xffff;
	_ =	sdelay $0x2  }
0x41: {  	s12 =	simm.s32 $0x5480  }
0x42: {  	v20 =	vld [tilespmem:s12+$0xFFFFFF80]  }
0x43: {  	v18 =	vmul.f32 v18, v19;
	_ =	sdelay $0x1  }
0x44: {  	v19 =	vperm.xlane v18, v3;
	_ =	sdelay $0x1  }
0x45: {  	v19 =	vmul.f32 v20, v19  }
0x46: {  	s13 =	simm.s32 $0x8480  }
0x47: {  	[tilespmem:s13+$0xFFFFFF80] =	vst v19  }
0x48: {  	v19 =	vld [tilespmem:s12+$0xFFFFFF90];
	_ =	sdelay $0x2  }
0x49: {  	v20 =	vperm.xlane v18, v4;
	_ =	sdelay $0x1  }
0x4a: {  	v19 =	vmul.f32 v19, v20;
	_ =	sdelay $0x1  }
0x4b: {  	[tilespmem:s13+$0xFFFFFF90] =	vst v19  }
0x4c: {  	v19 =	vld [tilespmem:s12+$0xFFFFFFA0];
	_ =	sdelay $0x2  }
0x4d: {  	v20 =	vperm.xlane v18, v5;
	_ =	sdelay $0x1  }
0x4e: {  	v19 =	vmul.f32 v19, v20;
	_ =	sdelay $0x1  }
0x4f: {  	[tilespmem:s13+$0xFFFFFFA0] =	vst v19  }
0x50: {  	v19 =	vld [tilespmem:s12+$0xFFFFFFB0];
	_ =	sdelay $0x2  }
0x51: {  	v20 =	vperm.xlane v18, v6;
	_ =	sdelay $0x1  }
0x52: {  	v19 =	vmul.f32 v19, v20;
	_ =	sdelay $0x1  }
0x53: {  	[tilespmem:s13+$0xFFFFFFB0] =	vst v19  }
0x54: {  	v19 =	vld [tilespmem:s12+$0xFFFFFFC0];
	_ =	sdelay $0x2  }
0x55: {  	v20 =	vperm.xlane v18, v1;
	_ =	sdelay $0x1  }
0x56: {  	v19 =	vmul.f32 v19, v20;
	_ =	sdelay $0x1  }
0x57: {  	[tilespmem:s13+$0xFFFFFFC0] =	vst v19  }
0x58: {  	v19 =	vld [tilespmem:s12+$0xFFFFFFD0];
	_ =	sdelay $0x2  }
0x59: {  	v20 =	vperm.xlane v18, v7;
	_ =	sdelay $0x1  }
0x5a: {  	v19 =	vmul.f32 v19, v20;
	_ =	sdelay $0x1  }
0x5b: {  	[tilespmem:s13+$0xFFFFFFD0] =	vst v19  }
0x5c: {  	v19 =	vld [tilespmem:s12+$0xFFFFFFE0];
	_ =	sdelay $0x2  }
0x5d: {  	v20 =	vperm.xlane v18, v8;
	_ =	sdelay $0x1  }
0x5e: {  	v19 =	vmul.f32 v19, v20;
	_ =	sdelay $0x1  }
0x5f: {  	[tilespmem:s13+$0xFFFFFFE0] =	vst v19  }
0x60: {  	v19 =	vld [tilespmem:s12+$0xFFFFFFF0];
	_ =	sdelay $0x2  }
0x61: {  	v20 =	vperm.xlane v18, v9;
	_ =	sdelay $0x1  }
0x62: {  	v19 =	vmul.f32 v19, v20;
	_ =	sdelay $0x1  }
0x63: {  	[tilespmem:s13+$0xFFFFFFF0] =	vst v19  }
0x64: {  	v19 =	vld [tilespmem:s12+$0x0];
	_ =	sdelay $0x2  }
0x65: {  	v20 =	vperm.xlane v18, v10;
	_ =	sdelay $0x1  }
0x66: {  	v19 =	vmul.f32 v19, v20;
	_ =	sdelay $0x1  }
0x67: {  	[tilespmem:s13+$0x0] =	vst v19  }
0x68: {  	v19 =	vld [tilespmem:s12+$0x10];
	_ =	sdelay $0x2  }
0x69: {  	v20 =	vperm.xlane v18, v11;
	_ =	sdelay $0x1  }
0x6a: {  	v19 =	vmul.f32 v19, v20;
	_ =	sdelay $0x1  }
0x6b: {  	[tilespmem:s13+$0x10] =	vst v19  }
0x6c: {  	v19 =	vld [tilespmem:s12+$0x20];
	_ =	sdelay $0x2  }
0x6d: {  	v20 =	vperm.xlane v18, v12;
	_ =	sdelay $0x1  }
0x6e: {  	v19 =	vmul.f32 v19, v20;
	_ =	sdelay $0x1  }
0x6f: {  	[tilespmem:s13+$0x20] =	vst v19  }
0x70: {  	v19 =	vld [tilespmem:s12+$0x30];
	_ =	sdelay $0x2  }
0x71: {  	v20 =	vperm.xlane v18, v13;
	_ =	sdelay $0x1  }
0x72: {  	v19 =	vmul.f32 v19, v20;
	_ =	sdelay $0x1  }
0x73: {  	[tilespmem:s13+$0x30] =	vst v19  }
0x74: {  	v19 =	vld [tilespmem:s12+$0x40];
	_ =	sdelay $0x2  }
0x75: {  	v20 =	vperm.xlane v18, v14;
	_ =	sdelay $0x1  }
0x76: {  	v19 =	vmul.f32 v19, v20;
	_ =	sdelay $0x1  }
0x77: {  	[tilespmem:s13+$0x40] =	vst v19  }
0x78: {  	v19 =	vld [tilespmem:s12+$0x50];
	_ =	sdelay $0x2  }
0x79: {  	v20 =	vperm.xlane v18, v15;
	_ =	sdelay $0x1  }
0x7a: {  	v19 =	vmul.f32 v19, v20;
	_ =	sdelay $0x1  }
0x7b: {  	[tilespmem:s13+$0x50] =	vst v19  }
0x7c: {  	v19 =	vld [tilespmem:s12+$0x60];
	_ =	sdelay $0x2  }
0x7d: {  	v20 =	vperm.xlane v18, v16;
	_ =	sdelay $0x1  }
0x7e: {  	v19 =	vmul.f32 v19, v20;
	_ =	sdelay $0x1  }
0x7f: {  	[tilespmem:s13+$0x60] =	vst v19  }
0x80: {  	s19 =	simm.s32 $0x2;
	v19 =	vld [tilespmem:s12+$0x70]  }
0x81: {  	v20 =	vmov s19  }
0x82: {  	v20 =	vshll.u32 v20, $0x4  }
0x83: {  	v21 =	vperm.xlane v18, v17;
	v18 =	vor.u32 v0, v20  }
0x84: {  	v18 =	vor.u32 v2, v18  }
0x85: {  	s14 =	simm.s32 $0x8480;
	s19 =	simm.s32 $0x4;
	v19 =	vmul.f32 v19, v21  }
.LBB2_3:
0x86: {  	s12 =	sadd.s32 $0x100, s12  }
0x87: {  	s13 =	sadd.s32 $0x100, s13;
	s17 =	smov.u32 s19;
	s9 =	sadd.s32 $0x2, s19  }
0x88: {  	p1 =	sne.s32 s19, $0x2E;
	[tilespmem:s14+$0x70] =	vst v19;
	s14 =	smov.u32 s13  }
0x89: {  	v19 =	vld.idx.msk [tilespmem:v18+s21+$0x0], $0xffff  }
0x8a: {  	v18 =	vld.idx.msk [tilespmem:v18+s20+$0x0], $0xffff;
	_ =	sdelay $0x3  }
0x8b: {  	v20 =	vld [tilespmem:s12+$0xFFFFFF80];
	_ =	sdelay $0x1  }
0x8c: {  	v18 =	vmul.f32 v18, v19;
	_ =	sdelay $0x1  }
0x8d: {  	v19 =	vperm.xlane v18, v3;
	_ =	sdelay $0x1  }
0x8e: {  	v19 =	vmul.f32 v20, v19;
	_ =	sdelay $0x1  }
0x8f: {  	[tilespmem:s13+$0xFFFFFF80] =	vst v19  }
0x90: {  	v19 =	vld [tilespmem:s12+$0xFFFFFF90];
	_ =	sdelay $0x1  }
0x91: {  	v20 =	vperm.xlane v18, v4;
	_ =	sdelay $0x2  }
0x92: {  	v19 =	vmul.f32 v19, v20;
	_ =	sdelay $0x1  }
0x93: {  	[tilespmem:s13+$0xFFFFFF90] =	vst v19  }
0x94: {  	v19 =	vld [tilespmem:s12+$0xFFFFFFA0];
	_ =	sdelay $0x1  }
0x95: {  	v20 =	vperm.xlane v18, v5;
	_ =	sdelay $0x2  }
0x96: {  	v19 =	vmul.f32 v19, v20;
	_ =	sdelay $0x1  }
0x97: {  	[tilespmem:s13+$0xFFFFFFA0] =	vst v19  }
0x98: {  	v19 =	vld [tilespmem:s12+$0xFFFFFFB0];
	_ =	sdelay $0x1  }
0x99: {  	v20 =	vperm.xlane v18, v6;
	_ =	sdelay $0x2  }
0x9a: {  	v19 =	vmul.f32 v19, v20;
	_ =	sdelay $0x1  }
0x9b: {  	[tilespmem:s13+$0xFFFFFFB0] =	vst v19  }
0x9c: {  	v19 =	vld [tilespmem:s12+$0xFFFFFFC0];
	_ =	sdelay $0x1  }
0x9d: {  	v20 =	vperm.xlane v18, v1;
	_ =	sdelay $0x2  }
0x9e: {  	v19 =	vmul.f32 v19, v20;
	_ =	sdelay $0x1  }
0x9f: {  	[tilespmem:s13+$0xFFFFFFC0] =	vst v19  }
0xa0: {  	v19 =	vld [tilespmem:s12+$0xFFFFFFD0];
	_ =	sdelay $0x1  }
0xa1: {  	v20 =	vperm.xlane v18, v7;
	_ =	sdelay $0x2  }
0xa2: {  	v19 =	vmul.f32 v19, v20;
	_ =	sdelay $0x1  }
0xa3: {  	[tilespmem:s13+$0xFFFFFFD0] =	vst v19  }
0xa4: {  	v19 =	vld [tilespmem:s12+$0xFFFFFFE0];
	_ =	sdelay $0x1  }
0xa5: {  	v20 =	vperm.xlane v18, v8;
	_ =	sdelay $0x2  }
0xa6: {  	v19 =	vmul.f32 v19, v20;
	_ =	sdelay $0x1  }
0xa7: {  	[tilespmem:s13+$0xFFFFFFE0] =	vst v19  }
0xa8: {  	v19 =	vld [tilespmem:s12+$0xFFFFFFF0];
	_ =	sdelay $0x1  }
0xa9: {  	v20 =	vperm.xlane v18, v9;
	_ =	sdelay $0x2  }
0xaa: {  	v19 =	vmul.f32 v19, v20;
	_ =	sdelay $0x1  }
0xab: {  	[tilespmem:s13+$0xFFFFFFF0] =	vst v19  }
0xac: {  	v19 =	vld [tilespmem:s12+$0x0];
	_ =	sdelay $0x1  }
0xad: {  	v20 =	vperm.xlane v18, v10;
	_ =	sdelay $0x2  }
0xae: {  	v19 =	vmul.f32 v19, v20;
	_ =	sdelay $0x1  }
0xaf: {  	[tilespmem:s13+$0x0] =	vst v19  }
0xb0: {  	v19 =	vld [tilespmem:s12+$0x10];
	_ =	sdelay $0x1  }
0xb1: {  	v20 =	vperm.xlane v18, v11;
	_ =	sdelay $0x2  }
0xb2: {  	v19 =	vmul.f32 v19, v20;
	_ =	sdelay $0x1  }
0xb3: {  	[tilespmem:s13+$0x10] =	vst v19  }
0xb4: {  	v19 =	vld [tilespmem:s12+$0x20];
	_ =	sdelay $0x1  }
0xb5: {  	v20 =	vperm.xlane v18, v12;
	_ =	sdelay $0x2  }
0xb6: {  	v19 =	vmul.f32 v19, v20;
	_ =	sdelay $0x1  }
0xb7: {  	[tilespmem:s13+$0x20] =	vst v19  }
0xb8: {  	v19 =	vld [tilespmem:s12+$0x30];
	_ =	sdelay $0x1  }
0xb9: {  	v20 =	vperm.xlane v18, v13;
	_ =	sdelay $0x2  }
0xba: {  	v19 =	vmul.f32 v19, v20;
	_ =	sdelay $0x1  }
0xbb: {  	[tilespmem:s13+$0x30] =	vst v19  }
0xbc: {  	v19 =	vld [tilespmem:s12+$0x40];
	_ =	sdelay $0x1  }
0xbd: {  	v20 =	vperm.xlane v18, v14;
	_ =	sdelay $0x2  }
0xbe: {  	v19 =	vmul.f32 v19, v20;
	_ =	sdelay $0x1  }
0xbf: {  	[tilespmem:s13+$0x40] =	vst v19  }
0xc0: {  	v19 =	vld [tilespmem:s12+$0x50];
	_ =	sdelay $0x1  }
0xc1: {  	v20 =	vperm.xlane v18, v15;
	_ =	sdelay $0x2  }
0xc2: {  	v19 =	vmul.f32 v19, v20;
	_ =	sdelay $0x1  }
0xc3: {  	[tilespmem:s13+$0x50] =	vst v19  }
0xc4: {  	v19 =	vld [tilespmem:s12+$0x60];
	_ =	sdelay $0x1  }
0xc5: {  	v20 =	vperm.xlane v18, v16;
	_ =	sdelay $0x2  }
0xc6: {  	v19 =	vmul.f32 v19, v20;
	_ =	sdelay $0x1  }
0xc7: {  	[tilespmem:s13+$0x60] =	vst v19  }
0xc8: {  	v19 =	vmov s17;
	v20 =	vld [tilespmem:s12+$0x70]  }
.Ltmp0:
0xc9: {  	v19 =	vshll.u32 v19, $0x4;
	(pc) =	sbr.rel @p1 .LBB2_3-.Ltmp0, $3  }
0xca: {  	v21 =	vperm.xlane v18, v17;
	v19 =	vor.u32 v0, v19  }
0xcb: {  	v18 =	vor.u32 v2, v19;
	_ =	sdelay $0x1  }
0xcc: {  	s19 =	smov.u32 s9;
	v19 =	vmul.f32 v20, v21  }
0xcd: {  	_ =	sdelay $0x2  }
0xce: {  	[tilespmem:s14+$0x70] =	vst v19  }
0xcf: {  	v19 =	vld.idx.msk [tilespmem:v18+s21+$0x0], $0xffff  }
0xd0: {  	v18 =	vld.idx.msk [tilespmem:v18+s20+$0x0], $0xffff;
	_ =	sdelay $0x2  }
0xd1: {  	s12 =	sadd.s32 $0x100, s12  }
0xd2: {  	v20 =	vld [tilespmem:s12+$0xFFFFFF80]  }
0xd3: {  	v18 =	vmul.f32 v18, v19;
	_ =	sdelay $0x1  }
0xd4: {  	v19 =	vperm.xlane v18, v3;
	_ =	sdelay $0x1  }
0xd5: {  	v19 =	vmul.f32 v20, v19  }
0xd6: {  	s13 =	sadd.s32 $0x100, s13  }
0xd7: {  	[tilespmem:s13+$0xFFFFFF80] =	vst v19  }
0xd8: {  	v19 =	vld [tilespmem:s12+$0xFFFFFF90];
	_ =	sdelay $0x2  }
0xd9: {  	v20 =	vperm.xlane v18, v4;
	_ =	sdelay $0x1  }
0xda: {  	v19 =	vmul.f32 v19, v20;
	_ =	sdelay $0x1  }
0xdb: {  	[tilespmem:s13+$0xFFFFFF90] =	vst v19  }
0xdc: {  	v19 =	vld [tilespmem:s12+$0xFFFFFFA0];
	_ =	sdelay $0x2  }
0xdd: {  	v20 =	vperm.xlane v18, v5;
	_ =	sdelay $0x1  }
0xde: {  	v19 =	vmul.f32 v19, v20;
	_ =	sdelay $0x1  }
0xdf: {  	[tilespmem:s13+$0xFFFFFFA0] =	vst v19  }
0xe0: {  	v19 =	vld [tilespmem:s12+$0xFFFFFFB0];
	_ =	sdelay $0x2  }
0xe1: {  	v20 =	vperm.xlane v18, v6;
	_ =	sdelay $0x1  }
0xe2: {  	v19 =	vmul.f32 v19, v20;
	_ =	sdelay $0x1  }
0xe3: {  	[tilespmem:s13+$0xFFFFFFB0] =	vst v19  }
0xe4: {  	v19 =	vld [tilespmem:s12+$0xFFFFFFC0];
	_ =	sdelay $0x2  }
0xe5: {  	v20 =	vperm.xlane v18, v1;
	_ =	sdelay $0x1  }
0xe6: {  	v19 =	vmul.f32 v19, v20;
	_ =	sdelay $0x1  }
0xe7: {  	[tilespmem:s13+$0xFFFFFFC0] =	vst v19  }
0xe8: {  	v19 =	vld [tilespmem:s12+$0xFFFFFFD0];
	_ =	sdelay $0x2  }
0xe9: {  	v20 =	vperm.xlane v18, v7;
	_ =	sdelay $0x1  }
0xea: {  	v19 =	vmul.f32 v19, v20;
	_ =	sdelay $0x1  }
0xeb: {  	[tilespmem:s13+$0xFFFFFFD0] =	vst v19  }
0xec: {  	v19 =	vld [tilespmem:s12+$0xFFFFFFE0];
	_ =	sdelay $0x2  }
0xed: {  	v20 =	vperm.xlane v18, v8;
	_ =	sdelay $0x1  }
0xee: {  	v19 =	vmul.f32 v19, v20;
	_ =	sdelay $0x1  }
0xef: {  	[tilespmem:s13+$0xFFFFFFE0] =	vst v19  }
0xf0: {  	v19 =	vld [tilespmem:s12+$0xFFFFFFF0];
	_ =	sdelay $0x2  }
0xf1: {  	v20 =	vperm.xlane v18, v9;
	_ =	sdelay $0x1  }
0xf2: {  	v19 =	vmul.f32 v19, v20;
	_ =	sdelay $0x1  }
0xf3: {  	[tilespmem:s13+$0xFFFFFFF0] =	vst v19  }
0xf4: {  	v19 =	vld [tilespmem:s12+$0x0];
	_ =	sdelay $0x2  }
0xf5: {  	v20 =	vperm.xlane v18, v10;
	_ =	sdelay $0x1  }
0xf6: {  	v19 =	vmul.f32 v19, v20;
	_ =	sdelay $0x1  }
0xf7: {  	[tilespmem:s13+$0x0] =	vst v19  }
0xf8: {  	v19 =	vld [tilespmem:s12+$0x10];
	_ =	sdelay $0x2  }
0xf9: {  	v20 =	vperm.xlane v18, v11;
	_ =	sdelay $0x1  }
0xfa: {  	v19 =	vmul.f32 v19, v20;
	_ =	sdelay $0x1  }
0xfb: {  	[tilespmem:s13+$0x10] =	vst v19  }
0xfc: {  	v19 =	vld [tilespmem:s12+$0x20];
	_ =	sdelay $0x2  }
0xfd: {  	v20 =	vperm.xlane v18, v12;
	_ =	sdelay $0x1  }
0xfe: {  	v19 =	vmul.f32 v19, v20;
	_ =	sdelay $0x1  }
0xff: {  	[tilespmem:s13+$0x20] =	vst v19  }
0x100: {  	v19 =	vld [tilespmem:s12+$0x30];
	_ =	sdelay $0x2  }
0x101: {  	v20 =	vperm.xlane v18, v13;
	_ =	sdelay $0x1  }
0x102: {  	v19 =	vmul.f32 v19, v20;
	_ =	sdelay $0x1  }
0x103: {  	[tilespmem:s13+$0x30] =	vst v19  }
0x104: {  	v19 =	vld [tilespmem:s12+$0x40];
	_ =	sdelay $0x2  }
0x105: {  	v20 =	vperm.xlane v18, v14;
	_ =	sdelay $0x1  }
0x106: {  	v19 =	vmul.f32 v19, v20;
	_ =	sdelay $0x1  }
0x107: {  	[tilespmem:s13+$0x40] =	vst v19  }
0x108: {  	v19 =	vld [tilespmem:s12+$0x50];
	_ =	sdelay $0x2  }
0x109: {  	v20 =	vperm.xlane v18, v15;
	_ =	sdelay $0x1  }
0x10a: {  	v19 =	vmul.f32 v19, v20;
	_ =	sdelay $0x1  }
0x10b: {  	[tilespmem:s13+$0x50] =	vst v19  }
0x10c: {  	v19 =	vld [tilespmem:s12+$0x60];
	_ =	sdelay $0x2  }
0x10d: {  	v20 =	vperm.xlane v18, v16;
	_ =	sdelay $0x1  }
0x10e: {  	v19 =	vmul.f32 v19, v20;
	_ =	sdelay $0x1  }
0x10f: {  	[tilespmem:s13+$0x60] =	vst v19  }
0x110: {  	v19 =	vld [tilespmem:s12+$0x70];
	_ =	sdelay $0x2  }
0x111: {  	v18 =	vperm.xlane v18, v17  }
0x112: {  	s9 =	smul.u32 $0x180, s10  }
0x113: {  	v18 =	vmul.f32 v19, v18  }
0x114: {  	p1 =	seq.s32 s10, $0x6F;
	s9 =	sshra.s32 s9, $0x2  }
0x115: {  	s9 =	sadd.s32 $0x2A00, s9;
	s12 =	smul.u32 @!p1 $0x60, s10;
	[tilespmem:s13+$0x70] =	vst v18  }
0x116: {  	[spmem:s2] =	stream.indirect.scatter.add.f32 [tilespmem:s29], [sflag:$0x7], $0x80, s9, s18, $0xb8;
	v63 =	vld [tilespmem:$0x0]  }
0x117: {  	s14 =	simm.s32 @!p1 $0x5400;
	s13 =	simm.s32 @!p1 $0x30;
	s9 =	sadd.s32 @!p1 $0x60, s12  }
0x118: {  	[tilespmem:s14], [sflag:$0x1] =	stream.indirect.gather @!p1 [hbm4b:s5+s13], $0x80, s9, s13, $0xb8;
	v63 =	vld [tilespmem:$0x0]  }
0x119: {  	s9 =	sadd.s32 @!p1 s4, s9  }
0x11a: {  	s12 =	sadd.s32 @!p1 $0x2A60, s12;
	s14 =	simm.s32 @!p1 $0xBA00;
	s9 =	sshll.u32 @!p1 s9, $0x1  }
0x11b: {  	[tilespmem:s14], [sflag:$0x3] =	stream.indirect.gather @!p1 [hbm4b:s6+s13], $0x10, s12, s13, $0xb8;
	v63 =	vld [tilespmem:$0x0]  }
0x11c: {  	s9 =	sand.u32 @!p1 $0x1FFFFFC0, s9  }
0x11d: {  	s12 =	simm.s32 @!p1 $0x0;
	s13 =	simm.s32 @!p1 $0xB400;
	s9 =	sadd.s32 @!p1 s7, s9  }
0x11e: {  	[tilespmem:s13], [sflag:$0x5] =	stream.linear.gather @!p1 [hbm4b:s9+s12], $0x300, $0x38;
	v63 =	vld [tilespmem:$0x0]  }
0x11f: {  	_ =	swait.ge [sflag:s30], $0x1800  }
0x120: {  	[sflag:s30] =	ssyncset.done $0x0  }
0x121: {  	[sflag:s30] =	ssyncadd.s32 $0xFFFFE800  }
0x122: {  	s17 =	simm.s32 $0x0;
	_ =	swait.ge [sflag:s31], $0x300  }
0x123: {  	v18 =	vmov s17;
	[sflag:s31] =	ssyncset.done $0x0  }
0x124: {  	v18 =	vshll.u32 v18, $0x4;
	[sflag:s31] =	ssyncadd.s32 $0xFFFFFD00  }
0x125: {  	v18 =	vor.u32 v0, v18;
	_ =	swait.ge [sflag:s0], $0x300  }
0x126: {  	v18 =	vor.u32 v2, v18;
	[sflag:s0] =	ssyncset.done $0x0  }
0x127: {  	s9 =	simm.s32 @!p0 $0x8;
	[sflag:s0] =	ssyncadd.s32 $0xFFFFFD00  }
0x128: {  	_ =	swait.ge @!p0 [sflag:s9], $0x1800  }
0x129: {  	[sflag:s9] =	ssyncset.done @!p0 $0x0  }
0x12a: {  	[sflag:s9] =	ssyncadd.s32 @!p0 $0xFFFFE800  }
0x12b: {  	v19 =	vld.idx.msk [tilespmem:v18+s24+$0x0], $0xffff  }
0x12c: {  	v18 =	vld.idx.msk [tilespmem:v18+s23+$0x0], $0xffff;
	_ =	sdelay $0x2  }
0x12d: {  	s12 =	simm.s32 $0x6C80  }
0x12e: {  	v20 =	vld [tilespmem:s12+$0xFFFFFF80]  }
0x12f: {  	v18 =	vmul.f32 v18, v19;
	_ =	sdelay $0x1  }
0x130: {  	v19 =	vperm.xlane v18, v3;
	_ =	sdelay $0x1  }
0x131: {  	v19 =	vmul.f32 v20, v19  }
0x132: {  	s13 =	simm.s32 $0x9C80  }
0x133: {  	[tilespmem:s13+$0xFFFFFF80] =	vst v19  }
0x134: {  	v19 =	vld [tilespmem:s12+$0xFFFFFF90];
	_ =	sdelay $0x2  }
0x135: {  	v20 =	vperm.xlane v18, v4;
	_ =	sdelay $0x1  }
0x136: {  	v19 =	vmul.f32 v19, v20;
	_ =	sdelay $0x1  }
0x137: {  	[tilespmem:s13+$0xFFFFFF90] =	vst v19  }
0x138: {  	v19 =	vld [tilespmem:s12+$0xFFFFFFA0];
	_ =	sdelay $0x2  }
0x139: {  	v20 =	vperm.xlane v18, v5;
	_ =	sdelay $0x1  }
0x13a: {  	v19 =	vmul.f32 v19, v20;
	_ =	sdelay $0x1  }
0x13b: {  	[tilespmem:s13+$0xFFFFFFA0] =	vst v19  }
0x13c: {  	v19 =	vld [tilespmem:s12+$0xFFFFFFB0];
	_ =	sdelay $0x2  }
0x13d: {  	v20 =	vperm.xlane v18, v6;
	_ =	sdelay $0x1  }
0x13e: {  	v19 =	vmul.f32 v19, v20;
	_ =	sdelay $0x1  }
0x13f: {  	[tilespmem:s13+$0xFFFFFFB0] =	vst v19  }
0x140: {  	v19 =	vld [tilespmem:s12+$0xFFFFFFC0];
	_ =	sdelay $0x2  }
0x141: {  	v20 =	vperm.xlane v18, v1;
	_ =	sdelay $0x1  }
0x142: {  	v19 =	vmul.f32 v19, v20;
	_ =	sdelay $0x1  }
0x143: {  	[tilespmem:s13+$0xFFFFFFC0] =	vst v19  }
0x144: {  	v19 =	vld [tilespmem:s12+$0xFFFFFFD0];
	_ =	sdelay $0x2  }
0x145: {  	v20 =	vperm.xlane v18, v7;
	_ =	sdelay $0x1  }
0x146: {  	v19 =	vmul.f32 v19, v20;
	_ =	sdelay $0x1  }
0x147: {  	[tilespmem:s13+$0xFFFFFFD0] =	vst v19  }
0x148: {  	v19 =	vld [tilespmem:s12+$0xFFFFFFE0];
	_ =	sdelay $0x2  }
0x149: {  	v20 =	vperm.xlane v18, v8;
	_ =	sdelay $0x1  }
0x14a: {  	v19 =	vmul.f32 v19, v20;
	_ =	sdelay $0x1  }
0x14b: {  	[tilespmem:s13+$0xFFFFFFE0] =	vst v19  }
0x14c: {  	v19 =	vld [tilespmem:s12+$0xFFFFFFF0];
	_ =	sdelay $0x2  }
0x14d: {  	v20 =	vperm.xlane v18, v9;
	_ =	sdelay $0x1  }
0x14e: {  	v19 =	vmul.f32 v19, v20;
	_ =	sdelay $0x1  }
0x14f: {  	[tilespmem:s13+$0xFFFFFFF0] =	vst v19  }
0x150: {  	v19 =	vld [tilespmem:s12+$0x0];
	_ =	sdelay $0x2  }
0x151: {  	v20 =	vperm.xlane v18, v10;
	_ =	sdelay $0x1  }
0x152: {  	v19 =	vmul.f32 v19, v20;
	_ =	sdelay $0x1  }
0x153: {  	[tilespmem:s13+$0x0] =	vst v19  }
0x154: {  	v19 =	vld [tilespmem:s12+$0x10];
	_ =	sdelay $0x2  }
0x155: {  	v20 =	vperm.xlane v18, v11;
	_ =	sdelay $0x1  }
0x156: {  	v19 =	vmul.f32 v19, v20;
	_ =	sdelay $0x1  }
0x157: {  	[tilespmem:s13+$0x10] =	vst v19  }
0x158: {  	v19 =	vld [tilespmem:s12+$0x20];
	_ =	sdelay $0x2  }
0x159: {  	v20 =	vperm.xlane v18, v12;
	_ =	sdelay $0x1  }
0x15a: {  	v19 =	vmul.f32 v19, v20;
	_ =	sdelay $0x1  }
0x15b: {  	[tilespmem:s13+$0x20] =	vst v19  }
0x15c: {  	v19 =	vld [tilespmem:s12+$0x30];
	_ =	sdelay $0x2  }
0x15d: {  	v20 =	vperm.xlane v18, v13;
	_ =	sdelay $0x1  }
0x15e: {  	v19 =	vmul.f32 v19, v20;
	_ =	sdelay $0x1  }
0x15f: {  	[tilespmem:s13+$0x30] =	vst v19  }
0x160: {  	v19 =	vld [tilespmem:s12+$0x40];
	_ =	sdelay $0x2  }
0x161: {  	v20 =	vperm.xlane v18, v14;
	_ =	sdelay $0x1  }
0x162: {  	v19 =	vmul.f32 v19, v20;
	_ =	sdelay $0x1  }
0x163: {  	[tilespmem:s13+$0x40] =	vst v19  }
0x164: {  	v19 =	vld [tilespmem:s12+$0x50];
	_ =	sdelay $0x2  }
0x165: {  	v20 =	vperm.xlane v18, v15;
	_ =	sdelay $0x1  }
0x166: {  	v19 =	vmul.f32 v19, v20;
	_ =	sdelay $0x1  }
0x167: {  	[tilespmem:s13+$0x50] =	vst v19  }
0x168: {  	v19 =	vld [tilespmem:s12+$0x60];
	_ =	sdelay $0x2  }
0x169: {  	v20 =	vperm.xlane v18, v16;
	_ =	sdelay $0x1  }
0x16a: {  	v19 =	vmul.f32 v19, v20;
	_ =	sdelay $0x1  }
0x16b: {  	[tilespmem:s13+$0x60] =	vst v19  }
0x16c: {  	s19 =	simm.s32 $0x2;
	v19 =	vld [tilespmem:s12+$0x70]  }
0x16d: {  	v20 =	vmov s19  }
0x16e: {  	v20 =	vshll.u32 v20, $0x4  }
0x16f: {  	v21 =	vperm.xlane v18, v17;
	v18 =	vor.u32 v0, v20  }
0x170: {  	v18 =	vor.u32 v2, v18  }
0x171: {  	s14 =	simm.s32 $0x9C80;
	s9 =	simm.s32 $0x4;
	v19 =	vmul.f32 v19, v21  }
.LBB2_5:
0x172: {  	s12 =	sadd.s32 $0x100, s12  }
0x173: {  	s13 =	sadd.s32 $0x100, s13;
	s17 =	smov.u32 s9;
	s19 =	sadd.s32 $0x2, s9  }
0x174: {  	p0 =	sne.s32 s9, $0x2E;
	[tilespmem:s14+$0x70] =	vst v19;
	s14 =	smov.u32 s13  }
0x175: {  	v19 =	vld.idx.msk [tilespmem:v18+s24+$0x0], $0xffff  }
0x176: {  	v18 =	vld.idx.msk [tilespmem:v18+s23+$0x0], $0xffff;
	_ =	sdelay $0x3  }
0x177: {  	v20 =	vld [tilespmem:s12+$0xFFFFFF80];
	_ =	sdelay $0x1  }
0x178: {  	v18 =	vmul.f32 v18, v19;
	_ =	sdelay $0x1  }
0x179: {  	v19 =	vperm.xlane v18, v3;
	_ =	sdelay $0x1  }
0x17a: {  	v19 =	vmul.f32 v20, v19;
	_ =	sdelay $0x1  }
0x17b: {  	[tilespmem:s13+$0xFFFFFF80] =	vst v19  }
0x17c: {  	v19 =	vld [tilespmem:s12+$0xFFFFFF90];
	_ =	sdelay $0x1  }
0x17d: {  	v20 =	vperm.xlane v18, v4;
	_ =	sdelay $0x2  }
0x17e: {  	v19 =	vmul.f32 v19, v20;
	_ =	sdelay $0x1  }
0x17f: {  	[tilespmem:s13+$0xFFFFFF90] =	vst v19  }
0x180: {  	v19 =	vld [tilespmem:s12+$0xFFFFFFA0];
	_ =	sdelay $0x1  }
0x181: {  	v20 =	vperm.xlane v18, v5;
	_ =	sdelay $0x2  }
0x182: {  	v19 =	vmul.f32 v19, v20;
	_ =	sdelay $0x1  }
0x183: {  	[tilespmem:s13+$0xFFFFFFA0] =	vst v19  }
0x184: {  	v19 =	vld [tilespmem:s12+$0xFFFFFFB0];
	_ =	sdelay $0x1  }
0x185: {  	v20 =	vperm.xlane v18, v6;
	_ =	sdelay $0x2  }
0x186: {  	v19 =	vmul.f32 v19, v20;
	_ =	sdelay $0x1  }
0x187: {  	[tilespmem:s13+$0xFFFFFFB0] =	vst v19  }
0x188: {  	v19 =	vld [tilespmem:s12+$0xFFFFFFC0];
	_ =	sdelay $0x1  }
0x189: {  	v20 =	vperm.xlane v18, v1;
	_ =	sdelay $0x2  }
0x18a: {  	v19 =	vmul.f32 v19, v20;
	_ =	sdelay $0x1  }
0x18b: {  	[tilespmem:s13+$0xFFFFFFC0] =	vst v19  }
0x18c: {  	v19 =	vld [tilespmem:s12+$0xFFFFFFD0];
	_ =	sdelay $0x1  }
0x18d: {  	v20 =	vperm.xlane v18, v7;
	_ =	sdelay $0x2  }
0x18e: {  	v19 =	vmul.f32 v19, v20;
	_ =	sdelay $0x1  }
0x18f: {  	[tilespmem:s13+$0xFFFFFFD0] =	vst v19  }
0x190: {  	v19 =	vld [tilespmem:s12+$0xFFFFFFE0];
	_ =	sdelay $0x1  }
0x191: {  	v20 =	vperm.xlane v18, v8;
	_ =	sdelay $0x2  }
0x192: {  	v19 =	vmul.f32 v19, v20;
	_ =	sdelay $0x1  }
0x193: {  	[tilespmem:s13+$0xFFFFFFE0] =	vst v19  }
0x194: {  	v19 =	vld [tilespmem:s12+$0xFFFFFFF0];
	_ =	sdelay $0x1  }
0x195: {  	v20 =	vperm.xlane v18, v9;
	_ =	sdelay $0x2  }
0x196: {  	v19 =	vmul.f32 v19, v20;
	_ =	sdelay $0x1  }
0x197: {  	[tilespmem:s13+$0xFFFFFFF0] =	vst v19  }
0x198: {  	v19 =	vld [tilespmem:s12+$0x0];
	_ =	sdelay $0x1  }
0x199: {  	v20 =	vperm.xlane v18, v10;
	_ =	sdelay $0x2  }
0x19a: {  	v19 =	vmul.f32 v19, v20;
	_ =	sdelay $0x1  }
0x19b: {  	[tilespmem:s13+$0x0] =	vst v19  }
0x19c: {  	v19 =	vld [tilespmem:s12+$0x10];
	_ =	sdelay $0x1  }
0x19d: {  	v20 =	vperm.xlane v18, v11;
	_ =	sdelay $0x2  }
0x19e: {  	v19 =	vmul.f32 v19, v20;
	_ =	sdelay $0x1  }
0x19f: {  	[tilespmem:s13+$0x10] =	vst v19  }
0x1a0: {  	v19 =	vld [tilespmem:s12+$0x20];
	_ =	sdelay $0x1  }
0x1a1: {  	v20 =	vperm.xlane v18, v12;
	_ =	sdelay $0x2  }
0x1a2: {  	v19 =	vmul.f32 v19, v20;
	_ =	sdelay $0x1  }
0x1a3: {  	[tilespmem:s13+$0x20] =	vst v19  }
0x1a4: {  	v19 =	vld [tilespmem:s12+$0x30];
	_ =	sdelay $0x1  }
0x1a5: {  	v20 =	vperm.xlane v18, v13;
	_ =	sdelay $0x2  }
0x1a6: {  	v19 =	vmul.f32 v19, v20;
	_ =	sdelay $0x1  }
0x1a7: {  	[tilespmem:s13+$0x30] =	vst v19  }
0x1a8: {  	v19 =	vld [tilespmem:s12+$0x40];
	_ =	sdelay $0x1  }
0x1a9: {  	v20 =	vperm.xlane v18, v14;
	_ =	sdelay $0x2  }
0x1aa: {  	v19 =	vmul.f32 v19, v20;
	_ =	sdelay $0x1  }
0x1ab: {  	[tilespmem:s13+$0x40] =	vst v19  }
0x1ac: {  	v19 =	vld [tilespmem:s12+$0x50];
	_ =	sdelay $0x1  }
0x1ad: {  	v20 =	vperm.xlane v18, v15;
	_ =	sdelay $0x2  }
0x1ae: {  	v19 =	vmul.f32 v19, v20;
	_ =	sdelay $0x1  }
0x1af: {  	[tilespmem:s13+$0x50] =	vst v19  }
0x1b0: {  	v19 =	vld [tilespmem:s12+$0x60];
	_ =	sdelay $0x1  }
0x1b1: {  	v20 =	vperm.xlane v18, v16;
	_ =	sdelay $0x2  }
0x1b2: {  	v19 =	vmul.f32 v19, v20;
	_ =	sdelay $0x1  }
0x1b3: {  	[tilespmem:s13+$0x60] =	vst v19  }
0x1b4: {  	v19 =	vmov s17;
	v20 =	vld [tilespmem:s12+$0x70]  }
.Ltmp1:
0x1b5: {  	v19 =	vshll.u32 v19, $0x4;
	(pc) =	sbr.rel @p0 .LBB2_5-.Ltmp1, $3  }
0x1b6: {  	v21 =	vperm.xlane v18, v17;
	v19 =	vor.u32 v0, v19  }
0x1b7: {  	v18 =	vor.u32 v2, v19;
	_ =	sdelay $0x1  }
0x1b8: {  	s9 =	smov.u32 s19;
	v19 =	vmul.f32 v20, v21  }
0x1b9: {  	_ =	sdelay $0x2  }
0x1ba: {  	[tilespmem:s14+$0x70] =	vst v19  }
0x1bb: {  	v19 =	vld.idx.msk [tilespmem:v18+s24+$0x0], $0xffff  }
0x1bc: {  	v18 =	vld.idx.msk [tilespmem:v18+s23+$0x0], $0xffff;
	_ =	sdelay $0x2  }
0x1bd: {  	s12 =	sadd.s32 $0x100, s12  }
0x1be: {  	v20 =	vld [tilespmem:s12+$0xFFFFFF80]  }
0x1bf: {  	v18 =	vmul.f32 v18, v19;
	_ =	sdelay $0x1  }
0x1c0: {  	v19 =	vperm.xlane v18, v3;
	_ =	sdelay $0x1  }
0x1c1: {  	v19 =	vmul.f32 v20, v19  }
0x1c2: {  	s13 =	sadd.s32 $0x100, s13  }
0x1c3: {  	[tilespmem:s13+$0xFFFFFF80] =	vst v19  }
0x1c4: {  	v19 =	vld [tilespmem:s12+$0xFFFFFF90];
	_ =	sdelay $0x2  }
0x1c5: {  	v49 =	vperm.xlane v18, v4;
	_ =	sdelay $0x1  }
0x1c6: {  	v19 =	vmul.f32 v19, v49;
	_ =	sdelay $0x1  }
0x1c7: {  	[tilespmem:s13+$0xFFFFFF90] =	vst v19  }
0x1c8: {  	v19 =	vld [tilespmem:s12+$0xFFFFFFA0];
	_ =	sdelay $0x2  }
0x1c9: {  	v50 =	vperm.xlane v18, v5;
	_ =	sdelay $0x1  }
0x1ca: {  	v19 =	vmul.f32 v19, v50;
	_ =	sdelay $0x1  }
0x1cb: {  	[tilespmem:s13+$0xFFFFFFA0] =	vst v19  }
0x1cc: {  	v19 =	vld [tilespmem:s12+$0xFFFFFFB0];
	_ =	sdelay $0x2  }
0x1cd: {  	v51 =	vperm.xlane v18, v6;
	_ =	sdelay $0x1  }
0x1ce: {  	v19 =	vmul.f32 v19, v51;
	_ =	sdelay $0x1  }
0x1cf: {  	[tilespmem:s13+$0xFFFFFFB0] =	vst v19  }
0x1d0: {  	v19 =	vld [tilespmem:s12+$0xFFFFFFC0];
	_ =	sdelay $0x2  }
0x1d1: {  	v52 =	vperm.xlane v18, v1;
	_ =	sdelay $0x1  }
0x1d2: {  	v19 =	vmul.f32 v19, v52;
	_ =	sdelay $0x1  }
0x1d3: {  	[tilespmem:s13+$0xFFFFFFC0] =	vst v19  }
0x1d4: {  	v19 =	vld [tilespmem:s12+$0xFFFFFFD0];
	_ =	sdelay $0x2  }
0x1d5: {  	v53 =	vperm.xlane v18, v7;
	_ =	sdelay $0x1  }
0x1d6: {  	v19 =	vmul.f32 v19, v53;
	_ =	sdelay $0x1  }
0x1d7: {  	[tilespmem:s13+$0xFFFFFFD0] =	vst v19  }
0x1d8: {  	v19 =	vld [tilespmem:s12+$0xFFFFFFE0];
	_ =	sdelay $0x2  }
0x1d9: {  	v54 =	vperm.xlane v18, v8;
	_ =	sdelay $0x1  }
0x1da: {  	v19 =	vmul.f32 v19, v54;
	_ =	sdelay $0x1  }
0x1db: {  	[tilespmem:s13+$0xFFFFFFE0] =	vst v19  }
0x1dc: {  	v19 =	vld [tilespmem:s12+$0xFFFFFFF0];
	_ =	sdelay $0x2  }
0x1dd: {  	v55 =	vperm.xlane v18, v9;
	_ =	sdelay $0x1  }
0x1de: {  	v19 =	vmul.f32 v19, v55;
	_ =	sdelay $0x1  }
0x1df: {  	[tilespmem:s13+$0xFFFFFFF0] =	vst v19  }
0x1e0: {  	v19 =	vld [tilespmem:s12+$0x0];
	_ =	sdelay $0x2  }
0x1e1: {  	v56 =	vperm.xlane v18, v10;
	_ =	sdelay $0x1  }
0x1e2: {  	v19 =	vmul.f32 v19, v56;
	_ =	sdelay $0x1  }
0x1e3: {  	[tilespmem:s13+$0x0] =	vst v19  }
0x1e4: {  	v19 =	vld [tilespmem:s12+$0x10];
	_ =	sdelay $0x2  }
0x1e5: {  	v57 =	vperm.xlane v18, v11;
	_ =	sdelay $0x1  }
0x1e6: {  	v19 =	vmul.f32 v19, v57;
	_ =	sdelay $0x1  }
0x1e7: {  	[tilespmem:s13+$0x10] =	vst v19  }
0x1e8: {  	v19 =	vld [tilespmem:s12+$0x20];
	_ =	sdelay $0x2  }
0x1e9: {  	v58 =	vperm.xlane v18, v12;
	_ =	sdelay $0x1  }
0x1ea: {  	v19 =	vmul.f32 v19, v58;
	_ =	sdelay $0x1  }
0x1eb: {  	[tilespmem:s13+$0x20] =	vst v19  }
0x1ec: {  	v19 =	vld [tilespmem:s12+$0x30];
	_ =	sdelay $0x2  }
0x1ed: {  	v59 =	vperm.xlane v18, v13;
	_ =	sdelay $0x1  }
0x1ee: {  	v19 =	vmul.f32 v19, v59;
	_ =	sdelay $0x1  }
0x1ef: {  	[tilespmem:s13+$0x30] =	vst v19  }
0x1f0: {  	v19 =	vld [tilespmem:s12+$0x40];
	_ =	sdelay $0x2  }
0x1f1: {  	v60 =	vperm.xlane v18, v14;
	_ =	sdelay $0x1  }
0x1f2: {  	v19 =	vmul.f32 v19, v60;
	_ =	sdelay $0x1  }
0x1f3: {  	[tilespmem:s13+$0x40] =	vst v19  }
0x1f4: {  	v19 =	vld [tilespmem:s12+$0x50];
	_ =	sdelay $0x2  }
0x1f5: {  	v61 =	vperm.xlane v18, v15;
	_ =	sdelay $0x1  }
0x1f6: {  	v19 =	vmul.f32 v19, v61;
	_ =	sdelay $0x1  }
0x1f7: {  	[tilespmem:s13+$0x50] =	vst v19  }
0x1f8: {  	v19 =	vld [tilespmem:s12+$0x60];
	_ =	sdelay $0x2  }
0x1f9: {  	v62 =	vperm.xlane v18, v16;
	_ =	sdelay $0x1  }
0x1fa: {  	v19 =	vmul.f32 v19, v62;
	_ =	sdelay $0x1  }
0x1fb: {  	[tilespmem:s13+$0x60] =	vst v19  }
0x1fc: {  	v19 =	vld [tilespmem:s12+$0x70];
	_ =	sdelay $0x1  }
0x1fd: {  	s10 =	sadd.s32 $0x1, s10  }
0x1fe: {  	s9 =	smul.u32 $0xC0, s11;
	p0 =	sne.s32 s10, $0x70;
	v18 =	vperm.xlane v18, v17  }
.Ltmp2:
0x1ff: {  	_ = 	snop;
	(pc) =	sbr.rel @p0 .LBB2_2-.Ltmp2, $4  }
0x200: {  	v18 =	vmul.f32 v19, v18  }
0x201: {  	s9 =	sshra.s32 s9, $0x2  }
0x202: {  	s9 =	sadd.s32 $0x2A00, s9;
	[tilespmem:s13+$0x70] =	vst v18  }
0x203: {  	[spmem:s2] =	stream.indirect.scatter.add.f32 [tilespmem:s1], [sflag:$0x8], $0x80, s9, s18, $0xb8;
	v63 =	vld [tilespmem:$0x0]  }
0x204: {  	s9 =	simm.s32 $0x7  }
0x205: {  	_ =	swait.ge [sflag:s9], $0x1800  }
0x206: {  	[sflag:s9] =	ssyncset.done $0x0  }
0x207: {  	s14 =	simm.s32 $0x8;
	[sflag:s9] =	ssyncadd.s32 $0xFFFFE800  }
0x208: {  	_ =	swait.ge [sflag:s14], $0x1800  }
0x209: {  	[sflag:s14] =	ssyncset.done $0x0  }
0x20a: {  	[sflag:s14] =	ssyncadd.s32 $0xFFFFE800  }
0x20b: {  	[bflag:$0x0] =	sbarrier.arrive $0xFFFF  }
0x20c: {  	s17 =	rddreg [dreg:$0x8]  }
0x20d: {  	s10 =	rddreg [dreg:$0xa]  }
0x20e: {  	[hbm:s17], [sflag:s15] =	dma.local [spmem:s10], $0x2800  }
0x20f: {  	_ =	swait.ge [sflag:s16], $0x2800  }
0x210: {  	s8 =	sadd.s32 $0x1, s8;
	s19 =	rddreg [dreg:$0x9]  }
0x211: {  	p0 =	sne.s32 s8, s19  }
.Ltmp3:
0x212: {  	_ = 	snop;
	(pc) =	sbr.rel @p0 .LBB2_1-.Ltmp3, $3  }
0x213: {  	_ =	sdelay $0x1  }
0x214: {  	[sflag:s16] =	ssyncset.done $0x0  }
0x215: {  	s12 =	smov.u32 s15;
	[sflag:s16] =	ssyncadd.s32 $0xFFFFD800  }
0x216: {  	_ =	sfence.sel $0x180000  }
0x217: {  	[bflag:$0x0] =	sbarrier.arrive $0xFFFF  }
0x218: {  	_ =	strace $0x90000050  }
0x219: {  	s0 =	stileid.u32;
	[bflag:$0x2] =	sbarrier.arrive $0xFFFF  }
0x21a: {  	p0 =	sne.s32 s0, $0x0;
	s0 =	rddreg [dreg:$0x3]  }
0x21b: {  	s0 =	sadd.s32 @!p0 $0x100000, s0  }
0x21c: {  	[sflag:s0] =	ssyncadd.tile.s32 @!p0 $0x1;
	_ =	shalt  }
.Lfunc_end2:
_tile_overlayer_lowered:
.L_overlay_start_2:
0x21d: {  	(tag) =	ssettag $0x2  }
0x21e: {  	s0 =	rddreg [dreg:$0x0];
	s2 =	stileid.u32  }
0x21f: {  	s1 =	rddreg [dreg:$0x1];
	p0 =	sne.s32 s2, $0x0  }
0x220: {  	s3 =	rddreg [dreg:$0x2];
	[bflag:$0x3] =	sbarrier.arrive $0xFFFF;
	s2 =	simm.s32 @!p0 $0x1C09  }
0x221: {  	[timem:s3], [sflag:s2] =	dma.local @!p0 [hbm:s0], s1  }
0x222: {  	s0 =	simm.s32 @!p0 $0x9  }
0x223: {  	_ =	swait.ge @!p0 [sflag:s0], s1  }
0x224: {  	s1 =	ssub.s32 @!p0 $0x0, s1;
	[sflag:s0] =	ssyncset.done @!p0 $0x0  }
0x225: {  	[sflag:s0] =	ssyncadd.s32 @!p0 s1  }
0x226: {  	[bflag:$0x3] =	sbarrier.arrive $0xFFFF  }
0x227: {  	_ =	shalt  }

</sc_bundles>
